<compile_context>
chip_gen: v7x
topology: tpu7x:2x2x1
jax: 0.10.2.dev20260603
libtpu: 0.0.44.dev20260713+nightly
codegen_flags: <defaults>
</compile_context>

<pallas_src>
import functools

import jax
import jax.numpy as jnp
from jax import lax
from jax.experimental import pallas as pl
from jax.experimental.pallas import tpu as pltpu
from jax.experimental.pallas import tpu_sc as plsc

_B, _S, _H, _D = 4, 2048, 32, 128
_HD = _H * _D
_NC, _NS, _L = 2, 16, 16
_NW = _NC * _NS
_CPB = _NW // _B
_CW = _HD // _CPB
_NV = _CW // _L
_CHUNK = 64


def _pool_sc(pooled3, meta_i, meta_f):
    mesh = plsc.VectorSubcoreMesh(core_axis_name="c", subcore_axis_name="s")

    @functools.partial(
        pl.kernel,
        mesh=mesh,
        out_type=jax.ShapeDtypeStruct((_B * _HD,), jnp.float32),
        scratch_types=[
            pltpu.VMEM((_L,), jnp.int32),
            pltpu.VMEM((_L,), jnp.float32),
            pltpu.VMEM((_CHUNK, _CW), jnp.float32),
            pltpu.VMEM((_CHUNK, _CW), jnp.float32),
            pltpu.VMEM((_CW,), jnp.float32),
            pltpu.SemaphoreType.DMA,
            pltpu.SemaphoreType.DMA,
        ],
    )
    def pool_kernel(pooled_hbm, mi_hbm, mf_hbm, x_hbm,
                    mi_v, mf_v, buf0, buf1, xv, sem0, sem1):
        wid = lax.axis_index("s") * _NC + lax.axis_index("c")
        b = wid // _CPB
        c = wid % _CPB
        col0 = pl.multiple_of(c * _CW, _CW)
        moff = pl.multiple_of(b * _L, _L)
        pltpu.sync_copy(mi_hbm.at[pl.ds(moff, _L)], mi_v)
        pltpu.sync_copy(mf_hbm.at[pl.ds(moff, _L)], mf_v)
        mi = mi_v[...]
        mf = mf_v[...]
        s0_, e0_, a0_, k0_ = mi[0], mi[1], mi[2], mi[3]
        s1_, e1_, a1_, k1_ = mi[4], mi[5], mi[6], mi[7]
        sc_ctx, sc_q = mf[0], mf[1]
        ktot = k0_ + k1_
        zero = jnp.zeros((_L,), jnp.float32)

        def chunk_geom(j):
            in0 = j < k0_
            st = jnp.where(in0, s0_, s1_)
            en = jnp.where(in0, e0_, e1_)
            al = jnp.where(in0, a0_, a1_)
            g = j - jnp.where(in0, 0, k0_)
            base = al + g * _CHUNK
            cb = pl.multiple_of(jnp.minimum(base, _S - _CHUNK), 8)
            lo = jnp.maximum(st, base) - cb
            hi = jnp.minimum(en, base + _CHUNK - 1) - cb + 1
            return cb, lo, hi

        def copy_desc(j, buf, sem):
            cb, _, _ = chunk_geom(jnp.minimum(j, ktot - 1))
            return pltpu.make_async_copy(
                pooled_hbm.at[b, pl.ds(cb, _CHUNK), pl.ds(col0, _CW)],
                buf, sem)

        def accum(j, buf, acc, valid):
            _, lo, hi = chunk_geom(jnp.minimum(j, ktot - 1))
            hi = jnp.where(valid, hi, lo)

            def row_body(r, a):
                return tuple(
                    a[v] + buf[r, pl.ds(_L * v, _L)] for v in range(_NV))

            acc = lax.fori_loop(lo, hi, row_body, acc)
            done0 = j == k0_ - 1

            @pl.when(done0)
            def _():
                for v in range(_NV):
                    xv[pl.ds(_L * v, _L)] = acc[v] * sc_ctx

            return tuple(jnp.where(done0, zero, a) for a in acc)

        npairs = (ktot + 1) // 2
        copy_desc(0, buf0, sem0).start()

        def pair_body(p, acc):
            c0 = 2 * p
            c1 = c0 + 1
            copy_desc(c1, buf1, sem1).start()
            copy_desc(c0, buf0, sem0).wait()
            acc = accum(c0, buf0, acc, True)

            @pl.when(p + 1 < npairs)
            def _():
                copy_desc(c0 + 2, buf0, sem0).start()

            copy_desc(c1, buf1, sem1).wait()
            return accum(c1, buf1, acc, c1 < ktot)

        acc = lax.fori_loop(0, npairs, pair_body,
                            tuple(zero for _ in range(_NV)))
        for v in range(_NV):
            xv[pl.ds(_L * v, _L)] = xv[pl.ds(_L * v, _L)] + acc[v] * sc_q
        xoff = pl.multiple_of(b * _HD + col0, _CW)
        pltpu.sync_copy(xv, x_hbm.at[pl.ds(xoff, _CW)])

    return pool_kernel(pooled3, meta_i, meta_f)


def _mlp_body(x_ref, w1_ref, b1_ref, w2_ref, b2_ref, w3_ref, b3_ref, it_ref,
              logits_ref, zs_ref, zh_ref):
    x = x_ref[...]
    h = lax.dot_general(x, w1_ref[...], (((1,), (1,)), ((), ())),
                        precision=lax.Precision.HIGHEST,
                        preferred_element_type=jnp.float32)
    h = h + b1_ref[...]
    h = h * jax.nn.sigmoid(h)
    h = lax.dot_general(h, w2_ref[...], (((1,), (1,)), ((), ())),
                        precision=lax.Precision.HIGHEST,
                        preferred_element_type=jnp.float32)
    h = h + b2_ref[...]
    h = h * jax.nn.sigmoid(h)
    w3 = w3_ref[...]
    l0 = jnp.sum(h * w3[0:1, :], axis=1, keepdims=True) + b3_ref[0, 0]
    l1 = jnp.sum(h * w3[1:2, :], axis=1, keepdims=True) + b3_ref[0, 1]
    zs = jax.nn.sigmoid((l1 - l0) * it_ref[0, 0])
    zh = (zs > 0.5).astype(jnp.float32)
    logits_ref[...] = jnp.concatenate([l0, l1], axis=1)
    zs_ref[...] = zs
    zh_ref[...] = zh


def _mlp_tc(xr, W1, b1, W2, b2, W3, b3, inv_tau):
    n = xr.shape[0]
    return pl.pallas_call(
        _mlp_body,
        out_shape=[
            jax.ShapeDtypeStruct((n, 2), jnp.float32),
            jax.ShapeDtypeStruct((n, 1), jnp.float32),
            jax.ShapeDtypeStruct((n, 1), jnp.float32),
        ],
    )(xr, W1, b1.reshape(1, -1), W2, b2.reshape(1, -1), W3,
      b3.reshape(1, -1), inv_tau)


def kernel(pooled_input, range_ids, W1, b1, W2, b2, W3, b3, log_temp):
    pooled3 = pooled_input.reshape(_B, _S, _HD)
    r = range_ids.astype(jnp.int32)
    s0, e0, s1, e1 = r[:, 0], r[:, 1], r[:, 2], r[:, 3]
    n0 = e0 - s0 + 1
    n1 = e1 - s1 + 1
    a0 = (s0 // 8) * 8
    a1 = (s1 // 8) * 8
    k0 = (e0 - a0 + _CHUNK) // _CHUNK
    k1 = (e1 - a1 + _CHUNK) // _CHUNK
    zi = jnp.zeros((_B,), jnp.int32)
    meta_i = jnp.stack(
        [s0, e0, a0, k0, s1, e1, a1, k1] + [zi] * (_L - 8), axis=1).reshape(-1)
    zf = jnp.zeros((_B,), jnp.float32)
    meta_f = jnp.stack(
        [0.5 / n0.astype(jnp.float32),
         0.5 / n1.astype(jnp.float32)] + [zf] * (_L - 2), axis=1).reshape(-1)

    x = _pool_sc(pooled3, meta_i, meta_f)
    xr = x.reshape(_B * _H, _D)
    inv_tau = jnp.exp(-log_temp).reshape(1, 1)
    logits2, zs, zh = _mlp_tc(xr, W1, b1, W2, b2, W3, b3, inv_tau)
    logits = logits2.reshape(_B, _H, 2)
    z_soft = zs.reshape(_B, _H)
    z_hard = zh.reshape(_B, _H)
    return (z_soft, z_hard, z_hard, logits)

# --- scband reference (transcript-rebuilt; emitter-appended) ---
"""Pipeline reference for scband-attention-router-2482491097252 (READ-ONLY COPY).

The authoritative reference and input builder live on the scoring server;
editing this copy changes nothing except your own understanding.
"""

import jax, jax.numpy as jnp
import numpy as np

B, S, H, D = 4, 2048, 32, 128

def setup_inputs(seed: int = 0) -> dict:
    key = jax.random.key(seed)
    ks = jax.random.split(key, 9)
    pooled_input = jax.random.normal(ks[0], (B, S, H, D), dtype=jnp.float32)
    range_ids = jnp.sort(jax.random.randint(ks[1], (B, 6), 0, S), axis=-1)
    def lin(k, fan_out, fan_in):
        bound = 1.0 / np.sqrt(fan_in)
        kw, kb = jax.random.split(k)
        W = jax.random.uniform(kw, (fan_out, fan_in), minval=-bound, maxval=bound, dtype=jnp.float32)
        b = jax.random.uniform(kb, (fan_out,), minval=-bound, maxval=bound, dtype=jnp.float32)
        return W, b
    W1, b1 = lin(ks[2], 256, 128)
    W2, b2 = lin(ks[3], 128, 256)
    W3, b3 = lin(ks[4], 2, 128)
    log_temp = jnp.log(jnp.asarray(2.0 / 3.0, dtype=jnp.float32))
    return {"pooled_input": pooled_input, "range_ids": range_ids,
            "W1": W1, "b1": b1, "W2": W2, "b2": b2, "W3": W3, "b3": b3,
            "log_temp": log_temp}

def _segment_pool(pooled, range_ids, s_idx, e_idx):
    Bn, Sn, Hn, Dn = pooled.shape
    start = range_ids[:, s_idx]
    end = range_ids[:, e_idx]
    pos = jnp.arange(Sn)
    mask = ((pos[None, :] >= start[:, None]) & (pos[None, :] <= end[:, None])).astype(pooled.dtype)
    cnt = mask.sum(axis=1)
    summed = jnp.einsum('bs,bshd->bhd', mask, pooled)
    denom = jnp.maximum(cnt, 1.0)[:, None, None]
    return jnp.where((cnt > 0)[:, None, None], summed / denom, jnp.zeros_like(summed))

def reference(pooled_input, range_ids, W1, b1, W2, b2, W3, b3, log_temp):
    # pooling_mode == 'ctx_q': mean of ctx-segment pooled and q-segment pooled features
    ctx = _segment_pool(pooled_input, range_ids, 0, 1)
    q = _segment_pool(pooled_input, range_ids, 2, 3)
    x = 0.5 * (ctx + q)  # [B, H, D]
    h = jax.nn.silu(x @ W1.T + b1)
    h = jax.nn.silu(h @ W2.T + b2)
    logits = h @ W3.T + b3  # [B, H, 2]
    binary_logits = logits[..., 1] - logits[..., 0]
    tau = jnp.exp(log_temp)
    # eval path (self.training == False)
    z_soft = jax.nn.sigmoid(binary_logits / tau)
    z_hard = (z_soft > 0.5).astype(jnp.float32)
    z = z_hard
    return (z_soft, z_hard, z, logits)

if __name__ == "__main__":
    import jax
    _d = setup_inputs()
    print(jax.jit(kernel)(*tuple(_d.values())))

</pallas_src>

<mosaic_0001>
#map = affine_map<(d0, d1) -> (0, 0, 0)>
#map1 = affine_map<(d0, d1) -> (0)>
module attributes {stable_mosaic.version = 14 : i64} {
  func.func @pool_kernel(%arg0: i32, %arg1: i32, %arg2: memref<4x2048x4096xf32, #tpu.memory_space<hbm>>, %arg3: memref<64xi32, #tpu.memory_space<hbm>>, %arg4: memref<64xf32, #tpu.memory_space<hbm>>, %arg5: memref<16384xf32, #tpu.memory_space<hbm>>, %arg6: memref<16xi32, #tpu.memory_space<vmem>>, %arg7: memref<16xf32, #tpu.memory_space<vmem>>, %arg8: memref<64x512xf32, #tpu.memory_space<vmem>>, %arg9: memref<64x512xf32, #tpu.memory_space<vmem>>, %arg10: memref<512xf32, #tpu.memory_space<vmem>>, %arg11: memref<!tpu.dma_semaphore, #tpu.memory_space<semaphore_mem>>, %arg12: memref<!tpu.dma_semaphore, #tpu.memory_space<semaphore_mem>>) attributes {dimension_semantics = [#tpu.dimension_semantics<core_parallel>, #tpu.dimension_semantics<subcore_parallel>], iteration_bounds = array<i64: 2, 16>, scalar_prefetch = 0 : i64, scratch_operands = 7 : i64, tpu.core_type = #tpu.core_type<sc_vector_subcore>, window_params = [{transform_indices = #map}, {transform_indices = #map1}, {transform_indices = #map1}, {transform_indices = #map1}]} {
    %mul3A = arith.constant 2 : i32
    %mul3A_0 = arith.muli %arg1, %mul3A : i32
    %add3A = arith.addi %mul3A_0, %arg0 : i32
    %jit3A = arith.constant 8 : i32
    %div3A = arith.divsi %add3A, %jit3A : i32
    %sign3A = arith.constant 0 : i32
    %sign3A_1 = arith.cmpi sgt, %add3A, %sign3A : i32
    %sign3A_2 = arith.extui %sign3A_1 : i1 to i32
    %sign3A_3 = arith.constant 0 : i32
    %sign3A_4 = arith.cmpi slt, %add3A, %sign3A_3 : i32
    %sign3A_5 = arith.extui %sign3A_4 : i1 to i32
    %sign3A_6 = arith.subi %sign3A_2, %sign3A_5 : i32
    %sign3A_7 = arith.constant 0 : i32
    %sign3A_8 = arith.cmpi sgt, %jit3A, %sign3A_7 : i32
    %sign3A_9 = arith.extui %sign3A_8 : i1 to i32
    %sign3A_10 = arith.constant 0 : i32
    %sign3A_11 = arith.cmpi slt, %jit3A, %sign3A_10 : i32
    %sign3A_12 = arith.extui %sign3A_11 : i1 to i32
    %sign3A_13 = arith.subi %sign3A_9, %sign3A_12 : i32
    %ne3A = arith.cmpi ne, %sign3A_6, %sign3A_13 : i32
    %rem3A = arith.remsi %add3A, %jit3A : i32
    %ne3A_14 = arith.constant 0 : i32
    %ne3A_15 = arith.cmpi ne, %rem3A, %ne3A_14 : i32
    %and3A = arith.andi %ne3A, %ne3A_15 : i1
    %sub3A = arith.constant 1 : i32
    %sub3A_16 = arith.subi %div3A, %sub3A : i32
    %select_n3A = arith.select %and3A, %sub3A_16, %div3A : i32
    %jit3A_17 = arith.constant 8 : i32
    %eq3A = arith.constant 0 : i32
    %eq3A_18 = arith.cmpi eq, %jit3A_17, %eq3A : i32
    %jit3A_19 = arith.constant 1 : i32
    %select_n3A_20 = arith.select %eq3A_18, %jit3A_19, %jit3A_17 : i32
    %rem3A_21 = arith.remsi %add3A, %select_n3A_20 : i32
    %ne3A_22 = arith.constant 0 : i32
    %ne3A_23 = arith.cmpi ne, %rem3A_21, %ne3A_22 : i32
    %lt3A = arith.constant 0 : i32
    %lt3A_24 = arith.cmpi slt, %rem3A_21, %lt3A : i32
    %lt3A_25 = arith.constant 0 : i32
    %lt3A_26 = arith.cmpi slt, %select_n3A_20, %lt3A_25 : i32
    %ne3A_27 = arith.xori %lt3A_24, %lt3A_26 : i1
    %and3A_28 = arith.andi %ne3A_27, %ne3A_23 : i1
    %add3A_29 = arith.addi %rem3A_21, %select_n3A_20 : i32
    %select_n3A_30 = arith.select %and3A_28, %add3A_29, %rem3A_21 : i32
    %mul3A_31 = arith.constant 512 : i32
    %mul3A_32 = arith.muli %select_n3A_30, %mul3A_31 : i32
    %multiple_of3A = tpu.assume_multiple %mul3A_32, 512 : i32
    %mul3A_33 = arith.constant 16 : i32
    %mul3A_34 = arith.muli %select_n3A, %mul3A_33 : i32
    %multiple_of3A_35 = tpu.assume_multiple %mul3A_34, 16 : i32
    "tpu.region"() ({
      %run_scoped3A = tpu.sem_alloc : memref<!tpu.dma_semaphore, #tpu.memory_space<semaphore_mem>>
      %dma_start3A_448 = tpu.memref_slice %arg3[%multiple_of3A_35] : memref<64xi32, #tpu.memory_space<hbm>> -> memref<16xi32, #tpu.memory_space<hbm>>
      %dma_start3A_449 = tpu.memref_slice %arg3[%multiple_of3A_35] : memref<64xi32, #tpu.memory_space<hbm>> -> memref<16xi32, #tpu.memory_space<hbm>>
      tpu.enqueue_dma source(%dma_start3A_449 : memref<16xi32, #tpu.memory_space<hbm>>) target(%arg6 : memref<16xi32, #tpu.memory_space<vmem>>) target_semaphore(%run_scoped3A : memref<!tpu.dma_semaphore, #tpu.memory_space<semaphore_mem>>)
      %dma_wait3A = tpu.memref_slice %arg3[%multiple_of3A_35] : memref<64xi32, #tpu.memory_space<hbm>> -> memref<16xi32, #tpu.memory_space<hbm>>
      %dma_wait3A_450 = tpu.memref_slice %arg3[%multiple_of3A_35] : memref<64xi32, #tpu.memory_space<hbm>> -> memref<16xi32, #tpu.memory_space<hbm>>
      tpu.wait_dma2 semaphore(%run_scoped3A : memref<!tpu.dma_semaphore, #tpu.memory_space<semaphore_mem>>) src(%dma_wait3A_450 : memref<16xi32, #tpu.memory_space<hbm>>) dst(%arg6 : memref<16xi32, #tpu.memory_space<vmem>>)
      tpu.yield
    }) : () -> ()
    "tpu.region"() ({
      %run_scoped3A = tpu.sem_alloc : memref<!tpu.dma_semaphore, #tpu.memory_space<semaphore_mem>>
      %dma_start3A_448 = tpu.memref_slice %arg4[%multiple_of3A_35] : memref<64xf32, #tpu.memory_space<hbm>> -> memref<16xf32, #tpu.memory_space<hbm>>
      %dma_start3A_449 = tpu.memref_slice %arg4[%multiple_of3A_35] : memref<64xf32, #tpu.memory_space<hbm>> -> memref<16xf32, #tpu.memory_space<hbm>>
      tpu.enqueue_dma source(%dma_start3A_449 : memref<16xf32, #tpu.memory_space<hbm>>) target(%arg7 : memref<16xf32, #tpu.memory_space<vmem>>) target_semaphore(%run_scoped3A : memref<!tpu.dma_semaphore, #tpu.memory_space<semaphore_mem>>)
      %dma_wait3A = tpu.memref_slice %arg4[%multiple_of3A_35] : memref<64xf32, #tpu.memory_space<hbm>> -> memref<16xf32, #tpu.memory_space<hbm>>
      %dma_wait3A_450 = tpu.memref_slice %arg4[%multiple_of3A_35] : memref<64xf32, #tpu.memory_space<hbm>> -> memref<16xf32, #tpu.memory_space<hbm>>
      tpu.wait_dma2 semaphore(%run_scoped3A : memref<!tpu.dma_semaphore, #tpu.memory_space<semaphore_mem>>) src(%dma_wait3A_450 : memref<16xf32, #tpu.memory_space<hbm>>) dst(%arg7 : memref<16xf32, #tpu.memory_space<vmem>>)
      tpu.yield
    }) : () -> ()
    %get3A = arith.constant 0 : index
    %get3A_36 = tpu.vector_load %arg6[%get3A] {strides = array<i32>} : memref<16xi32, #tpu.memory_space<vmem>>, vector<16xi32>,
    %get3A_37 = vector.shape_cast %get3A_36 : vector<16xi32> to vector<16xi32>
    %get3A_38 = arith.constant 0 : index
    %get3A_39 = tpu.vector_load %arg7[%get3A_38] {strides = array<i32>} : memref<16xf32, #tpu.memory_space<vmem>>, vector<16xf32>,
    %get3A_40 = vector.shape_cast %get3A_39 : vector<16xf32> to vector<16xf32>
    %slice3A = vector.extract_strided_slice %get3A_37 {offsets = [0], sizes = [1], strides = [1]} : vector<16xi32> to vector<1xi32>
    %squeeze3A = vector.extract %slice3A[0] : i32 from vector<1xi32>
    %slice3A_41 = vector.extract_strided_slice %get3A_37 {offsets = [1], sizes = [1], strides = [1]} : vector<16xi32> to vector<1xi32>
    %squeeze3A_42 = vector.extract %slice3A_41[0] : i32 from vector<1xi32>
    %slice3A_43 = vector.extract_strided_slice %get3A_37 {offsets = [2], sizes = [1], strides = [1]} : vector<16xi32> to vector<1xi32>
    %squeeze3A_44 = vector.extract %slice3A_43[0] : i32 from vector<1xi32>
    %slice3A_45 = vector.extract_strided_slice %get3A_37 {offsets = [3], sizes = [1], strides = [1]} : vector<16xi32> to vector<1xi32>
    %squeeze3A_46 = vector.extract %slice3A_45[0] : i32 from vector<1xi32>
    %slice3A_47 = vector.extract_strided_slice %get3A_37 {offsets = [4], sizes = [1], strides = [1]} : vector<16xi32> to vector<1xi32>
    %squeeze3A_48 = vector.extract %slice3A_47[0] : i32 from vector<1xi32>
    %slice3A_49 = vector.extract_strided_slice %get3A_37 {offsets = [5], sizes = [1], strides = [1]} : vector<16xi32> to vector<1xi32>
    %squeeze3A_50 = vector.extract %slice3A_49[0] : i32 from vector<1xi32>
    %slice3A_51 = vector.extract_strided_slice %get3A_37 {offsets = [6], sizes = [1], strides = [1]} : vector<16xi32> to vector<1xi32>
    %squeeze3A_52 = vector.extract %slice3A_51[0] : i32 from vector<1xi32>
    %slice3A_53 = vector.extract_strided_slice %get3A_37 {offsets = [7], sizes = [1], strides = [1]} : vector<16xi32> to vector<1xi32>
    %squeeze3A_54 = vector.extract %slice3A_53[0] : i32 from vector<1xi32>
    %slice3A_55 = vector.extract_strided_slice %get3A_40 {offsets = [0], sizes = [1], strides = [1]} : vector<16xf32> to vector<1xf32>
    %squeeze3A_56 = vector.extract %slice3A_55[0] : f32 from vector<1xf32>
    %slice3A_57 = vector.extract_strided_slice %get3A_40 {offsets = [1], sizes = [1], strides = [1]} : vector<16xf32> to vector<1xf32>
    %squeeze3A_58 = vector.extract %slice3A_57[0] : f32 from vector<1xf32>
    %add3A_59 = arith.addi %squeeze3A_46, %squeeze3A_54 : i32
    %broadcast_in_dim3A = arith.constant 0.000000e+00 : f32
    %broadcast_in_dim3A_60 = vector.broadcast %broadcast_in_dim3A : f32 to vector<16xf32>
    %add3A_61 = arith.constant 1 : i32
    %add3A_62 = arith.addi %add3A_59, %add3A_61 : i32
    %jit3A_63 = arith.constant 2 : i32
    %div3A_64 = arith.divsi %add3A_62, %jit3A_63 : i32
    %sign3A_65 = arith.constant 0 : i32
    %sign3A_66 = arith.cmpi sgt, %add3A_62, %sign3A_65 : i32
    %sign3A_67 = arith.extui %sign3A_66 : i1 to i32
    %sign3A_68 = arith.constant 0 : i32
    %sign3A_69 = arith.cmpi slt, %add3A_62, %sign3A_68 : i32
    %sign3A_70 = arith.extui %sign3A_69 : i1 to i32
    %sign3A_71 = arith.subi %sign3A_67, %sign3A_70 : i32
    %sign3A_72 = arith.constant 0 : i32
    %sign3A_73 = arith.cmpi sgt, %jit3A_63, %sign3A_72 : i32
    %sign3A_74 = arith.extui %sign3A_73 : i1 to i32
    %sign3A_75 = arith.constant 0 : i32
    %sign3A_76 = arith.cmpi slt, %jit3A_63, %sign3A_75 : i32
    %sign3A_77 = arith.extui %sign3A_76 : i1 to i32
    %sign3A_78 = arith.subi %sign3A_74, %sign3A_77 : i32
    %ne3A_79 = arith.cmpi ne, %sign3A_71, %sign3A_78 : i32
    %rem3A_80 = arith.remsi %add3A_62, %jit3A_63 : i32
    %ne3A_81 = arith.constant 0 : i32
    %ne3A_82 = arith.cmpi ne, %rem3A_80, %ne3A_81 : i32
    %and3A_83 = arith.andi %ne3A_79, %ne3A_82 : i1
    %sub3A_84 = arith.constant 1 : i32
    %sub3A_85 = arith.subi %div3A_64, %sub3A_84 : i32
    %select_n3A_86 = arith.select %and3A_83, %sub3A_85, %div3A_64 : i32
    %sub3A_87 = arith.constant 1 : i32
    %sub3A_88 = arith.subi %add3A_59, %sub3A_87 : i32
    %min3A = arith.constant 0 : i32
    %min3A_89 = arith.minsi %min3A, %sub3A_88 : i32
    %lt3A_90 = arith.cmpi slt, %min3A_89, %squeeze3A_46 : i32
    %select_n3A_91 = arith.select %lt3A_90, %squeeze3A, %squeeze3A_48 : i32
    %select_n3A_92 = arith.select %lt3A_90, %squeeze3A_42, %squeeze3A_50 : i32
    %select_n3A_93 = arith.select %lt3A_90, %squeeze3A_44, %squeeze3A_52 : i32
    %jit3A_94 = arith.constant 0 : i32
    %select_n3A_95 = arith.select %lt3A_90, %jit3A_94, %squeeze3A_46 : i32
    %sub3A_96 = arith.subi %min3A_89, %select_n3A_95 : i32
    %mul3A_97 = arith.constant 64 : i32
    %mul3A_98 = arith.muli %sub3A_96, %mul3A_97 : i32
    %add3A_99 = arith.addi %select_n3A_93, %mul3A_98 : i32
    %min3A_100 = arith.constant 1984 : i32
    %min3A_101 = arith.minsi %add3A_99, %min3A_100 : i32
    %multiple_of3A_102 = tpu.assume_multiple %min3A_101, 8 : i32
    %max3A = arith.maxsi %select_n3A_91, %add3A_99 : i32
    %sub3A_103 = arith.subi %max3A, %multiple_of3A_102 : i32
    %add3A_104 = arith.constant 64 : i32
    %add3A_105 = arith.addi %add3A_99, %add3A_104 : i32
    %sub3A_106 = arith.constant 1 : i32
    %sub3A_107 = arith.subi %add3A_105, %sub3A_106 : i32
    %min3A_108 = arith.minsi %select_n3A_92, %sub3A_107 : i32
    %sub3A_109 = arith.subi %min3A_108, %multiple_of3A_102 : i32
    %add3A_110 = arith.constant 1 : i32
    %add3A_111 = arith.addi %sub3A_109, %add3A_110 : i32
    %dma_start3A = tpu.memref_slice %arg2[%select_n3A, %multiple_of3A_102, %multiple_of3A] : memref<4x2048x4096xf32, #tpu.memory_space<hbm>> -> memref<1x64x512xf32, #tpu.memory_space<hbm>>
    %dma_start3A_112 = tpu.memref_squeeze %dma_start3A : memref<1x64x512xf32, #tpu.memory_space<hbm>> -> memref<64x512xf32, #tpu.memory_space<hbm>>
    %dma_start3A_113 = tpu.memref_slice %arg2[%select_n3A, %multiple_of3A_102, %multiple_of3A] : memref<4x2048x4096xf32, #tpu.memory_space<hbm>> -> memref<1x64x512xf32, #tpu.memory_space<hbm>>
    %dma_start3A_114 = tpu.memref_squeeze %dma_start3A_113 : memref<1x64x512xf32, #tpu.memory_space<hbm>> -> memref<64x512xf32, #tpu.memory_space<hbm>>
    tpu.enqueue_dma source(%dma_start3A_114 : memref<64x512xf32, #tpu.memory_space<hbm>>) target(%arg8 : memref<64x512xf32, #tpu.memory_space<vmem>>) target_semaphore(%arg11 : memref<!tpu.dma_semaphore, #tpu.memory_space<semaphore_mem>>)
    %while3A = arith.constant 0 : i32
    %while3A_115 = arith.subi %select_n3A_86, %while3A : i32
    %while3A_116 = arith.addi %while3A, %while3A_115 : i32
    %while3A_117 = arith.constant 1 : i32
    %while3A_118 = arith.divsi %while3A_115, %while3A_117 : i32
    %while3A_119 = arith.muli %while3A_118, %while3A_117 : i32
    %while3A_120 = arith.addi %while3A, %while3A_119 : i32
    %while3A_121 = arith.constant 1 : i32
    %while3A_122:32 = scf.for %while3A_448 = %while3A to %while3A_120 step %while3A_121 iter_args(%while3A_449 = %broadcast_in_dim3A_60, %while3A_450 = %broadcast_in_dim3A_60, %while3A_451 = %broadcast_in_dim3A_60, %while3A_452 = %broadcast_in_dim3A_60, %while3A_453 = %broadcast_in_dim3A_60, %while3A_454 = %broadcast_in_dim3A_60, %while3A_455 = %broadcast_in_dim3A_60, %while3A_456 = %broadcast_in_dim3A_60, %while3A_457 = %broadcast_in_dim3A_60, %while3A_458 = %broadcast_in_dim3A_60, %while3A_459 = %broadcast_in_dim3A_60, %while3A_460 = %broadcast_in_dim3A_60, %while3A_461 = %broadcast_in_dim3A_60, %while3A_462 = %broadcast_in_dim3A_60, %while3A_463 = %broadcast_in_dim3A_60, %while3A_464 = %broadcast_in_dim3A_60, %while3A_465 = %broadcast_in_dim3A_60, %while3A_466 = %broadcast_in_dim3A_60, %while3A_467 = %broadcast_in_dim3A_60, %while3A_468 = %broadcast_in_dim3A_60, %while3A_469 = %broadcast_in_dim3A_60, %while3A_470 = %broadcast_in_dim3A_60, %while3A_471 = %broadcast_in_dim3A_60, %while3A_472 = %broadcast_in_dim3A_60, %while3A_473 = %broadcast_in_dim3A_60, %while3A_474 = %broadcast_in_dim3A_60, %while3A_475 = %broadcast_in_dim3A_60, %while3A_476 = %broadcast_in_dim3A_60, %while3A_477 = %broadcast_in_dim3A_60, %while3A_478 = %broadcast_in_dim3A_60, %while3A_479 = %broadcast_in_dim3A_60, %while3A_480 = %broadcast_in_dim3A_60) -> (vector<16xf32>, vector<16xf32>, vector<16xf32>, vector<16xf32>, vector<16xf32>, vector<16xf32>, vector<16xf32>, vector<16xf32>, vector<16xf32>, vector<16xf32>, vector<16xf32>, vector<16xf32>, vector<16xf32>, vector<16xf32>, vector<16xf32>, vector<16xf32>, vector<16xf32>, vector<16xf32>, vector<16xf32>, vector<16xf32>, vector<16xf32>, vector<16xf32>, vector<16xf32>, vector<16xf32>, vector<16xf32>, vector<16xf32>, vector<16xf32>, vector<16xf32>, vector<16xf32>, vector<16xf32>, vector<16xf32>, vector<16xf32>)  : i32 {
      %mul3A_481 = arith.constant 2 : i32
      %mul3A_482 = arith.muli %mul3A_481, %while3A_448 : i32
      %add3A_483 = arith.constant 1 : i32
      %add3A_484 = arith.addi %mul3A_482, %add3A_483 : i32
      %sub3A_485 = arith.constant 1 : i32
      %sub3A_486 = arith.subi %add3A_59, %sub3A_485 : i32
      %min3A_487 = arith.minsi %add3A_484, %sub3A_486 : i32
      %lt3A_488 = arith.cmpi slt, %min3A_487, %squeeze3A_46 : i32
      %select_n3A_489 = arith.select %lt3A_488, %squeeze3A, %squeeze3A_48 : i32
      %select_n3A_490 = arith.select %lt3A_488, %squeeze3A_42, %squeeze3A_50 : i32
      %select_n3A_491 = arith.select %lt3A_488, %squeeze3A_44, %squeeze3A_52 : i32
      %jit3A_492 = arith.constant 0 : i32
      %select_n3A_493 = arith.select %lt3A_488, %jit3A_492, %squeeze3A_46 : i32
      %sub3A_494 = arith.subi %min3A_487, %select_n3A_493 : i32
      %mul3A_495 = arith.constant 64 : i32
      %mul3A_496 = arith.muli %sub3A_494, %mul3A_495 : i32
      %add3A_497 = arith.addi %select_n3A_491, %mul3A_496 : i32
      %min3A_498 = arith.constant 1984 : i32
      %min3A_499 = arith.minsi %add3A_497, %min3A_498 : i32
      %multiple_of3A_500 = tpu.assume_multiple %min3A_499, 8 : i32
      %max3A_501 = arith.maxsi %select_n3A_489, %add3A_497 : i32
      %sub3A_502 = arith.subi %max3A_501, %multiple_of3A_500 : i32
      %add3A_503 = arith.constant 64 : i32
      %add3A_504 = arith.addi %add3A_497, %add3A_503 : i32
      %sub3A_505 = arith.constant 1 : i32
      %sub3A_506 = arith.subi %add3A_504, %sub3A_505 : i32
      %min3A_507 = arith.minsi %select_n3A_490, %sub3A_506 : i32
      %sub3A_508 = arith.subi %min3A_507, %multiple_of3A_500 : i32
      %add3A_509 = arith.constant 1 : i32
      %add3A_510 = arith.addi %sub3A_508, %add3A_509 : i32
      %dma_start3A_511 = tpu.memref_slice %arg2[%select_n3A, %multiple_of3A_500, %multiple_of3A] : memref<4x2048x4096xf32, #tpu.memory_space<hbm>> -> memref<1x64x512xf32, #tpu.memory_space<hbm>>
      %dma_start3A_512 = tpu.memref_squeeze %dma_start3A_511 : memref<1x64x512xf32, #tpu.memory_space<hbm>> -> memref<64x512xf32, #tpu.memory_space<hbm>>
      %dma_start3A_513 = tpu.memref_slice %arg2[%select_n3A, %multiple_of3A_500, %multiple_of3A] : memref<4x2048x4096xf32, #tpu.memory_space<hbm>> -> memref<1x64x512xf32, #tpu.memory_space<hbm>>
      %dma_start3A_514 = tpu.memref_squeeze %dma_start3A_513 : memref<1x64x512xf32, #tpu.memory_space<hbm>> -> memref<64x512xf32, #tpu.memory_space<hbm>>
      tpu.enqueue_dma source(%dma_start3A_514 : memref<64x512xf32, #tpu.memory_space<hbm>>) target(%arg9 : memref<64x512xf32, #tpu.memory_space<vmem>>) target_semaphore(%arg12 : memref<!tpu.dma_semaphore, #tpu.memory_space<semaphore_mem>>)
      %sub3A_515 = arith.constant 1 : i32
      %sub3A_516 = arith.subi %add3A_59, %sub3A_515 : i32
      %min3A_517 = arith.minsi %mul3A_482, %sub3A_516 : i32
      %lt3A_518 = arith.cmpi slt, %min3A_517, %squeeze3A_46 : i32
      %select_n3A_519 = arith.select %lt3A_518, %squeeze3A, %squeeze3A_48 : i32
      %select_n3A_520 = arith.select %lt3A_518, %squeeze3A_42, %squeeze3A_50 : i32
      %select_n3A_521 = arith.select %lt3A_518, %squeeze3A_44, %squeeze3A_52 : i32
      %jit3A_522 = arith.constant 0 : i32
      %select_n3A_523 = arith.select %lt3A_518, %jit3A_522, %squeeze3A_46 : i32
      %sub3A_524 = arith.subi %min3A_517, %select_n3A_523 : i32
      %mul3A_525 = arith.constant 64 : i32
      %mul3A_526 = arith.muli %sub3A_524, %mul3A_525 : i32
      %add3A_527 = arith.addi %select_n3A_521, %mul3A_526 : i32
      %min3A_528 = arith.constant 1984 : i32
      %min3A_529 = arith.minsi %add3A_527, %min3A_528 : i32
      %multiple_of3A_530 = tpu.assume_multiple %min3A_529, 8 : i32
      %max3A_531 = arith.maxsi %select_n3A_519, %add3A_527 : i32
      %sub3A_532 = arith.subi %max3A_531, %multiple_of3A_530 : i32
      %add3A_533 = arith.constant 64 : i32
      %add3A_534 = arith.addi %add3A_527, %add3A_533 : i32
      %sub3A_535 = arith.constant 1 : i32
      %sub3A_536 = arith.subi %add3A_534, %sub3A_535 : i32
      %min3A_537 = arith.minsi %select_n3A_520, %sub3A_536 : i32
      %sub3A_538 = arith.subi %min3A_537, %multiple_of3A_530 : i32
      %add3A_539 = arith.constant 1 : i32
      %add3A_540 = arith.addi %sub3A_538, %add3A_539 : i32
      %dma_wait3A = tpu.memref_slice %arg2[%select_n3A, %multiple_of3A_530, %multiple_of3A] : memref<4x2048x4096xf32, #tpu.memory_space<hbm>> -> memref<1x64x512xf32, #tpu.memory_space<hbm>>
      %dma_wait3A_541 = tpu.memref_squeeze %dma_wait3A : memref<1x64x512xf32, #tpu.memory_space<hbm>> -> memref<64x512xf32, #tpu.memory_space<hbm>>
      %dma_wait3A_542 = tpu.memref_slice %arg2[%select_n3A, %multiple_of3A_530, %multiple_of3A] : memref<4x2048x4096xf32, #tpu.memory_space<hbm>> -> memref<1x64x512xf32, #tpu.memory_space<hbm>>
      %dma_wait3A_543 = tpu.memref_squeeze %dma_wait3A_542 : memref<1x64x512xf32, #tpu.memory_space<hbm>> -> memref<64x512xf32, #tpu.memory_space<hbm>>
      tpu.wait_dma2 semaphore(%arg11 : memref<!tpu.dma_semaphore, #tpu.memory_space<semaphore_mem>>) src(%dma_wait3A_543 : memref<64x512xf32, #tpu.memory_space<hbm>>) dst(%arg8 : memref<64x512xf32, #tpu.memory_space<vmem>>)
      %sub3A_544 = arith.constant 1 : i32
      %sub3A_545 = arith.subi %add3A_59, %sub3A_544 : i32
      %min3A_546 = arith.minsi %mul3A_482, %sub3A_545 : i32
      %lt3A_547 = arith.cmpi slt, %min3A_546, %squeeze3A_46 : i32
      %select_n3A_548 = arith.select %lt3A_547, %squeeze3A, %squeeze3A_48 : i32
      %select_n3A_549 = arith.select %lt3A_547, %squeeze3A_42, %squeeze3A_50 : i32
      %select_n3A_550 = arith.select %lt3A_547, %squeeze3A_44, %squeeze3A_52 : i32
      %jit3A_551 = arith.constant 0 : i32
      %select_n3A_552 = arith.select %lt3A_547, %jit3A_551, %squeeze3A_46 : i32
      %sub3A_553 = arith.subi %min3A_546, %select_n3A_552 : i32
      %mul3A_554 = arith.constant 64 : i32
      %mul3A_555 = arith.muli %sub3A_553, %mul3A_554 : i32
      %add3A_556 = arith.addi %select_n3A_550, %mul3A_555 : i32
      %min3A_557 = arith.constant 1984 : i32
      %min3A_558 = arith.minsi %add3A_556, %min3A_557 : i32
      %multiple_of3A_559 = tpu.assume_multiple %min3A_558, 8 : i32
      %max3A_560 = arith.maxsi %select_n3A_548, %add3A_556 : i32
      %sub3A_561 = arith.subi %max3A_560, %multiple_of3A_559 : i32
      %add3A_562 = arith.constant 64 : i32
      %add3A_563 = arith.addi %add3A_556, %add3A_562 : i32
      %sub3A_564 = arith.constant 1 : i32
      %sub3A_565 = arith.subi %add3A_563, %sub3A_564 : i32
      %min3A_566 = arith.minsi %select_n3A_549, %sub3A_565 : i32
      %sub3A_567 = arith.subi %min3A_566, %multiple_of3A_559 : i32
      %add3A_568 = arith.constant 1 : i32
      %add3A_569 = arith.addi %sub3A_567, %add3A_568 : i32
      %jit3A_570 = arith.constant true
      %select_n3A_571 = arith.select %jit3A_570, %add3A_569, %sub3A_561 : i32
      %while3A_572 = arith.subi %select_n3A_571, %sub3A_561 : i32
      %while3A_573 = arith.addi %sub3A_561, %while3A_572 : i32
      %while3A_574 = arith.constant 1 : i32
      %while3A_575 = arith.divsi %while3A_572, %while3A_574 : i32
      %while3A_576 = arith.muli %while3A_575, %while3A_574 : i32
      %while3A_577 = arith.addi %sub3A_561, %while3A_576 : i32
      %while3A_578 = arith.constant 1 : i32
      %while3A_579:32 = scf.for %while3A_730 = %sub3A_561 to %while3A_577 step %while3A_578 iter_args(%while3A_731 = %while3A_449, %while3A_732 = %while3A_450, %while3A_733 = %while3A_451, %while3A_734 = %while3A_452, %while3A_735 = %while3A_453, %while3A_736 = %while3A_454, %while3A_737 = %while3A_455, %while3A_738 = %while3A_456, %while3A_739 = %while3A_457, %while3A_740 = %while3A_458, %while3A_741 = %while3A_459, %while3A_742 = %while3A_460, %while3A_743 = %while3A_461, %while3A_744 = %while3A_462, %while3A_745 = %while3A_463, %while3A_746 = %while3A_464, %while3A_747 = %while3A_465, %while3A_748 = %while3A_466, %while3A_749 = %while3A_467, %while3A_750 = %while3A_468, %while3A_751 = %while3A_469, %while3A_752 = %while3A_470, %while3A_753 = %while3A_471, %while3A_754 = %while3A_472, %while3A_755 = %while3A_473, %while3A_756 = %while3A_474, %while3A_757 = %while3A_475, %while3A_758 = %while3A_476, %while3A_759 = %while3A_477, %while3A_760 = %while3A_478, %while3A_761 = %while3A_479, %while3A_762 = %while3A_480) -> (vector<16xf32>, vector<16xf32>, vector<16xf32>, vector<16xf32>, vector<16xf32>, vector<16xf32>, vector<16xf32>, vector<16xf32>, vector<16xf32>, vector<16xf32>, vector<16xf32>, vector<16xf32>, vector<16xf32>, vector<16xf32>, vector<16xf32>, vector<16xf32>, vector<16xf32>, vector<16xf32>, vector<16xf32>, vector<16xf32>, vector<16xf32>, vector<16xf32>, vector<16xf32>, vector<16xf32>, vector<16xf32>, vector<16xf32>, vector<16xf32>, vector<16xf32>, vector<16xf32>, vector<16xf32>, vector<16xf32>, vector<16xf32>)  : i32 {
        %get3A_763 = arith.index_cast %while3A_730 : i32 to index
        %get3A_764 = arith.constant 0 : index
        %get3A_765 = tpu.vector_load %arg8[%get3A_763, %get3A_764] {strides = array<i32>} : memref<64x512xf32, #tpu.memory_space<vmem>>, vector<1x16xf32>,
        %get3A_766 = vector.shape_cast %get3A_765 : vector<1x16xf32> to vector<16xf32>
        %add3A_767 = arith.addf %while3A_731, %get3A_766 : vector<16xf32>
        %get3A_768 = arith.index_cast %while3A_730 : i32 to index
        %get3A_769 = arith.constant 16 : index
        %get3A_770 = tpu.vector_load %arg8[%get3A_768, %get3A_769] {strides = array<i32>} : memref<64x512xf32, #tpu.memory_space<vmem>>, vector<1x16xf32>,
        %get3A_771 = vector.shape_cast %get3A_770 : vector<1x16xf32> to vector<16xf32>
        %add3A_772 = arith.addf %while3A_732, %get3A_771 : vector<16xf32>
        %get3A_773 = arith.index_cast %while3A_730 : i32 to index
        %get3A_774 = arith.constant 32 : index
        %get3A_775 = tpu.vector_load %arg8[%get3A_773, %get3A_774] {strides = array<i32>} : memref<64x512xf32, #tpu.memory_space<vmem>>, vector<1x16xf32>,
        %get3A_776 = vector.shape_cast %get3A_775 : vector<1x16xf32> to vector<16xf32>
        %add3A_777 = arith.addf %while3A_733, %get3A_776 : vector<16xf32>
        %get3A_778 = arith.index_cast %while3A_730 : i32 to index
        %get3A_779 = arith.constant 48 : index
        %get3A_780 = tpu.vector_load %arg8[%get3A_778, %get3A_779] {strides = array<i32>} : memref<64x512xf32, #tpu.memory_space<vmem>>, vector<1x16xf32>,
        %get3A_781 = vector.shape_cast %get3A_780 : vector<1x16xf32> to vector<16xf32>
        %add3A_782 = arith.addf %while3A_734, %get3A_781 : vector<16xf32>
        %get3A_783 = arith.index_cast %while3A_730 : i32 to index
        %get3A_784 = arith.constant 64 : index
        %get3A_785 = tpu.vector_load %arg8[%get3A_783, %get3A_784] {strides = array<i32>} : memref<64x512xf32, #tpu.memory_space<vmem>>, vector<1x16xf32>,
        %get3A_786 = vector.shape_cast %get3A_785 : vector<1x16xf32> to vector<16xf32>
        %add3A_787 = arith.addf %while3A_735, %get3A_786 : vector<16xf32>
        %get3A_788 = arith.index_cast %while3A_730 : i32 to index
        %get3A_789 = arith.constant 80 : index
        %get3A_790 = tpu.vector_load %arg8[%get3A_788, %get3A_789] {strides = array<i32>} : memref<64x512xf32, #tpu.memory_space<vmem>>, vector<1x16xf32>,
        %get3A_791 = vector.shape_cast %get3A_790 : vector<1x16xf32> to vector<16xf32>
        %add3A_792 = arith.addf %while3A_736, %get3A_791 : vector<16xf32>
        %get3A_793 = arith.index_cast %while3A_730 : i32 to index
        %get3A_794 = arith.constant 96 : index
        %get3A_795 = tpu.vector_load %arg8[%get3A_793, %get3A_794] {strides = array<i32>} : memref<64x512xf32, #tpu.memory_space<vmem>>, vector<1x16xf32>,
        %get3A_796 = vector.shape_cast %get3A_795 : vector<1x16xf32> to vector<16xf32>
        %add3A_797 = arith.addf %while3A_737, %get3A_796 : vector<16xf32>
        %get3A_798 = arith.index_cast %while3A_730 : i32 to index
        %get3A_799 = arith.constant 112 : index
        %get3A_800 = tpu.vector_load %arg8[%get3A_798, %get3A_799] {strides = array<i32>} : memref<64x512xf32, #tpu.memory_space<vmem>>, vector<1x16xf32>,
        %get3A_801 = vector.shape_cast %get3A_800 : vector<1x16xf32> to vector<16xf32>
        %add3A_802 = arith.addf %while3A_738, %get3A_801 : vector<16xf32>
        %get3A_803 = arith.index_cast %while3A_730 : i32 to index
        %get3A_804 = arith.constant 128 : index
        %get3A_805 = tpu.vector_load %arg8[%get3A_803, %get3A_804] {strides = array<i32>} : memref<64x512xf32, #tpu.memory_space<vmem>>, vector<1x16xf32>,
        %get3A_806 = vector.shape_cast %get3A_805 : vector<1x16xf32> to vector<16xf32>
        %add3A_807 = arith.addf %while3A_739, %get3A_806 : vector<16xf32>
        %get3A_808 = arith.index_cast %while3A_730 : i32 to index
        %get3A_809 = arith.constant 144 : index
        %get3A_810 = tpu.vector_load %arg8[%get3A_808, %get3A_809] {strides = array<i32>} : memref<64x512xf32, #tpu.memory_space<vmem>>, vector<1x16xf32>,
        %get3A_811 = vector.shape_cast %get3A_810 : vector<1x16xf32> to vector<16xf32>
        %add3A_812 = arith.addf %while3A_740, %get3A_811 : vector<16xf32>
        %get3A_813 = arith.index_cast %while3A_730 : i32 to index
        %get3A_814 = arith.constant 160 : index
        %get3A_815 = tpu.vector_load %arg8[%get3A_813, %get3A_814] {strides = array<i32>} : memref<64x512xf32, #tpu.memory_space<vmem>>, vector<1x16xf32>,
        %get3A_816 = vector.shape_cast %get3A_815 : vector<1x16xf32> to vector<16xf32>
        %add3A_817 = arith.addf %while3A_741, %get3A_816 : vector<16xf32>
        %get3A_818 = arith.index_cast %while3A_730 : i32 to index
        %get3A_819 = arith.constant 176 : index
        %get3A_820 = tpu.vector_load %arg8[%get3A_818, %get3A_819] {strides = array<i32>} : memref<64x512xf32, #tpu.memory_space<vmem>>, vector<1x16xf32>,
        %get3A_821 = vector.shape_cast %get3A_820 : vector<1x16xf32> to vector<16xf32>
        %add3A_822 = arith.addf %while3A_742, %get3A_821 : vector<16xf32>
        %get3A_823 = arith.index_cast %while3A_730 : i32 to index
        %get3A_824 = arith.constant 192 : index
        %get3A_825 = tpu.vector_load %arg8[%get3A_823, %get3A_824] {strides = array<i32>} : memref<64x512xf32, #tpu.memory_space<vmem>>, vector<1x16xf32>,
        %get3A_826 = vector.shape_cast %get3A_825 : vector<1x16xf32> to vector<16xf32>
        %add3A_827 = arith.addf %while3A_743, %get3A_826 : vector<16xf32>
        %get3A_828 = arith.index_cast %while3A_730 : i32 to index
        %get3A_829 = arith.constant 208 : index
        %get3A_830 = tpu.vector_load %arg8[%get3A_828, %get3A_829] {strides = array<i32>} : memref<64x512xf32, #tpu.memory_space<vmem>>, vector<1x16xf32>,
        %get3A_831 = vector.shape_cast %get3A_830 : vector<1x16xf32> to vector<16xf32>
        %add3A_832 = arith.addf %while3A_744, %get3A_831 : vector<16xf32>
        %get3A_833 = arith.index_cast %while3A_730 : i32 to index
        %get3A_834 = arith.constant 224 : index
        %get3A_835 = tpu.vector_load %arg8[%get3A_833, %get3A_834] {strides = array<i32>} : memref<64x512xf32, #tpu.memory_space<vmem>>, vector<1x16xf32>,
        %get3A_836 = vector.shape_cast %get3A_835 : vector<1x16xf32> to vector<16xf32>
        %add3A_837 = arith.addf %while3A_745, %get3A_836 : vector<16xf32>
        %get3A_838 = arith.index_cast %while3A_730 : i32 to index
        %get3A_839 = arith.constant 240 : index
        %get3A_840 = tpu.vector_load %arg8[%get3A_838, %get3A_839] {strides = array<i32>} : memref<64x512xf32, #tpu.memory_space<vmem>>, vector<1x16xf32>,
        %get3A_841 = vector.shape_cast %get3A_840 : vector<1x16xf32> to vector<16xf32>
        %add3A_842 = arith.addf %while3A_746, %get3A_841 : vector<16xf32>
        %get3A_843 = arith.index_cast %while3A_730 : i32 to index
        %get3A_844 = arith.constant 256 : index
        %get3A_845 = tpu.vector_load %arg8[%get3A_843, %get3A_844] {strides = array<i32>} : memref<64x512xf32, #tpu.memory_space<vmem>>, vector<1x16xf32>,
        %get3A_846 = vector.shape_cast %get3A_845 : vector<1x16xf32> to vector<16xf32>
        %add3A_847 = arith.addf %while3A_747, %get3A_846 : vector<16xf32>
        %get3A_848 = arith.index_cast %while3A_730 : i32 to index
        %get3A_849 = arith.constant 272 : index
        %get3A_850 = tpu.vector_load %arg8[%get3A_848, %get3A_849] {strides = array<i32>} : memref<64x512xf32, #tpu.memory_space<vmem>>, vector<1x16xf32>,
        %get3A_851 = vector.shape_cast %get3A_850 : vector<1x16xf32> to vector<16xf32>
        %add3A_852 = arith.addf %while3A_748, %get3A_851 : vector<16xf32>
        %get3A_853 = arith.index_cast %while3A_730 : i32 to index
        %get3A_854 = arith.constant 288 : index
        %get3A_855 = tpu.vector_load %arg8[%get3A_853, %get3A_854] {strides = array<i32>} : memref<64x512xf32, #tpu.memory_space<vmem>>, vector<1x16xf32>,
        %get3A_856 = vector.shape_cast %get3A_855 : vector<1x16xf32> to vector<16xf32>
        %add3A_857 = arith.addf %while3A_749, %get3A_856 : vector<16xf32>
        %get3A_858 = arith.index_cast %while3A_730 : i32 to index
        %get3A_859 = arith.constant 304 : index
        %get3A_860 = tpu.vector_load %arg8[%get3A_858, %get3A_859] {strides = array<i32>} : memref<64x512xf32, #tpu.memory_space<vmem>>, vector<1x16xf32>,
        %get3A_861 = vector.shape_cast %get3A_860 : vector<1x16xf32> to vector<16xf32>
        %add3A_862 = arith.addf %while3A_750, %get3A_861 : vector<16xf32>
        %get3A_863 = arith.index_cast %while3A_730 : i32 to index
        %get3A_864 = arith.constant 320 : index
        %get3A_865 = tpu.vector_load %arg8[%get3A_863, %get3A_864] {strides = array<i32>} : memref<64x512xf32, #tpu.memory_space<vmem>>, vector<1x16xf32>,
        %get3A_866 = vector.shape_cast %get3A_865 : vector<1x16xf32> to vector<16xf32>
        %add3A_867 = arith.addf %while3A_751, %get3A_866 : vector<16xf32>
        %get3A_868 = arith.index_cast %while3A_730 : i32 to index
        %get3A_869 = arith.constant 336 : index
        %get3A_870 = tpu.vector_load %arg8[%get3A_868, %get3A_869] {strides = array<i32>} : memref<64x512xf32, #tpu.memory_space<vmem>>, vector<1x16xf32>,
        %get3A_871 = vector.shape_cast %get3A_870 : vector<1x16xf32> to vector<16xf32>
        %add3A_872 = arith.addf %while3A_752, %get3A_871 : vector<16xf32>
        %get3A_873 = arith.index_cast %while3A_730 : i32 to index
        %get3A_874 = arith.constant 352 : index
        %get3A_875 = tpu.vector_load %arg8[%get3A_873, %get3A_874] {strides = array<i32>} : memref<64x512xf32, #tpu.memory_space<vmem>>, vector<1x16xf32>,
        %get3A_876 = vector.shape_cast %get3A_875 : vector<1x16xf32> to vector<16xf32>
        %add3A_877 = arith.addf %while3A_753, %get3A_876 : vector<16xf32>
        %get3A_878 = arith.index_cast %while3A_730 : i32 to index
        %get3A_879 = arith.constant 368 : index
        %get3A_880 = tpu.vector_load %arg8[%get3A_878, %get3A_879] {strides = array<i32>} : memref<64x512xf32, #tpu.memory_space<vmem>>, vector<1x16xf32>,
        %get3A_881 = vector.shape_cast %get3A_880 : vector<1x16xf32> to vector<16xf32>
        %add3A_882 = arith.addf %while3A_754, %get3A_881 : vector<16xf32>
        %get3A_883 = arith.index_cast %while3A_730 : i32 to index
        %get3A_884 = arith.constant 384 : index
        %get3A_885 = tpu.vector_load %arg8[%get3A_883, %get3A_884] {strides = array<i32>} : memref<64x512xf32, #tpu.memory_space<vmem>>, vector<1x16xf32>,
        %get3A_886 = vector.shape_cast %get3A_885 : vector<1x16xf32> to vector<16xf32>
        %add3A_887 = arith.addf %while3A_755, %get3A_886 : vector<16xf32>
        %get3A_888 = arith.index_cast %while3A_730 : i32 to index
        %get3A_889 = arith.constant 400 : index
        %get3A_890 = tpu.vector_load %arg8[%get3A_888, %get3A_889] {strides = array<i32>} : memref<64x512xf32, #tpu.memory_space<vmem>>, vector<1x16xf32>,
        %get3A_891 = vector.shape_cast %get3A_890 : vector<1x16xf32> to vector<16xf32>
        %add3A_892 = arith.addf %while3A_756, %get3A_891 : vector<16xf32>
        %get3A_893 = arith.index_cast %while3A_730 : i32 to index
        %get3A_894 = arith.constant 416 : index
        %get3A_895 = tpu.vector_load %arg8[%get3A_893, %get3A_894] {strides = array<i32>} : memref<64x512xf32, #tpu.memory_space<vmem>>, vector<1x16xf32>,
        %get3A_896 = vector.shape_cast %get3A_895 : vector<1x16xf32> to vector<16xf32>
        %add3A_897 = arith.addf %while3A_757, %get3A_896 : vector<16xf32>
        %get3A_898 = arith.index_cast %while3A_730 : i32 to index
        %get3A_899 = arith.constant 432 : index
        %get3A_900 = tpu.vector_load %arg8[%get3A_898, %get3A_899] {strides = array<i32>} : memref<64x512xf32, #tpu.memory_space<vmem>>, vector<1x16xf32>,
        %get3A_901 = vector.shape_cast %get3A_900 : vector<1x16xf32> to vector<16xf32>
        %add3A_902 = arith.addf %while3A_758, %get3A_901 : vector<16xf32>
        %get3A_903 = arith.index_cast %while3A_730 : i32 to index
        %get3A_904 = arith.constant 448 : index
        %get3A_905 = tpu.vector_load %arg8[%get3A_903, %get3A_904] {strides = array<i32>} : memref<64x512xf32, #tpu.memory_space<vmem>>, vector<1x16xf32>,
        %get3A_906 = vector.shape_cast %get3A_905 : vector<1x16xf32> to vector<16xf32>
        %add3A_907 = arith.addf %while3A_759, %get3A_906 : vector<16xf32>
        %get3A_908 = arith.index_cast %while3A_730 : i32 to index
        %get3A_909 = arith.constant 464 : index
        %get3A_910 = tpu.vector_load %arg8[%get3A_908, %get3A_909] {strides = array<i32>} : memref<64x512xf32, #tpu.memory_space<vmem>>, vector<1x16xf32>,
        %get3A_911 = vector.shape_cast %get3A_910 : vector<1x16xf32> to vector<16xf32>
        %add3A_912 = arith.addf %while3A_760, %get3A_911 : vector<16xf32>
        %get3A_913 = arith.index_cast %while3A_730 : i32 to index
        %get3A_914 = arith.constant 480 : index
        %get3A_915 = tpu.vector_load %arg8[%get3A_913, %get3A_914] {strides = array<i32>} : memref<64x512xf32, #tpu.memory_space<vmem>>, vector<1x16xf32>,
        %get3A_916 = vector.shape_cast %get3A_915 : vector<1x16xf32> to vector<16xf32>
        %add3A_917 = arith.addf %while3A_761, %get3A_916 : vector<16xf32>
        %get3A_918 = arith.index_cast %while3A_730 : i32 to index
        %get3A_919 = arith.constant 496 : index
        %get3A_920 = tpu.vector_load %arg8[%get3A_918, %get3A_919] {strides = array<i32>} : memref<64x512xf32, #tpu.memory_space<vmem>>, vector<1x16xf32>,
        %get3A_921 = vector.shape_cast %get3A_920 : vector<1x16xf32> to vector<16xf32>
        %add3A_922 = arith.addf %while3A_762, %get3A_921 : vector<16xf32>
        scf.yield %add3A_767, %add3A_772, %add3A_777, %add3A_782, %add3A_787, %add3A_792, %add3A_797, %add3A_802, %add3A_807, %add3A_812, %add3A_817, %add3A_822, %add3A_827, %add3A_832, %add3A_837, %add3A_842, %add3A_847, %add3A_852, %add3A_857, %add3A_862, %add3A_867, %add3A_872, %add3A_877, %add3A_882, %add3A_887, %add3A_892, %add3A_897, %add3A_902, %add3A_907, %add3A_912, %add3A_917, %add3A_922 : vector<16xf32>, vector<16xf32>, vector<16xf32>, vector<16xf32>, vector<16xf32>, vector<16xf32>, vector<16xf32>, vector<16xf32>, vector<16xf32>, vector<16xf32>, vector<16xf32>, vector<16xf32>, vector<16xf32>, vector<16xf32>, vector<16xf32>, vector<16xf32>, vector<16xf32>, vector<16xf32>, vector<16xf32>, vector<16xf32>, vector<16xf32>, vector<16xf32>, vector<16xf32>, vector<16xf32>, vector<16xf32>, vector<16xf32>, vector<16xf32>, vector<16xf32>, vector<16xf32>, vector<16xf32>, vector<16xf32>, vector<16xf32>
      }
      %while3A_580 = arith.constant 1 : i32
      %while3A_581:32 = scf.for %while3A_730 = %while3A_577 to %while3A_573 step %while3A_580 iter_args(%while3A_731 = %while3A_579#0, %while3A_732 = %while3A_579#1, %while3A_733 = %while3A_579#2, %while3A_734 = %while3A_579#3, %while3A_735 = %while3A_579#4, %while3A_736 = %while3A_579#5, %while3A_737 = %while3A_579#6, %while3A_738 = %while3A_579#7, %while3A_739 = %while3A_579#8, %while3A_740 = %while3A_579#9, %while3A_741 = %while3A_579#10, %while3A_742 = %while3A_579#11, %while3A_743 = %while3A_579#12, %while3A_744 = %while3A_579#13, %while3A_745 = %while3A_579#14, %while3A_746 = %while3A_579#15, %while3A_747 = %while3A_579#16, %while3A_748 = %while3A_579#17, %while3A_749 = %while3A_579#18, %while3A_750 = %while3A_579#19, %while3A_751 = %while3A_579#20, %while3A_752 = %while3A_579#21, %while3A_753 = %while3A_579#22, %while3A_754 = %while3A_579#23, %while3A_755 = %while3A_579#24, %while3A_756 = %while3A_579#25, %while3A_757 = %while3A_579#26, %while3A_758 = %while3A_579#27, %while3A_759 = %while3A_579#28, %while3A_760 = %while3A_579#29, %while3A_761 = %while3A_579#30, %while3A_762 = %while3A_579#31) -> (vector<16xf32>, vector<16xf32>, vector<16xf32>, vector<16xf32>, vector<16xf32>, vector<16xf32>, vector<16xf32>, vector<16xf32>, vector<16xf32>, vector<16xf32>, vector<16xf32>, vector<16xf32>, vector<16xf32>, vector<16xf32>, vector<16xf32>, vector<16xf32>, vector<16xf32>, vector<16xf32>, vector<16xf32>, vector<16xf32>, vector<16xf32>, vector<16xf32>, vector<16xf32>, vector<16xf32>, vector<16xf32>, vector<16xf32>, vector<16xf32>, vector<16xf32>, vector<16xf32>, vector<16xf32>, vector<16xf32>, vector<16xf32>)  : i32 {
        %get3A_763 = arith.index_cast %while3A_730 : i32 to index
        %get3A_764 = arith.constant 0 : index
        %get3A_765 = tpu.vector_load %arg8[%get3A_763, %get3A_764] {strides = array<i32>} : memref<64x512xf32, #tpu.memory_space<vmem>>, vector<1x16xf32>,
        %get3A_766 = vector.shape_cast %get3A_765 : vector<1x16xf32> to vector<16xf32>
        %add3A_767 = arith.addf %while3A_731, %get3A_766 : vector<16xf32>
        %get3A_768 = arith.index_cast %while3A_730 : i32 to index
        %get3A_769 = arith.constant 16 : index
        %get3A_770 = tpu.vector_load %arg8[%get3A_768, %get3A_769] {strides = array<i32>} : memref<64x512xf32, #tpu.memory_space<vmem>>, vector<1x16xf32>,
        %get3A_771 = vector.shape_cast %get3A_770 : vector<1x16xf32> to vector<16xf32>
        %add3A_772 = arith.addf %while3A_732, %get3A_771 : vector<16xf32>
        %get3A_773 = arith.index_cast %while3A_730 : i32 to index
        %get3A_774 = arith.constant 32 : index
        %get3A_775 = tpu.vector_load %arg8[%get3A_773, %get3A_774] {strides = array<i32>} : memref<64x512xf32, #tpu.memory_space<vmem>>, vector<1x16xf32>,
        %get3A_776 = vector.shape_cast %get3A_775 : vector<1x16xf32> to vector<16xf32>
        %add3A_777 = arith.addf %while3A_733, %get3A_776 : vector<16xf32>
        %get3A_778 = arith.index_cast %while3A_730 : i32 to index
        %get3A_779 = arith.constant 48 : index
        %get3A_780 = tpu.vector_load %arg8[%get3A_778, %get3A_779] {strides = array<i32>} : memref<64x512xf32, #tpu.memory_space<vmem>>, vector<1x16xf32>,
        %get3A_781 = vector.shape_cast %get3A_780 : vector<1x16xf32> to vector<16xf32>
        %add3A_782 = arith.addf %while3A_734, %get3A_781 : vector<16xf32>
        %get3A_783 = arith.index_cast %while3A_730 : i32 to index
        %get3A_784 = arith.constant 64 : index
        %get3A_785 = tpu.vector_load %arg8[%get3A_783, %get3A_784] {strides = array<i32>} : memref<64x512xf32, #tpu.memory_space<vmem>>, vector<1x16xf32>,
        %get3A_786 = vector.shape_cast %get3A_785 : vector<1x16xf32> to vector<16xf32>
        %add3A_787 = arith.addf %while3A_735, %get3A_786 : vector<16xf32>
        %get3A_788 = arith.index_cast %while3A_730 : i32 to index
        %get3A_789 = arith.constant 80 : index
        %get3A_790 = tpu.vector_load %arg8[%get3A_788, %get3A_789] {strides = array<i32>} : memref<64x512xf32, #tpu.memory_space<vmem>>, vector<1x16xf32>,
        %get3A_791 = vector.shape_cast %get3A_790 : vector<1x16xf32> to vector<16xf32>
        %add3A_792 = arith.addf %while3A_736, %get3A_791 : vector<16xf32>
        %get3A_793 = arith.index_cast %while3A_730 : i32 to index
        %get3A_794 = arith.constant 96 : index
        %get3A_795 = tpu.vector_load %arg8[%get3A_793, %get3A_794] {strides = array<i32>} : memref<64x512xf32, #tpu.memory_space<vmem>>, vector<1x16xf32>,
        %get3A_796 = vector.shape_cast %get3A_795 : vector<1x16xf32> to vector<16xf32>
        %add3A_797 = arith.addf %while3A_737, %get3A_796 : vector<16xf32>
        %get3A_798 = arith.index_cast %while3A_730 : i32 to index
        %get3A_799 = arith.constant 112 : index
        %get3A_800 = tpu.vector_load %arg8[%get3A_798, %get3A_799] {strides = array<i32>} : memref<64x512xf32, #tpu.memory_space<vmem>>, vector<1x16xf32>,
        %get3A_801 = vector.shape_cast %get3A_800 : vector<1x16xf32> to vector<16xf32>
        %add3A_802 = arith.addf %while3A_738, %get3A_801 : vector<16xf32>
        %get3A_803 = arith.index_cast %while3A_730 : i32 to index
        %get3A_804 = arith.constant 128 : index
        %get3A_805 = tpu.vector_load %arg8[%get3A_803, %get3A_804] {strides = array<i32>} : memref<64x512xf32, #tpu.memory_space<vmem>>, vector<1x16xf32>,
        %get3A_806 = vector.shape_cast %get3A_805 : vector<1x16xf32> to vector<16xf32>
        %add3A_807 = arith.addf %while3A_739, %get3A_806 : vector<16xf32>
        %get3A_808 = arith.index_cast %while3A_730 : i32 to index
        %get3A_809 = arith.constant 144 : index
        %get3A_810 = tpu.vector_load %arg8[%get3A_808, %get3A_809] {strides = array<i32>} : memref<64x512xf32, #tpu.memory_space<vmem>>, vector<1x16xf32>,
        %get3A_811 = vector.shape_cast %get3A_810 : vector<1x16xf32> to vector<16xf32>
        %add3A_812 = arith.addf %while3A_740, %get3A_811 : vector<16xf32>
        %get3A_813 = arith.index_cast %while3A_730 : i32 to index
        %get3A_814 = arith.constant 160 : index
        %get3A_815 = tpu.vector_load %arg8[%get3A_813, %get3A_814] {strides = array<i32>} : memref<64x512xf32, #tpu.memory_space<vmem>>, vector<1x16xf32>,
        %get3A_816 = vector.shape_cast %get3A_815 : vector<1x16xf32> to vector<16xf32>
        %add3A_817 = arith.addf %while3A_741, %get3A_816 : vector<16xf32>
        %get3A_818 = arith.index_cast %while3A_730 : i32 to index
        %get3A_819 = arith.constant 176 : index
        %get3A_820 = tpu.vector_load %arg8[%get3A_818, %get3A_819] {strides = array<i32>} : memref<64x512xf32, #tpu.memory_space<vmem>>, vector<1x16xf32>,
        %get3A_821 = vector.shape_cast %get3A_820 : vector<1x16xf32> to vector<16xf32>
        %add3A_822 = arith.addf %while3A_742, %get3A_821 : vector<16xf32>
        %get3A_823 = arith.index_cast %while3A_730 : i32 to index
        %get3A_824 = arith.constant 192 : index
        %get3A_825 = tpu.vector_load %arg8[%get3A_823, %get3A_824] {strides = array<i32>} : memref<64x512xf32, #tpu.memory_space<vmem>>, vector<1x16xf32>,
        %get3A_826 = vector.shape_cast %get3A_825 : vector<1x16xf32> to vector<16xf32>
        %add3A_827 = arith.addf %while3A_743, %get3A_826 : vector<16xf32>
        %get3A_828 = arith.index_cast %while3A_730 : i32 to index
        %get3A_829 = arith.constant 208 : index
        %get3A_830 = tpu.vector_load %arg8[%get3A_828, %get3A_829] {strides = array<i32>} : memref<64x512xf32, #tpu.memory_space<vmem>>, vector<1x16xf32>,
        %get3A_831 = vector.shape_cast %get3A_830 : vector<1x16xf32> to vector<16xf32>
        %add3A_832 = arith.addf %while3A_744, %get3A_831 : vector<16xf32>
        %get3A_833 = arith.index_cast %while3A_730 : i32 to index
        %get3A_834 = arith.constant 224 : index
        %get3A_835 = tpu.vector_load %arg8[%get3A_833, %get3A_834] {strides = array<i32>} : memref<64x512xf32, #tpu.memory_space<vmem>>, vector<1x16xf32>,
        %get3A_836 = vector.shape_cast %get3A_835 : vector<1x16xf32> to vector<16xf32>
        %add3A_837 = arith.addf %while3A_745, %get3A_836 : vector<16xf32>
        %get3A_838 = arith.index_cast %while3A_730 : i32 to index
        %get3A_839 = arith.constant 240 : index
        %get3A_840 = tpu.vector_load %arg8[%get3A_838, %get3A_839] {strides = array<i32>} : memref<64x512xf32, #tpu.memory_space<vmem>>, vector<1x16xf32>,
        %get3A_841 = vector.shape_cast %get3A_840 : vector<1x16xf32> to vector<16xf32>
        %add3A_842 = arith.addf %while3A_746, %get3A_841 : vector<16xf32>
        %get3A_843 = arith.index_cast %while3A_730 : i32 to index
        %get3A_844 = arith.constant 256 : index
        %get3A_845 = tpu.vector_load %arg8[%get3A_843, %get3A_844] {strides = array<i32>} : memref<64x512xf32, #tpu.memory_space<vmem>>, vector<1x16xf32>,
        %get3A_846 = vector.shape_cast %get3A_845 : vector<1x16xf32> to vector<16xf32>
        %add3A_847 = arith.addf %while3A_747, %get3A_846 : vector<16xf32>
        %get3A_848 = arith.index_cast %while3A_730 : i32 to index
        %get3A_849 = arith.constant 272 : index
        %get3A_850 = tpu.vector_load %arg8[%get3A_848, %get3A_849] {strides = array<i32>} : memref<64x512xf32, #tpu.memory_space<vmem>>, vector<1x16xf32>,
        %get3A_851 = vector.shape_cast %get3A_850 : vector<1x16xf32> to vector<16xf32>
        %add3A_852 = arith.addf %while3A_748, %get3A_851 : vector<16xf32>
        %get3A_853 = arith.index_cast %while3A_730 : i32 to index
        %get3A_854 = arith.constant 288 : index
        %get3A_855 = tpu.vector_load %arg8[%get3A_853, %get3A_854] {strides = array<i32>} : memref<64x512xf32, #tpu.memory_space<vmem>>, vector<1x16xf32>,
        %get3A_856 = vector.shape_cast %get3A_855 : vector<1x16xf32> to vector<16xf32>
        %add3A_857 = arith.addf %while3A_749, %get3A_856 : vector<16xf32>
        %get3A_858 = arith.index_cast %while3A_730 : i32 to index
        %get3A_859 = arith.constant 304 : index
        %get3A_860 = tpu.vector_load %arg8[%get3A_858, %get3A_859] {strides = array<i32>} : memref<64x512xf32, #tpu.memory_space<vmem>>, vector<1x16xf32>,
        %get3A_861 = vector.shape_cast %get3A_860 : vector<1x16xf32> to vector<16xf32>
        %add3A_862 = arith.addf %while3A_750, %get3A_861 : vector<16xf32>
        %get3A_863 = arith.index_cast %while3A_730 : i32 to index
        %get3A_864 = arith.constant 320 : index
        %get3A_865 = tpu.vector_load %arg8[%get3A_863, %get3A_864] {strides = array<i32>} : memref<64x512xf32, #tpu.memory_space<vmem>>, vector<1x16xf32>,
        %get3A_866 = vector.shape_cast %get3A_865 : vector<1x16xf32> to vector<16xf32>
        %add3A_867 = arith.addf %while3A_751, %get3A_866 : vector<16xf32>
        %get3A_868 = arith.index_cast %while3A_730 : i32 to index
        %get3A_869 = arith.constant 336 : index
        %get3A_870 = tpu.vector_load %arg8[%get3A_868, %get3A_869] {strides = array<i32>} : memref<64x512xf32, #tpu.memory_space<vmem>>, vector<1x16xf32>,
        %get3A_871 = vector.shape_cast %get3A_870 : vector<1x16xf32> to vector<16xf32>
        %add3A_872 = arith.addf %while3A_752, %get3A_871 : vector<16xf32>
        %get3A_873 = arith.index_cast %while3A_730 : i32 to index
        %get3A_874 = arith.constant 352 : index
        %get3A_875 = tpu.vector_load %arg8[%get3A_873, %get3A_874] {strides = array<i32>} : memref<64x512xf32, #tpu.memory_space<vmem>>, vector<1x16xf32>,
        %get3A_876 = vector.shape_cast %get3A_875 : vector<1x16xf32> to vector<16xf32>
        %add3A_877 = arith.addf %while3A_753, %get3A_876 : vector<16xf32>
        %get3A_878 = arith.index_cast %while3A_730 : i32 to index
        %get3A_879 = arith.constant 368 : index
        %get3A_880 = tpu.vector_load %arg8[%get3A_878, %get3A_879] {strides = array<i32>} : memref<64x512xf32, #tpu.memory_space<vmem>>, vector<1x16xf32>,
        %get3A_881 = vector.shape_cast %get3A_880 : vector<1x16xf32> to vector<16xf32>
        %add3A_882 = arith.addf %while3A_754, %get3A_881 : vector<16xf32>
        %get3A_883 = arith.index_cast %while3A_730 : i32 to index
        %get3A_884 = arith.constant 384 : index
        %get3A_885 = tpu.vector_load %arg8[%get3A_883, %get3A_884] {strides = array<i32>} : memref<64x512xf32, #tpu.memory_space<vmem>>, vector<1x16xf32>,
        %get3A_886 = vector.shape_cast %get3A_885 : vector<1x16xf32> to vector<16xf32>
        %add3A_887 = arith.addf %while3A_755, %get3A_886 : vector<16xf32>
        %get3A_888 = arith.index_cast %while3A_730 : i32 to index
        %get3A_889 = arith.constant 400 : index
        %get3A_890 = tpu.vector_load %arg8[%get3A_888, %get3A_889] {strides = array<i32>} : memref<64x512xf32, #tpu.memory_space<vmem>>, vector<1x16xf32>,
        %get3A_891 = vector.shape_cast %get3A_890 : vector<1x16xf32> to vector<16xf32>
        %add3A_892 = arith.addf %while3A_756, %get3A_891 : vector<16xf32>
        %get3A_893 = arith.index_cast %while3A_730 : i32 to index
        %get3A_894 = arith.constant 416 : index
        %get3A_895 = tpu.vector_load %arg8[%get3A_893, %get3A_894] {strides = array<i32>} : memref<64x512xf32, #tpu.memory_space<vmem>>, vector<1x16xf32>,
        %get3A_896 = vector.shape_cast %get3A_895 : vector<1x16xf32> to vector<16xf32>
        %add3A_897 = arith.addf %while3A_757, %get3A_896 : vector<16xf32>
        %get3A_898 = arith.index_cast %while3A_730 : i32 to index
        %get3A_899 = arith.constant 432 : index
        %get3A_900 = tpu.vector_load %arg8[%get3A_898, %get3A_899] {strides = array<i32>} : memref<64x512xf32, #tpu.memory_space<vmem>>, vector<1x16xf32>,
        %get3A_901 = vector.shape_cast %get3A_900 : vector<1x16xf32> to vector<16xf32>
        %add3A_902 = arith.addf %while3A_758, %get3A_901 : vector<16xf32>
        %get3A_903 = arith.index_cast %while3A_730 : i32 to index
        %get3A_904 = arith.constant 448 : index
        %get3A_905 = tpu.vector_load %arg8[%get3A_903, %get3A_904] {strides = array<i32>} : memref<64x512xf32, #tpu.memory_space<vmem>>, vector<1x16xf32>,
        %get3A_906 = vector.shape_cast %get3A_905 : vector<1x16xf32> to vector<16xf32>
        %add3A_907 = arith.addf %while3A_759, %get3A_906 : vector<16xf32>
        %get3A_908 = arith.index_cast %while3A_730 : i32 to index
        %get3A_909 = arith.constant 464 : index
        %get3A_910 = tpu.vector_load %arg8[%get3A_908, %get3A_909] {strides = array<i32>} : memref<64x512xf32, #tpu.memory_space<vmem>>, vector<1x16xf32>,
        %get3A_911 = vector.shape_cast %get3A_910 : vector<1x16xf32> to vector<16xf32>
        %add3A_912 = arith.addf %while3A_760, %get3A_911 : vector<16xf32>
        %get3A_913 = arith.index_cast %while3A_730 : i32 to index
        %get3A_914 = arith.constant 480 : index
        %get3A_915 = tpu.vector_load %arg8[%get3A_913, %get3A_914] {strides = array<i32>} : memref<64x512xf32, #tpu.memory_space<vmem>>, vector<1x16xf32>,
        %get3A_916 = vector.shape_cast %get3A_915 : vector<1x16xf32> to vector<16xf32>
        %add3A_917 = arith.addf %while3A_761, %get3A_916 : vector<16xf32>
        %get3A_918 = arith.index_cast %while3A_730 : i32 to index
        %get3A_919 = arith.constant 496 : index
        %get3A_920 = tpu.vector_load %arg8[%get3A_918, %get3A_919] {strides = array<i32>} : memref<64x512xf32, #tpu.memory_space<vmem>>, vector<1x16xf32>,
        %get3A_921 = vector.shape_cast %get3A_920 : vector<1x16xf32> to vector<16xf32>
        %add3A_922 = arith.addf %while3A_762, %get3A_921 : vector<16xf32>
        scf.yield %add3A_767, %add3A_772, %add3A_777, %add3A_782, %add3A_787, %add3A_792, %add3A_797, %add3A_802, %add3A_807, %add3A_812, %add3A_817, %add3A_822, %add3A_827, %add3A_832, %add3A_837, %add3A_842, %add3A_847, %add3A_852, %add3A_857, %add3A_862, %add3A_867, %add3A_872, %add3A_877, %add3A_882, %add3A_887, %add3A_892, %add3A_897, %add3A_902, %add3A_907, %add3A_912, %add3A_917, %add3A_922 : vector<16xf32>, vector<16xf32>, vector<16xf32>, vector<16xf32>, vector<16xf32>, vector<16xf32>, vector<16xf32>, vector<16xf32>, vector<16xf32>, vector<16xf32>, vector<16xf32>, vector<16xf32>, vector<16xf32>, vector<16xf32>, vector<16xf32>, vector<16xf32>, vector<16xf32>, vector<16xf32>, vector<16xf32>, vector<16xf32>, vector<16xf32>, vector<16xf32>, vector<16xf32>, vector<16xf32>, vector<16xf32>, vector<16xf32>, vector<16xf32>, vector<16xf32>, vector<16xf32>, vector<16xf32>, vector<16xf32>, vector<16xf32>
      }
      %sub3A_582 = arith.constant 1 : i32
      %sub3A_583 = arith.subi %squeeze3A_46, %sub3A_582 : i32
      %eq3A_584 = arith.cmpi eq, %mul3A_482, %sub3A_583 : i32
      %convert_element_type3A = arith.extui %eq3A_584 : i1 to i32
      %cond3A = arith.constant 0 : i32
      %cond3A_585 = arith.cmpi ne, %convert_element_type3A, %cond3A : i32
      scf.if %cond3A_585 {
        %mul3A_730 = vector.broadcast %squeeze3A_56 : f32 to vector<16xf32>
        %mul3A_731 = arith.mulf %while3A_581#0, %mul3A_730 : vector<16xf32>
        %swap3A_732 = arith.constant 0 : index
        %swap3A_733 = tpu.vector_load %arg10[%swap3A_732] {strides = array<i32>} : memref<512xf32, #tpu.memory_space<vmem>>, vector<16xf32>,
        %swap3A_734 = vector.shape_cast %swap3A_733 : vector<16xf32> to vector<16xf32>
        %swap3A_735 = vector.shape_cast %mul3A_731 : vector<16xf32> to vector<16xf32>
        tpu.vector_store %arg10[%swap3A_732], %swap3A_735 {strides = array<i32>} : memref<512xf32, #tpu.memory_space<vmem>>, vector<16xf32>,
        %mul3A_736 = vector.broadcast %squeeze3A_56 : f32 to vector<16xf32>
        %mul3A_737 = arith.mulf %while3A_581#1, %mul3A_736 : vector<16xf32>
        %swap3A_738 = arith.constant 16 : index
        %swap3A_739 = tpu.vector_load %arg10[%swap3A_738] {strides = array<i32>} : memref<512xf32, #tpu.memory_space<vmem>>, vector<16xf32>,
        %swap3A_740 = vector.shape_cast %swap3A_739 : vector<16xf32> to vector<16xf32>
        %swap3A_741 = vector.shape_cast %mul3A_737 : vector<16xf32> to vector<16xf32>
        tpu.vector_store %arg10[%swap3A_738], %swap3A_741 {strides = array<i32>} : memref<512xf32, #tpu.memory_space<vmem>>, vector<16xf32>,
        %mul3A_742 = vector.broadcast %squeeze3A_56 : f32 to vector<16xf32>
        %mul3A_743 = arith.mulf %while3A_581#2, %mul3A_742 : vector<16xf32>
        %swap3A_744 = arith.constant 32 : index
        %swap3A_745 = tpu.vector_load %arg10[%swap3A_744] {strides = array<i32>} : memref<512xf32, #tpu.memory_space<vmem>>, vector<16xf32>,
        %swap3A_746 = vector.shape_cast %swap3A_745 : vector<16xf32> to vector<16xf32>
        %swap3A_747 = vector.shape_cast %mul3A_743 : vector<16xf32> to vector<16xf32>
        tpu.vector_store %arg10[%swap3A_744], %swap3A_747 {strides = array<i32>} : memref<512xf32, #tpu.memory_space<vmem>>, vector<16xf32>,
        %mul3A_748 = vector.broadcast %squeeze3A_56 : f32 to vector<16xf32>
        %mul3A_749 = arith.mulf %while3A_581#3, %mul3A_748 : vector<16xf32>
        %swap3A_750 = arith.constant 48 : index
        %swap3A_751 = tpu.vector_load %arg10[%swap3A_750] {strides = array<i32>} : memref<512xf32, #tpu.memory_space<vmem>>, vector<16xf32>,
        %swap3A_752 = vector.shape_cast %swap3A_751 : vector<16xf32> to vector<16xf32>
        %swap3A_753 = vector.shape_cast %mul3A_749 : vector<16xf32> to vector<16xf32>
        tpu.vector_store %arg10[%swap3A_750], %swap3A_753 {strides = array<i32>} : memref<512xf32, #tpu.memory_space<vmem>>, vector<16xf32>,
        %mul3A_754 = vector.broadcast %squeeze3A_56 : f32 to vector<16xf32>
        %mul3A_755 = arith.mulf %while3A_581#4, %mul3A_754 : vector<16xf32>
        %swap3A_756 = arith.constant 64 : index
        %swap3A_757 = tpu.vector_load %arg10[%swap3A_756] {strides = array<i32>} : memref<512xf32, #tpu.memory_space<vmem>>, vector<16xf32>,
        %swap3A_758 = vector.shape_cast %swap3A_757 : vector<16xf32> to vector<16xf32>
        %swap3A_759 = vector.shape_cast %mul3A_755 : vector<16xf32> to vector<16xf32>
        tpu.vector_store %arg10[%swap3A_756], %swap3A_759 {strides = array<i32>} : memref<512xf32, #tpu.memory_space<vmem>>, vector<16xf32>,
        %mul3A_760 = vector.broadcast %squeeze3A_56 : f32 to vector<16xf32>
        %mul3A_761 = arith.mulf %while3A_581#5, %mul3A_760 : vector<16xf32>
        %swap3A_762 = arith.constant 80 : index
        %swap3A_763 = tpu.vector_load %arg10[%swap3A_762] {strides = array<i32>} : memref<512xf32, #tpu.memory_space<vmem>>, vector<16xf32>,
        %swap3A_764 = vector.shape_cast %swap3A_763 : vector<16xf32> to vector<16xf32>
        %swap3A_765 = vector.shape_cast %mul3A_761 : vector<16xf32> to vector<16xf32>
        tpu.vector_store %arg10[%swap3A_762], %swap3A_765 {strides = array<i32>} : memref<512xf32, #tpu.memory_space<vmem>>, vector<16xf32>,
        %mul3A_766 = vector.broadcast %squeeze3A_56 : f32 to vector<16xf32>
        %mul3A_767 = arith.mulf %while3A_581#6, %mul3A_766 : vector<16xf32>
        %swap3A_768 = arith.constant 96 : index
        %swap3A_769 = tpu.vector_load %arg10[%swap3A_768] {strides = array<i32>} : memref<512xf32, #tpu.memory_space<vmem>>, vector<16xf32>,
        %swap3A_770 = vector.shape_cast %swap3A_769 : vector<16xf32> to vector<16xf32>
        %swap3A_771 = vector.shape_cast %mul3A_767 : vector<16xf32> to vector<16xf32>
        tpu.vector_store %arg10[%swap3A_768], %swap3A_771 {strides = array<i32>} : memref<512xf32, #tpu.memory_space<vmem>>, vector<16xf32>,
        %mul3A_772 = vector.broadcast %squeeze3A_56 : f32 to vector<16xf32>
        %mul3A_773 = arith.mulf %while3A_581#7, %mul3A_772 : vector<16xf32>
        %swap3A_774 = arith.constant 112 : index
        %swap3A_775 = tpu.vector_load %arg10[%swap3A_774] {strides = array<i32>} : memref<512xf32, #tpu.memory_space<vmem>>, vector<16xf32>,
        %swap3A_776 = vector.shape_cast %swap3A_775 : vector<16xf32> to vector<16xf32>
        %swap3A_777 = vector.shape_cast %mul3A_773 : vector<16xf32> to vector<16xf32>
        tpu.vector_store %arg10[%swap3A_774], %swap3A_777 {strides = array<i32>} : memref<512xf32, #tpu.memory_space<vmem>>, vector<16xf32>,
        %mul3A_778 = vector.broadcast %squeeze3A_56 : f32 to vector<16xf32>
        %mul3A_779 = arith.mulf %while3A_581#8, %mul3A_778 : vector<16xf32>
        %swap3A_780 = arith.constant 128 : index
        %swap3A_781 = tpu.vector_load %arg10[%swap3A_780] {strides = array<i32>} : memref<512xf32, #tpu.memory_space<vmem>>, vector<16xf32>,
        %swap3A_782 = vector.shape_cast %swap3A_781 : vector<16xf32> to vector<16xf32>
        %swap3A_783 = vector.shape_cast %mul3A_779 : vector<16xf32> to vector<16xf32>
        tpu.vector_store %arg10[%swap3A_780], %swap3A_783 {strides = array<i32>} : memref<512xf32, #tpu.memory_space<vmem>>, vector<16xf32>,
        %mul3A_784 = vector.broadcast %squeeze3A_56 : f32 to vector<16xf32>
        %mul3A_785 = arith.mulf %while3A_581#9, %mul3A_784 : vector<16xf32>
        %swap3A_786 = arith.constant 144 : index
        %swap3A_787 = tpu.vector_load %arg10[%swap3A_786] {strides = array<i32>} : memref<512xf32, #tpu.memory_space<vmem>>, vector<16xf32>,
        %swap3A_788 = vector.shape_cast %swap3A_787 : vector<16xf32> to vector<16xf32>
        %swap3A_789 = vector.shape_cast %mul3A_785 : vector<16xf32> to vector<16xf32>
        tpu.vector_store %arg10[%swap3A_786], %swap3A_789 {strides = array<i32>} : memref<512xf32, #tpu.memory_space<vmem>>, vector<16xf32>,
        %mul3A_790 = vector.broadcast %squeeze3A_56 : f32 to vector<16xf32>
        %mul3A_791 = arith.mulf %while3A_581#10, %mul3A_790 : vector<16xf32>
        %swap3A_792 = arith.constant 160 : index
        %swap3A_793 = tpu.vector_load %arg10[%swap3A_792] {strides = array<i32>} : memref<512xf32, #tpu.memory_space<vmem>>, vector<16xf32>,
        %swap3A_794 = vector.shape_cast %swap3A_793 : vector<16xf32> to vector<16xf32>
        %swap3A_795 = vector.shape_cast %mul3A_791 : vector<16xf32> to vector<16xf32>
        tpu.vector_store %arg10[%swap3A_792], %swap3A_795 {strides = array<i32>} : memref<512xf32, #tpu.memory_space<vmem>>, vector<16xf32>,
        %mul3A_796 = vector.broadcast %squeeze3A_56 : f32 to vector<16xf32>
        %mul3A_797 = arith.mulf %while3A_581#11, %mul3A_796 : vector<16xf32>
        %swap3A_798 = arith.constant 176 : index
        %swap3A_799 = tpu.vector_load %arg10[%swap3A_798] {strides = array<i32>} : memref<512xf32, #tpu.memory_space<vmem>>, vector<16xf32>,
        %swap3A_800 = vector.shape_cast %swap3A_799 : vector<16xf32> to vector<16xf32>
        %swap3A_801 = vector.shape_cast %mul3A_797 : vector<16xf32> to vector<16xf32>
        tpu.vector_store %arg10[%swap3A_798], %swap3A_801 {strides = array<i32>} : memref<512xf32, #tpu.memory_space<vmem>>, vector<16xf32>,
        %mul3A_802 = vector.broadcast %squeeze3A_56 : f32 to vector<16xf32>
        %mul3A_803 = arith.mulf %while3A_581#12, %mul3A_802 : vector<16xf32>
        %swap3A_804 = arith.constant 192 : index
        %swap3A_805 = tpu.vector_load %arg10[%swap3A_804] {strides = array<i32>} : memref<512xf32, #tpu.memory_space<vmem>>, vector<16xf32>,
        %swap3A_806 = vector.shape_cast %swap3A_805 : vector<16xf32> to vector<16xf32>
        %swap3A_807 = vector.shape_cast %mul3A_803 : vector<16xf32> to vector<16xf32>
        tpu.vector_store %arg10[%swap3A_804], %swap3A_807 {strides = array<i32>} : memref<512xf32, #tpu.memory_space<vmem>>, vector<16xf32>,
        %mul3A_808 = vector.broadcast %squeeze3A_56 : f32 to vector<16xf32>
        %mul3A_809 = arith.mulf %while3A_581#13, %mul3A_808 : vector<16xf32>
        %swap3A_810 = arith.constant 208 : index
        %swap3A_811 = tpu.vector_load %arg10[%swap3A_810] {strides = array<i32>} : memref<512xf32, #tpu.memory_space<vmem>>, vector<16xf32>,
        %swap3A_812 = vector.shape_cast %swap3A_811 : vector<16xf32> to vector<16xf32>
        %swap3A_813 = vector.shape_cast %mul3A_809 : vector<16xf32> to vector<16xf32>
        tpu.vector_store %arg10[%swap3A_810], %swap3A_813 {strides = array<i32>} : memref<512xf32, #tpu.memory_space<vmem>>, vector<16xf32>,
        %mul3A_814 = vector.broadcast %squeeze3A_56 : f32 to vector<16xf32>
        %mul3A_815 = arith.mulf %while3A_581#14, %mul3A_814 : vector<16xf32>
        %swap3A_816 = arith.constant 224 : index
        %swap3A_817 = tpu.vector_load %arg10[%swap3A_816] {strides = array<i32>} : memref<512xf32, #tpu.memory_space<vmem>>, vector<16xf32>,
        %swap3A_818 = vector.shape_cast %swap3A_817 : vector<16xf32> to vector<16xf32>
        %swap3A_819 = vector.shape_cast %mul3A_815 : vector<16xf32> to vector<16xf32>
        tpu.vector_store %arg10[%swap3A_816], %swap3A_819 {strides = array<i32>} : memref<512xf32, #tpu.memory_space<vmem>>, vector<16xf32>,
        %mul3A_820 = vector.broadcast %squeeze3A_56 : f32 to vector<16xf32>
        %mul3A_821 = arith.mulf %while3A_581#15, %mul3A_820 : vector<16xf32>
        %swap3A_822 = arith.constant 240 : index
        %swap3A_823 = tpu.vector_load %arg10[%swap3A_822] {strides = array<i32>} : memref<512xf32, #tpu.memory_space<vmem>>, vector<16xf32>,
        %swap3A_824 = vector.shape_cast %swap3A_823 : vector<16xf32> to vector<16xf32>
        %swap3A_825 = vector.shape_cast %mul3A_821 : vector<16xf32> to vector<16xf32>
        tpu.vector_store %arg10[%swap3A_822], %swap3A_825 {strides = array<i32>} : memref<512xf32, #tpu.memory_space<vmem>>, vector<16xf32>,
        %mul3A_826 = vector.broadcast %squeeze3A_56 : f32 to vector<16xf32>
        %mul3A_827 = arith.mulf %while3A_581#16, %mul3A_826 : vector<16xf32>
        %swap3A_828 = arith.constant 256 : index
        %swap3A_829 = tpu.vector_load %arg10[%swap3A_828] {strides = array<i32>} : memref<512xf32, #tpu.memory_space<vmem>>, vector<16xf32>,
        %swap3A_830 = vector.shape_cast %swap3A_829 : vector<16xf32> to vector<16xf32>
        %swap3A_831 = vector.shape_cast %mul3A_827 : vector<16xf32> to vector<16xf32>
        tpu.vector_store %arg10[%swap3A_828], %swap3A_831 {strides = array<i32>} : memref<512xf32, #tpu.memory_space<vmem>>, vector<16xf32>,
        %mul3A_832 = vector.broadcast %squeeze3A_56 : f32 to vector<16xf32>
        %mul3A_833 = arith.mulf %while3A_581#17, %mul3A_832 : vector<16xf32>
        %swap3A_834 = arith.constant 272 : index
        %swap3A_835 = tpu.vector_load %arg10[%swap3A_834] {strides = array<i32>} : memref<512xf32, #tpu.memory_space<vmem>>, vector<16xf32>,
        %swap3A_836 = vector.shape_cast %swap3A_835 : vector<16xf32> to vector<16xf32>
        %swap3A_837 = vector.shape_cast %mul3A_833 : vector<16xf32> to vector<16xf32>
        tpu.vector_store %arg10[%swap3A_834], %swap3A_837 {strides = array<i32>} : memref<512xf32, #tpu.memory_space<vmem>>, vector<16xf32>,
        %mul3A_838 = vector.broadcast %squeeze3A_56 : f32 to vector<16xf32>
        %mul3A_839 = arith.mulf %while3A_581#18, %mul3A_838 : vector<16xf32>
        %swap3A_840 = arith.constant 288 : index
        %swap3A_841 = tpu.vector_load %arg10[%swap3A_840] {strides = array<i32>} : memref<512xf32, #tpu.memory_space<vmem>>, vector<16xf32>,
        %swap3A_842 = vector.shape_cast %swap3A_841 : vector<16xf32> to vector<16xf32>
        %swap3A_843 = vector.shape_cast %mul3A_839 : vector<16xf32> to vector<16xf32>
        tpu.vector_store %arg10[%swap3A_840], %swap3A_843 {strides = array<i32>} : memref<512xf32, #tpu.memory_space<vmem>>, vector<16xf32>,
        %mul3A_844 = vector.broadcast %squeeze3A_56 : f32 to vector<16xf32>
        %mul3A_845 = arith.mulf %while3A_581#19, %mul3A_844 : vector<16xf32>
        %swap3A_846 = arith.constant 304 : index
        %swap3A_847 = tpu.vector_load %arg10[%swap3A_846] {strides = array<i32>} : memref<512xf32, #tpu.memory_space<vmem>>, vector<16xf32>,
        %swap3A_848 = vector.shape_cast %swap3A_847 : vector<16xf32> to vector<16xf32>
        %swap3A_849 = vector.shape_cast %mul3A_845 : vector<16xf32> to vector<16xf32>
        tpu.vector_store %arg10[%swap3A_846], %swap3A_849 {strides = array<i32>} : memref<512xf32, #tpu.memory_space<vmem>>, vector<16xf32>,
        %mul3A_850 = vector.broadcast %squeeze3A_56 : f32 to vector<16xf32>
        %mul3A_851 = arith.mulf %while3A_581#20, %mul3A_850 : vector<16xf32>
        %swap3A_852 = arith.constant 320 : index
        %swap3A_853 = tpu.vector_load %arg10[%swap3A_852] {strides = array<i32>} : memref<512xf32, #tpu.memory_space<vmem>>, vector<16xf32>,
        %swap3A_854 = vector.shape_cast %swap3A_853 : vector<16xf32> to vector<16xf32>
        %swap3A_855 = vector.shape_cast %mul3A_851 : vector<16xf32> to vector<16xf32>
        tpu.vector_store %arg10[%swap3A_852], %swap3A_855 {strides = array<i32>} : memref<512xf32, #tpu.memory_space<vmem>>, vector<16xf32>,
        %mul3A_856 = vector.broadcast %squeeze3A_56 : f32 to vector<16xf32>
        %mul3A_857 = arith.mulf %while3A_581#21, %mul3A_856 : vector<16xf32>
        %swap3A_858 = arith.constant 336 : index
        %swap3A_859 = tpu.vector_load %arg10[%swap3A_858] {strides = array<i32>} : memref<512xf32, #tpu.memory_space<vmem>>, vector<16xf32>,
        %swap3A_860 = vector.shape_cast %swap3A_859 : vector<16xf32> to vector<16xf32>
        %swap3A_861 = vector.shape_cast %mul3A_857 : vector<16xf32> to vector<16xf32>
        tpu.vector_store %arg10[%swap3A_858], %swap3A_861 {strides = array<i32>} : memref<512xf32, #tpu.memory_space<vmem>>, vector<16xf32>,
        %mul3A_862 = vector.broadcast %squeeze3A_56 : f32 to vector<16xf32>
        %mul3A_863 = arith.mulf %while3A_581#22, %mul3A_862 : vector<16xf32>
        %swap3A_864 = arith.constant 352 : index
        %swap3A_865 = tpu.vector_load %arg10[%swap3A_864] {strides = array<i32>} : memref<512xf32, #tpu.memory_space<vmem>>, vector<16xf32>,
        %swap3A_866 = vector.shape_cast %swap3A_865 : vector<16xf32> to vector<16xf32>
        %swap3A_867 = vector.shape_cast %mul3A_863 : vector<16xf32> to vector<16xf32>
        tpu.vector_store %arg10[%swap3A_864], %swap3A_867 {strides = array<i32>} : memref<512xf32, #tpu.memory_space<vmem>>, vector<16xf32>,
        %mul3A_868 = vector.broadcast %squeeze3A_56 : f32 to vector<16xf32>
        %mul3A_869 = arith.mulf %while3A_581#23, %mul3A_868 : vector<16xf32>
        %swap3A_870 = arith.constant 368 : index
        %swap3A_871 = tpu.vector_load %arg10[%swap3A_870] {strides = array<i32>} : memref<512xf32, #tpu.memory_space<vmem>>, vector<16xf32>,
        %swap3A_872 = vector.shape_cast %swap3A_871 : vector<16xf32> to vector<16xf32>
        %swap3A_873 = vector.shape_cast %mul3A_869 : vector<16xf32> to vector<16xf32>
        tpu.vector_store %arg10[%swap3A_870], %swap3A_873 {strides = array<i32>} : memref<512xf32, #tpu.memory_space<vmem>>, vector<16xf32>,
        %mul3A_874 = vector.broadcast %squeeze3A_56 : f32 to vector<16xf32>
        %mul3A_875 = arith.mulf %while3A_581#24, %mul3A_874 : vector<16xf32>
        %swap3A_876 = arith.constant 384 : index
        %swap3A_877 = tpu.vector_load %arg10[%swap3A_876] {strides = array<i32>} : memref<512xf32, #tpu.memory_space<vmem>>, vector<16xf32>,
        %swap3A_878 = vector.shape_cast %swap3A_877 : vector<16xf32> to vector<16xf32>
        %swap3A_879 = vector.shape_cast %mul3A_875 : vector<16xf32> to vector<16xf32>
        tpu.vector_store %arg10[%swap3A_876], %swap3A_879 {strides = array<i32>} : memref<512xf32, #tpu.memory_space<vmem>>, vector<16xf32>,
        %mul3A_880 = vector.broadcast %squeeze3A_56 : f32 to vector<16xf32>
        %mul3A_881 = arith.mulf %while3A_581#25, %mul3A_880 : vector<16xf32>
        %swap3A_882 = arith.constant 400 : index
        %swap3A_883 = tpu.vector_load %arg10[%swap3A_882] {strides = array<i32>} : memref<512xf32, #tpu.memory_space<vmem>>, vector<16xf32>,
        %swap3A_884 = vector.shape_cast %swap3A_883 : vector<16xf32> to vector<16xf32>
        %swap3A_885 = vector.shape_cast %mul3A_881 : vector<16xf32> to vector<16xf32>
        tpu.vector_store %arg10[%swap3A_882], %swap3A_885 {strides = array<i32>} : memref<512xf32, #tpu.memory_space<vmem>>, vector<16xf32>,
        %mul3A_886 = vector.broadcast %squeeze3A_56 : f32 to vector<16xf32>
        %mul3A_887 = arith.mulf %while3A_581#26, %mul3A_886 : vector<16xf32>
        %swap3A_888 = arith.constant 416 : index
        %swap3A_889 = tpu.vector_load %arg10[%swap3A_888] {strides = array<i32>} : memref<512xf32, #tpu.memory_space<vmem>>, vector<16xf32>,
        %swap3A_890 = vector.shape_cast %swap3A_889 : vector<16xf32> to vector<16xf32>
        %swap3A_891 = vector.shape_cast %mul3A_887 : vector<16xf32> to vector<16xf32>
        tpu.vector_store %arg10[%swap3A_888], %swap3A_891 {strides = array<i32>} : memref<512xf32, #tpu.memory_space<vmem>>, vector<16xf32>,
        %mul3A_892 = vector.broadcast %squeeze3A_56 : f32 to vector<16xf32>
        %mul3A_893 = arith.mulf %while3A_581#27, %mul3A_892 : vector<16xf32>
        %swap3A_894 = arith.constant 432 : index
        %swap3A_895 = tpu.vector_load %arg10[%swap3A_894] {strides = array<i32>} : memref<512xf32, #tpu.memory_space<vmem>>, vector<16xf32>,
        %swap3A_896 = vector.shape_cast %swap3A_895 : vector<16xf32> to vector<16xf32>
        %swap3A_897 = vector.shape_cast %mul3A_893 : vector<16xf32> to vector<16xf32>
        tpu.vector_store %arg10[%swap3A_894], %swap3A_897 {strides = array<i32>} : memref<512xf32, #tpu.memory_space<vmem>>, vector<16xf32>,
        %mul3A_898 = vector.broadcast %squeeze3A_56 : f32 to vector<16xf32>
        %mul3A_899 = arith.mulf %while3A_581#28, %mul3A_898 : vector<16xf32>
        %swap3A_900 = arith.constant 448 : index
        %swap3A_901 = tpu.vector_load %arg10[%swap3A_900] {strides = array<i32>} : memref<512xf32, #tpu.memory_space<vmem>>, vector<16xf32>,
        %swap3A_902 = vector.shape_cast %swap3A_901 : vector<16xf32> to vector<16xf32>
        %swap3A_903 = vector.shape_cast %mul3A_899 : vector<16xf32> to vector<16xf32>
        tpu.vector_store %arg10[%swap3A_900], %swap3A_903 {strides = array<i32>} : memref<512xf32, #tpu.memory_space<vmem>>, vector<16xf32>,
        %mul3A_904 = vector.broadcast %squeeze3A_56 : f32 to vector<16xf32>
        %mul3A_905 = arith.mulf %while3A_581#29, %mul3A_904 : vector<16xf32>
        %swap3A_906 = arith.constant 464 : index
        %swap3A_907 = tpu.vector_load %arg10[%swap3A_906] {strides = array<i32>} : memref<512xf32, #tpu.memory_space<vmem>>, vector<16xf32>,
        %swap3A_908 = vector.shape_cast %swap3A_907 : vector<16xf32> to vector<16xf32>
        %swap3A_909 = vector.shape_cast %mul3A_905 : vector<16xf32> to vector<16xf32>
        tpu.vector_store %arg10[%swap3A_906], %swap3A_909 {strides = array<i32>} : memref<512xf32, #tpu.memory_space<vmem>>, vector<16xf32>,
        %mul3A_910 = vector.broadcast %squeeze3A_56 : f32 to vector<16xf32>
        %mul3A_911 = arith.mulf %while3A_581#30, %mul3A_910 : vector<16xf32>
        %swap3A_912 = arith.constant 480 : index
        %swap3A_913 = tpu.vector_load %arg10[%swap3A_912] {strides = array<i32>} : memref<512xf32, #tpu.memory_space<vmem>>, vector<16xf32>,
        %swap3A_914 = vector.shape_cast %swap3A_913 : vector<16xf32> to vector<16xf32>
        %swap3A_915 = vector.shape_cast %mul3A_911 : vector<16xf32> to vector<16xf32>
        tpu.vector_store %arg10[%swap3A_912], %swap3A_915 {strides = array<i32>} : memref<512xf32, #tpu.memory_space<vmem>>, vector<16xf32>,
        %mul3A_916 = vector.broadcast %squeeze3A_56 : f32 to vector<16xf32>
        %mul3A_917 = arith.mulf %while3A_581#31, %mul3A_916 : vector<16xf32>
        %swap3A_918 = arith.constant 496 : index
        %swap3A_919 = tpu.vector_load %arg10[%swap3A_918] {strides = array<i32>} : memref<512xf32, #tpu.memory_space<vmem>>, vector<16xf32>,
        %swap3A_920 = vector.shape_cast %swap3A_919 : vector<16xf32> to vector<16xf32>
        %swap3A_921 = vector.shape_cast %mul3A_917 : vector<16xf32> to vector<16xf32>
        tpu.vector_store %arg10[%swap3A_918], %swap3A_921 {strides = array<i32>} : memref<512xf32, #tpu.memory_space<vmem>>, vector<16xf32>,
      } else {
      }
      %select_n3A_586 = arith.select %eq3A_584, %broadcast_in_dim3A_60, %while3A_581#0 : vector<16xf32>
      %select_n3A_587 = arith.select %eq3A_584, %broadcast_in_dim3A_60, %while3A_581#1 : vector<16xf32>
      %select_n3A_588 = arith.select %eq3A_584, %broadcast_in_dim3A_60, %while3A_581#2 : vector<16xf32>
      %select_n3A_589 = arith.select %eq3A_584, %broadcast_in_dim3A_60, %while3A_581#3 : vector<16xf32>
      %select_n3A_590 = arith.select %eq3A_584, %broadcast_in_dim3A_60, %while3A_581#4 : vector<16xf32>
      %select_n3A_591 = arith.select %eq3A_584, %broadcast_in_dim3A_60, %while3A_581#5 : vector<16xf32>
      %select_n3A_592 = arith.select %eq3A_584, %broadcast_in_dim3A_60, %while3A_581#6 : vector<16xf32>
      %select_n3A_593 = arith.select %eq3A_584, %broadcast_in_dim3A_60, %while3A_581#7 : vector<16xf32>
      %select_n3A_594 = arith.select %eq3A_584, %broadcast_in_dim3A_60, %while3A_581#8 : vector<16xf32>
      %select_n3A_595 = arith.select %eq3A_584, %broadcast_in_dim3A_60, %while3A_581#9 : vector<16xf32>
      %select_n3A_596 = arith.select %eq3A_584, %broadcast_in_dim3A_60, %while3A_581#10 : vector<16xf32>
      %select_n3A_597 = arith.select %eq3A_584, %broadcast_in_dim3A_60, %while3A_581#11 : vector<16xf32>
      %select_n3A_598 = arith.select %eq3A_584, %broadcast_in_dim3A_60, %while3A_581#12 : vector<16xf32>
      %select_n3A_599 = arith.select %eq3A_584, %broadcast_in_dim3A_60, %while3A_581#13 : vector<16xf32>
      %select_n3A_600 = arith.select %eq3A_584, %broadcast_in_dim3A_60, %while3A_581#14 : vector<16xf32>
      %select_n3A_601 = arith.select %eq3A_584, %broadcast_in_dim3A_60, %while3A_581#15 : vector<16xf32>
      %select_n3A_602 = arith.select %eq3A_584, %broadcast_in_dim3A_60, %while3A_581#16 : vector<16xf32>
      %select_n3A_603 = arith.select %eq3A_584, %broadcast_in_dim3A_60, %while3A_581#17 : vector<16xf32>
      %select_n3A_604 = arith.select %eq3A_584, %broadcast_in_dim3A_60, %while3A_581#18 : vector<16xf32>
      %select_n3A_605 = arith.select %eq3A_584, %broadcast_in_dim3A_60, %while3A_581#19 : vector<16xf32>
      %select_n3A_606 = arith.select %eq3A_584, %broadcast_in_dim3A_60, %while3A_581#20 : vector<16xf32>
      %select_n3A_607 = arith.select %eq3A_584, %broadcast_in_dim3A_60, %while3A_581#21 : vector<16xf32>
      %select_n3A_608 = arith.select %eq3A_584, %broadcast_in_dim3A_60, %while3A_581#22 : vector<16xf32>
      %select_n3A_609 = arith.select %eq3A_584, %broadcast_in_dim3A_60, %while3A_581#23 : vector<16xf32>
      %select_n3A_610 = arith.select %eq3A_584, %broadcast_in_dim3A_60, %while3A_581#24 : vector<16xf32>
      %select_n3A_611 = arith.select %eq3A_584, %broadcast_in_dim3A_60, %while3A_581#25 : vector<16xf32>
      %select_n3A_612 = arith.select %eq3A_584, %broadcast_in_dim3A_60, %while3A_581#26 : vector<16xf32>
      %select_n3A_613 = arith.select %eq3A_584, %broadcast_in_dim3A_60, %while3A_581#27 : vector<16xf32>
      %select_n3A_614 = arith.select %eq3A_584, %broadcast_in_dim3A_60, %while3A_581#28 : vector<16xf32>
      %select_n3A_615 = arith.select %eq3A_584, %broadcast_in_dim3A_60, %while3A_581#29 : vector<16xf32>
      %select_n3A_616 = arith.select %eq3A_584, %broadcast_in_dim3A_60, %while3A_581#30 : vector<16xf32>
      %select_n3A_617 = arith.select %eq3A_584, %broadcast_in_dim3A_60, %while3A_581#31 : vector<16xf32>
      %add3A_618 = arith.constant 1 : i32
      %add3A_619 = arith.addi %while3A_448, %add3A_618 : i32
      %lt3A_620 = arith.cmpi slt, %add3A_619, %select_n3A_86 : i32
      %convert_element_type3A_621 = arith.extui %lt3A_620 : i1 to i32
      %cond3A_622 = arith.constant 0 : i32
      %cond3A_623 = arith.cmpi ne, %convert_element_type3A_621, %cond3A_622 : i32
      scf.if %cond3A_623 {
        %add3A_730 = arith.constant 2 : i32
        %add3A_731 = arith.addi %mul3A_482, %add3A_730 : i32
        %sub3A_732 = arith.constant 1 : i32
        %sub3A_733 = arith.subi %add3A_59, %sub3A_732 : i32
        %min3A_734 = arith.minsi %add3A_731, %sub3A_733 : i32
        %lt3A_735 = arith.cmpi slt, %min3A_734, %squeeze3A_46 : i32
        %select_n3A_736 = arith.select %lt3A_735, %squeeze3A, %squeeze3A_48 : i32
        %select_n3A_737 = arith.select %lt3A_735, %squeeze3A_42, %squeeze3A_50 : i32
        %select_n3A_738 = arith.select %lt3A_735, %squeeze3A_44, %squeeze3A_52 : i32
        %jit3A_739 = arith.constant 0 : i32
        %select_n3A_740 = arith.select %lt3A_735, %jit3A_739, %squeeze3A_46 : i32
        %sub3A_741 = arith.subi %min3A_734, %select_n3A_740 : i32
        %mul3A_742 = arith.constant 64 : i32
        %mul3A_743 = arith.muli %sub3A_741, %mul3A_742 : i32
        %add3A_744 = arith.addi %select_n3A_738, %mul3A_743 : i32
        %min3A_745 = arith.constant 1984 : i32
        %min3A_746 = arith.minsi %add3A_744, %min3A_745 : i32
        %multiple_of3A_747 = tpu.assume_multiple %min3A_746, 8 : i32
        %max3A_748 = arith.maxsi %select_n3A_736, %add3A_744 : i32
        %sub3A_749 = arith.subi %max3A_748, %multiple_of3A_747 : i32
        %add3A_750 = arith.constant 64 : i32
        %add3A_751 = arith.addi %add3A_744, %add3A_750 : i32
        %sub3A_752 = arith.constant 1 : i32
        %sub3A_753 = arith.subi %add3A_751, %sub3A_752 : i32
        %min3A_754 = arith.minsi %select_n3A_737, %sub3A_753 : i32
        %sub3A_755 = arith.subi %min3A_754, %multiple_of3A_747 : i32
        %add3A_756 = arith.constant 1 : i32
        %add3A_757 = arith.addi %sub3A_755, %add3A_756 : i32
        %dma_start3A_758 = tpu.memref_slice %arg2[%select_n3A, %multiple_of3A_747, %multiple_of3A] : memref<4x2048x4096xf32, #tpu.memory_space<hbm>> -> memref<1x64x512xf32, #tpu.memory_space<hbm>>
        %dma_start3A_759 = tpu.memref_squeeze %dma_start3A_758 : memref<1x64x512xf32, #tpu.memory_space<hbm>> -> memref<64x512xf32, #tpu.memory_space<hbm>>
        %dma_start3A_760 = tpu.memref_slice %arg2[%select_n3A, %multiple_of3A_747, %multiple_of3A] : memref<4x2048x4096xf32, #tpu.memory_space<hbm>> -> memref<1x64x512xf32, #tpu.memory_space<hbm>>
        %dma_start3A_761 = tpu.memref_squeeze %dma_start3A_760 : memref<1x64x512xf32, #tpu.memory_space<hbm>> -> memref<64x512xf32, #tpu.memory_space<hbm>>
        tpu.enqueue_dma source(%dma_start3A_761 : memref<64x512xf32, #tpu.memory_space<hbm>>) target(%arg8 : memref<64x512xf32, #tpu.memory_space<vmem>>) target_semaphore(%arg11 : memref<!tpu.dma_semaphore, #tpu.memory_space<semaphore_mem>>)
      } else {
      }
      %sub3A_624 = arith.constant 1 : i32
      %sub3A_625 = arith.subi %add3A_59, %sub3A_624 : i32
      %min3A_626 = arith.minsi %add3A_484, %sub3A_625 : i32
      %lt3A_627 = arith.cmpi slt, %min3A_626, %squeeze3A_46 : i32
      %select_n3A_628 = arith.select %lt3A_627, %squeeze3A, %squeeze3A_48 : i32
      %select_n3A_629 = arith.select %lt3A_627, %squeeze3A_42, %squeeze3A_50 : i32
      %select_n3A_630 = arith.select %lt3A_627, %squeeze3A_44, %squeeze3A_52 : i32
      %jit3A_631 = arith.constant 0 : i32
      %select_n3A_632 = arith.select %lt3A_627, %jit3A_631, %squeeze3A_46 : i32
      %sub3A_633 = arith.subi %min3A_626, %select_n3A_632 : i32
      %mul3A_634 = arith.constant 64 : i32
      %mul3A_635 = arith.muli %sub3A_633, %mul3A_634 : i32
      %add3A_636 = arith.addi %select_n3A_630, %mul3A_635 : i32
      %min3A_637 = arith.constant 1984 : i32
      %min3A_638 = arith.minsi %add3A_636, %min3A_637 : i32
      %multiple_of3A_639 = tpu.assume_multiple %min3A_638, 8 : i32
      %max3A_640 = arith.maxsi %select_n3A_628, %add3A_636 : i32
      %sub3A_641 = arith.subi %max3A_640, %multiple_of3A_639 : i32
      %add3A_642 = arith.constant 64 : i32
      %add3A_643 = arith.addi %add3A_636, %add3A_642 : i32
      %sub3A_644 = arith.constant 1 : i32
      %sub3A_645 = arith.subi %add3A_643, %sub3A_644 : i32
      %min3A_646 = arith.minsi %select_n3A_629, %sub3A_645 : i32
      %sub3A_647 = arith.subi %min3A_646, %multiple_of3A_639 : i32
      %add3A_648 = arith.constant 1 : i32
      %add3A_649 = arith.addi %sub3A_647, %add3A_648 : i32
      %dma_wait3A_650 = tpu.memref_slice %arg2[%select_n3A, %multiple_of3A_639, %multiple_of3A] : memref<4x2048x4096xf32, #tpu.memory_space<hbm>> -> memref<1x64x512xf32, #tpu.memory_space<hbm>>
      %dma_wait3A_651 = tpu.memref_squeeze %dma_wait3A_650 : memref<1x64x512xf32, #tpu.memory_space<hbm>> -> memref<64x512xf32, #tpu.memory_space<hbm>>
      %dma_wait3A_652 = tpu.memref_slice %arg2[%select_n3A, %multiple_of3A_639, %multiple_of3A] : memref<4x2048x4096xf32, #tpu.memory_space<hbm>> -> memref<1x64x512xf32, #tpu.memory_space<hbm>>
      %dma_wait3A_653 = tpu.memref_squeeze %dma_wait3A_652 : memref<1x64x512xf32, #tpu.memory_space<hbm>> -> memref<64x512xf32, #tpu.memory_space<hbm>>
      tpu.wait_dma2 semaphore(%arg12 : memref<!tpu.dma_semaphore, #tpu.memory_space<semaphore_mem>>) src(%dma_wait3A_653 : memref<64x512xf32, #tpu.memory_space<hbm>>) dst(%arg9 : memref<64x512xf32, #tpu.memory_space<vmem>>)
      %lt3A_654 = arith.cmpi slt, %add3A_484, %add3A_59 : i32
      %sub3A_655 = arith.constant 1 : i32
      %sub3A_656 = arith.subi %add3A_59, %sub3A_655 : i32
      %min3A_657 = arith.minsi %add3A_484, %sub3A_656 : i32
      %lt3A_658 = arith.cmpi slt, %min3A_657, %squeeze3A_46 : i32
      %select_n3A_659 = arith.select %lt3A_658, %squeeze3A, %squeeze3A_48 : i32
      %select_n3A_660 = arith.select %lt3A_658, %squeeze3A_42, %squeeze3A_50 : i32
      %select_n3A_661 = arith.select %lt3A_658, %squeeze3A_44, %squeeze3A_52 : i32
      %jit3A_662 = arith.constant 0 : i32
      %select_n3A_663 = arith.select %lt3A_658, %jit3A_662, %squeeze3A_46 : i32
      %sub3A_664 = arith.subi %min3A_657, %select_n3A_663 : i32
      %mul3A_665 = arith.constant 64 : i32
      %mul3A_666 = arith.muli %sub3A_664, %mul3A_665 : i32
      %add3A_667 = arith.addi %select_n3A_661, %mul3A_666 : i32
      %min3A_668 = arith.constant 1984 : i32
      %min3A_669 = arith.minsi %add3A_667, %min3A_668 : i32
      %multiple_of3A_670 = tpu.assume_multiple %min3A_669, 8 : i32
      %max3A_671 = arith.maxsi %select_n3A_659, %add3A_667 : i32
      %sub3A_672 = arith.subi %max3A_671, %multiple_of3A_670 : i32
      %add3A_673 = arith.constant 64 : i32
      %add3A_674 = arith.addi %add3A_667, %add3A_673 : i32
      %sub3A_675 = arith.constant 1 : i32
      %sub3A_676 = arith.subi %add3A_674, %sub3A_675 : i32
      %min3A_677 = arith.minsi %select_n3A_660, %sub3A_676 : i32
      %sub3A_678 = arith.subi %min3A_677, %multiple_of3A_670 : i32
      %add3A_679 = arith.constant 1 : i32
      %add3A_680 = arith.addi %sub3A_678, %add3A_679 : i32
      %select_n3A_681 = arith.select %lt3A_654, %add3A_680, %sub3A_672 : i32
      %while3A_682 = arith.subi %select_n3A_681, %sub3A_672 : i32
      %while3A_683 = arith.addi %sub3A_672, %while3A_682 : i32
      %while3A_684 = arith.constant 1 : i32
      %while3A_685 = arith.divsi %while3A_682, %while3A_684 : i32
      %while3A_686 = arith.muli %while3A_685, %while3A_684 : i32
      %while3A_687 = arith.addi %sub3A_672, %while3A_686 : i32
      %while3A_688 = arith.constant 1 : i32
      %while3A_689:32 = scf.for %while3A_730 = %sub3A_672 to %while3A_687 step %while3A_688 iter_args(%while3A_731 = %select_n3A_586, %while3A_732 = %select_n3A_587, %while3A_733 = %select_n3A_588, %while3A_734 = %select_n3A_589, %while3A_735 = %select_n3A_590, %while3A_736 = %select_n3A_591, %while3A_737 = %select_n3A_592, %while3A_738 = %select_n3A_593, %while3A_739 = %select_n3A_594, %while3A_740 = %select_n3A_595, %while3A_741 = %select_n3A_596, %while3A_742 = %select_n3A_597, %while3A_743 = %select_n3A_598, %while3A_744 = %select_n3A_599, %while3A_745 = %select_n3A_600, %while3A_746 = %select_n3A_601, %while3A_747 = %select_n3A_602, %while3A_748 = %select_n3A_603, %while3A_749 = %select_n3A_604, %while3A_750 = %select_n3A_605, %while3A_751 = %select_n3A_606, %while3A_752 = %select_n3A_607, %while3A_753 = %select_n3A_608, %while3A_754 = %select_n3A_609, %while3A_755 = %select_n3A_610, %while3A_756 = %select_n3A_611, %while3A_757 = %select_n3A_612, %while3A_758 = %select_n3A_613, %while3A_759 = %select_n3A_614, %while3A_760 = %select_n3A_615, %while3A_761 = %select_n3A_616, %while3A_762 = %select_n3A_617) -> (vector<16xf32>, vector<16xf32>, vector<16xf32>, vector<16xf32>, vector<16xf32>, vector<16xf32>, vector<16xf32>, vector<16xf32>, vector<16xf32>, vector<16xf32>, vector<16xf32>, vector<16xf32>, vector<16xf32>, vector<16xf32>, vector<16xf32>, vector<16xf32>, vector<16xf32>, vector<16xf32>, vector<16xf32>, vector<16xf32>, vector<16xf32>, vector<16xf32>, vector<16xf32>, vector<16xf32>, vector<16xf32>, vector<16xf32>, vector<16xf32>, vector<16xf32>, vector<16xf32>, vector<16xf32>, vector<16xf32>, vector<16xf32>)  : i32 {
        %get3A_763 = arith.index_cast %while3A_730 : i32 to index
        %get3A_764 = arith.constant 0 : index
        %get3A_765 = tpu.vector_load %arg9[%get3A_763, %get3A_764] {strides = array<i32>} : memref<64x512xf32, #tpu.memory_space<vmem>>, vector<1x16xf32>,
        %get3A_766 = vector.shape_cast %get3A_765 : vector<1x16xf32> to vector<16xf32>
        %add3A_767 = arith.addf %while3A_731, %get3A_766 : vector<16xf32>
        %get3A_768 = arith.index_cast %while3A_730 : i32 to index
        %get3A_769 = arith.constant 16 : index
        %get3A_770 = tpu.vector_load %arg9[%get3A_768, %get3A_769] {strides = array<i32>} : memref<64x512xf32, #tpu.memory_space<vmem>>, vector<1x16xf32>,
        %get3A_771 = vector.shape_cast %get3A_770 : vector<1x16xf32> to vector<16xf32>
        %add3A_772 = arith.addf %while3A_732, %get3A_771 : vector<16xf32>
        %get3A_773 = arith.index_cast %while3A_730 : i32 to index
        %get3A_774 = arith.constant 32 : index
        %get3A_775 = tpu.vector_load %arg9[%get3A_773, %get3A_774] {strides = array<i32>} : memref<64x512xf32, #tpu.memory_space<vmem>>, vector<1x16xf32>,
        %get3A_776 = vector.shape_cast %get3A_775 : vector<1x16xf32> to vector<16xf32>
        %add3A_777 = arith.addf %while3A_733, %get3A_776 : vector<16xf32>
        %get3A_778 = arith.index_cast %while3A_730 : i32 to index
        %get3A_779 = arith.constant 48 : index
        %get3A_780 = tpu.vector_load %arg9[%get3A_778, %get3A_779] {strides = array<i32>} : memref<64x512xf32, #tpu.memory_space<vmem>>, vector<1x16xf32>,
        %get3A_781 = vector.shape_cast %get3A_780 : vector<1x16xf32> to vector<16xf32>
        %add3A_782 = arith.addf %while3A_734, %get3A_781 : vector<16xf32>
        %get3A_783 = arith.index_cast %while3A_730 : i32 to index
        %get3A_784 = arith.constant 64 : index
        %get3A_785 = tpu.vector_load %arg9[%get3A_783, %get3A_784] {strides = array<i32>} : memref<64x512xf32, #tpu.memory_space<vmem>>, vector<1x16xf32>,
        %get3A_786 = vector.shape_cast %get3A_785 : vector<1x16xf32> to vector<16xf32>
        %add3A_787 = arith.addf %while3A_735, %get3A_786 : vector<16xf32>
        %get3A_788 = arith.index_cast %while3A_730 : i32 to index
        %get3A_789 = arith.constant 80 : index
        %get3A_790 = tpu.vector_load %arg9[%get3A_788, %get3A_789] {strides = array<i32>} : memref<64x512xf32, #tpu.memory_space<vmem>>, vector<1x16xf32>,
        %get3A_791 = vector.shape_cast %get3A_790 : vector<1x16xf32> to vector<16xf32>
        %add3A_792 = arith.addf %while3A_736, %get3A_791 : vector<16xf32>
        %get3A_793 = arith.index_cast %while3A_730 : i32 to index
        %get3A_794 = arith.constant 96 : index
        %get3A_795 = tpu.vector_load %arg9[%get3A_793, %get3A_794] {strides = array<i32>} : memref<64x512xf32, #tpu.memory_space<vmem>>, vector<1x16xf32>,
        %get3A_796 = vector.shape_cast %get3A_795 : vector<1x16xf32> to vector<16xf32>
        %add3A_797 = arith.addf %while3A_737, %get3A_796 : vector<16xf32>
        %get3A_798 = arith.index_cast %while3A_730 : i32 to index
        %get3A_799 = arith.constant 112 : index
        %get3A_800 = tpu.vector_load %arg9[%get3A_798, %get3A_799] {strides = array<i32>} : memref<64x512xf32, #tpu.memory_space<vmem>>, vector<1x16xf32>,
        %get3A_801 = vector.shape_cast %get3A_800 : vector<1x16xf32> to vector<16xf32>
        %add3A_802 = arith.addf %while3A_738, %get3A_801 : vector<16xf32>
        %get3A_803 = arith.index_cast %while3A_730 : i32 to index
        %get3A_804 = arith.constant 128 : index
        %get3A_805 = tpu.vector_load %arg9[%get3A_803, %get3A_804] {strides = array<i32>} : memref<64x512xf32, #tpu.memory_space<vmem>>, vector<1x16xf32>,
        %get3A_806 = vector.shape_cast %get3A_805 : vector<1x16xf32> to vector<16xf32>
        %add3A_807 = arith.addf %while3A_739, %get3A_806 : vector<16xf32>
        %get3A_808 = arith.index_cast %while3A_730 : i32 to index
        %get3A_809 = arith.constant 144 : index
        %get3A_810 = tpu.vector_load %arg9[%get3A_808, %get3A_809] {strides = array<i32>} : memref<64x512xf32, #tpu.memory_space<vmem>>, vector<1x16xf32>,
        %get3A_811 = vector.shape_cast %get3A_810 : vector<1x16xf32> to vector<16xf32>
        %add3A_812 = arith.addf %while3A_740, %get3A_811 : vector<16xf32>
        %get3A_813 = arith.index_cast %while3A_730 : i32 to index
        %get3A_814 = arith.constant 160 : index
        %get3A_815 = tpu.vector_load %arg9[%get3A_813, %get3A_814] {strides = array<i32>} : memref<64x512xf32, #tpu.memory_space<vmem>>, vector<1x16xf32>,
        %get3A_816 = vector.shape_cast %get3A_815 : vector<1x16xf32> to vector<16xf32>
        %add3A_817 = arith.addf %while3A_741, %get3A_816 : vector<16xf32>
        %get3A_818 = arith.index_cast %while3A_730 : i32 to index
        %get3A_819 = arith.constant 176 : index
        %get3A_820 = tpu.vector_load %arg9[%get3A_818, %get3A_819] {strides = array<i32>} : memref<64x512xf32, #tpu.memory_space<vmem>>, vector<1x16xf32>,
        %get3A_821 = vector.shape_cast %get3A_820 : vector<1x16xf32> to vector<16xf32>
        %add3A_822 = arith.addf %while3A_742, %get3A_821 : vector<16xf32>
        %get3A_823 = arith.index_cast %while3A_730 : i32 to index
        %get3A_824 = arith.constant 192 : index
        %get3A_825 = tpu.vector_load %arg9[%get3A_823, %get3A_824] {strides = array<i32>} : memref<64x512xf32, #tpu.memory_space<vmem>>, vector<1x16xf32>,
        %get3A_826 = vector.shape_cast %get3A_825 : vector<1x16xf32> to vector<16xf32>
        %add3A_827 = arith.addf %while3A_743, %get3A_826 : vector<16xf32>
        %get3A_828 = arith.index_cast %while3A_730 : i32 to index
        %get3A_829 = arith.constant 208 : index
        %get3A_830 = tpu.vector_load %arg9[%get3A_828, %get3A_829] {strides = array<i32>} : memref<64x512xf32, #tpu.memory_space<vmem>>, vector<1x16xf32>,
        %get3A_831 = vector.shape_cast %get3A_830 : vector<1x16xf32> to vector<16xf32>
        %add3A_832 = arith.addf %while3A_744, %get3A_831 : vector<16xf32>
        %get3A_833 = arith.index_cast %while3A_730 : i32 to index
        %get3A_834 = arith.constant 224 : index
        %get3A_835 = tpu.vector_load %arg9[%get3A_833, %get3A_834] {strides = array<i32>} : memref<64x512xf32, #tpu.memory_space<vmem>>, vector<1x16xf32>,
        %get3A_836 = vector.shape_cast %get3A_835 : vector<1x16xf32> to vector<16xf32>
        %add3A_837 = arith.addf %while3A_745, %get3A_836 : vector<16xf32>
        %get3A_838 = arith.index_cast %while3A_730 : i32 to index
        %get3A_839 = arith.constant 240 : index
        %get3A_840 = tpu.vector_load %arg9[%get3A_838, %get3A_839] {strides = array<i32>} : memref<64x512xf32, #tpu.memory_space<vmem>>, vector<1x16xf32>,
        %get3A_841 = vector.shape_cast %get3A_840 : vector<1x16xf32> to vector<16xf32>
        %add3A_842 = arith.addf %while3A_746, %get3A_841 : vector<16xf32>
        %get3A_843 = arith.index_cast %while3A_730 : i32 to index
        %get3A_844 = arith.constant 256 : index
        %get3A_845 = tpu.vector_load %arg9[%get3A_843, %get3A_844] {strides = array<i32>} : memref<64x512xf32, #tpu.memory_space<vmem>>, vector<1x16xf32>,
        %get3A_846 = vector.shape_cast %get3A_845 : vector<1x16xf32> to vector<16xf32>
        %add3A_847 = arith.addf %while3A_747, %get3A_846 : vector<16xf32>
        %get3A_848 = arith.index_cast %while3A_730 : i32 to index
        %get3A_849 = arith.constant 272 : index
        %get3A_850 = tpu.vector_load %arg9[%get3A_848, %get3A_849] {strides = array<i32>} : memref<64x512xf32, #tpu.memory_space<vmem>>, vector<1x16xf32>,
        %get3A_851 = vector.shape_cast %get3A_850 : vector<1x16xf32> to vector<16xf32>
        %add3A_852 = arith.addf %while3A_748, %get3A_851 : vector<16xf32>
        %get3A_853 = arith.index_cast %while3A_730 : i32 to index
        %get3A_854 = arith.constant 288 : index
        %get3A_855 = tpu.vector_load %arg9[%get3A_853, %get3A_854] {strides = array<i32>} : memref<64x512xf32, #tpu.memory_space<vmem>>, vector<1x16xf32>,
        %get3A_856 = vector.shape_cast %get3A_855 : vector<1x16xf32> to vector<16xf32>
        %add3A_857 = arith.addf %while3A_749, %get3A_856 : vector<16xf32>
        %get3A_858 = arith.index_cast %while3A_730 : i32 to index
        %get3A_859 = arith.constant 304 : index
        %get3A_860 = tpu.vector_load %arg9[%get3A_858, %get3A_859] {strides = array<i32>} : memref<64x512xf32, #tpu.memory_space<vmem>>, vector<1x16xf32>,
        %get3A_861 = vector.shape_cast %get3A_860 : vector<1x16xf32> to vector<16xf32>
        %add3A_862 = arith.addf %while3A_750, %get3A_861 : vector<16xf32>
        %get3A_863 = arith.index_cast %while3A_730 : i32 to index
        %get3A_864 = arith.constant 320 : index
        %get3A_865 = tpu.vector_load %arg9[%get3A_863, %get3A_864] {strides = array<i32>} : memref<64x512xf32, #tpu.memory_space<vmem>>, vector<1x16xf32>,
        %get3A_866 = vector.shape_cast %get3A_865 : vector<1x16xf32> to vector<16xf32>
        %add3A_867 = arith.addf %while3A_751, %get3A_866 : vector<16xf32>
        %get3A_868 = arith.index_cast %while3A_730 : i32 to index
        %get3A_869 = arith.constant 336 : index
        %get3A_870 = tpu.vector_load %arg9[%get3A_868, %get3A_869] {strides = array<i32>} : memref<64x512xf32, #tpu.memory_space<vmem>>, vector<1x16xf32>,
        %get3A_871 = vector.shape_cast %get3A_870 : vector<1x16xf32> to vector<16xf32>
        %add3A_872 = arith.addf %while3A_752, %get3A_871 : vector<16xf32>
        %get3A_873 = arith.index_cast %while3A_730 : i32 to index
        %get3A_874 = arith.constant 352 : index
        %get3A_875 = tpu.vector_load %arg9[%get3A_873, %get3A_874] {strides = array<i32>} : memref<64x512xf32, #tpu.memory_space<vmem>>, vector<1x16xf32>,
        %get3A_876 = vector.shape_cast %get3A_875 : vector<1x16xf32> to vector<16xf32>
        %add3A_877 = arith.addf %while3A_753, %get3A_876 : vector<16xf32>
        %get3A_878 = arith.index_cast %while3A_730 : i32 to index
        %get3A_879 = arith.constant 368 : index
        %get3A_880 = tpu.vector_load %arg9[%get3A_878, %get3A_879] {strides = array<i32>} : memref<64x512xf32, #tpu.memory_space<vmem>>, vector<1x16xf32>,
        %get3A_881 = vector.shape_cast %get3A_880 : vector<1x16xf32> to vector<16xf32>
        %add3A_882 = arith.addf %while3A_754, %get3A_881 : vector<16xf32>
        %get3A_883 = arith.index_cast %while3A_730 : i32 to index
        %get3A_884 = arith.constant 384 : index
        %get3A_885 = tpu.vector_load %arg9[%get3A_883, %get3A_884] {strides = array<i32>} : memref<64x512xf32, #tpu.memory_space<vmem>>, vector<1x16xf32>,
        %get3A_886 = vector.shape_cast %get3A_885 : vector<1x16xf32> to vector<16xf32>
        %add3A_887 = arith.addf %while3A_755, %get3A_886 : vector<16xf32>
        %get3A_888 = arith.index_cast %while3A_730 : i32 to index
        %get3A_889 = arith.constant 400 : index
        %get3A_890 = tpu.vector_load %arg9[%get3A_888, %get3A_889] {strides = array<i32>} : memref<64x512xf32, #tpu.memory_space<vmem>>, vector<1x16xf32>,
        %get3A_891 = vector.shape_cast %get3A_890 : vector<1x16xf32> to vector<16xf32>
        %add3A_892 = arith.addf %while3A_756, %get3A_891 : vector<16xf32>
        %get3A_893 = arith.index_cast %while3A_730 : i32 to index
        %get3A_894 = arith.constant 416 : index
        %get3A_895 = tpu.vector_load %arg9[%get3A_893, %get3A_894] {strides = array<i32>} : memref<64x512xf32, #tpu.memory_space<vmem>>, vector<1x16xf32>,
        %get3A_896 = vector.shape_cast %get3A_895 : vector<1x16xf32> to vector<16xf32>
        %add3A_897 = arith.addf %while3A_757, %get3A_896 : vector<16xf32>
        %get3A_898 = arith.index_cast %while3A_730 : i32 to index
        %get3A_899 = arith.constant 432 : index
        %get3A_900 = tpu.vector_load %arg9[%get3A_898, %get3A_899] {strides = array<i32>} : memref<64x512xf32, #tpu.memory_space<vmem>>, vector<1x16xf32>,
        %get3A_901 = vector.shape_cast %get3A_900 : vector<1x16xf32> to vector<16xf32>
        %add3A_902 = arith.addf %while3A_758, %get3A_901 : vector<16xf32>
        %get3A_903 = arith.index_cast %while3A_730 : i32 to index
        %get3A_904 = arith.constant 448 : index
        %get3A_905 = tpu.vector_load %arg9[%get3A_903, %get3A_904] {strides = array<i32>} : memref<64x512xf32, #tpu.memory_space<vmem>>, vector<1x16xf32>,
        %get3A_906 = vector.shape_cast %get3A_905 : vector<1x16xf32> to vector<16xf32>
        %add3A_907 = arith.addf %while3A_759, %get3A_906 : vector<16xf32>
        %get3A_908 = arith.index_cast %while3A_730 : i32 to index
        %get3A_909 = arith.constant 464 : index
        %get3A_910 = tpu.vector_load %arg9[%get3A_908, %get3A_909] {strides = array<i32>} : memref<64x512xf32, #tpu.memory_space<vmem>>, vector<1x16xf32>,
        %get3A_911 = vector.shape_cast %get3A_910 : vector<1x16xf32> to vector<16xf32>
        %add3A_912 = arith.addf %while3A_760, %get3A_911 : vector<16xf32>
        %get3A_913 = arith.index_cast %while3A_730 : i32 to index
        %get3A_914 = arith.constant 480 : index
        %get3A_915 = tpu.vector_load %arg9[%get3A_913, %get3A_914] {strides = array<i32>} : memref<64x512xf32, #tpu.memory_space<vmem>>, vector<1x16xf32>,
        %get3A_916 = vector.shape_cast %get3A_915 : vector<1x16xf32> to vector<16xf32>
        %add3A_917 = arith.addf %while3A_761, %get3A_916 : vector<16xf32>
        %get3A_918 = arith.index_cast %while3A_730 : i32 to index
        %get3A_919 = arith.constant 496 : index
        %get3A_920 = tpu.vector_load %arg9[%get3A_918, %get3A_919] {strides = array<i32>} : memref<64x512xf32, #tpu.memory_space<vmem>>, vector<1x16xf32>,
        %get3A_921 = vector.shape_cast %get3A_920 : vector<1x16xf32> to vector<16xf32>
        %add3A_922 = arith.addf %while3A_762, %get3A_921 : vector<16xf32>
        scf.yield %add3A_767, %add3A_772, %add3A_777, %add3A_782, %add3A_787, %add3A_792, %add3A_797, %add3A_802, %add3A_807, %add3A_812, %add3A_817, %add3A_822, %add3A_827, %add3A_832, %add3A_837, %add3A_842, %add3A_847, %add3A_852, %add3A_857, %add3A_862, %add3A_867, %add3A_872, %add3A_877, %add3A_882, %add3A_887, %add3A_892, %add3A_897, %add3A_902, %add3A_907, %add3A_912, %add3A_917, %add3A_922 : vector<16xf32>, vector<16xf32>, vector<16xf32>, vector<16xf32>, vector<16xf32>, vector<16xf32>, vector<16xf32>, vector<16xf32>, vector<16xf32>, vector<16xf32>, vector<16xf32>, vector<16xf32>, vector<16xf32>, vector<16xf32>, vector<16xf32>, vector<16xf32>, vector<16xf32>, vector<16xf32>, vector<16xf32>, vector<16xf32>, vector<16xf32>, vector<16xf32>, vector<16xf32>, vector<16xf32>, vector<16xf32>, vector<16xf32>, vector<16xf32>, vector<16xf32>, vector<16xf32>, vector<16xf32>, vector<16xf32>, vector<16xf32>
      }
      %while3A_690 = arith.constant 1 : i32
      %while3A_691:32 = scf.for %while3A_730 = %while3A_687 to %while3A_683 step %while3A_690 iter_args(%while3A_731 = %while3A_689#0, %while3A_732 = %while3A_689#1, %while3A_733 = %while3A_689#2, %while3A_734 = %while3A_689#3, %while3A_735 = %while3A_689#4, %while3A_736 = %while3A_689#5, %while3A_737 = %while3A_689#6, %while3A_738 = %while3A_689#7, %while3A_739 = %while3A_689#8, %while3A_740 = %while3A_689#9, %while3A_741 = %while3A_689#10, %while3A_742 = %while3A_689#11, %while3A_743 = %while3A_689#12, %while3A_744 = %while3A_689#13, %while3A_745 = %while3A_689#14, %while3A_746 = %while3A_689#15, %while3A_747 = %while3A_689#16, %while3A_748 = %while3A_689#17, %while3A_749 = %while3A_689#18, %while3A_750 = %while3A_689#19, %while3A_751 = %while3A_689#20, %while3A_752 = %while3A_689#21, %while3A_753 = %while3A_689#22, %while3A_754 = %while3A_689#23, %while3A_755 = %while3A_689#24, %while3A_756 = %while3A_689#25, %while3A_757 = %while3A_689#26, %while3A_758 = %while3A_689#27, %while3A_759 = %while3A_689#28, %while3A_760 = %while3A_689#29, %while3A_761 = %while3A_689#30, %while3A_762 = %while3A_689#31) -> (vector<16xf32>, vector<16xf32>, vector<16xf32>, vector<16xf32>, vector<16xf32>, vector<16xf32>, vector<16xf32>, vector<16xf32>, vector<16xf32>, vector<16xf32>, vector<16xf32>, vector<16xf32>, vector<16xf32>, vector<16xf32>, vector<16xf32>, vector<16xf32>, vector<16xf32>, vector<16xf32>, vector<16xf32>, vector<16xf32>, vector<16xf32>, vector<16xf32>, vector<16xf32>, vector<16xf32>, vector<16xf32>, vector<16xf32>, vector<16xf32>, vector<16xf32>, vector<16xf32>, vector<16xf32>, vector<16xf32>, vector<16xf32>)  : i32 {
        %get3A_763 = arith.index_cast %while3A_730 : i32 to index
        %get3A_764 = arith.constant 0 : index
        %get3A_765 = tpu.vector_load %arg9[%get3A_763, %get3A_764] {strides = array<i32>} : memref<64x512xf32, #tpu.memory_space<vmem>>, vector<1x16xf32>,
        %get3A_766 = vector.shape_cast %get3A_765 : vector<1x16xf32> to vector<16xf32>
        %add3A_767 = arith.addf %while3A_731, %get3A_766 : vector<16xf32>
        %get3A_768 = arith.index_cast %while3A_730 : i32 to index
        %get3A_769 = arith.constant 16 : index
        %get3A_770 = tpu.vector_load %arg9[%get3A_768, %get3A_769] {strides = array<i32>} : memref<64x512xf32, #tpu.memory_space<vmem>>, vector<1x16xf32>,
        %get3A_771 = vector.shape_cast %get3A_770 : vector<1x16xf32> to vector<16xf32>
        %add3A_772 = arith.addf %while3A_732, %get3A_771 : vector<16xf32>
        %get3A_773 = arith.index_cast %while3A_730 : i32 to index
        %get3A_774 = arith.constant 32 : index
        %get3A_775 = tpu.vector_load %arg9[%get3A_773, %get3A_774] {strides = array<i32>} : memref<64x512xf32, #tpu.memory_space<vmem>>, vector<1x16xf32>,
        %get3A_776 = vector.shape_cast %get3A_775 : vector<1x16xf32> to vector<16xf32>
        %add3A_777 = arith.addf %while3A_733, %get3A_776 : vector<16xf32>
        %get3A_778 = arith.index_cast %while3A_730 : i32 to index
        %get3A_779 = arith.constant 48 : index
        %get3A_780 = tpu.vector_load %arg9[%get3A_778, %get3A_779] {strides = array<i32>} : memref<64x512xf32, #tpu.memory_space<vmem>>, vector<1x16xf32>,
        %get3A_781 = vector.shape_cast %get3A_780 : vector<1x16xf32> to vector<16xf32>
        %add3A_782 = arith.addf %while3A_734, %get3A_781 : vector<16xf32>
        %get3A_783 = arith.index_cast %while3A_730 : i32 to index
        %get3A_784 = arith.constant 64 : index
        %get3A_785 = tpu.vector_load %arg9[%get3A_783, %get3A_784] {strides = array<i32>} : memref<64x512xf32, #tpu.memory_space<vmem>>, vector<1x16xf32>,
        %get3A_786 = vector.shape_cast %get3A_785 : vector<1x16xf32> to vector<16xf32>
        %add3A_787 = arith.addf %while3A_735, %get3A_786 : vector<16xf32>
        %get3A_788 = arith.index_cast %while3A_730 : i32 to index
        %get3A_789 = arith.constant 80 : index
        %get3A_790 = tpu.vector_load %arg9[%get3A_788, %get3A_789] {strides = array<i32>} : memref<64x512xf32, #tpu.memory_space<vmem>>, vector<1x16xf32>,
        %get3A_791 = vector.shape_cast %get3A_790 : vector<1x16xf32> to vector<16xf32>
        %add3A_792 = arith.addf %while3A_736, %get3A_791 : vector<16xf32>
        %get3A_793 = arith.index_cast %while3A_730 : i32 to index
        %get3A_794 = arith.constant 96 : index
        %get3A_795 = tpu.vector_load %arg9[%get3A_793, %get3A_794] {strides = array<i32>} : memref<64x512xf32, #tpu.memory_space<vmem>>, vector<1x16xf32>,
        %get3A_796 = vector.shape_cast %get3A_795 : vector<1x16xf32> to vector<16xf32>
        %add3A_797 = arith.addf %while3A_737, %get3A_796 : vector<16xf32>
        %get3A_798 = arith.index_cast %while3A_730 : i32 to index
        %get3A_799 = arith.constant 112 : index
        %get3A_800 = tpu.vector_load %arg9[%get3A_798, %get3A_799] {strides = array<i32>} : memref<64x512xf32, #tpu.memory_space<vmem>>, vector<1x16xf32>,
        %get3A_801 = vector.shape_cast %get3A_800 : vector<1x16xf32> to vector<16xf32>
        %add3A_802 = arith.addf %while3A_738, %get3A_801 : vector<16xf32>
        %get3A_803 = arith.index_cast %while3A_730 : i32 to index
        %get3A_804 = arith.constant 128 : index
        %get3A_805 = tpu.vector_load %arg9[%get3A_803, %get3A_804] {strides = array<i32>} : memref<64x512xf32, #tpu.memory_space<vmem>>, vector<1x16xf32>,
        %get3A_806 = vector.shape_cast %get3A_805 : vector<1x16xf32> to vector<16xf32>
        %add3A_807 = arith.addf %while3A_739, %get3A_806 : vector<16xf32>
        %get3A_808 = arith.index_cast %while3A_730 : i32 to index
        %get3A_809 = arith.constant 144 : index
        %get3A_810 = tpu.vector_load %arg9[%get3A_808, %get3A_809] {strides = array<i32>} : memref<64x512xf32, #tpu.memory_space<vmem>>, vector<1x16xf32>,
        %get3A_811 = vector.shape_cast %get3A_810 : vector<1x16xf32> to vector<16xf32>
        %add3A_812 = arith.addf %while3A_740, %get3A_811 : vector<16xf32>
        %get3A_813 = arith.index_cast %while3A_730 : i32 to index
        %get3A_814 = arith.constant 160 : index
        %get3A_815 = tpu.vector_load %arg9[%get3A_813, %get3A_814] {strides = array<i32>} : memref<64x512xf32, #tpu.memory_space<vmem>>, vector<1x16xf32>,
        %get3A_816 = vector.shape_cast %get3A_815 : vector<1x16xf32> to vector<16xf32>
        %add3A_817 = arith.addf %while3A_741, %get3A_816 : vector<16xf32>
        %get3A_818 = arith.index_cast %while3A_730 : i32 to index
        %get3A_819 = arith.constant 176 : index
        %get3A_820 = tpu.vector_load %arg9[%get3A_818, %get3A_819] {strides = array<i32>} : memref<64x512xf32, #tpu.memory_space<vmem>>, vector<1x16xf32>,
        %get3A_821 = vector.shape_cast %get3A_820 : vector<1x16xf32> to vector<16xf32>
        %add3A_822 = arith.addf %while3A_742, %get3A_821 : vector<16xf32>
        %get3A_823 = arith.index_cast %while3A_730 : i32 to index
        %get3A_824 = arith.constant 192 : index
        %get3A_825 = tpu.vector_load %arg9[%get3A_823, %get3A_824] {strides = array<i32>} : memref<64x512xf32, #tpu.memory_space<vmem>>, vector<1x16xf32>,
        %get3A_826 = vector.shape_cast %get3A_825 : vector<1x16xf32> to vector<16xf32>
        %add3A_827 = arith.addf %while3A_743, %get3A_826 : vector<16xf32>
        %get3A_828 = arith.index_cast %while3A_730 : i32 to index
        %get3A_829 = arith.constant 208 : index
        %get3A_830 = tpu.vector_load %arg9[%get3A_828, %get3A_829] {strides = array<i32>} : memref<64x512xf32, #tpu.memory_space<vmem>>, vector<1x16xf32>,
        %get3A_831 = vector.shape_cast %get3A_830 : vector<1x16xf32> to vector<16xf32>
        %add3A_832 = arith.addf %while3A_744, %get3A_831 : vector<16xf32>
        %get3A_833 = arith.index_cast %while3A_730 : i32 to index
        %get3A_834 = arith.constant 224 : index
        %get3A_835 = tpu.vector_load %arg9[%get3A_833, %get3A_834] {strides = array<i32>} : memref<64x512xf32, #tpu.memory_space<vmem>>, vector<1x16xf32>,
        %get3A_836 = vector.shape_cast %get3A_835 : vector<1x16xf32> to vector<16xf32>
        %add3A_837 = arith.addf %while3A_745, %get3A_836 : vector<16xf32>
        %get3A_838 = arith.index_cast %while3A_730 : i32 to index
        %get3A_839 = arith.constant 240 : index
        %get3A_840 = tpu.vector_load %arg9[%get3A_838, %get3A_839] {strides = array<i32>} : memref<64x512xf32, #tpu.memory_space<vmem>>, vector<1x16xf32>,
        %get3A_841 = vector.shape_cast %get3A_840 : vector<1x16xf32> to vector<16xf32>
        %add3A_842 = arith.addf %while3A_746, %get3A_841 : vector<16xf32>
        %get3A_843 = arith.index_cast %while3A_730 : i32 to index
        %get3A_844 = arith.constant 256 : index
        %get3A_845 = tpu.vector_load %arg9[%get3A_843, %get3A_844] {strides = array<i32>} : memref<64x512xf32, #tpu.memory_space<vmem>>, vector<1x16xf32>,
        %get3A_846 = vector.shape_cast %get3A_845 : vector<1x16xf32> to vector<16xf32>
        %add3A_847 = arith.addf %while3A_747, %get3A_846 : vector<16xf32>
        %get3A_848 = arith.index_cast %while3A_730 : i32 to index
        %get3A_849 = arith.constant 272 : index
        %get3A_850 = tpu.vector_load %arg9[%get3A_848, %get3A_849] {strides = array<i32>} : memref<64x512xf32, #tpu.memory_space<vmem>>, vector<1x16xf32>,
        %get3A_851 = vector.shape_cast %get3A_850 : vector<1x16xf32> to vector<16xf32>
        %add3A_852 = arith.addf %while3A_748, %get3A_851 : vector<16xf32>
        %get3A_853 = arith.index_cast %while3A_730 : i32 to index
        %get3A_854 = arith.constant 288 : index
        %get3A_855 = tpu.vector_load %arg9[%get3A_853, %get3A_854] {strides = array<i32>} : memref<64x512xf32, #tpu.memory_space<vmem>>, vector<1x16xf32>,
        %get3A_856 = vector.shape_cast %get3A_855 : vector<1x16xf32> to vector<16xf32>
        %add3A_857 = arith.addf %while3A_749, %get3A_856 : vector<16xf32>
        %get3A_858 = arith.index_cast %while3A_730 : i32 to index
        %get3A_859 = arith.constant 304 : index
        %get3A_860 = tpu.vector_load %arg9[%get3A_858, %get3A_859] {strides = array<i32>} : memref<64x512xf32, #tpu.memory_space<vmem>>, vector<1x16xf32>,
        %get3A_861 = vector.shape_cast %get3A_860 : vector<1x16xf32> to vector<16xf32>
        %add3A_862 = arith.addf %while3A_750, %get3A_861 : vector<16xf32>
        %get3A_863 = arith.index_cast %while3A_730 : i32 to index
        %get3A_864 = arith.constant 320 : index
        %get3A_865 = tpu.vector_load %arg9[%get3A_863, %get3A_864] {strides = array<i32>} : memref<64x512xf32, #tpu.memory_space<vmem>>, vector<1x16xf32>,
        %get3A_866 = vector.shape_cast %get3A_865 : vector<1x16xf32> to vector<16xf32>
        %add3A_867 = arith.addf %while3A_751, %get3A_866 : vector<16xf32>
        %get3A_868 = arith.index_cast %while3A_730 : i32 to index
        %get3A_869 = arith.constant 336 : index
        %get3A_870 = tpu.vector_load %arg9[%get3A_868, %get3A_869] {strides = array<i32>} : memref<64x512xf32, #tpu.memory_space<vmem>>, vector<1x16xf32>,
        %get3A_871 = vector.shape_cast %get3A_870 : vector<1x16xf32> to vector<16xf32>
        %add3A_872 = arith.addf %while3A_752, %get3A_871 : vector<16xf32>
        %get3A_873 = arith.index_cast %while3A_730 : i32 to index
        %get3A_874 = arith.constant 352 : index
        %get3A_875 = tpu.vector_load %arg9[%get3A_873, %get3A_874] {strides = array<i32>} : memref<64x512xf32, #tpu.memory_space<vmem>>, vector<1x16xf32>,
        %get3A_876 = vector.shape_cast %get3A_875 : vector<1x16xf32> to vector<16xf32>
        %add3A_877 = arith.addf %while3A_753, %get3A_876 : vector<16xf32>
        %get3A_878 = arith.index_cast %while3A_730 : i32 to index
        %get3A_879 = arith.constant 368 : index
        %get3A_880 = tpu.vector_load %arg9[%get3A_878, %get3A_879] {strides = array<i32>} : memref<64x512xf32, #tpu.memory_space<vmem>>, vector<1x16xf32>,
        %get3A_881 = vector.shape_cast %get3A_880 : vector<1x16xf32> to vector<16xf32>
        %add3A_882 = arith.addf %while3A_754, %get3A_881 : vector<16xf32>
        %get3A_883 = arith.index_cast %while3A_730 : i32 to index
        %get3A_884 = arith.constant 384 : index
        %get3A_885 = tpu.vector_load %arg9[%get3A_883, %get3A_884] {strides = array<i32>} : memref<64x512xf32, #tpu.memory_space<vmem>>, vector<1x16xf32>,
        %get3A_886 = vector.shape_cast %get3A_885 : vector<1x16xf32> to vector<16xf32>
        %add3A_887 = arith.addf %while3A_755, %get3A_886 : vector<16xf32>
        %get3A_888 = arith.index_cast %while3A_730 : i32 to index
        %get3A_889 = arith.constant 400 : index
        %get3A_890 = tpu.vector_load %arg9[%get3A_888, %get3A_889] {strides = array<i32>} : memref<64x512xf32, #tpu.memory_space<vmem>>, vector<1x16xf32>,
        %get3A_891 = vector.shape_cast %get3A_890 : vector<1x16xf32> to vector<16xf32>
        %add3A_892 = arith.addf %while3A_756, %get3A_891 : vector<16xf32>
        %get3A_893 = arith.index_cast %while3A_730 : i32 to index
        %get3A_894 = arith.constant 416 : index
        %get3A_895 = tpu.vector_load %arg9[%get3A_893, %get3A_894] {strides = array<i32>} : memref<64x512xf32, #tpu.memory_space<vmem>>, vector<1x16xf32>,
        %get3A_896 = vector.shape_cast %get3A_895 : vector<1x16xf32> to vector<16xf32>
        %add3A_897 = arith.addf %while3A_757, %get3A_896 : vector<16xf32>
        %get3A_898 = arith.index_cast %while3A_730 : i32 to index
        %get3A_899 = arith.constant 432 : index
        %get3A_900 = tpu.vector_load %arg9[%get3A_898, %get3A_899] {strides = array<i32>} : memref<64x512xf32, #tpu.memory_space<vmem>>, vector<1x16xf32>,
        %get3A_901 = vector.shape_cast %get3A_900 : vector<1x16xf32> to vector<16xf32>
        %add3A_902 = arith.addf %while3A_758, %get3A_901 : vector<16xf32>
        %get3A_903 = arith.index_cast %while3A_730 : i32 to index
        %get3A_904 = arith.constant 448 : index
        %get3A_905 = tpu.vector_load %arg9[%get3A_903, %get3A_904] {strides = array<i32>} : memref<64x512xf32, #tpu.memory_space<vmem>>, vector<1x16xf32>,
        %get3A_906 = vector.shape_cast %get3A_905 : vector<1x16xf32> to vector<16xf32>
        %add3A_907 = arith.addf %while3A_759, %get3A_906 : vector<16xf32>
        %get3A_908 = arith.index_cast %while3A_730 : i32 to index
        %get3A_909 = arith.constant 464 : index
        %get3A_910 = tpu.vector_load %arg9[%get3A_908, %get3A_909] {strides = array<i32>} : memref<64x512xf32, #tpu.memory_space<vmem>>, vector<1x16xf32>,
        %get3A_911 = vector.shape_cast %get3A_910 : vector<1x16xf32> to vector<16xf32>
        %add3A_912 = arith.addf %while3A_760, %get3A_911 : vector<16xf32>
        %get3A_913 = arith.index_cast %while3A_730 : i32 to index
        %get3A_914 = arith.constant 480 : index
        %get3A_915 = tpu.vector_load %arg9[%get3A_913, %get3A_914] {strides = array<i32>} : memref<64x512xf32, #tpu.memory_space<vmem>>, vector<1x16xf32>,
        %get3A_916 = vector.shape_cast %get3A_915 : vector<1x16xf32> to vector<16xf32>
        %add3A_917 = arith.addf %while3A_761, %get3A_916 : vector<16xf32>
        %get3A_918 = arith.index_cast %while3A_730 : i32 to index
        %get3A_919 = arith.constant 496 : index
        %get3A_920 = tpu.vector_load %arg9[%get3A_918, %get3A_919] {strides = array<i32>} : memref<64x512xf32, #tpu.memory_space<vmem>>, vector<1x16xf32>,
        %get3A_921 = vector.shape_cast %get3A_920 : vector<1x16xf32> to vector<16xf32>
        %add3A_922 = arith.addf %while3A_762, %get3A_921 : vector<16xf32>
        scf.yield %add3A_767, %add3A_772, %add3A_777, %add3A_782, %add3A_787, %add3A_792, %add3A_797, %add3A_802, %add3A_807, %add3A_812, %add3A_817, %add3A_822, %add3A_827, %add3A_832, %add3A_837, %add3A_842, %add3A_847, %add3A_852, %add3A_857, %add3A_862, %add3A_867, %add3A_872, %add3A_877, %add3A_882, %add3A_887, %add3A_892, %add3A_897, %add3A_902, %add3A_907, %add3A_912, %add3A_917, %add3A_922 : vector<16xf32>, vector<16xf32>, vector<16xf32>, vector<16xf32>, vector<16xf32>, vector<16xf32>, vector<16xf32>, vector<16xf32>, vector<16xf32>, vector<16xf32>, vector<16xf32>, vector<16xf32>, vector<16xf32>, vector<16xf32>, vector<16xf32>, vector<16xf32>, vector<16xf32>, vector<16xf32>, vector<16xf32>, vector<16xf32>, vector<16xf32>, vector<16xf32>, vector<16xf32>, vector<16xf32>, vector<16xf32>, vector<16xf32>, vector<16xf32>, vector<16xf32>, vector<16xf32>, vector<16xf32>, vector<16xf32>, vector<16xf32>
      }
      %sub3A_692 = arith.constant 1 : i32
      %sub3A_693 = arith.subi %squeeze3A_46, %sub3A_692 : i32
      %eq3A_694 = arith.cmpi eq, %add3A_484, %sub3A_693 : i32
      %convert_element_type3A_695 = arith.extui %eq3A_694 : i1 to i32
      %cond3A_696 = arith.constant 0 : i32
      %cond3A_697 = arith.cmpi ne, %convert_element_type3A_695, %cond3A_696 : i32
      scf.if %cond3A_697 {
        %mul3A_730 = vector.broadcast %squeeze3A_56 : f32 to vector<16xf32>
        %mul3A_731 = arith.mulf %while3A_691#0, %mul3A_730 : vector<16xf32>
        %swap3A_732 = arith.constant 0 : index
        %swap3A_733 = tpu.vector_load %arg10[%swap3A_732] {strides = array<i32>} : memref<512xf32, #tpu.memory_space<vmem>>, vector<16xf32>,
        %swap3A_734 = vector.shape_cast %swap3A_733 : vector<16xf32> to vector<16xf32>
        %swap3A_735 = vector.shape_cast %mul3A_731 : vector<16xf32> to vector<16xf32>
        tpu.vector_store %arg10[%swap3A_732], %swap3A_735 {strides = array<i32>} : memref<512xf32, #tpu.memory_space<vmem>>, vector<16xf32>,
        %mul3A_736 = vector.broadcast %squeeze3A_56 : f32 to vector<16xf32>
        %mul3A_737 = arith.mulf %while3A_691#1, %mul3A_736 : vector<16xf32>
        %swap3A_738 = arith.constant 16 : index
        %swap3A_739 = tpu.vector_load %arg10[%swap3A_738] {strides = array<i32>} : memref<512xf32, #tpu.memory_space<vmem>>, vector<16xf32>,
        %swap3A_740 = vector.shape_cast %swap3A_739 : vector<16xf32> to vector<16xf32>
        %swap3A_741 = vector.shape_cast %mul3A_737 : vector<16xf32> to vector<16xf32>
        tpu.vector_store %arg10[%swap3A_738], %swap3A_741 {strides = array<i32>} : memref<512xf32, #tpu.memory_space<vmem>>, vector<16xf32>,
        %mul3A_742 = vector.broadcast %squeeze3A_56 : f32 to vector<16xf32>
        %mul3A_743 = arith.mulf %while3A_691#2, %mul3A_742 : vector<16xf32>
        %swap3A_744 = arith.constant 32 : index
        %swap3A_745 = tpu.vector_load %arg10[%swap3A_744] {strides = array<i32>} : memref<512xf32, #tpu.memory_space<vmem>>, vector<16xf32>,
        %swap3A_746 = vector.shape_cast %swap3A_745 : vector<16xf32> to vector<16xf32>
        %swap3A_747 = vector.shape_cast %mul3A_743 : vector<16xf32> to vector<16xf32>
        tpu.vector_store %arg10[%swap3A_744], %swap3A_747 {strides = array<i32>} : memref<512xf32, #tpu.memory_space<vmem>>, vector<16xf32>,
        %mul3A_748 = vector.broadcast %squeeze3A_56 : f32 to vector<16xf32>
        %mul3A_749 = arith.mulf %while3A_691#3, %mul3A_748 : vector<16xf32>
        %swap3A_750 = arith.constant 48 : index
        %swap3A_751 = tpu.vector_load %arg10[%swap3A_750] {strides = array<i32>} : memref<512xf32, #tpu.memory_space<vmem>>, vector<16xf32>,
        %swap3A_752 = vector.shape_cast %swap3A_751 : vector<16xf32> to vector<16xf32>
        %swap3A_753 = vector.shape_cast %mul3A_749 : vector<16xf32> to vector<16xf32>
        tpu.vector_store %arg10[%swap3A_750], %swap3A_753 {strides = array<i32>} : memref<512xf32, #tpu.memory_space<vmem>>, vector<16xf32>,
        %mul3A_754 = vector.broadcast %squeeze3A_56 : f32 to vector<16xf32>
        %mul3A_755 = arith.mulf %while3A_691#4, %mul3A_754 : vector<16xf32>
        %swap3A_756 = arith.constant 64 : index
        %swap3A_757 = tpu.vector_load %arg10[%swap3A_756] {strides = array<i32>} : memref<512xf32, #tpu.memory_space<vmem>>, vector<16xf32>,
        %swap3A_758 = vector.shape_cast %swap3A_757 : vector<16xf32> to vector<16xf32>
        %swap3A_759 = vector.shape_cast %mul3A_755 : vector<16xf32> to vector<16xf32>
        tpu.vector_store %arg10[%swap3A_756], %swap3A_759 {strides = array<i32>} : memref<512xf32, #tpu.memory_space<vmem>>, vector<16xf32>,
        %mul3A_760 = vector.broadcast %squeeze3A_56 : f32 to vector<16xf32>
        %mul3A_761 = arith.mulf %while3A_691#5, %mul3A_760 : vector<16xf32>
        %swap3A_762 = arith.constant 80 : index
        %swap3A_763 = tpu.vector_load %arg10[%swap3A_762] {strides = array<i32>} : memref<512xf32, #tpu.memory_space<vmem>>, vector<16xf32>,
        %swap3A_764 = vector.shape_cast %swap3A_763 : vector<16xf32> to vector<16xf32>
        %swap3A_765 = vector.shape_cast %mul3A_761 : vector<16xf32> to vector<16xf32>
        tpu.vector_store %arg10[%swap3A_762], %swap3A_765 {strides = array<i32>} : memref<512xf32, #tpu.memory_space<vmem>>, vector<16xf32>,
        %mul3A_766 = vector.broadcast %squeeze3A_56 : f32 to vector<16xf32>
        %mul3A_767 = arith.mulf %while3A_691#6, %mul3A_766 : vector<16xf32>
        %swap3A_768 = arith.constant 96 : index
        %swap3A_769 = tpu.vector_load %arg10[%swap3A_768] {strides = array<i32>} : memref<512xf32, #tpu.memory_space<vmem>>, vector<16xf32>,
        %swap3A_770 = vector.shape_cast %swap3A_769 : vector<16xf32> to vector<16xf32>
        %swap3A_771 = vector.shape_cast %mul3A_767 : vector<16xf32> to vector<16xf32>
        tpu.vector_store %arg10[%swap3A_768], %swap3A_771 {strides = array<i32>} : memref<512xf32, #tpu.memory_space<vmem>>, vector<16xf32>,
        %mul3A_772 = vector.broadcast %squeeze3A_56 : f32 to vector<16xf32>
        %mul3A_773 = arith.mulf %while3A_691#7, %mul3A_772 : vector<16xf32>
        %swap3A_774 = arith.constant 112 : index
        %swap3A_775 = tpu.vector_load %arg10[%swap3A_774] {strides = array<i32>} : memref<512xf32, #tpu.memory_space<vmem>>, vector<16xf32>,
        %swap3A_776 = vector.shape_cast %swap3A_775 : vector<16xf32> to vector<16xf32>
        %swap3A_777 = vector.shape_cast %mul3A_773 : vector<16xf32> to vector<16xf32>
        tpu.vector_store %arg10[%swap3A_774], %swap3A_777 {strides = array<i32>} : memref<512xf32, #tpu.memory_space<vmem>>, vector<16xf32>,
        %mul3A_778 = vector.broadcast %squeeze3A_56 : f32 to vector<16xf32>
        %mul3A_779 = arith.mulf %while3A_691#8, %mul3A_778 : vector<16xf32>
        %swap3A_780 = arith.constant 128 : index
        %swap3A_781 = tpu.vector_load %arg10[%swap3A_780] {strides = array<i32>} : memref<512xf32, #tpu.memory_space<vmem>>, vector<16xf32>,
        %swap3A_782 = vector.shape_cast %swap3A_781 : vector<16xf32> to vector<16xf32>
        %swap3A_783 = vector.shape_cast %mul3A_779 : vector<16xf32> to vector<16xf32>
        tpu.vector_store %arg10[%swap3A_780], %swap3A_783 {strides = array<i32>} : memref<512xf32, #tpu.memory_space<vmem>>, vector<16xf32>,
        %mul3A_784 = vector.broadcast %squeeze3A_56 : f32 to vector<16xf32>
        %mul3A_785 = arith.mulf %while3A_691#9, %mul3A_784 : vector<16xf32>
        %swap3A_786 = arith.constant 144 : index
        %swap3A_787 = tpu.vector_load %arg10[%swap3A_786] {strides = array<i32>} : memref<512xf32, #tpu.memory_space<vmem>>, vector<16xf32>,
        %swap3A_788 = vector.shape_cast %swap3A_787 : vector<16xf32> to vector<16xf32>
        %swap3A_789 = vector.shape_cast %mul3A_785 : vector<16xf32> to vector<16xf32>
        tpu.vector_store %arg10[%swap3A_786], %swap3A_789 {strides = array<i32>} : memref<512xf32, #tpu.memory_space<vmem>>, vector<16xf32>,
        %mul3A_790 = vector.broadcast %squeeze3A_56 : f32 to vector<16xf32>
        %mul3A_791 = arith.mulf %while3A_691#10, %mul3A_790 : vector<16xf32>
        %swap3A_792 = arith.constant 160 : index
        %swap3A_793 = tpu.vector_load %arg10[%swap3A_792] {strides = array<i32>} : memref<512xf32, #tpu.memory_space<vmem>>, vector<16xf32>,
        %swap3A_794 = vector.shape_cast %swap3A_793 : vector<16xf32> to vector<16xf32>
        %swap3A_795 = vector.shape_cast %mul3A_791 : vector<16xf32> to vector<16xf32>
        tpu.vector_store %arg10[%swap3A_792], %swap3A_795 {strides = array<i32>} : memref<512xf32, #tpu.memory_space<vmem>>, vector<16xf32>,
        %mul3A_796 = vector.broadcast %squeeze3A_56 : f32 to vector<16xf32>
        %mul3A_797 = arith.mulf %while3A_691#11, %mul3A_796 : vector<16xf32>
        %swap3A_798 = arith.constant 176 : index
        %swap3A_799 = tpu.vector_load %arg10[%swap3A_798] {strides = array<i32>} : memref<512xf32, #tpu.memory_space<vmem>>, vector<16xf32>,
        %swap3A_800 = vector.shape_cast %swap3A_799 : vector<16xf32> to vector<16xf32>
        %swap3A_801 = vector.shape_cast %mul3A_797 : vector<16xf32> to vector<16xf32>
        tpu.vector_store %arg10[%swap3A_798], %swap3A_801 {strides = array<i32>} : memref<512xf32, #tpu.memory_space<vmem>>, vector<16xf32>,
        %mul3A_802 = vector.broadcast %squeeze3A_56 : f32 to vector<16xf32>
        %mul3A_803 = arith.mulf %while3A_691#12, %mul3A_802 : vector<16xf32>
        %swap3A_804 = arith.constant 192 : index
        %swap3A_805 = tpu.vector_load %arg10[%swap3A_804] {strides = array<i32>} : memref<512xf32, #tpu.memory_space<vmem>>, vector<16xf32>,
        %swap3A_806 = vector.shape_cast %swap3A_805 : vector<16xf32> to vector<16xf32>
        %swap3A_807 = vector.shape_cast %mul3A_803 : vector<16xf32> to vector<16xf32>
        tpu.vector_store %arg10[%swap3A_804], %swap3A_807 {strides = array<i32>} : memref<512xf32, #tpu.memory_space<vmem>>, vector<16xf32>,
        %mul3A_808 = vector.broadcast %squeeze3A_56 : f32 to vector<16xf32>
        %mul3A_809 = arith.mulf %while3A_691#13, %mul3A_808 : vector<16xf32>
        %swap3A_810 = arith.constant 208 : index
        %swap3A_811 = tpu.vector_load %arg10[%swap3A_810] {strides = array<i32>} : memref<512xf32, #tpu.memory_space<vmem>>, vector<16xf32>,
        %swap3A_812 = vector.shape_cast %swap3A_811 : vector<16xf32> to vector<16xf32>
        %swap3A_813 = vector.shape_cast %mul3A_809 : vector<16xf32> to vector<16xf32>
        tpu.vector_store %arg10[%swap3A_810], %swap3A_813 {strides = array<i32>} : memref<512xf32, #tpu.memory_space<vmem>>, vector<16xf32>,
        %mul3A_814 = vector.broadcast %squeeze3A_56 : f32 to vector<16xf32>
        %mul3A_815 = arith.mulf %while3A_691#14, %mul3A_814 : vector<16xf32>
        %swap3A_816 = arith.constant 224 : index
        %swap3A_817 = tpu.vector_load %arg10[%swap3A_816] {strides = array<i32>} : memref<512xf32, #tpu.memory_space<vmem>>, vector<16xf32>,
        %swap3A_818 = vector.shape_cast %swap3A_817 : vector<16xf32> to vector<16xf32>
        %swap3A_819 = vector.shape_cast %mul3A_815 : vector<16xf32> to vector<16xf32>
        tpu.vector_store %arg10[%swap3A_816], %swap3A_819 {strides = array<i32>} : memref<512xf32, #tpu.memory_space<vmem>>, vector<16xf32>,
        %mul3A_820 = vector.broadcast %squeeze3A_56 : f32 to vector<16xf32>
        %mul3A_821 = arith.mulf %while3A_691#15, %mul3A_820 : vector<16xf32>
        %swap3A_822 = arith.constant 240 : index
        %swap3A_823 = tpu.vector_load %arg10[%swap3A_822] {strides = array<i32>} : memref<512xf32, #tpu.memory_space<vmem>>, vector<16xf32>,
        %swap3A_824 = vector.shape_cast %swap3A_823 : vector<16xf32> to vector<16xf32>
        %swap3A_825 = vector.shape_cast %mul3A_821 : vector<16xf32> to vector<16xf32>
        tpu.vector_store %arg10[%swap3A_822], %swap3A_825 {strides = array<i32>} : memref<512xf32, #tpu.memory_space<vmem>>, vector<16xf32>,
        %mul3A_826 = vector.broadcast %squeeze3A_56 : f32 to vector<16xf32>
        %mul3A_827 = arith.mulf %while3A_691#16, %mul3A_826 : vector<16xf32>
        %swap3A_828 = arith.constant 256 : index
        %swap3A_829 = tpu.vector_load %arg10[%swap3A_828] {strides = array<i32>} : memref<512xf32, #tpu.memory_space<vmem>>, vector<16xf32>,
        %swap3A_830 = vector.shape_cast %swap3A_829 : vector<16xf32> to vector<16xf32>
        %swap3A_831 = vector.shape_cast %mul3A_827 : vector<16xf32> to vector<16xf32>
        tpu.vector_store %arg10[%swap3A_828], %swap3A_831 {strides = array<i32>} : memref<512xf32, #tpu.memory_space<vmem>>, vector<16xf32>,
        %mul3A_832 = vector.broadcast %squeeze3A_56 : f32 to vector<16xf32>
        %mul3A_833 = arith.mulf %while3A_691#17, %mul3A_832 : vector<16xf32>
        %swap3A_834 = arith.constant 272 : index
        %swap3A_835 = tpu.vector_load %arg10[%swap3A_834] {strides = array<i32>} : memref<512xf32, #tpu.memory_space<vmem>>, vector<16xf32>,
        %swap3A_836 = vector.shape_cast %swap3A_835 : vector<16xf32> to vector<16xf32>
        %swap3A_837 = vector.shape_cast %mul3A_833 : vector<16xf32> to vector<16xf32>
        tpu.vector_store %arg10[%swap3A_834], %swap3A_837 {strides = array<i32>} : memref<512xf32, #tpu.memory_space<vmem>>, vector<16xf32>,
        %mul3A_838 = vector.broadcast %squeeze3A_56 : f32 to vector<16xf32>
        %mul3A_839 = arith.mulf %while3A_691#18, %mul3A_838 : vector<16xf32>
        %swap3A_840 = arith.constant 288 : index
        %swap3A_841 = tpu.vector_load %arg10[%swap3A_840] {strides = array<i32>} : memref<512xf32, #tpu.memory_space<vmem>>, vector<16xf32>,
        %swap3A_842 = vector.shape_cast %swap3A_841 : vector<16xf32> to vector<16xf32>
        %swap3A_843 = vector.shape_cast %mul3A_839 : vector<16xf32> to vector<16xf32>
        tpu.vector_store %arg10[%swap3A_840], %swap3A_843 {strides = array<i32>} : memref<512xf32, #tpu.memory_space<vmem>>, vector<16xf32>,
        %mul3A_844 = vector.broadcast %squeeze3A_56 : f32 to vector<16xf32>
        %mul3A_845 = arith.mulf %while3A_691#19, %mul3A_844 : vector<16xf32>
        %swap3A_846 = arith.constant 304 : index
        %swap3A_847 = tpu.vector_load %arg10[%swap3A_846] {strides = array<i32>} : memref<512xf32, #tpu.memory_space<vmem>>, vector<16xf32>,
        %swap3A_848 = vector.shape_cast %swap3A_847 : vector<16xf32> to vector<16xf32>
        %swap3A_849 = vector.shape_cast %mul3A_845 : vector<16xf32> to vector<16xf32>
        tpu.vector_store %arg10[%swap3A_846], %swap3A_849 {strides = array<i32>} : memref<512xf32, #tpu.memory_space<vmem>>, vector<16xf32>,
        %mul3A_850 = vector.broadcast %squeeze3A_56 : f32 to vector<16xf32>
        %mul3A_851 = arith.mulf %while3A_691#20, %mul3A_850 : vector<16xf32>
        %swap3A_852 = arith.constant 320 : index
        %swap3A_853 = tpu.vector_load %arg10[%swap3A_852] {strides = array<i32>} : memref<512xf32, #tpu.memory_space<vmem>>, vector<16xf32>,
        %swap3A_854 = vector.shape_cast %swap3A_853 : vector<16xf32> to vector<16xf32>
        %swap3A_855 = vector.shape_cast %mul3A_851 : vector<16xf32> to vector<16xf32>
        tpu.vector_store %arg10[%swap3A_852], %swap3A_855 {strides = array<i32>} : memref<512xf32, #tpu.memory_space<vmem>>, vector<16xf32>,
        %mul3A_856 = vector.broadcast %squeeze3A_56 : f32 to vector<16xf32>
        %mul3A_857 = arith.mulf %while3A_691#21, %mul3A_856 : vector<16xf32>
        %swap3A_858 = arith.constant 336 : index
        %swap3A_859 = tpu.vector_load %arg10[%swap3A_858] {strides = array<i32>} : memref<512xf32, #tpu.memory_space<vmem>>, vector<16xf32>,
        %swap3A_860 = vector.shape_cast %swap3A_859 : vector<16xf32> to vector<16xf32>
        %swap3A_861 = vector.shape_cast %mul3A_857 : vector<16xf32> to vector<16xf32>
        tpu.vector_store %arg10[%swap3A_858], %swap3A_861 {strides = array<i32>} : memref<512xf32, #tpu.memory_space<vmem>>, vector<16xf32>,
        %mul3A_862 = vector.broadcast %squeeze3A_56 : f32 to vector<16xf32>
        %mul3A_863 = arith.mulf %while3A_691#22, %mul3A_862 : vector<16xf32>
        %swap3A_864 = arith.constant 352 : index
        %swap3A_865 = tpu.vector_load %arg10[%swap3A_864] {strides = array<i32>} : memref<512xf32, #tpu.memory_space<vmem>>, vector<16xf32>,
        %swap3A_866 = vector.shape_cast %swap3A_865 : vector<16xf32> to vector<16xf32>
        %swap3A_867 = vector.shape_cast %mul3A_863 : vector<16xf32> to vector<16xf32>
        tpu.vector_store %arg10[%swap3A_864], %swap3A_867 {strides = array<i32>} : memref<512xf32, #tpu.memory_space<vmem>>, vector<16xf32>,
        %mul3A_868 = vector.broadcast %squeeze3A_56 : f32 to vector<16xf32>
        %mul3A_869 = arith.mulf %while3A_691#23, %mul3A_868 : vector<16xf32>
        %swap3A_870 = arith.constant 368 : index
        %swap3A_871 = tpu.vector_load %arg10[%swap3A_870] {strides = array<i32>} : memref<512xf32, #tpu.memory_space<vmem>>, vector<16xf32>,
        %swap3A_872 = vector.shape_cast %swap3A_871 : vector<16xf32> to vector<16xf32>
        %swap3A_873 = vector.shape_cast %mul3A_869 : vector<16xf32> to vector<16xf32>
        tpu.vector_store %arg10[%swap3A_870], %swap3A_873 {strides = array<i32>} : memref<512xf32, #tpu.memory_space<vmem>>, vector<16xf32>,
        %mul3A_874 = vector.broadcast %squeeze3A_56 : f32 to vector<16xf32>
        %mul3A_875 = arith.mulf %while3A_691#24, %mul3A_874 : vector<16xf32>
        %swap3A_876 = arith.constant 384 : index
        %swap3A_877 = tpu.vector_load %arg10[%swap3A_876] {strides = array<i32>} : memref<512xf32, #tpu.memory_space<vmem>>, vector<16xf32>,
        %swap3A_878 = vector.shape_cast %swap3A_877 : vector<16xf32> to vector<16xf32>
        %swap3A_879 = vector.shape_cast %mul3A_875 : vector<16xf32> to vector<16xf32>
        tpu.vector_store %arg10[%swap3A_876], %swap3A_879 {strides = array<i32>} : memref<512xf32, #tpu.memory_space<vmem>>, vector<16xf32>,
        %mul3A_880 = vector.broadcast %squeeze3A_56 : f32 to vector<16xf32>
        %mul3A_881 = arith.mulf %while3A_691#25, %mul3A_880 : vector<16xf32>
        %swap3A_882 = arith.constant 400 : index
        %swap3A_883 = tpu.vector_load %arg10[%swap3A_882] {strides = array<i32>} : memref<512xf32, #tpu.memory_space<vmem>>, vector<16xf32>,
        %swap3A_884 = vector.shape_cast %swap3A_883 : vector<16xf32> to vector<16xf32>
        %swap3A_885 = vector.shape_cast %mul3A_881 : vector<16xf32> to vector<16xf32>
        tpu.vector_store %arg10[%swap3A_882], %swap3A_885 {strides = array<i32>} : memref<512xf32, #tpu.memory_space<vmem>>, vector<16xf32>,
        %mul3A_886 = vector.broadcast %squeeze3A_56 : f32 to vector<16xf32>
        %mul3A_887 = arith.mulf %while3A_691#26, %mul3A_886 : vector<16xf32>
        %swap3A_888 = arith.constant 416 : index
        %swap3A_889 = tpu.vector_load %arg10[%swap3A_888] {strides = array<i32>} : memref<512xf32, #tpu.memory_space<vmem>>, vector<16xf32>,
        %swap3A_890 = vector.shape_cast %swap3A_889 : vector<16xf32> to vector<16xf32>
        %swap3A_891 = vector.shape_cast %mul3A_887 : vector<16xf32> to vector<16xf32>
        tpu.vector_store %arg10[%swap3A_888], %swap3A_891 {strides = array<i32>} : memref<512xf32, #tpu.memory_space<vmem>>, vector<16xf32>,
        %mul3A_892 = vector.broadcast %squeeze3A_56 : f32 to vector<16xf32>
        %mul3A_893 = arith.mulf %while3A_691#27, %mul3A_892 : vector<16xf32>
        %swap3A_894 = arith.constant 432 : index
        %swap3A_895 = tpu.vector_load %arg10[%swap3A_894] {strides = array<i32>} : memref<512xf32, #tpu.memory_space<vmem>>, vector<16xf32>,
        %swap3A_896 = vector.shape_cast %swap3A_895 : vector<16xf32> to vector<16xf32>
        %swap3A_897 = vector.shape_cast %mul3A_893 : vector<16xf32> to vector<16xf32>
        tpu.vector_store %arg10[%swap3A_894], %swap3A_897 {strides = array<i32>} : memref<512xf32, #tpu.memory_space<vmem>>, vector<16xf32>,
        %mul3A_898 = vector.broadcast %squeeze3A_56 : f32 to vector<16xf32>
        %mul3A_899 = arith.mulf %while3A_691#28, %mul3A_898 : vector<16xf32>
        %swap3A_900 = arith.constant 448 : index
        %swap3A_901 = tpu.vector_load %arg10[%swap3A_900] {strides = array<i32>} : memref<512xf32, #tpu.memory_space<vmem>>, vector<16xf32>,
        %swap3A_902 = vector.shape_cast %swap3A_901 : vector<16xf32> to vector<16xf32>
        %swap3A_903 = vector.shape_cast %mul3A_899 : vector<16xf32> to vector<16xf32>
        tpu.vector_store %arg10[%swap3A_900], %swap3A_903 {strides = array<i32>} : memref<512xf32, #tpu.memory_space<vmem>>, vector<16xf32>,
        %mul3A_904 = vector.broadcast %squeeze3A_56 : f32 to vector<16xf32>
        %mul3A_905 = arith.mulf %while3A_691#29, %mul3A_904 : vector<16xf32>
        %swap3A_906 = arith.constant 464 : index
        %swap3A_907 = tpu.vector_load %arg10[%swap3A_906] {strides = array<i32>} : memref<512xf32, #tpu.memory_space<vmem>>, vector<16xf32>,
        %swap3A_908 = vector.shape_cast %swap3A_907 : vector<16xf32> to vector<16xf32>
        %swap3A_909 = vector.shape_cast %mul3A_905 : vector<16xf32> to vector<16xf32>
        tpu.vector_store %arg10[%swap3A_906], %swap3A_909 {strides = array<i32>} : memref<512xf32, #tpu.memory_space<vmem>>, vector<16xf32>,
        %mul3A_910 = vector.broadcast %squeeze3A_56 : f32 to vector<16xf32>
        %mul3A_911 = arith.mulf %while3A_691#30, %mul3A_910 : vector<16xf32>
        %swap3A_912 = arith.constant 480 : index
        %swap3A_913 = tpu.vector_load %arg10[%swap3A_912] {strides = array<i32>} : memref<512xf32, #tpu.memory_space<vmem>>, vector<16xf32>,
        %swap3A_914 = vector.shape_cast %swap3A_913 : vector<16xf32> to vector<16xf32>
        %swap3A_915 = vector.shape_cast %mul3A_911 : vector<16xf32> to vector<16xf32>
        tpu.vector_store %arg10[%swap3A_912], %swap3A_915 {strides = array<i32>} : memref<512xf32, #tpu.memory_space<vmem>>, vector<16xf32>,
        %mul3A_916 = vector.broadcast %squeeze3A_56 : f32 to vector<16xf32>
        %mul3A_917 = arith.mulf %while3A_691#31, %mul3A_916 : vector<16xf32>
        %swap3A_918 = arith.constant 496 : index
        %swap3A_919 = tpu.vector_load %arg10[%swap3A_918] {strides = array<i32>} : memref<512xf32, #tpu.memory_space<vmem>>, vector<16xf32>,
        %swap3A_920 = vector.shape_cast %swap3A_919 : vector<16xf32> to vector<16xf32>
        %swap3A_921 = vector.shape_cast %mul3A_917 : vector<16xf32> to vector<16xf32>
        tpu.vector_store %arg10[%swap3A_918], %swap3A_921 {strides = array<i32>} : memref<512xf32, #tpu.memory_space<vmem>>, vector<16xf32>,
      } else {
      }
      %select_n3A_698 = arith.select %eq3A_694, %broadcast_in_dim3A_60, %while3A_691#0 : vector<16xf32>
      %select_n3A_699 = arith.select %eq3A_694, %broadcast_in_dim3A_60, %while3A_691#1 : vector<16xf32>
      %select_n3A_700 = arith.select %eq3A_694, %broadcast_in_dim3A_60, %while3A_691#2 : vector<16xf32>
      %select_n3A_701 = arith.select %eq3A_694, %broadcast_in_dim3A_60, %while3A_691#3 : vector<16xf32>
      %select_n3A_702 = arith.select %eq3A_694, %broadcast_in_dim3A_60, %while3A_691#4 : vector<16xf32>
      %select_n3A_703 = arith.select %eq3A_694, %broadcast_in_dim3A_60, %while3A_691#5 : vector<16xf32>
      %select_n3A_704 = arith.select %eq3A_694, %broadcast_in_dim3A_60, %while3A_691#6 : vector<16xf32>
      %select_n3A_705 = arith.select %eq3A_694, %broadcast_in_dim3A_60, %while3A_691#7 : vector<16xf32>
      %select_n3A_706 = arith.select %eq3A_694, %broadcast_in_dim3A_60, %while3A_691#8 : vector<16xf32>
      %select_n3A_707 = arith.select %eq3A_694, %broadcast_in_dim3A_60, %while3A_691#9 : vector<16xf32>
      %select_n3A_708 = arith.select %eq3A_694, %broadcast_in_dim3A_60, %while3A_691#10 : vector<16xf32>
      %select_n3A_709 = arith.select %eq3A_694, %broadcast_in_dim3A_60, %while3A_691#11 : vector<16xf32>
      %select_n3A_710 = arith.select %eq3A_694, %broadcast_in_dim3A_60, %while3A_691#12 : vector<16xf32>
      %select_n3A_711 = arith.select %eq3A_694, %broadcast_in_dim3A_60, %while3A_691#13 : vector<16xf32>
      %select_n3A_712 = arith.select %eq3A_694, %broadcast_in_dim3A_60, %while3A_691#14 : vector<16xf32>
      %select_n3A_713 = arith.select %eq3A_694, %broadcast_in_dim3A_60, %while3A_691#15 : vector<16xf32>
      %select_n3A_714 = arith.select %eq3A_694, %broadcast_in_dim3A_60, %while3A_691#16 : vector<16xf32>
      %select_n3A_715 = arith.select %eq3A_694, %broadcast_in_dim3A_60, %while3A_691#17 : vector<16xf32>
      %select_n3A_716 = arith.select %eq3A_694, %broadcast_in_dim3A_60, %while3A_691#18 : vector<16xf32>
      %select_n3A_717 = arith.select %eq3A_694, %broadcast_in_dim3A_60, %while3A_691#19 : vector<16xf32>
      %select_n3A_718 = arith.select %eq3A_694, %broadcast_in_dim3A_60, %while3A_691#20 : vector<16xf32>
      %select_n3A_719 = arith.select %eq3A_694, %broadcast_in_dim3A_60, %while3A_691#21 : vector<16xf32>
      %select_n3A_720 = arith.select %eq3A_694, %broadcast_in_dim3A_60, %while3A_691#22 : vector<16xf32>
      %select_n3A_721 = arith.select %eq3A_694, %broadcast_in_dim3A_60, %while3A_691#23 : vector<16xf32>
      %select_n3A_722 = arith.select %eq3A_694, %broadcast_in_dim3A_60, %while3A_691#24 : vector<16xf32>
      %select_n3A_723 = arith.select %eq3A_694, %broadcast_in_dim3A_60, %while3A_691#25 : vector<16xf32>
      %select_n3A_724 = arith.select %eq3A_694, %broadcast_in_dim3A_60, %while3A_691#26 : vector<16xf32>
      %select_n3A_725 = arith.select %eq3A_694, %broadcast_in_dim3A_60, %while3A_691#27 : vector<16xf32>
      %select_n3A_726 = arith.select %eq3A_694, %broadcast_in_dim3A_60, %while3A_691#28 : vector<16xf32>
      %select_n3A_727 = arith.select %eq3A_694, %broadcast_in_dim3A_60, %while3A_691#29 : vector<16xf32>
      %select_n3A_728 = arith.select %eq3A_694, %broadcast_in_dim3A_60, %while3A_691#30 : vector<16xf32>
      %select_n3A_729 = arith.select %eq3A_694, %broadcast_in_dim3A_60, %while3A_691#31 : vector<16xf32>
      scf.yield %select_n3A_698, %select_n3A_699, %select_n3A_700, %select_n3A_701, %select_n3A_702, %select_n3A_703, %select_n3A_704, %select_n3A_705, %select_n3A_706, %select_n3A_707, %select_n3A_708, %select_n3A_709, %select_n3A_710, %select_n3A_711, %select_n3A_712, %select_n3A_713, %select_n3A_714, %select_n3A_715, %select_n3A_716, %select_n3A_717, %select_n3A_718, %select_n3A_719, %select_n3A_720, %select_n3A_721, %select_n3A_722, %select_n3A_723, %select_n3A_724, %select_n3A_725, %select_n3A_726, %select_n3A_727, %select_n3A_728, %select_n3A_729 : vector<16xf32>, vector<16xf32>, vector<16xf32>, vector<16xf32>, vector<16xf32>, vector<16xf32>, vector<16xf32>, vector<16xf32>, vector<16xf32>, vector<16xf32>, vector<16xf32>, vector<16xf32>, vector<16xf32>, vector<16xf32>, vector<16xf32>, vector<16xf32>, vector<16xf32>, vector<16xf32>, vector<16xf32>, vector<16xf32>, vector<16xf32>, vector<16xf32>, vector<16xf32>, vector<16xf32>, vector<16xf32>, vector<16xf32>, vector<16xf32>, vector<16xf32>, vector<16xf32>, vector<16xf32>, vector<16xf32>, vector<16xf32>
    }
    %while3A_123 = arith.constant 1 : i32
    %while3A_124:32 = scf.for %while3A_448 = %while3A_120 to %while3A_116 step %while3A_123 iter_args(%while3A_449 = %while3A_122#0, %while3A_450 = %while3A_122#1, %while3A_451 = %while3A_122#2, %while3A_452 = %while3A_122#3, %while3A_453 = %while3A_122#4, %while3A_454 = %while3A_122#5, %while3A_455 = %while3A_122#6, %while3A_456 = %while3A_122#7, %while3A_457 = %while3A_122#8, %while3A_458 = %while3A_122#9, %while3A_459 = %while3A_122#10, %while3A_460 = %while3A_122#11, %while3A_461 = %while3A_122#12, %while3A_462 = %while3A_122#13, %while3A_463 = %while3A_122#14, %while3A_464 = %while3A_122#15, %while3A_465 = %while3A_122#16, %while3A_466 = %while3A_122#17, %while3A_467 = %while3A_122#18, %while3A_468 = %while3A_122#19, %while3A_469 = %while3A_122#20, %while3A_470 = %while3A_122#21, %while3A_471 = %while3A_122#22, %while3A_472 = %while3A_122#23, %while3A_473 = %while3A_122#24, %while3A_474 = %while3A_122#25, %while3A_475 = %while3A_122#26, %while3A_476 = %while3A_122#27, %while3A_477 = %while3A_122#28, %while3A_478 = %while3A_122#29, %while3A_479 = %while3A_122#30, %while3A_480 = %while3A_122#31) -> (vector<16xf32>, vector<16xf32>, vector<16xf32>, vector<16xf32>, vector<16xf32>, vector<16xf32>, vector<16xf32>, vector<16xf32>, vector<16xf32>, vector<16xf32>, vector<16xf32>, vector<16xf32>, vector<16xf32>, vector<16xf32>, vector<16xf32>, vector<16xf32>, vector<16xf32>, vector<16xf32>, vector<16xf32>, vector<16xf32>, vector<16xf32>, vector<16xf32>, vector<16xf32>, vector<16xf32>, vector<16xf32>, vector<16xf32>, vector<16xf32>, vector<16xf32>, vector<16xf32>, vector<16xf32>, vector<16xf32>, vector<16xf32>)  : i32 {
      %mul3A_481 = arith.constant 2 : i32
      %mul3A_482 = arith.muli %mul3A_481, %while3A_448 : i32
      %add3A_483 = arith.constant 1 : i32
      %add3A_484 = arith.addi %mul3A_482, %add3A_483 : i32
      %sub3A_485 = arith.constant 1 : i32
      %sub3A_486 = arith.subi %add3A_59, %sub3A_485 : i32
      %min3A_487 = arith.minsi %add3A_484, %sub3A_486 : i32
      %lt3A_488 = arith.cmpi slt, %min3A_487, %squeeze3A_46 : i32
      %select_n3A_489 = arith.select %lt3A_488, %squeeze3A, %squeeze3A_48 : i32
      %select_n3A_490 = arith.select %lt3A_488, %squeeze3A_42, %squeeze3A_50 : i32
      %select_n3A_491 = arith.select %lt3A_488, %squeeze3A_44, %squeeze3A_52 : i32
      %jit3A_492 = arith.constant 0 : i32
      %select_n3A_493 = arith.select %lt3A_488, %jit3A_492, %squeeze3A_46 : i32
      %sub3A_494 = arith.subi %min3A_487, %select_n3A_493 : i32
      %mul3A_495 = arith.constant 64 : i32
      %mul3A_496 = arith.muli %sub3A_494, %mul3A_495 : i32
      %add3A_497 = arith.addi %select_n3A_491, %mul3A_496 : i32
      %min3A_498 = arith.constant 1984 : i32
      %min3A_499 = arith.minsi %add3A_497, %min3A_498 : i32
      %multiple_of3A_500 = tpu.assume_multiple %min3A_499, 8 : i32
      %max3A_501 = arith.maxsi %select_n3A_489, %add3A_497 : i32
      %sub3A_502 = arith.subi %max3A_501, %multiple_of3A_500 : i32
      %add3A_503 = arith.constant 64 : i32
      %add3A_504 = arith.addi %add3A_497, %add3A_503 : i32
      %sub3A_505 = arith.constant 1 : i32
      %sub3A_506 = arith.subi %add3A_504, %sub3A_505 : i32
      %min3A_507 = arith.minsi %select_n3A_490, %sub3A_506 : i32
      %sub3A_508 = arith.subi %min3A_507, %multiple_of3A_500 : i32
      %add3A_509 = arith.constant 1 : i32
      %add3A_510 = arith.addi %sub3A_508, %add3A_509 : i32
      %dma_start3A_511 = tpu.memref_slice %arg2[%select_n3A, %multiple_of3A_500, %multiple_of3A] : memref<4x2048x4096xf32, #tpu.memory_space<hbm>> -> memref<1x64x512xf32, #tpu.memory_space<hbm>>
      %dma_start3A_512 = tpu.memref_squeeze %dma_start3A_511 : memref<1x64x512xf32, #tpu.memory_space<hbm>> -> memref<64x512xf32, #tpu.memory_space<hbm>>
      %dma_start3A_513 = tpu.memref_slice %arg2[%select_n3A, %multiple_of3A_500, %multiple_of3A] : memref<4x2048x4096xf32, #tpu.memory_space<hbm>> -> memref<1x64x512xf32, #tpu.memory_space<hbm>>
      %dma_start3A_514 = tpu.memref_squeeze %dma_start3A_513 : memref<1x64x512xf32, #tpu.memory_space<hbm>> -> memref<64x512xf32, #tpu.memory_space<hbm>>
      tpu.enqueue_dma source(%dma_start3A_514 : memref<64x512xf32, #tpu.memory_space<hbm>>) target(%arg9 : memref<64x512xf32, #tpu.memory_space<vmem>>) target_semaphore(%arg12 : memref<!tpu.dma_semaphore, #tpu.memory_space<semaphore_mem>>)
      %sub3A_515 = arith.constant 1 : i32
      %sub3A_516 = arith.subi %add3A_59, %sub3A_515 : i32
      %min3A_517 = arith.minsi %mul3A_482, %sub3A_516 : i32
      %lt3A_518 = arith.cmpi slt, %min3A_517, %squeeze3A_46 : i32
      %select_n3A_519 = arith.select %lt3A_518, %squeeze3A, %squeeze3A_48 : i32
      %select_n3A_520 = arith.select %lt3A_518, %squeeze3A_42, %squeeze3A_50 : i32
      %select_n3A_521 = arith.select %lt3A_518, %squeeze3A_44, %squeeze3A_52 : i32
      %jit3A_522 = arith.constant 0 : i32
      %select_n3A_523 = arith.select %lt3A_518, %jit3A_522, %squeeze3A_46 : i32
      %sub3A_524 = arith.subi %min3A_517, %select_n3A_523 : i32
      %mul3A_525 = arith.constant 64 : i32
      %mul3A_526 = arith.muli %sub3A_524, %mul3A_525 : i32
      %add3A_527 = arith.addi %select_n3A_521, %mul3A_526 : i32
      %min3A_528 = arith.constant 1984 : i32
      %min3A_529 = arith.minsi %add3A_527, %min3A_528 : i32
      %multiple_of3A_530 = tpu.assume_multiple %min3A_529, 8 : i32
      %max3A_531 = arith.maxsi %select_n3A_519, %add3A_527 : i32
      %sub3A_532 = arith.subi %max3A_531, %multiple_of3A_530 : i32
      %add3A_533 = arith.constant 64 : i32
      %add3A_534 = arith.addi %add3A_527, %add3A_533 : i32
      %sub3A_535 = arith.constant 1 : i32
      %sub3A_536 = arith.subi %add3A_534, %sub3A_535 : i32
      %min3A_537 = arith.minsi %select_n3A_520, %sub3A_536 : i32
      %sub3A_538 = arith.subi %min3A_537, %multiple_of3A_530 : i32
      %add3A_539 = arith.constant 1 : i32
      %add3A_540 = arith.addi %sub3A_538, %add3A_539 : i32
      %dma_wait3A = tpu.memref_slice %arg2[%select_n3A, %multiple_of3A_530, %multiple_of3A] : memref<4x2048x4096xf32, #tpu.memory_space<hbm>> -> memref<1x64x512xf32, #tpu.memory_space<hbm>>
      %dma_wait3A_541 = tpu.memref_squeeze %dma_wait3A : memref<1x64x512xf32, #tpu.memory_space<hbm>> -> memref<64x512xf32, #tpu.memory_space<hbm>>
      %dma_wait3A_542 = tpu.memref_slice %arg2[%select_n3A, %multiple_of3A_530, %multiple_of3A] : memref<4x2048x4096xf32, #tpu.memory_space<hbm>> -> memref<1x64x512xf32, #tpu.memory_space<hbm>>
      %dma_wait3A_543 = tpu.memref_squeeze %dma_wait3A_542 : memref<1x64x512xf32, #tpu.memory_space<hbm>> -> memref<64x512xf32, #tpu.memory_space<hbm>>
      tpu.wait_dma2 semaphore(%arg11 : memref<!tpu.dma_semaphore, #tpu.memory_space<semaphore_mem>>) src(%dma_wait3A_543 : memref<64x512xf32, #tpu.memory_space<hbm>>) dst(%arg8 : memref<64x512xf32, #tpu.memory_space<vmem>>)
      %sub3A_544 = arith.constant 1 : i32
      %sub3A_545 = arith.subi %add3A_59, %sub3A_544 : i32
      %min3A_546 = arith.minsi %mul3A_482, %sub3A_545 : i32
      %lt3A_547 = arith.cmpi slt, %min3A_546, %squeeze3A_46 : i32
      %select_n3A_548 = arith.select %lt3A_547, %squeeze3A, %squeeze3A_48 : i32
      %select_n3A_549 = arith.select %lt3A_547, %squeeze3A_42, %squeeze3A_50 : i32
      %select_n3A_550 = arith.select %lt3A_547, %squeeze3A_44, %squeeze3A_52 : i32
      %jit3A_551 = arith.constant 0 : i32
      %select_n3A_552 = arith.select %lt3A_547, %jit3A_551, %squeeze3A_46 : i32
      %sub3A_553 = arith.subi %min3A_546, %select_n3A_552 : i32
      %mul3A_554 = arith.constant 64 : i32
      %mul3A_555 = arith.muli %sub3A_553, %mul3A_554 : i32
      %add3A_556 = arith.addi %select_n3A_550, %mul3A_555 : i32
      %min3A_557 = arith.constant 1984 : i32
      %min3A_558 = arith.minsi %add3A_556, %min3A_557 : i32
      %multiple_of3A_559 = tpu.assume_multiple %min3A_558, 8 : i32
      %max3A_560 = arith.maxsi %select_n3A_548, %add3A_556 : i32
      %sub3A_561 = arith.subi %max3A_560, %multiple_of3A_559 : i32
      %add3A_562 = arith.constant 64 : i32
      %add3A_563 = arith.addi %add3A_556, %add3A_562 : i32
      %sub3A_564 = arith.constant 1 : i32
      %sub3A_565 = arith.subi %add3A_563, %sub3A_564 : i32
      %min3A_566 = arith.minsi %select_n3A_549, %sub3A_565 : i32
      %sub3A_567 = arith.subi %min3A_566, %multiple_of3A_559 : i32
      %add3A_568 = arith.constant 1 : i32
      %add3A_569 = arith.addi %sub3A_567, %add3A_568 : i32
      %jit3A_570 = arith.constant true
      %select_n3A_571 = arith.select %jit3A_570, %add3A_569, %sub3A_561 : i32
      %while3A_572 = arith.subi %select_n3A_571, %sub3A_561 : i32
      %while3A_573 = arith.addi %sub3A_561, %while3A_572 : i32
      %while3A_574 = arith.constant 1 : i32
      %while3A_575 = arith.divsi %while3A_572, %while3A_574 : i32
      %while3A_576 = arith.muli %while3A_575, %while3A_574 : i32
      %while3A_577 = arith.addi %sub3A_561, %while3A_576 : i32
      %while3A_578 = arith.constant 1 : i32
      %while3A_579:32 = scf.for %while3A_730 = %sub3A_561 to %while3A_577 step %while3A_578 iter_args(%while3A_731 = %while3A_449, %while3A_732 = %while3A_450, %while3A_733 = %while3A_451, %while3A_734 = %while3A_452, %while3A_735 = %while3A_453, %while3A_736 = %while3A_454, %while3A_737 = %while3A_455, %while3A_738 = %while3A_456, %while3A_739 = %while3A_457, %while3A_740 = %while3A_458, %while3A_741 = %while3A_459, %while3A_742 = %while3A_460, %while3A_743 = %while3A_461, %while3A_744 = %while3A_462, %while3A_745 = %while3A_463, %while3A_746 = %while3A_464, %while3A_747 = %while3A_465, %while3A_748 = %while3A_466, %while3A_749 = %while3A_467, %while3A_750 = %while3A_468, %while3A_751 = %while3A_469, %while3A_752 = %while3A_470, %while3A_753 = %while3A_471, %while3A_754 = %while3A_472, %while3A_755 = %while3A_473, %while3A_756 = %while3A_474, %while3A_757 = %while3A_475, %while3A_758 = %while3A_476, %while3A_759 = %while3A_477, %while3A_760 = %while3A_478, %while3A_761 = %while3A_479, %while3A_762 = %while3A_480) -> (vector<16xf32>, vector<16xf32>, vector<16xf32>, vector<16xf32>, vector<16xf32>, vector<16xf32>, vector<16xf32>, vector<16xf32>, vector<16xf32>, vector<16xf32>, vector<16xf32>, vector<16xf32>, vector<16xf32>, vector<16xf32>, vector<16xf32>, vector<16xf32>, vector<16xf32>, vector<16xf32>, vector<16xf32>, vector<16xf32>, vector<16xf32>, vector<16xf32>, vector<16xf32>, vector<16xf32>, vector<16xf32>, vector<16xf32>, vector<16xf32>, vector<16xf32>, vector<16xf32>, vector<16xf32>, vector<16xf32>, vector<16xf32>)  : i32 {
        %get3A_763 = arith.index_cast %while3A_730 : i32 to index
        %get3A_764 = arith.constant 0 : index
        %get3A_765 = tpu.vector_load %arg8[%get3A_763, %get3A_764] {strides = array<i32>} : memref<64x512xf32, #tpu.memory_space<vmem>>, vector<1x16xf32>,
        %get3A_766 = vector.shape_cast %get3A_765 : vector<1x16xf32> to vector<16xf32>
        %add3A_767 = arith.addf %while3A_731, %get3A_766 : vector<16xf32>
        %get3A_768 = arith.index_cast %while3A_730 : i32 to index
        %get3A_769 = arith.constant 16 : index
        %get3A_770 = tpu.vector_load %arg8[%get3A_768, %get3A_769] {strides = array<i32>} : memref<64x512xf32, #tpu.memory_space<vmem>>, vector<1x16xf32>,
        %get3A_771 = vector.shape_cast %get3A_770 : vector<1x16xf32> to vector<16xf32>
        %add3A_772 = arith.addf %while3A_732, %get3A_771 : vector<16xf32>
        %get3A_773 = arith.index_cast %while3A_730 : i32 to index
        %get3A_774 = arith.constant 32 : index
        %get3A_775 = tpu.vector_load %arg8[%get3A_773, %get3A_774] {strides = array<i32>} : memref<64x512xf32, #tpu.memory_space<vmem>>, vector<1x16xf32>,
        %get3A_776 = vector.shape_cast %get3A_775 : vector<1x16xf32> to vector<16xf32>
        %add3A_777 = arith.addf %while3A_733, %get3A_776 : vector<16xf32>
        %get3A_778 = arith.index_cast %while3A_730 : i32 to index
        %get3A_779 = arith.constant 48 : index
        %get3A_780 = tpu.vector_load %arg8[%get3A_778, %get3A_779] {strides = array<i32>} : memref<64x512xf32, #tpu.memory_space<vmem>>, vector<1x16xf32>,
        %get3A_781 = vector.shape_cast %get3A_780 : vector<1x16xf32> to vector<16xf32>
        %add3A_782 = arith.addf %while3A_734, %get3A_781 : vector<16xf32>
        %get3A_783 = arith.index_cast %while3A_730 : i32 to index
        %get3A_784 = arith.constant 64 : index
        %get3A_785 = tpu.vector_load %arg8[%get3A_783, %get3A_784] {strides = array<i32>} : memref<64x512xf32, #tpu.memory_space<vmem>>, vector<1x16xf32>,
        %get3A_786 = vector.shape_cast %get3A_785 : vector<1x16xf32> to vector<16xf32>
        %add3A_787 = arith.addf %while3A_735, %get3A_786 : vector<16xf32>
        %get3A_788 = arith.index_cast %while3A_730 : i32 to index
        %get3A_789 = arith.constant 80 : index
        %get3A_790 = tpu.vector_load %arg8[%get3A_788, %get3A_789] {strides = array<i32>} : memref<64x512xf32, #tpu.memory_space<vmem>>, vector<1x16xf32>,
        %get3A_791 = vector.shape_cast %get3A_790 : vector<1x16xf32> to vector<16xf32>
        %add3A_792 = arith.addf %while3A_736, %get3A_791 : vector<16xf32>
        %get3A_793 = arith.index_cast %while3A_730 : i32 to index
        %get3A_794 = arith.constant 96 : index
        %get3A_795 = tpu.vector_load %arg8[%get3A_793, %get3A_794] {strides = array<i32>} : memref<64x512xf32, #tpu.memory_space<vmem>>, vector<1x16xf32>,
        %get3A_796 = vector.shape_cast %get3A_795 : vector<1x16xf32> to vector<16xf32>
        %add3A_797 = arith.addf %while3A_737, %get3A_796 : vector<16xf32>
        %get3A_798 = arith.index_cast %while3A_730 : i32 to index
        %get3A_799 = arith.constant 112 : index
        %get3A_800 = tpu.vector_load %arg8[%get3A_798, %get3A_799] {strides = array<i32>} : memref<64x512xf32, #tpu.memory_space<vmem>>, vector<1x16xf32>,
        %get3A_801 = vector.shape_cast %get3A_800 : vector<1x16xf32> to vector<16xf32>
        %add3A_802 = arith.addf %while3A_738, %get3A_801 : vector<16xf32>
        %get3A_803 = arith.index_cast %while3A_730 : i32 to index
        %get3A_804 = arith.constant 128 : index
        %get3A_805 = tpu.vector_load %arg8[%get3A_803, %get3A_804] {strides = array<i32>} : memref<64x512xf32, #tpu.memory_space<vmem>>, vector<1x16xf32>,
        %get3A_806 = vector.shape_cast %get3A_805 : vector<1x16xf32> to vector<16xf32>
        %add3A_807 = arith.addf %while3A_739, %get3A_806 : vector<16xf32>
        %get3A_808 = arith.index_cast %while3A_730 : i32 to index
        %get3A_809 = arith.constant 144 : index
        %get3A_810 = tpu.vector_load %arg8[%get3A_808, %get3A_809] {strides = array<i32>} : memref<64x512xf32, #tpu.memory_space<vmem>>, vector<1x16xf32>,
        %get3A_811 = vector.shape_cast %get3A_810 : vector<1x16xf32> to vector<16xf32>
        %add3A_812 = arith.addf %while3A_740, %get3A_811 : vector<16xf32>
        %get3A_813 = arith.index_cast %while3A_730 : i32 to index
        %get3A_814 = arith.constant 160 : index
        %get3A_815 = tpu.vector_load %arg8[%get3A_813, %get3A_814] {strides = array<i32>} : memref<64x512xf32, #tpu.memory_space<vmem>>, vector<1x16xf32>,
        %get3A_816 = vector.shape_cast %get3A_815 : vector<1x16xf32> to vector<16xf32>
        %add3A_817 = arith.addf %while3A_741, %get3A_816 : vector<16xf32>
        %get3A_818 = arith.index_cast %while3A_730 : i32 to index
        %get3A_819 = arith.constant 176 : index
        %get3A_820 = tpu.vector_load %arg8[%get3A_818, %get3A_819] {strides = array<i32>} : memref<64x512xf32, #tpu.memory_space<vmem>>, vector<1x16xf32>,
        %get3A_821 = vector.shape_cast %get3A_820 : vector<1x16xf32> to vector<16xf32>
        %add3A_822 = arith.addf %while3A_742, %get3A_821 : vector<16xf32>
        %get3A_823 = arith.index_cast %while3A_730 : i32 to index
        %get3A_824 = arith.constant 192 : index
        %get3A_825 = tpu.vector_load %arg8[%get3A_823, %get3A_824] {strides = array<i32>} : memref<64x512xf32, #tpu.memory_space<vmem>>, vector<1x16xf32>,
        %get3A_826 = vector.shape_cast %get3A_825 : vector<1x16xf32> to vector<16xf32>
        %add3A_827 = arith.addf %while3A_743, %get3A_826 : vector<16xf32>
        %get3A_828 = arith.index_cast %while3A_730 : i32 to index
        %get3A_829 = arith.constant 208 : index
        %get3A_830 = tpu.vector_load %arg8[%get3A_828, %get3A_829] {strides = array<i32>} : memref<64x512xf32, #tpu.memory_space<vmem>>, vector<1x16xf32>,
        %get3A_831 = vector.shape_cast %get3A_830 : vector<1x16xf32> to vector<16xf32>
        %add3A_832 = arith.addf %while3A_744, %get3A_831 : vector<16xf32>
        %get3A_833 = arith.index_cast %while3A_730 : i32 to index
        %get3A_834 = arith.constant 224 : index
        %get3A_835 = tpu.vector_load %arg8[%get3A_833, %get3A_834] {strides = array<i32>} : memref<64x512xf32, #tpu.memory_space<vmem>>, vector<1x16xf32>,
        %get3A_836 = vector.shape_cast %get3A_835 : vector<1x16xf32> to vector<16xf32>
        %add3A_837 = arith.addf %while3A_745, %get3A_836 : vector<16xf32>
        %get3A_838 = arith.index_cast %while3A_730 : i32 to index
        %get3A_839 = arith.constant 240 : index
        %get3A_840 = tpu.vector_load %arg8[%get3A_838, %get3A_839] {strides = array<i32>} : memref<64x512xf32, #tpu.memory_space<vmem>>, vector<1x16xf32>,
        %get3A_841 = vector.shape_cast %get3A_840 : vector<1x16xf32> to vector<16xf32>
        %add3A_842 = arith.addf %while3A_746, %get3A_841 : vector<16xf32>
        %get3A_843 = arith.index_cast %while3A_730 : i32 to index
        %get3A_844 = arith.constant 256 : index
        %get3A_845 = tpu.vector_load %arg8[%get3A_843, %get3A_844] {strides = array<i32>} : memref<64x512xf32, #tpu.memory_space<vmem>>, vector<1x16xf32>,
        %get3A_846 = vector.shape_cast %get3A_845 : vector<1x16xf32> to vector<16xf32>
        %add3A_847 = arith.addf %while3A_747, %get3A_846 : vector<16xf32>
        %get3A_848 = arith.index_cast %while3A_730 : i32 to index
        %get3A_849 = arith.constant 272 : index
        %get3A_850 = tpu.vector_load %arg8[%get3A_848, %get3A_849] {strides = array<i32>} : memref<64x512xf32, #tpu.memory_space<vmem>>, vector<1x16xf32>,
        %get3A_851 = vector.shape_cast %get3A_850 : vector<1x16xf32> to vector<16xf32>
        %add3A_852 = arith.addf %while3A_748, %get3A_851 : vector<16xf32>
        %get3A_853 = arith.index_cast %while3A_730 : i32 to index
        %get3A_854 = arith.constant 288 : index
        %get3A_855 = tpu.vector_load %arg8[%get3A_853, %get3A_854] {strides = array<i32>} : memref<64x512xf32, #tpu.memory_space<vmem>>, vector<1x16xf32>,
        %get3A_856 = vector.shape_cast %get3A_855 : vector<1x16xf32> to vector<16xf32>
        %add3A_857 = arith.addf %while3A_749, %get3A_856 : vector<16xf32>
        %get3A_858 = arith.index_cast %while3A_730 : i32 to index
        %get3A_859 = arith.constant 304 : index
        %get3A_860 = tpu.vector_load %arg8[%get3A_858, %get3A_859] {strides = array<i32>} : memref<64x512xf32, #tpu.memory_space<vmem>>, vector<1x16xf32>,
        %get3A_861 = vector.shape_cast %get3A_860 : vector<1x16xf32> to vector<16xf32>
        %add3A_862 = arith.addf %while3A_750, %get3A_861 : vector<16xf32>
        %get3A_863 = arith.index_cast %while3A_730 : i32 to index
        %get3A_864 = arith.constant 320 : index
        %get3A_865 = tpu.vector_load %arg8[%get3A_863, %get3A_864] {strides = array<i32>} : memref<64x512xf32, #tpu.memory_space<vmem>>, vector<1x16xf32>,
        %get3A_866 = vector.shape_cast %get3A_865 : vector<1x16xf32> to vector<16xf32>
        %add3A_867 = arith.addf %while3A_751, %get3A_866 : vector<16xf32>
        %get3A_868 = arith.index_cast %while3A_730 : i32 to index
        %get3A_869 = arith.constant 336 : index
        %get3A_870 = tpu.vector_load %arg8[%get3A_868, %get3A_869] {strides = array<i32>} : memref<64x512xf32, #tpu.memory_space<vmem>>, vector<1x16xf32>,
        %get3A_871 = vector.shape_cast %get3A_870 : vector<1x16xf32> to vector<16xf32>
        %add3A_872 = arith.addf %while3A_752, %get3A_871 : vector<16xf32>
        %get3A_873 = arith.index_cast %while3A_730 : i32 to index
        %get3A_874 = arith.constant 352 : index
        %get3A_875 = tpu.vector_load %arg8[%get3A_873, %get3A_874] {strides = array<i32>} : memref<64x512xf32, #tpu.memory_space<vmem>>, vector<1x16xf32>,
        %get3A_876 = vector.shape_cast %get3A_875 : vector<1x16xf32> to vector<16xf32>
        %add3A_877 = arith.addf %while3A_753, %get3A_876 : vector<16xf32>
        %get3A_878 = arith.index_cast %while3A_730 : i32 to index
        %get3A_879 = arith.constant 368 : index
        %get3A_880 = tpu.vector_load %arg8[%get3A_878, %get3A_879] {strides = array<i32>} : memref<64x512xf32, #tpu.memory_space<vmem>>, vector<1x16xf32>,
        %get3A_881 = vector.shape_cast %get3A_880 : vector<1x16xf32> to vector<16xf32>
        %add3A_882 = arith.addf %while3A_754, %get3A_881 : vector<16xf32>
        %get3A_883 = arith.index_cast %while3A_730 : i32 to index
        %get3A_884 = arith.constant 384 : index
        %get3A_885 = tpu.vector_load %arg8[%get3A_883, %get3A_884] {strides = array<i32>} : memref<64x512xf32, #tpu.memory_space<vmem>>, vector<1x16xf32>,
        %get3A_886 = vector.shape_cast %get3A_885 : vector<1x16xf32> to vector<16xf32>
        %add3A_887 = arith.addf %while3A_755, %get3A_886 : vector<16xf32>
        %get3A_888 = arith.index_cast %while3A_730 : i32 to index
        %get3A_889 = arith.constant 400 : index
        %get3A_890 = tpu.vector_load %arg8[%get3A_888, %get3A_889] {strides = array<i32>} : memref<64x512xf32, #tpu.memory_space<vmem>>, vector<1x16xf32>,
        %get3A_891 = vector.shape_cast %get3A_890 : vector<1x16xf32> to vector<16xf32>
        %add3A_892 = arith.addf %while3A_756, %get3A_891 : vector<16xf32>
        %get3A_893 = arith.index_cast %while3A_730 : i32 to index
        %get3A_894 = arith.constant 416 : index
        %get3A_895 = tpu.vector_load %arg8[%get3A_893, %get3A_894] {strides = array<i32>} : memref<64x512xf32, #tpu.memory_space<vmem>>, vector<1x16xf32>,
        %get3A_896 = vector.shape_cast %get3A_895 : vector<1x16xf32> to vector<16xf32>
        %add3A_897 = arith.addf %while3A_757, %get3A_896 : vector<16xf32>
        %get3A_898 = arith.index_cast %while3A_730 : i32 to index
        %get3A_899 = arith.constant 432 : index
        %get3A_900 = tpu.vector_load %arg8[%get3A_898, %get3A_899] {strides = array<i32>} : memref<64x512xf32, #tpu.memory_space<vmem>>, vector<1x16xf32>,
        %get3A_901 = vector.shape_cast %get3A_900 : vector<1x16xf32> to vector<16xf32>
        %add3A_902 = arith.addf %while3A_758, %get3A_901 : vector<16xf32>
        %get3A_903 = arith.index_cast %while3A_730 : i32 to index
        %get3A_904 = arith.constant 448 : index
        %get3A_905 = tpu.vector_load %arg8[%get3A_903, %get3A_904] {strides = array<i32>} : memref<64x512xf32, #tpu.memory_space<vmem>>, vector<1x16xf32>,
        %get3A_906 = vector.shape_cast %get3A_905 : vector<1x16xf32> to vector<16xf32>
        %add3A_907 = arith.addf %while3A_759, %get3A_906 : vector<16xf32>
        %get3A_908 = arith.index_cast %while3A_730 : i32 to index
        %get3A_909 = arith.constant 464 : index
        %get3A_910 = tpu.vector_load %arg8[%get3A_908, %get3A_909] {strides = array<i32>} : memref<64x512xf32, #tpu.memory_space<vmem>>, vector<1x16xf32>,
        %get3A_911 = vector.shape_cast %get3A_910 : vector<1x16xf32> to vector<16xf32>
        %add3A_912 = arith.addf %while3A_760, %get3A_911 : vector<16xf32>
        %get3A_913 = arith.index_cast %while3A_730 : i32 to index
        %get3A_914 = arith.constant 480 : index
        %get3A_915 = tpu.vector_load %arg8[%get3A_913, %get3A_914] {strides = array<i32>} : memref<64x512xf32, #tpu.memory_space<vmem>>, vector<1x16xf32>,
        %get3A_916 = vector.shape_cast %get3A_915 : vector<1x16xf32> to vector<16xf32>
        %add3A_917 = arith.addf %while3A_761, %get3A_916 : vector<16xf32>
        %get3A_918 = arith.index_cast %while3A_730 : i32 to index
        %get3A_919 = arith.constant 496 : index
        %get3A_920 = tpu.vector_load %arg8[%get3A_918, %get3A_919] {strides = array<i32>} : memref<64x512xf32, #tpu.memory_space<vmem>>, vector<1x16xf32>,
        %get3A_921 = vector.shape_cast %get3A_920 : vector<1x16xf32> to vector<16xf32>
        %add3A_922 = arith.addf %while3A_762, %get3A_921 : vector<16xf32>
        scf.yield %add3A_767, %add3A_772, %add3A_777, %add3A_782, %add3A_787, %add3A_792, %add3A_797, %add3A_802, %add3A_807, %add3A_812, %add3A_817, %add3A_822, %add3A_827, %add3A_832, %add3A_837, %add3A_842, %add3A_847, %add3A_852, %add3A_857, %add3A_862, %add3A_867, %add3A_872, %add3A_877, %add3A_882, %add3A_887, %add3A_892, %add3A_897, %add3A_902, %add3A_907, %add3A_912, %add3A_917, %add3A_922 : vector<16xf32>, vector<16xf32>, vector<16xf32>, vector<16xf32>, vector<16xf32>, vector<16xf32>, vector<16xf32>, vector<16xf32>, vector<16xf32>, vector<16xf32>, vector<16xf32>, vector<16xf32>, vector<16xf32>, vector<16xf32>, vector<16xf32>, vector<16xf32>, vector<16xf32>, vector<16xf32>, vector<16xf32>, vector<16xf32>, vector<16xf32>, vector<16xf32>, vector<16xf32>, vector<16xf32>, vector<16xf32>, vector<16xf32>, vector<16xf32>, vector<16xf32>, vector<16xf32>, vector<16xf32>, vector<16xf32>, vector<16xf32>
      }
      %while3A_580 = arith.constant 1 : i32
      %while3A_581:32 = scf.for %while3A_730 = %while3A_577 to %while3A_573 step %while3A_580 iter_args(%while3A_731 = %while3A_579#0, %while3A_732 = %while3A_579#1, %while3A_733 = %while3A_579#2, %while3A_734 = %while3A_579#3, %while3A_735 = %while3A_579#4, %while3A_736 = %while3A_579#5, %while3A_737 = %while3A_579#6, %while3A_738 = %while3A_579#7, %while3A_739 = %while3A_579#8, %while3A_740 = %while3A_579#9, %while3A_741 = %while3A_579#10, %while3A_742 = %while3A_579#11, %while3A_743 = %while3A_579#12, %while3A_744 = %while3A_579#13, %while3A_745 = %while3A_579#14, %while3A_746 = %while3A_579#15, %while3A_747 = %while3A_579#16, %while3A_748 = %while3A_579#17, %while3A_749 = %while3A_579#18, %while3A_750 = %while3A_579#19, %while3A_751 = %while3A_579#20, %while3A_752 = %while3A_579#21, %while3A_753 = %while3A_579#22, %while3A_754 = %while3A_579#23, %while3A_755 = %while3A_579#24, %while3A_756 = %while3A_579#25, %while3A_757 = %while3A_579#26, %while3A_758 = %while3A_579#27, %while3A_759 = %while3A_579#28, %while3A_760 = %while3A_579#29, %while3A_761 = %while3A_579#30, %while3A_762 = %while3A_579#31) -> (vector<16xf32>, vector<16xf32>, vector<16xf32>, vector<16xf32>, vector<16xf32>, vector<16xf32>, vector<16xf32>, vector<16xf32>, vector<16xf32>, vector<16xf32>, vector<16xf32>, vector<16xf32>, vector<16xf32>, vector<16xf32>, vector<16xf32>, vector<16xf32>, vector<16xf32>, vector<16xf32>, vector<16xf32>, vector<16xf32>, vector<16xf32>, vector<16xf32>, vector<16xf32>, vector<16xf32>, vector<16xf32>, vector<16xf32>, vector<16xf32>, vector<16xf32>, vector<16xf32>, vector<16xf32>, vector<16xf32>, vector<16xf32>)  : i32 {
        %get3A_763 = arith.index_cast %while3A_730 : i32 to index
        %get3A_764 = arith.constant 0 : index
        %get3A_765 = tpu.vector_load %arg8[%get3A_763, %get3A_764] {strides = array<i32>} : memref<64x512xf32, #tpu.memory_space<vmem>>, vector<1x16xf32>,
        %get3A_766 = vector.shape_cast %get3A_765 : vector<1x16xf32> to vector<16xf32>
        %add3A_767 = arith.addf %while3A_731, %get3A_766 : vector<16xf32>
        %get3A_768 = arith.index_cast %while3A_730 : i32 to index
        %get3A_769 = arith.constant 16 : index
        %get3A_770 = tpu.vector_load %arg8[%get3A_768, %get3A_769] {strides = array<i32>} : memref<64x512xf32, #tpu.memory_space<vmem>>, vector<1x16xf32>,
        %get3A_771 = vector.shape_cast %get3A_770 : vector<1x16xf32> to vector<16xf32>
        %add3A_772 = arith.addf %while3A_732, %get3A_771 : vector<16xf32>
        %get3A_773 = arith.index_cast %while3A_730 : i32 to index
        %get3A_774 = arith.constant 32 : index
        %get3A_775 = tpu.vector_load %arg8[%get3A_773, %get3A_774] {strides = array<i32>} : memref<64x512xf32, #tpu.memory_space<vmem>>, vector<1x16xf32>,
        %get3A_776 = vector.shape_cast %get3A_775 : vector<1x16xf32> to vector<16xf32>
        %add3A_777 = arith.addf %while3A_733, %get3A_776 : vector<16xf32>
        %get3A_778 = arith.index_cast %while3A_730 : i32 to index
        %get3A_779 = arith.constant 48 : index
        %get3A_780 = tpu.vector_load %arg8[%get3A_778, %get3A_779] {strides = array<i32>} : memref<64x512xf32, #tpu.memory_space<vmem>>, vector<1x16xf32>,
        %get3A_781 = vector.shape_cast %get3A_780 : vector<1x16xf32> to vector<16xf32>
        %add3A_782 = arith.addf %while3A_734, %get3A_781 : vector<16xf32>
        %get3A_783 = arith.index_cast %while3A_730 : i32 to index
        %get3A_784 = arith.constant 64 : index
        %get3A_785 = tpu.vector_load %arg8[%get3A_783, %get3A_784] {strides = array<i32>} : memref<64x512xf32, #tpu.memory_space<vmem>>, vector<1x16xf32>,
        %get3A_786 = vector.shape_cast %get3A_785 : vector<1x16xf32> to vector<16xf32>
        %add3A_787 = arith.addf %while3A_735, %get3A_786 : vector<16xf32>
        %get3A_788 = arith.index_cast %while3A_730 : i32 to index
        %get3A_789 = arith.constant 80 : index
        %get3A_790 = tpu.vector_load %arg8[%get3A_788, %get3A_789] {strides = array<i32>} : memref<64x512xf32, #tpu.memory_space<vmem>>, vector<1x16xf32>,
        %get3A_791 = vector.shape_cast %get3A_790 : vector<1x16xf32> to vector<16xf32>
        %add3A_792 = arith.addf %while3A_736, %get3A_791 : vector<16xf32>
        %get3A_793 = arith.index_cast %while3A_730 : i32 to index
        %get3A_794 = arith.constant 96 : index
        %get3A_795 = tpu.vector_load %arg8[%get3A_793, %get3A_794] {strides = array<i32>} : memref<64x512xf32, #tpu.memory_space<vmem>>, vector<1x16xf32>,
        %get3A_796 = vector.shape_cast %get3A_795 : vector<1x16xf32> to vector<16xf32>
        %add3A_797 = arith.addf %while3A_737, %get3A_796 : vector<16xf32>
        %get3A_798 = arith.index_cast %while3A_730 : i32 to index
        %get3A_799 = arith.constant 112 : index
        %get3A_800 = tpu.vector_load %arg8[%get3A_798, %get3A_799] {strides = array<i32>} : memref<64x512xf32, #tpu.memory_space<vmem>>, vector<1x16xf32>,
        %get3A_801 = vector.shape_cast %get3A_800 : vector<1x16xf32> to vector<16xf32>
        %add3A_802 = arith.addf %while3A_738, %get3A_801 : vector<16xf32>
        %get3A_803 = arith.index_cast %while3A_730 : i32 to index
        %get3A_804 = arith.constant 128 : index
        %get3A_805 = tpu.vector_load %arg8[%get3A_803, %get3A_804] {strides = array<i32>} : memref<64x512xf32, #tpu.memory_space<vmem>>, vector<1x16xf32>,
        %get3A_806 = vector.shape_cast %get3A_805 : vector<1x16xf32> to vector<16xf32>
        %add3A_807 = arith.addf %while3A_739, %get3A_806 : vector<16xf32>
        %get3A_808 = arith.index_cast %while3A_730 : i32 to index
        %get3A_809 = arith.constant 144 : index
        %get3A_810 = tpu.vector_load %arg8[%get3A_808, %get3A_809] {strides = array<i32>} : memref<64x512xf32, #tpu.memory_space<vmem>>, vector<1x16xf32>,
        %get3A_811 = vector.shape_cast %get3A_810 : vector<1x16xf32> to vector<16xf32>
        %add3A_812 = arith.addf %while3A_740, %get3A_811 : vector<16xf32>
        %get3A_813 = arith.index_cast %while3A_730 : i32 to index
        %get3A_814 = arith.constant 160 : index
        %get3A_815 = tpu.vector_load %arg8[%get3A_813, %get3A_814] {strides = array<i32>} : memref<64x512xf32, #tpu.memory_space<vmem>>, vector<1x16xf32>,
        %get3A_816 = vector.shape_cast %get3A_815 : vector<1x16xf32> to vector<16xf32>
        %add3A_817 = arith.addf %while3A_741, %get3A_816 : vector<16xf32>
        %get3A_818 = arith.index_cast %while3A_730 : i32 to index
        %get3A_819 = arith.constant 176 : index
        %get3A_820 = tpu.vector_load %arg8[%get3A_818, %get3A_819] {strides = array<i32>} : memref<64x512xf32, #tpu.memory_space<vmem>>, vector<1x16xf32>,
        %get3A_821 = vector.shape_cast %get3A_820 : vector<1x16xf32> to vector<16xf32>
        %add3A_822 = arith.addf %while3A_742, %get3A_821 : vector<16xf32>
        %get3A_823 = arith.index_cast %while3A_730 : i32 to index
        %get3A_824 = arith.constant 192 : index
        %get3A_825 = tpu.vector_load %arg8[%get3A_823, %get3A_824] {strides = array<i32>} : memref<64x512xf32, #tpu.memory_space<vmem>>, vector<1x16xf32>,
        %get3A_826 = vector.shape_cast %get3A_825 : vector<1x16xf32> to vector<16xf32>
        %add3A_827 = arith.addf %while3A_743, %get3A_826 : vector<16xf32>
        %get3A_828 = arith.index_cast %while3A_730 : i32 to index
        %get3A_829 = arith.constant 208 : index
        %get3A_830 = tpu.vector_load %arg8[%get3A_828, %get3A_829] {strides = array<i32>} : memref<64x512xf32, #tpu.memory_space<vmem>>, vector<1x16xf32>,
        %get3A_831 = vector.shape_cast %get3A_830 : vector<1x16xf32> to vector<16xf32>
        %add3A_832 = arith.addf %while3A_744, %get3A_831 : vector<16xf32>
        %get3A_833 = arith.index_cast %while3A_730 : i32 to index
        %get3A_834 = arith.constant 224 : index
        %get3A_835 = tpu.vector_load %arg8[%get3A_833, %get3A_834] {strides = array<i32>} : memref<64x512xf32, #tpu.memory_space<vmem>>, vector<1x16xf32>,
        %get3A_836 = vector.shape_cast %get3A_835 : vector<1x16xf32> to vector<16xf32>
        %add3A_837 = arith.addf %while3A_745, %get3A_836 : vector<16xf32>
        %get3A_838 = arith.index_cast %while3A_730 : i32 to index
        %get3A_839 = arith.constant 240 : index
        %get3A_840 = tpu.vector_load %arg8[%get3A_838, %get3A_839] {strides = array<i32>} : memref<64x512xf32, #tpu.memory_space<vmem>>, vector<1x16xf32>,
        %get3A_841 = vector.shape_cast %get3A_840 : vector<1x16xf32> to vector<16xf32>
        %add3A_842 = arith.addf %while3A_746, %get3A_841 : vector<16xf32>
        %get3A_843 = arith.index_cast %while3A_730 : i32 to index
        %get3A_844 = arith.constant 256 : index
        %get3A_845 = tpu.vector_load %arg8[%get3A_843, %get3A_844] {strides = array<i32>} : memref<64x512xf32, #tpu.memory_space<vmem>>, vector<1x16xf32>,
        %get3A_846 = vector.shape_cast %get3A_845 : vector<1x16xf32> to vector<16xf32>
        %add3A_847 = arith.addf %while3A_747, %get3A_846 : vector<16xf32>
        %get3A_848 = arith.index_cast %while3A_730 : i32 to index
        %get3A_849 = arith.constant 272 : index
        %get3A_850 = tpu.vector_load %arg8[%get3A_848, %get3A_849] {strides = array<i32>} : memref<64x512xf32, #tpu.memory_space<vmem>>, vector<1x16xf32>,
        %get3A_851 = vector.shape_cast %get3A_850 : vector<1x16xf32> to vector<16xf32>
        %add3A_852 = arith.addf %while3A_748, %get3A_851 : vector<16xf32>
        %get3A_853 = arith.index_cast %while3A_730 : i32 to index
        %get3A_854 = arith.constant 288 : index
        %get3A_855 = tpu.vector_load %arg8[%get3A_853, %get3A_854] {strides = array<i32>} : memref<64x512xf32, #tpu.memory_space<vmem>>, vector<1x16xf32>,
        %get3A_856 = vector.shape_cast %get3A_855 : vector<1x16xf32> to vector<16xf32>
        %add3A_857 = arith.addf %while3A_749, %get3A_856 : vector<16xf32>
        %get3A_858 = arith.index_cast %while3A_730 : i32 to index
        %get3A_859 = arith.constant 304 : index
        %get3A_860 = tpu.vector_load %arg8[%get3A_858, %get3A_859] {strides = array<i32>} : memref<64x512xf32, #tpu.memory_space<vmem>>, vector<1x16xf32>,
        %get3A_861 = vector.shape_cast %get3A_860 : vector<1x16xf32> to vector<16xf32>
        %add3A_862 = arith.addf %while3A_750, %get3A_861 : vector<16xf32>
        %get3A_863 = arith.index_cast %while3A_730 : i32 to index
        %get3A_864 = arith.constant 320 : index
        %get3A_865 = tpu.vector_load %arg8[%get3A_863, %get3A_864] {strides = array<i32>} : memref<64x512xf32, #tpu.memory_space<vmem>>, vector<1x16xf32>,
        %get3A_866 = vector.shape_cast %get3A_865 : vector<1x16xf32> to vector<16xf32>
        %add3A_867 = arith.addf %while3A_751, %get3A_866 : vector<16xf32>
        %get3A_868 = arith.index_cast %while3A_730 : i32 to index
        %get3A_869 = arith.constant 336 : index
        %get3A_870 = tpu.vector_load %arg8[%get3A_868, %get3A_869] {strides = array<i32>} : memref<64x512xf32, #tpu.memory_space<vmem>>, vector<1x16xf32>,
        %get3A_871 = vector.shape_cast %get3A_870 : vector<1x16xf32> to vector<16xf32>
        %add3A_872 = arith.addf %while3A_752, %get3A_871 : vector<16xf32>
        %get3A_873 = arith.index_cast %while3A_730 : i32 to index
        %get3A_874 = arith.constant 352 : index
        %get3A_875 = tpu.vector_load %arg8[%get3A_873, %get3A_874] {strides = array<i32>} : memref<64x512xf32, #tpu.memory_space<vmem>>, vector<1x16xf32>,
        %get3A_876 = vector.shape_cast %get3A_875 : vector<1x16xf32> to vector<16xf32>
        %add3A_877 = arith.addf %while3A_753, %get3A_876 : vector<16xf32>
        %get3A_878 = arith.index_cast %while3A_730 : i32 to index
        %get3A_879 = arith.constant 368 : index
        %get3A_880 = tpu.vector_load %arg8[%get3A_878, %get3A_879] {strides = array<i32>} : memref<64x512xf32, #tpu.memory_space<vmem>>, vector<1x16xf32>,
        %get3A_881 = vector.shape_cast %get3A_880 : vector<1x16xf32> to vector<16xf32>
        %add3A_882 = arith.addf %while3A_754, %get3A_881 : vector<16xf32>
        %get3A_883 = arith.index_cast %while3A_730 : i32 to index
        %get3A_884 = arith.constant 384 : index
        %get3A_885 = tpu.vector_load %arg8[%get3A_883, %get3A_884] {strides = array<i32>} : memref<64x512xf32, #tpu.memory_space<vmem>>, vector<1x16xf32>,
        %get3A_886 = vector.shape_cast %get3A_885 : vector<1x16xf32> to vector<16xf32>
        %add3A_887 = arith.addf %while3A_755, %get3A_886 : vector<16xf32>
        %get3A_888 = arith.index_cast %while3A_730 : i32 to index
        %get3A_889 = arith.constant 400 : index
        %get3A_890 = tpu.vector_load %arg8[%get3A_888, %get3A_889] {strides = array<i32>} : memref<64x512xf32, #tpu.memory_space<vmem>>, vector<1x16xf32>,
        %get3A_891 = vector.shape_cast %get3A_890 : vector<1x16xf32> to vector<16xf32>
        %add3A_892 = arith.addf %while3A_756, %get3A_891 : vector<16xf32>
        %get3A_893 = arith.index_cast %while3A_730 : i32 to index
        %get3A_894 = arith.constant 416 : index
        %get3A_895 = tpu.vector_load %arg8[%get3A_893, %get3A_894] {strides = array<i32>} : memref<64x512xf32, #tpu.memory_space<vmem>>, vector<1x16xf32>,
        %get3A_896 = vector.shape_cast %get3A_895 : vector<1x16xf32> to vector<16xf32>
        %add3A_897 = arith.addf %while3A_757, %get3A_896 : vector<16xf32>
        %get3A_898 = arith.index_cast %while3A_730 : i32 to index
        %get3A_899 = arith.constant 432 : index
        %get3A_900 = tpu.vector_load %arg8[%get3A_898, %get3A_899] {strides = array<i32>} : memref<64x512xf32, #tpu.memory_space<vmem>>, vector<1x16xf32>,
        %get3A_901 = vector.shape_cast %get3A_900 : vector<1x16xf32> to vector<16xf32>
        %add3A_902 = arith.addf %while3A_758, %get3A_901 : vector<16xf32>
        %get3A_903 = arith.index_cast %while3A_730 : i32 to index
        %get3A_904 = arith.constant 448 : index
        %get3A_905 = tpu.vector_load %arg8[%get3A_903, %get3A_904] {strides = array<i32>} : memref<64x512xf32, #tpu.memory_space<vmem>>, vector<1x16xf32>,
        %get3A_906 = vector.shape_cast %get3A_905 : vector<1x16xf32> to vector<16xf32>
        %add3A_907 = arith.addf %while3A_759, %get3A_906 : vector<16xf32>
        %get3A_908 = arith.index_cast %while3A_730 : i32 to index
        %get3A_909 = arith.constant 464 : index
        %get3A_910 = tpu.vector_load %arg8[%get3A_908, %get3A_909] {strides = array<i32>} : memref<64x512xf32, #tpu.memory_space<vmem>>, vector<1x16xf32>,
        %get3A_911 = vector.shape_cast %get3A_910 : vector<1x16xf32> to vector<16xf32>
        %add3A_912 = arith.addf %while3A_760, %get3A_911 : vector<16xf32>
        %get3A_913 = arith.index_cast %while3A_730 : i32 to index
        %get3A_914 = arith.constant 480 : index
        %get3A_915 = tpu.vector_load %arg8[%get3A_913, %get3A_914] {strides = array<i32>} : memref<64x512xf32, #tpu.memory_space<vmem>>, vector<1x16xf32>,
        %get3A_916 = vector.shape_cast %get3A_915 : vector<1x16xf32> to vector<16xf32>
        %add3A_917 = arith.addf %while3A_761, %get3A_916 : vector<16xf32>
        %get3A_918 = arith.index_cast %while3A_730 : i32 to index
        %get3A_919 = arith.constant 496 : index
        %get3A_920 = tpu.vector_load %arg8[%get3A_918, %get3A_919] {strides = array<i32>} : memref<64x512xf32, #tpu.memory_space<vmem>>, vector<1x16xf32>,
        %get3A_921 = vector.shape_cast %get3A_920 : vector<1x16xf32> to vector<16xf32>
        %add3A_922 = arith.addf %while3A_762, %get3A_921 : vector<16xf32>
        scf.yield %add3A_767, %add3A_772, %add3A_777, %add3A_782, %add3A_787, %add3A_792, %add3A_797, %add3A_802, %add3A_807, %add3A_812, %add3A_817, %add3A_822, %add3A_827, %add3A_832, %add3A_837, %add3A_842, %add3A_847, %add3A_852, %add3A_857, %add3A_862, %add3A_867, %add3A_872, %add3A_877, %add3A_882, %add3A_887, %add3A_892, %add3A_897, %add3A_902, %add3A_907, %add3A_912, %add3A_917, %add3A_922 : vector<16xf32>, vector<16xf32>, vector<16xf32>, vector<16xf32>, vector<16xf32>, vector<16xf32>, vector<16xf32>, vector<16xf32>, vector<16xf32>, vector<16xf32>, vector<16xf32>, vector<16xf32>, vector<16xf32>, vector<16xf32>, vector<16xf32>, vector<16xf32>, vector<16xf32>, vector<16xf32>, vector<16xf32>, vector<16xf32>, vector<16xf32>, vector<16xf32>, vector<16xf32>, vector<16xf32>, vector<16xf32>, vector<16xf32>, vector<16xf32>, vector<16xf32>, vector<16xf32>, vector<16xf32>, vector<16xf32>, vector<16xf32>
      }
      %sub3A_582 = arith.constant 1 : i32
      %sub3A_583 = arith.subi %squeeze3A_46, %sub3A_582 : i32
      %eq3A_584 = arith.cmpi eq, %mul3A_482, %sub3A_583 : i32
      %convert_element_type3A = arith.extui %eq3A_584 : i1 to i32
      %cond3A = arith.constant 0 : i32
      %cond3A_585 = arith.cmpi ne, %convert_element_type3A, %cond3A : i32
      scf.if %cond3A_585 {
        %mul3A_730 = vector.broadcast %squeeze3A_56 : f32 to vector<16xf32>
        %mul3A_731 = arith.mulf %while3A_581#0, %mul3A_730 : vector<16xf32>
        %swap3A_732 = arith.constant 0 : index
        %swap3A_733 = tpu.vector_load %arg10[%swap3A_732] {strides = array<i32>} : memref<512xf32, #tpu.memory_space<vmem>>, vector<16xf32>,
        %swap3A_734 = vector.shape_cast %swap3A_733 : vector<16xf32> to vector<16xf32>
        %swap3A_735 = vector.shape_cast %mul3A_731 : vector<16xf32> to vector<16xf32>
        tpu.vector_store %arg10[%swap3A_732], %swap3A_735 {strides = array<i32>} : memref<512xf32, #tpu.memory_space<vmem>>, vector<16xf32>,
        %mul3A_736 = vector.broadcast %squeeze3A_56 : f32 to vector<16xf32>
        %mul3A_737 = arith.mulf %while3A_581#1, %mul3A_736 : vector<16xf32>
        %swap3A_738 = arith.constant 16 : index
        %swap3A_739 = tpu.vector_load %arg10[%swap3A_738] {strides = array<i32>} : memref<512xf32, #tpu.memory_space<vmem>>, vector<16xf32>,
        %swap3A_740 = vector.shape_cast %swap3A_739 : vector<16xf32> to vector<16xf32>
        %swap3A_741 = vector.shape_cast %mul3A_737 : vector<16xf32> to vector<16xf32>
        tpu.vector_store %arg10[%swap3A_738], %swap3A_741 {strides = array<i32>} : memref<512xf32, #tpu.memory_space<vmem>>, vector<16xf32>,
        %mul3A_742 = vector.broadcast %squeeze3A_56 : f32 to vector<16xf32>
        %mul3A_743 = arith.mulf %while3A_581#2, %mul3A_742 : vector<16xf32>
        %swap3A_744 = arith.constant 32 : index
        %swap3A_745 = tpu.vector_load %arg10[%swap3A_744] {strides = array<i32>} : memref<512xf32, #tpu.memory_space<vmem>>, vector<16xf32>,
        %swap3A_746 = vector.shape_cast %swap3A_745 : vector<16xf32> to vector<16xf32>
        %swap3A_747 = vector.shape_cast %mul3A_743 : vector<16xf32> to vector<16xf32>
        tpu.vector_store %arg10[%swap3A_744], %swap3A_747 {strides = array<i32>} : memref<512xf32, #tpu.memory_space<vmem>>, vector<16xf32>,
        %mul3A_748 = vector.broadcast %squeeze3A_56 : f32 to vector<16xf32>
        %mul3A_749 = arith.mulf %while3A_581#3, %mul3A_748 : vector<16xf32>
        %swap3A_750 = arith.constant 48 : index
        %swap3A_751 = tpu.vector_load %arg10[%swap3A_750] {strides = array<i32>} : memref<512xf32, #tpu.memory_space<vmem>>, vector<16xf32>,
        %swap3A_752 = vector.shape_cast %swap3A_751 : vector<16xf32> to vector<16xf32>
        %swap3A_753 = vector.shape_cast %mul3A_749 : vector<16xf32> to vector<16xf32>
        tpu.vector_store %arg10[%swap3A_750], %swap3A_753 {strides = array<i32>} : memref<512xf32, #tpu.memory_space<vmem>>, vector<16xf32>,
        %mul3A_754 = vector.broadcast %squeeze3A_56 : f32 to vector<16xf32>
        %mul3A_755 = arith.mulf %while3A_581#4, %mul3A_754 : vector<16xf32>
        %swap3A_756 = arith.constant 64 : index
        %swap3A_757 = tpu.vector_load %arg10[%swap3A_756] {strides = array<i32>} : memref<512xf32, #tpu.memory_space<vmem>>, vector<16xf32>,
        %swap3A_758 = vector.shape_cast %swap3A_757 : vector<16xf32> to vector<16xf32>
        %swap3A_759 = vector.shape_cast %mul3A_755 : vector<16xf32> to vector<16xf32>
        tpu.vector_store %arg10[%swap3A_756], %swap3A_759 {strides = array<i32>} : memref<512xf32, #tpu.memory_space<vmem>>, vector<16xf32>,
        %mul3A_760 = vector.broadcast %squeeze3A_56 : f32 to vector<16xf32>
        %mul3A_761 = arith.mulf %while3A_581#5, %mul3A_760 : vector<16xf32>
        %swap3A_762 = arith.constant 80 : index
        %swap3A_763 = tpu.vector_load %arg10[%swap3A_762] {strides = array<i32>} : memref<512xf32, #tpu.memory_space<vmem>>, vector<16xf32>,
        %swap3A_764 = vector.shape_cast %swap3A_763 : vector<16xf32> to vector<16xf32>
        %swap3A_765 = vector.shape_cast %mul3A_761 : vector<16xf32> to vector<16xf32>
        tpu.vector_store %arg10[%swap3A_762], %swap3A_765 {strides = array<i32>} : memref<512xf32, #tpu.memory_space<vmem>>, vector<16xf32>,
        %mul3A_766 = vector.broadcast %squeeze3A_56 : f32 to vector<16xf32>
        %mul3A_767 = arith.mulf %while3A_581#6, %mul3A_766 : vector<16xf32>
        %swap3A_768 = arith.constant 96 : index
        %swap3A_769 = tpu.vector_load %arg10[%swap3A_768] {strides = array<i32>} : memref<512xf32, #tpu.memory_space<vmem>>, vector<16xf32>,
        %swap3A_770 = vector.shape_cast %swap3A_769 : vector<16xf32> to vector<16xf32>
        %swap3A_771 = vector.shape_cast %mul3A_767 : vector<16xf32> to vector<16xf32>
        tpu.vector_store %arg10[%swap3A_768], %swap3A_771 {strides = array<i32>} : memref<512xf32, #tpu.memory_space<vmem>>, vector<16xf32>,
        %mul3A_772 = vector.broadcast %squeeze3A_56 : f32 to vector<16xf32>
        %mul3A_773 = arith.mulf %while3A_581#7, %mul3A_772 : vector<16xf32>
        %swap3A_774 = arith.constant 112 : index
        %swap3A_775 = tpu.vector_load %arg10[%swap3A_774] {strides = array<i32>} : memref<512xf32, #tpu.memory_space<vmem>>, vector<16xf32>,
        %swap3A_776 = vector.shape_cast %swap3A_775 : vector<16xf32> to vector<16xf32>
        %swap3A_777 = vector.shape_cast %mul3A_773 : vector<16xf32> to vector<16xf32>
        tpu.vector_store %arg10[%swap3A_774], %swap3A_777 {strides = array<i32>} : memref<512xf32, #tpu.memory_space<vmem>>, vector<16xf32>,
        %mul3A_778 = vector.broadcast %squeeze3A_56 : f32 to vector<16xf32>
        %mul3A_779 = arith.mulf %while3A_581#8, %mul3A_778 : vector<16xf32>
        %swap3A_780 = arith.constant 128 : index
        %swap3A_781 = tpu.vector_load %arg10[%swap3A_780] {strides = array<i32>} : memref<512xf32, #tpu.memory_space<vmem>>, vector<16xf32>,
        %swap3A_782 = vector.shape_cast %swap3A_781 : vector<16xf32> to vector<16xf32>
        %swap3A_783 = vector.shape_cast %mul3A_779 : vector<16xf32> to vector<16xf32>
        tpu.vector_store %arg10[%swap3A_780], %swap3A_783 {strides = array<i32>} : memref<512xf32, #tpu.memory_space<vmem>>, vector<16xf32>,
        %mul3A_784 = vector.broadcast %squeeze3A_56 : f32 to vector<16xf32>
        %mul3A_785 = arith.mulf %while3A_581#9, %mul3A_784 : vector<16xf32>
        %swap3A_786 = arith.constant 144 : index
        %swap3A_787 = tpu.vector_load %arg10[%swap3A_786] {strides = array<i32>} : memref<512xf32, #tpu.memory_space<vmem>>, vector<16xf32>,
        %swap3A_788 = vector.shape_cast %swap3A_787 : vector<16xf32> to vector<16xf32>
        %swap3A_789 = vector.shape_cast %mul3A_785 : vector<16xf32> to vector<16xf32>
        tpu.vector_store %arg10[%swap3A_786], %swap3A_789 {strides = array<i32>} : memref<512xf32, #tpu.memory_space<vmem>>, vector<16xf32>,
        %mul3A_790 = vector.broadcast %squeeze3A_56 : f32 to vector<16xf32>
        %mul3A_791 = arith.mulf %while3A_581#10, %mul3A_790 : vector<16xf32>
        %swap3A_792 = arith.constant 160 : index
        %swap3A_793 = tpu.vector_load %arg10[%swap3A_792] {strides = array<i32>} : memref<512xf32, #tpu.memory_space<vmem>>, vector<16xf32>,
        %swap3A_794 = vector.shape_cast %swap3A_793 : vector<16xf32> to vector<16xf32>
        %swap3A_795 = vector.shape_cast %mul3A_791 : vector<16xf32> to vector<16xf32>
        tpu.vector_store %arg10[%swap3A_792], %swap3A_795 {strides = array<i32>} : memref<512xf32, #tpu.memory_space<vmem>>, vector<16xf32>,
        %mul3A_796 = vector.broadcast %squeeze3A_56 : f32 to vector<16xf32>
        %mul3A_797 = arith.mulf %while3A_581#11, %mul3A_796 : vector<16xf32>
        %swap3A_798 = arith.constant 176 : index
        %swap3A_799 = tpu.vector_load %arg10[%swap3A_798] {strides = array<i32>} : memref<512xf32, #tpu.memory_space<vmem>>, vector<16xf32>,
        %swap3A_800 = vector.shape_cast %swap3A_799 : vector<16xf32> to vector<16xf32>
        %swap3A_801 = vector.shape_cast %mul3A_797 : vector<16xf32> to vector<16xf32>
        tpu.vector_store %arg10[%swap3A_798], %swap3A_801 {strides = array<i32>} : memref<512xf32, #tpu.memory_space<vmem>>, vector<16xf32>,
        %mul3A_802 = vector.broadcast %squeeze3A_56 : f32 to vector<16xf32>
        %mul3A_803 = arith.mulf %while3A_581#12, %mul3A_802 : vector<16xf32>
        %swap3A_804 = arith.constant 192 : index
        %swap3A_805 = tpu.vector_load %arg10[%swap3A_804] {strides = array<i32>} : memref<512xf32, #tpu.memory_space<vmem>>, vector<16xf32>,
        %swap3A_806 = vector.shape_cast %swap3A_805 : vector<16xf32> to vector<16xf32>
        %swap3A_807 = vector.shape_cast %mul3A_803 : vector<16xf32> to vector<16xf32>
        tpu.vector_store %arg10[%swap3A_804], %swap3A_807 {strides = array<i32>} : memref<512xf32, #tpu.memory_space<vmem>>, vector<16xf32>,
        %mul3A_808 = vector.broadcast %squeeze3A_56 : f32 to vector<16xf32>
        %mul3A_809 = arith.mulf %while3A_581#13, %mul3A_808 : vector<16xf32>
        %swap3A_810 = arith.constant 208 : index
        %swap3A_811 = tpu.vector_load %arg10[%swap3A_810] {strides = array<i32>} : memref<512xf32, #tpu.memory_space<vmem>>, vector<16xf32>,
        %swap3A_812 = vector.shape_cast %swap3A_811 : vector<16xf32> to vector<16xf32>
        %swap3A_813 = vector.shape_cast %mul3A_809 : vector<16xf32> to vector<16xf32>
        tpu.vector_store %arg10[%swap3A_810], %swap3A_813 {strides = array<i32>} : memref<512xf32, #tpu.memory_space<vmem>>, vector<16xf32>,
        %mul3A_814 = vector.broadcast %squeeze3A_56 : f32 to vector<16xf32>
        %mul3A_815 = arith.mulf %while3A_581#14, %mul3A_814 : vector<16xf32>
        %swap3A_816 = arith.constant 224 : index
        %swap3A_817 = tpu.vector_load %arg10[%swap3A_816] {strides = array<i32>} : memref<512xf32, #tpu.memory_space<vmem>>, vector<16xf32>,
        %swap3A_818 = vector.shape_cast %swap3A_817 : vector<16xf32> to vector<16xf32>
        %swap3A_819 = vector.shape_cast %mul3A_815 : vector<16xf32> to vector<16xf32>
        tpu.vector_store %arg10[%swap3A_816], %swap3A_819 {strides = array<i32>} : memref<512xf32, #tpu.memory_space<vmem>>, vector<16xf32>,
        %mul3A_820 = vector.broadcast %squeeze3A_56 : f32 to vector<16xf32>
        %mul3A_821 = arith.mulf %while3A_581#15, %mul3A_820 : vector<16xf32>
        %swap3A_822 = arith.constant 240 : index
        %swap3A_823 = tpu.vector_load %arg10[%swap3A_822] {strides = array<i32>} : memref<512xf32, #tpu.memory_space<vmem>>, vector<16xf32>,
        %swap3A_824 = vector.shape_cast %swap3A_823 : vector<16xf32> to vector<16xf32>
        %swap3A_825 = vector.shape_cast %mul3A_821 : vector<16xf32> to vector<16xf32>
        tpu.vector_store %arg10[%swap3A_822], %swap3A_825 {strides = array<i32>} : memref<512xf32, #tpu.memory_space<vmem>>, vector<16xf32>,
        %mul3A_826 = vector.broadcast %squeeze3A_56 : f32 to vector<16xf32>
        %mul3A_827 = arith.mulf %while3A_581#16, %mul3A_826 : vector<16xf32>
        %swap3A_828 = arith.constant 256 : index
        %swap3A_829 = tpu.vector_load %arg10[%swap3A_828] {strides = array<i32>} : memref<512xf32, #tpu.memory_space<vmem>>, vector<16xf32>,
        %swap3A_830 = vector.shape_cast %swap3A_829 : vector<16xf32> to vector<16xf32>
        %swap3A_831 = vector.shape_cast %mul3A_827 : vector<16xf32> to vector<16xf32>
        tpu.vector_store %arg10[%swap3A_828], %swap3A_831 {strides = array<i32>} : memref<512xf32, #tpu.memory_space<vmem>>, vector<16xf32>,
        %mul3A_832 = vector.broadcast %squeeze3A_56 : f32 to vector<16xf32>
        %mul3A_833 = arith.mulf %while3A_581#17, %mul3A_832 : vector<16xf32>
        %swap3A_834 = arith.constant 272 : index
        %swap3A_835 = tpu.vector_load %arg10[%swap3A_834] {strides = array<i32>} : memref<512xf32, #tpu.memory_space<vmem>>, vector<16xf32>,
        %swap3A_836 = vector.shape_cast %swap3A_835 : vector<16xf32> to vector<16xf32>
        %swap3A_837 = vector.shape_cast %mul3A_833 : vector<16xf32> to vector<16xf32>
        tpu.vector_store %arg10[%swap3A_834], %swap3A_837 {strides = array<i32>} : memref<512xf32, #tpu.memory_space<vmem>>, vector<16xf32>,
        %mul3A_838 = vector.broadcast %squeeze3A_56 : f32 to vector<16xf32>
        %mul3A_839 = arith.mulf %while3A_581#18, %mul3A_838 : vector<16xf32>
        %swap3A_840 = arith.constant 288 : index
        %swap3A_841 = tpu.vector_load %arg10[%swap3A_840] {strides = array<i32>} : memref<512xf32, #tpu.memory_space<vmem>>, vector<16xf32>,
        %swap3A_842 = vector.shape_cast %swap3A_841 : vector<16xf32> to vector<16xf32>
        %swap3A_843 = vector.shape_cast %mul3A_839 : vector<16xf32> to vector<16xf32>
        tpu.vector_store %arg10[%swap3A_840], %swap3A_843 {strides = array<i32>} : memref<512xf32, #tpu.memory_space<vmem>>, vector<16xf32>,
        %mul3A_844 = vector.broadcast %squeeze3A_56 : f32 to vector<16xf32>
        %mul3A_845 = arith.mulf %while3A_581#19, %mul3A_844 : vector<16xf32>
        %swap3A_846 = arith.constant 304 : index
        %swap3A_847 = tpu.vector_load %arg10[%swap3A_846] {strides = array<i32>} : memref<512xf32, #tpu.memory_space<vmem>>, vector<16xf32>,
        %swap3A_848 = vector.shape_cast %swap3A_847 : vector<16xf32> to vector<16xf32>
        %swap3A_849 = vector.shape_cast %mul3A_845 : vector<16xf32> to vector<16xf32>
        tpu.vector_store %arg10[%swap3A_846], %swap3A_849 {strides = array<i32>} : memref<512xf32, #tpu.memory_space<vmem>>, vector<16xf32>,
        %mul3A_850 = vector.broadcast %squeeze3A_56 : f32 to vector<16xf32>
        %mul3A_851 = arith.mulf %while3A_581#20, %mul3A_850 : vector<16xf32>
        %swap3A_852 = arith.constant 320 : index
        %swap3A_853 = tpu.vector_load %arg10[%swap3A_852] {strides = array<i32>} : memref<512xf32, #tpu.memory_space<vmem>>, vector<16xf32>,
        %swap3A_854 = vector.shape_cast %swap3A_853 : vector<16xf32> to vector<16xf32>
        %swap3A_855 = vector.shape_cast %mul3A_851 : vector<16xf32> to vector<16xf32>
        tpu.vector_store %arg10[%swap3A_852], %swap3A_855 {strides = array<i32>} : memref<512xf32, #tpu.memory_space<vmem>>, vector<16xf32>,
        %mul3A_856 = vector.broadcast %squeeze3A_56 : f32 to vector<16xf32>
        %mul3A_857 = arith.mulf %while3A_581#21, %mul3A_856 : vector<16xf32>
        %swap3A_858 = arith.constant 336 : index
        %swap3A_859 = tpu.vector_load %arg10[%swap3A_858] {strides = array<i32>} : memref<512xf32, #tpu.memory_space<vmem>>, vector<16xf32>,
        %swap3A_860 = vector.shape_cast %swap3A_859 : vector<16xf32> to vector<16xf32>
        %swap3A_861 = vector.shape_cast %mul3A_857 : vector<16xf32> to vector<16xf32>
        tpu.vector_store %arg10[%swap3A_858], %swap3A_861 {strides = array<i32>} : memref<512xf32, #tpu.memory_space<vmem>>, vector<16xf32>,
        %mul3A_862 = vector.broadcast %squeeze3A_56 : f32 to vector<16xf32>
        %mul3A_863 = arith.mulf %while3A_581#22, %mul3A_862 : vector<16xf32>
        %swap3A_864 = arith.constant 352 : index
        %swap3A_865 = tpu.vector_load %arg10[%swap3A_864] {strides = array<i32>} : memref<512xf32, #tpu.memory_space<vmem>>, vector<16xf32>,
        %swap3A_866 = vector.shape_cast %swap3A_865 : vector<16xf32> to vector<16xf32>
        %swap3A_867 = vector.shape_cast %mul3A_863 : vector<16xf32> to vector<16xf32>
        tpu.vector_store %arg10[%swap3A_864], %swap3A_867 {strides = array<i32>} : memref<512xf32, #tpu.memory_space<vmem>>, vector<16xf32>,
        %mul3A_868 = vector.broadcast %squeeze3A_56 : f32 to vector<16xf32>
        %mul3A_869 = arith.mulf %while3A_581#23, %mul3A_868 : vector<16xf32>
        %swap3A_870 = arith.constant 368 : index
        %swap3A_871 = tpu.vector_load %arg10[%swap3A_870] {strides = array<i32>} : memref<512xf32, #tpu.memory_space<vmem>>, vector<16xf32>,
        %swap3A_872 = vector.shape_cast %swap3A_871 : vector<16xf32> to vector<16xf32>
        %swap3A_873 = vector.shape_cast %mul3A_869 : vector<16xf32> to vector<16xf32>
        tpu.vector_store %arg10[%swap3A_870], %swap3A_873 {strides = array<i32>} : memref<512xf32, #tpu.memory_space<vmem>>, vector<16xf32>,
        %mul3A_874 = vector.broadcast %squeeze3A_56 : f32 to vector<16xf32>
        %mul3A_875 = arith.mulf %while3A_581#24, %mul3A_874 : vector<16xf32>
        %swap3A_876 = arith.constant 384 : index
        %swap3A_877 = tpu.vector_load %arg10[%swap3A_876] {strides = array<i32>} : memref<512xf32, #tpu.memory_space<vmem>>, vector<16xf32>,
        %swap3A_878 = vector.shape_cast %swap3A_877 : vector<16xf32> to vector<16xf32>
        %swap3A_879 = vector.shape_cast %mul3A_875 : vector<16xf32> to vector<16xf32>
        tpu.vector_store %arg10[%swap3A_876], %swap3A_879 {strides = array<i32>} : memref<512xf32, #tpu.memory_space<vmem>>, vector<16xf32>,
        %mul3A_880 = vector.broadcast %squeeze3A_56 : f32 to vector<16xf32>
        %mul3A_881 = arith.mulf %while3A_581#25, %mul3A_880 : vector<16xf32>
        %swap3A_882 = arith.constant 400 : index
        %swap3A_883 = tpu.vector_load %arg10[%swap3A_882] {strides = array<i32>} : memref<512xf32, #tpu.memory_space<vmem>>, vector<16xf32>,
        %swap3A_884 = vector.shape_cast %swap3A_883 : vector<16xf32> to vector<16xf32>
        %swap3A_885 = vector.shape_cast %mul3A_881 : vector<16xf32> to vector<16xf32>
        tpu.vector_store %arg10[%swap3A_882], %swap3A_885 {strides = array<i32>} : memref<512xf32, #tpu.memory_space<vmem>>, vector<16xf32>,
        %mul3A_886 = vector.broadcast %squeeze3A_56 : f32 to vector<16xf32>
        %mul3A_887 = arith.mulf %while3A_581#26, %mul3A_886 : vector<16xf32>
        %swap3A_888 = arith.constant 416 : index
        %swap3A_889 = tpu.vector_load %arg10[%swap3A_888] {strides = array<i32>} : memref<512xf32, #tpu.memory_space<vmem>>, vector<16xf32>,
        %swap3A_890 = vector.shape_cast %swap3A_889 : vector<16xf32> to vector<16xf32>
        %swap3A_891 = vector.shape_cast %mul3A_887 : vector<16xf32> to vector<16xf32>
        tpu.vector_store %arg10[%swap3A_888], %swap3A_891 {strides = array<i32>} : memref<512xf32, #tpu.memory_space<vmem>>, vector<16xf32>,
        %mul3A_892 = vector.broadcast %squeeze3A_56 : f32 to vector<16xf32>
        %mul3A_893 = arith.mulf %while3A_581#27, %mul3A_892 : vector<16xf32>
        %swap3A_894 = arith.constant 432 : index
        %swap3A_895 = tpu.vector_load %arg10[%swap3A_894] {strides = array<i32>} : memref<512xf32, #tpu.memory_space<vmem>>, vector<16xf32>,
        %swap3A_896 = vector.shape_cast %swap3A_895 : vector<16xf32> to vector<16xf32>
        %swap3A_897 = vector.shape_cast %mul3A_893 : vector<16xf32> to vector<16xf32>
        tpu.vector_store %arg10[%swap3A_894], %swap3A_897 {strides = array<i32>} : memref<512xf32, #tpu.memory_space<vmem>>, vector<16xf32>,
        %mul3A_898 = vector.broadcast %squeeze3A_56 : f32 to vector<16xf32>
        %mul3A_899 = arith.mulf %while3A_581#28, %mul3A_898 : vector<16xf32>
        %swap3A_900 = arith.constant 448 : index
        %swap3A_901 = tpu.vector_load %arg10[%swap3A_900] {strides = array<i32>} : memref<512xf32, #tpu.memory_space<vmem>>, vector<16xf32>,
        %swap3A_902 = vector.shape_cast %swap3A_901 : vector<16xf32> to vector<16xf32>
        %swap3A_903 = vector.shape_cast %mul3A_899 : vector<16xf32> to vector<16xf32>
        tpu.vector_store %arg10[%swap3A_900], %swap3A_903 {strides = array<i32>} : memref<512xf32, #tpu.memory_space<vmem>>, vector<16xf32>,
        %mul3A_904 = vector.broadcast %squeeze3A_56 : f32 to vector<16xf32>
        %mul3A_905 = arith.mulf %while3A_581#29, %mul3A_904 : vector<16xf32>
        %swap3A_906 = arith.constant 464 : index
        %swap3A_907 = tpu.vector_load %arg10[%swap3A_906] {strides = array<i32>} : memref<512xf32, #tpu.memory_space<vmem>>, vector<16xf32>,
        %swap3A_908 = vector.shape_cast %swap3A_907 : vector<16xf32> to vector<16xf32>
        %swap3A_909 = vector.shape_cast %mul3A_905 : vector<16xf32> to vector<16xf32>
        tpu.vector_store %arg10[%swap3A_906], %swap3A_909 {strides = array<i32>} : memref<512xf32, #tpu.memory_space<vmem>>, vector<16xf32>,
        %mul3A_910 = vector.broadcast %squeeze3A_56 : f32 to vector<16xf32>
        %mul3A_911 = arith.mulf %while3A_581#30, %mul3A_910 : vector<16xf32>
        %swap3A_912 = arith.constant 480 : index
        %swap3A_913 = tpu.vector_load %arg10[%swap3A_912] {strides = array<i32>} : memref<512xf32, #tpu.memory_space<vmem>>, vector<16xf32>,
        %swap3A_914 = vector.shape_cast %swap3A_913 : vector<16xf32> to vector<16xf32>
        %swap3A_915 = vector.shape_cast %mul3A_911 : vector<16xf32> to vector<16xf32>
        tpu.vector_store %arg10[%swap3A_912], %swap3A_915 {strides = array<i32>} : memref<512xf32, #tpu.memory_space<vmem>>, vector<16xf32>,
        %mul3A_916 = vector.broadcast %squeeze3A_56 : f32 to vector<16xf32>
        %mul3A_917 = arith.mulf %while3A_581#31, %mul3A_916 : vector<16xf32>
        %swap3A_918 = arith.constant 496 : index
        %swap3A_919 = tpu.vector_load %arg10[%swap3A_918] {strides = array<i32>} : memref<512xf32, #tpu.memory_space<vmem>>, vector<16xf32>,
        %swap3A_920 = vector.shape_cast %swap3A_919 : vector<16xf32> to vector<16xf32>
        %swap3A_921 = vector.shape_cast %mul3A_917 : vector<16xf32> to vector<16xf32>
        tpu.vector_store %arg10[%swap3A_918], %swap3A_921 {strides = array<i32>} : memref<512xf32, #tpu.memory_space<vmem>>, vector<16xf32>,
      } else {
      }
      %select_n3A_586 = arith.select %eq3A_584, %broadcast_in_dim3A_60, %while3A_581#0 : vector<16xf32>
      %select_n3A_587 = arith.select %eq3A_584, %broadcast_in_dim3A_60, %while3A_581#1 : vector<16xf32>
      %select_n3A_588 = arith.select %eq3A_584, %broadcast_in_dim3A_60, %while3A_581#2 : vector<16xf32>
      %select_n3A_589 = arith.select %eq3A_584, %broadcast_in_dim3A_60, %while3A_581#3 : vector<16xf32>
      %select_n3A_590 = arith.select %eq3A_584, %broadcast_in_dim3A_60, %while3A_581#4 : vector<16xf32>
      %select_n3A_591 = arith.select %eq3A_584, %broadcast_in_dim3A_60, %while3A_581#5 : vector<16xf32>
      %select_n3A_592 = arith.select %eq3A_584, %broadcast_in_dim3A_60, %while3A_581#6 : vector<16xf32>
      %select_n3A_593 = arith.select %eq3A_584, %broadcast_in_dim3A_60, %while3A_581#7 : vector<16xf32>
      %select_n3A_594 = arith.select %eq3A_584, %broadcast_in_dim3A_60, %while3A_581#8 : vector<16xf32>
      %select_n3A_595 = arith.select %eq3A_584, %broadcast_in_dim3A_60, %while3A_581#9 : vector<16xf32>
      %select_n3A_596 = arith.select %eq3A_584, %broadcast_in_dim3A_60, %while3A_581#10 : vector<16xf32>
      %select_n3A_597 = arith.select %eq3A_584, %broadcast_in_dim3A_60, %while3A_581#11 : vector<16xf32>
      %select_n3A_598 = arith.select %eq3A_584, %broadcast_in_dim3A_60, %while3A_581#12 : vector<16xf32>
      %select_n3A_599 = arith.select %eq3A_584, %broadcast_in_dim3A_60, %while3A_581#13 : vector<16xf32>
      %select_n3A_600 = arith.select %eq3A_584, %broadcast_in_dim3A_60, %while3A_581#14 : vector<16xf32>
      %select_n3A_601 = arith.select %eq3A_584, %broadcast_in_dim3A_60, %while3A_581#15 : vector<16xf32>
      %select_n3A_602 = arith.select %eq3A_584, %broadcast_in_dim3A_60, %while3A_581#16 : vector<16xf32>
      %select_n3A_603 = arith.select %eq3A_584, %broadcast_in_dim3A_60, %while3A_581#17 : vector<16xf32>
      %select_n3A_604 = arith.select %eq3A_584, %broadcast_in_dim3A_60, %while3A_581#18 : vector<16xf32>
      %select_n3A_605 = arith.select %eq3A_584, %broadcast_in_dim3A_60, %while3A_581#19 : vector<16xf32>
      %select_n3A_606 = arith.select %eq3A_584, %broadcast_in_dim3A_60, %while3A_581#20 : vector<16xf32>
      %select_n3A_607 = arith.select %eq3A_584, %broadcast_in_dim3A_60, %while3A_581#21 : vector<16xf32>
      %select_n3A_608 = arith.select %eq3A_584, %broadcast_in_dim3A_60, %while3A_581#22 : vector<16xf32>
      %select_n3A_609 = arith.select %eq3A_584, %broadcast_in_dim3A_60, %while3A_581#23 : vector<16xf32>
      %select_n3A_610 = arith.select %eq3A_584, %broadcast_in_dim3A_60, %while3A_581#24 : vector<16xf32>
      %select_n3A_611 = arith.select %eq3A_584, %broadcast_in_dim3A_60, %while3A_581#25 : vector<16xf32>
      %select_n3A_612 = arith.select %eq3A_584, %broadcast_in_dim3A_60, %while3A_581#26 : vector<16xf32>
      %select_n3A_613 = arith.select %eq3A_584, %broadcast_in_dim3A_60, %while3A_581#27 : vector<16xf32>
      %select_n3A_614 = arith.select %eq3A_584, %broadcast_in_dim3A_60, %while3A_581#28 : vector<16xf32>
      %select_n3A_615 = arith.select %eq3A_584, %broadcast_in_dim3A_60, %while3A_581#29 : vector<16xf32>
      %select_n3A_616 = arith.select %eq3A_584, %broadcast_in_dim3A_60, %while3A_581#30 : vector<16xf32>
      %select_n3A_617 = arith.select %eq3A_584, %broadcast_in_dim3A_60, %while3A_581#31 : vector<16xf32>
      %add3A_618 = arith.constant 1 : i32
      %add3A_619 = arith.addi %while3A_448, %add3A_618 : i32
      %lt3A_620 = arith.cmpi slt, %add3A_619, %select_n3A_86 : i32
      %convert_element_type3A_621 = arith.extui %lt3A_620 : i1 to i32
      %cond3A_622 = arith.constant 0 : i32
      %cond3A_623 = arith.cmpi ne, %convert_element_type3A_621, %cond3A_622 : i32
      scf.if %cond3A_623 {
        %add3A_730 = arith.constant 2 : i32
        %add3A_731 = arith.addi %mul3A_482, %add3A_730 : i32
        %sub3A_732 = arith.constant 1 : i32
        %sub3A_733 = arith.subi %add3A_59, %sub3A_732 : i32
        %min3A_734 = arith.minsi %add3A_731, %sub3A_733 : i32
        %lt3A_735 = arith.cmpi slt, %min3A_734, %squeeze3A_46 : i32
        %select_n3A_736 = arith.select %lt3A_735, %squeeze3A, %squeeze3A_48 : i32
        %select_n3A_737 = arith.select %lt3A_735, %squeeze3A_42, %squeeze3A_50 : i32
        %select_n3A_738 = arith.select %lt3A_735, %squeeze3A_44, %squeeze3A_52 : i32
        %jit3A_739 = arith.constant 0 : i32
        %select_n3A_740 = arith.select %lt3A_735, %jit3A_739, %squeeze3A_46 : i32
        %sub3A_741 = arith.subi %min3A_734, %select_n3A_740 : i32
        %mul3A_742 = arith.constant 64 : i32
        %mul3A_743 = arith.muli %sub3A_741, %mul3A_742 : i32
        %add3A_744 = arith.addi %select_n3A_738, %mul3A_743 : i32
        %min3A_745 = arith.constant 1984 : i32
        %min3A_746 = arith.minsi %add3A_744, %min3A_745 : i32
        %multiple_of3A_747 = tpu.assume_multiple %min3A_746, 8 : i32
        %max3A_748 = arith.maxsi %select_n3A_736, %add3A_744 : i32
        %sub3A_749 = arith.subi %max3A_748, %multiple_of3A_747 : i32
        %add3A_750 = arith.constant 64 : i32
        %add3A_751 = arith.addi %add3A_744, %add3A_750 : i32
        %sub3A_752 = arith.constant 1 : i32
        %sub3A_753 = arith.subi %add3A_751, %sub3A_752 : i32
        %min3A_754 = arith.minsi %select_n3A_737, %sub3A_753 : i32
        %sub3A_755 = arith.subi %min3A_754, %multiple_of3A_747 : i32
        %add3A_756 = arith.constant 1 : i32
        %add3A_757 = arith.addi %sub3A_755, %add3A_756 : i32
        %dma_start3A_758 = tpu.memref_slice %arg2[%select_n3A, %multiple_of3A_747, %multiple_of3A] : memref<4x2048x4096xf32, #tpu.memory_space<hbm>> -> memref<1x64x512xf32, #tpu.memory_space<hbm>>
        %dma_start3A_759 = tpu.memref_squeeze %dma_start3A_758 : memref<1x64x512xf32, #tpu.memory_space<hbm>> -> memref<64x512xf32, #tpu.memory_space<hbm>>
        %dma_start3A_760 = tpu.memref_slice %arg2[%select_n3A, %multiple_of3A_747, %multiple_of3A] : memref<4x2048x4096xf32, #tpu.memory_space<hbm>> -> memref<1x64x512xf32, #tpu.memory_space<hbm>>
        %dma_start3A_761 = tpu.memref_squeeze %dma_start3A_760 : memref<1x64x512xf32, #tpu.memory_space<hbm>> -> memref<64x512xf32, #tpu.memory_space<hbm>>
        tpu.enqueue_dma source(%dma_start3A_761 : memref<64x512xf32, #tpu.memory_space<hbm>>) target(%arg8 : memref<64x512xf32, #tpu.memory_space<vmem>>) target_semaphore(%arg11 : memref<!tpu.dma_semaphore, #tpu.memory_space<semaphore_mem>>)
      } else {
      }
      %sub3A_624 = arith.constant 1 : i32
      %sub3A_625 = arith.subi %add3A_59, %sub3A_624 : i32
      %min3A_626 = arith.minsi %add3A_484, %sub3A_625 : i32
      %lt3A_627 = arith.cmpi slt, %min3A_626, %squeeze3A_46 : i32
      %select_n3A_628 = arith.select %lt3A_627, %squeeze3A, %squeeze3A_48 : i32
      %select_n3A_629 = arith.select %lt3A_627, %squeeze3A_42, %squeeze3A_50 : i32
      %select_n3A_630 = arith.select %lt3A_627, %squeeze3A_44, %squeeze3A_52 : i32
      %jit3A_631 = arith.constant 0 : i32
      %select_n3A_632 = arith.select %lt3A_627, %jit3A_631, %squeeze3A_46 : i32
      %sub3A_633 = arith.subi %min3A_626, %select_n3A_632 : i32
      %mul3A_634 = arith.constant 64 : i32
      %mul3A_635 = arith.muli %sub3A_633, %mul3A_634 : i32
      %add3A_636 = arith.addi %select_n3A_630, %mul3A_635 : i32
      %min3A_637 = arith.constant 1984 : i32
      %min3A_638 = arith.minsi %add3A_636, %min3A_637 : i32
      %multiple_of3A_639 = tpu.assume_multiple %min3A_638, 8 : i32
      %max3A_640 = arith.maxsi %select_n3A_628, %add3A_636 : i32
      %sub3A_641 = arith.subi %max3A_640, %multiple_of3A_639 : i32
      %add3A_642 = arith.constant 64 : i32
      %add3A_643 = arith.addi %add3A_636, %add3A_642 : i32
      %sub3A_644 = arith.constant 1 : i32
      %sub3A_645 = arith.subi %add3A_643, %sub3A_644 : i32
      %min3A_646 = arith.minsi %select_n3A_629, %sub3A_645 : i32
      %sub3A_647 = arith.subi %min3A_646, %multiple_of3A_639 : i32
      %add3A_648 = arith.constant 1 : i32
      %add3A_649 = arith.addi %sub3A_647, %add3A_648 : i32
      %dma_wait3A_650 = tpu.memref_slice %arg2[%select_n3A, %multiple_of3A_639, %multiple_of3A] : memref<4x2048x4096xf32, #tpu.memory_space<hbm>> -> memref<1x64x512xf32, #tpu.memory_space<hbm>>
      %dma_wait3A_651 = tpu.memref_squeeze %dma_wait3A_650 : memref<1x64x512xf32, #tpu.memory_space<hbm>> -> memref<64x512xf32, #tpu.memory_space<hbm>>
      %dma_wait3A_652 = tpu.memref_slice %arg2[%select_n3A, %multiple_of3A_639, %multiple_of3A] : memref<4x2048x4096xf32, #tpu.memory_space<hbm>> -> memref<1x64x512xf32, #tpu.memory_space<hbm>>
      %dma_wait3A_653 = tpu.memref_squeeze %dma_wait3A_652 : memref<1x64x512xf32, #tpu.memory_space<hbm>> -> memref<64x512xf32, #tpu.memory_space<hbm>>
      tpu.wait_dma2 semaphore(%arg12 : memref<!tpu.dma_semaphore, #tpu.memory_space<semaphore_mem>>) src(%dma_wait3A_653 : memref<64x512xf32, #tpu.memory_space<hbm>>) dst(%arg9 : memref<64x512xf32, #tpu.memory_space<vmem>>)
      %lt3A_654 = arith.cmpi slt, %add3A_484, %add3A_59 : i32
      %sub3A_655 = arith.constant 1 : i32
      %sub3A_656 = arith.subi %add3A_59, %sub3A_655 : i32
      %min3A_657 = arith.minsi %add3A_484, %sub3A_656 : i32
      %lt3A_658 = arith.cmpi slt, %min3A_657, %squeeze3A_46 : i32
      %select_n3A_659 = arith.select %lt3A_658, %squeeze3A, %squeeze3A_48 : i32
      %select_n3A_660 = arith.select %lt3A_658, %squeeze3A_42, %squeeze3A_50 : i32
      %select_n3A_661 = arith.select %lt3A_658, %squeeze3A_44, %squeeze3A_52 : i32
      %jit3A_662 = arith.constant 0 : i32
      %select_n3A_663 = arith.select %lt3A_658, %jit3A_662, %squeeze3A_46 : i32
      %sub3A_664 = arith.subi %min3A_657, %select_n3A_663 : i32
      %mul3A_665 = arith.constant 64 : i32
      %mul3A_666 = arith.muli %sub3A_664, %mul3A_665 : i32
      %add3A_667 = arith.addi %select_n3A_661, %mul3A_666 : i32
      %min3A_668 = arith.constant 1984 : i32
      %min3A_669 = arith.minsi %add3A_667, %min3A_668 : i32
      %multiple_of3A_670 = tpu.assume_multiple %min3A_669, 8 : i32
      %max3A_671 = arith.maxsi %select_n3A_659, %add3A_667 : i32
      %sub3A_672 = arith.subi %max3A_671, %multiple_of3A_670 : i32
      %add3A_673 = arith.constant 64 : i32
      %add3A_674 = arith.addi %add3A_667, %add3A_673 : i32
      %sub3A_675 = arith.constant 1 : i32
      %sub3A_676 = arith.subi %add3A_674, %sub3A_675 : i32
      %min3A_677 = arith.minsi %select_n3A_660, %sub3A_676 : i32
      %sub3A_678 = arith.subi %min3A_677, %multiple_of3A_670 : i32
      %add3A_679 = arith.constant 1 : i32
      %add3A_680 = arith.addi %sub3A_678, %add3A_679 : i32
      %select_n3A_681 = arith.select %lt3A_654, %add3A_680, %sub3A_672 : i32
      %while3A_682 = arith.subi %select_n3A_681, %sub3A_672 : i32
      %while3A_683 = arith.addi %sub3A_672, %while3A_682 : i32
      %while3A_684 = arith.constant 1 : i32
      %while3A_685 = arith.divsi %while3A_682, %while3A_684 : i32
      %while3A_686 = arith.muli %while3A_685, %while3A_684 : i32
      %while3A_687 = arith.addi %sub3A_672, %while3A_686 : i32
      %while3A_688 = arith.constant 1 : i32
      %while3A_689:32 = scf.for %while3A_730 = %sub3A_672 to %while3A_687 step %while3A_688 iter_args(%while3A_731 = %select_n3A_586, %while3A_732 = %select_n3A_587, %while3A_733 = %select_n3A_588, %while3A_734 = %select_n3A_589, %while3A_735 = %select_n3A_590, %while3A_736 = %select_n3A_591, %while3A_737 = %select_n3A_592, %while3A_738 = %select_n3A_593, %while3A_739 = %select_n3A_594, %while3A_740 = %select_n3A_595, %while3A_741 = %select_n3A_596, %while3A_742 = %select_n3A_597, %while3A_743 = %select_n3A_598, %while3A_744 = %select_n3A_599, %while3A_745 = %select_n3A_600, %while3A_746 = %select_n3A_601, %while3A_747 = %select_n3A_602, %while3A_748 = %select_n3A_603, %while3A_749 = %select_n3A_604, %while3A_750 = %select_n3A_605, %while3A_751 = %select_n3A_606, %while3A_752 = %select_n3A_607, %while3A_753 = %select_n3A_608, %while3A_754 = %select_n3A_609, %while3A_755 = %select_n3A_610, %while3A_756 = %select_n3A_611, %while3A_757 = %select_n3A_612, %while3A_758 = %select_n3A_613, %while3A_759 = %select_n3A_614, %while3A_760 = %select_n3A_615, %while3A_761 = %select_n3A_616, %while3A_762 = %select_n3A_617) -> (vector<16xf32>, vector<16xf32>, vector<16xf32>, vector<16xf32>, vector<16xf32>, vector<16xf32>, vector<16xf32>, vector<16xf32>, vector<16xf32>, vector<16xf32>, vector<16xf32>, vector<16xf32>, vector<16xf32>, vector<16xf32>, vector<16xf32>, vector<16xf32>, vector<16xf32>, vector<16xf32>, vector<16xf32>, vector<16xf32>, vector<16xf32>, vector<16xf32>, vector<16xf32>, vector<16xf32>, vector<16xf32>, vector<16xf32>, vector<16xf32>, vector<16xf32>, vector<16xf32>, vector<16xf32>, vector<16xf32>, vector<16xf32>)  : i32 {
        %get3A_763 = arith.index_cast %while3A_730 : i32 to index
        %get3A_764 = arith.constant 0 : index
        %get3A_765 = tpu.vector_load %arg9[%get3A_763, %get3A_764] {strides = array<i32>} : memref<64x512xf32, #tpu.memory_space<vmem>>, vector<1x16xf32>,
        %get3A_766 = vector.shape_cast %get3A_765 : vector<1x16xf32> to vector<16xf32>
        %add3A_767 = arith.addf %while3A_731, %get3A_766 : vector<16xf32>
        %get3A_768 = arith.index_cast %while3A_730 : i32 to index
        %get3A_769 = arith.constant 16 : index
        %get3A_770 = tpu.vector_load %arg9[%get3A_768, %get3A_769] {strides = array<i32>} : memref<64x512xf32, #tpu.memory_space<vmem>>, vector<1x16xf32>,
        %get3A_771 = vector.shape_cast %get3A_770 : vector<1x16xf32> to vector<16xf32>
        %add3A_772 = arith.addf %while3A_732, %get3A_771 : vector<16xf32>
        %get3A_773 = arith.index_cast %while3A_730 : i32 to index
        %get3A_774 = arith.constant 32 : index
        %get3A_775 = tpu.vector_load %arg9[%get3A_773, %get3A_774] {strides = array<i32>} : memref<64x512xf32, #tpu.memory_space<vmem>>, vector<1x16xf32>,
        %get3A_776 = vector.shape_cast %get3A_775 : vector<1x16xf32> to vector<16xf32>
        %add3A_777 = arith.addf %while3A_733, %get3A_776 : vector<16xf32>
        %get3A_778 = arith.index_cast %while3A_730 : i32 to index
        %get3A_779 = arith.constant 48 : index
        %get3A_780 = tpu.vector_load %arg9[%get3A_778, %get3A_779] {strides = array<i32>} : memref<64x512xf32, #tpu.memory_space<vmem>>, vector<1x16xf32>,
        %get3A_781 = vector.shape_cast %get3A_780 : vector<1x16xf32> to vector<16xf32>
        %add3A_782 = arith.addf %while3A_734, %get3A_781 : vector<16xf32>
        %get3A_783 = arith.index_cast %while3A_730 : i32 to index
        %get3A_784 = arith.constant 64 : index
        %get3A_785 = tpu.vector_load %arg9[%get3A_783, %get3A_784] {strides = array<i32>} : memref<64x512xf32, #tpu.memory_space<vmem>>, vector<1x16xf32>,
        %get3A_786 = vector.shape_cast %get3A_785 : vector<1x16xf32> to vector<16xf32>
        %add3A_787 = arith.addf %while3A_735, %get3A_786 : vector<16xf32>
        %get3A_788 = arith.index_cast %while3A_730 : i32 to index
        %get3A_789 = arith.constant 80 : index
        %get3A_790 = tpu.vector_load %arg9[%get3A_788, %get3A_789] {strides = array<i32>} : memref<64x512xf32, #tpu.memory_space<vmem>>, vector<1x16xf32>,
        %get3A_791 = vector.shape_cast %get3A_790 : vector<1x16xf32> to vector<16xf32>
        %add3A_792 = arith.addf %while3A_736, %get3A_791 : vector<16xf32>
        %get3A_793 = arith.index_cast %while3A_730 : i32 to index
        %get3A_794 = arith.constant 96 : index
        %get3A_795 = tpu.vector_load %arg9[%get3A_793, %get3A_794] {strides = array<i32>} : memref<64x512xf32, #tpu.memory_space<vmem>>, vector<1x16xf32>,
        %get3A_796 = vector.shape_cast %get3A_795 : vector<1x16xf32> to vector<16xf32>
        %add3A_797 = arith.addf %while3A_737, %get3A_796 : vector<16xf32>
        %get3A_798 = arith.index_cast %while3A_730 : i32 to index
        %get3A_799 = arith.constant 112 : index
        %get3A_800 = tpu.vector_load %arg9[%get3A_798, %get3A_799] {strides = array<i32>} : memref<64x512xf32, #tpu.memory_space<vmem>>, vector<1x16xf32>,
        %get3A_801 = vector.shape_cast %get3A_800 : vector<1x16xf32> to vector<16xf32>
        %add3A_802 = arith.addf %while3A_738, %get3A_801 : vector<16xf32>
        %get3A_803 = arith.index_cast %while3A_730 : i32 to index
        %get3A_804 = arith.constant 128 : index
        %get3A_805 = tpu.vector_load %arg9[%get3A_803, %get3A_804] {strides = array<i32>} : memref<64x512xf32, #tpu.memory_space<vmem>>, vector<1x16xf32>,
        %get3A_806 = vector.shape_cast %get3A_805 : vector<1x16xf32> to vector<16xf32>
        %add3A_807 = arith.addf %while3A_739, %get3A_806 : vector<16xf32>
        %get3A_808 = arith.index_cast %while3A_730 : i32 to index
        %get3A_809 = arith.constant 144 : index
        %get3A_810 = tpu.vector_load %arg9[%get3A_808, %get3A_809] {strides = array<i32>} : memref<64x512xf32, #tpu.memory_space<vmem>>, vector<1x16xf32>,
        %get3A_811 = vector.shape_cast %get3A_810 : vector<1x16xf32> to vector<16xf32>
        %add3A_812 = arith.addf %while3A_740, %get3A_811 : vector<16xf32>
        %get3A_813 = arith.index_cast %while3A_730 : i32 to index
        %get3A_814 = arith.constant 160 : index
        %get3A_815 = tpu.vector_load %arg9[%get3A_813, %get3A_814] {strides = array<i32>} : memref<64x512xf32, #tpu.memory_space<vmem>>, vector<1x16xf32>,
        %get3A_816 = vector.shape_cast %get3A_815 : vector<1x16xf32> to vector<16xf32>
        %add3A_817 = arith.addf %while3A_741, %get3A_816 : vector<16xf32>
        %get3A_818 = arith.index_cast %while3A_730 : i32 to index
        %get3A_819 = arith.constant 176 : index
        %get3A_820 = tpu.vector_load %arg9[%get3A_818, %get3A_819] {strides = array<i32>} : memref<64x512xf32, #tpu.memory_space<vmem>>, vector<1x16xf32>,
        %get3A_821 = vector.shape_cast %get3A_820 : vector<1x16xf32> to vector<16xf32>
        %add3A_822 = arith.addf %while3A_742, %get3A_821 : vector<16xf32>
        %get3A_823 = arith.index_cast %while3A_730 : i32 to index
        %get3A_824 = arith.constant 192 : index
        %get3A_825 = tpu.vector_load %arg9[%get3A_823, %get3A_824] {strides = array<i32>} : memref<64x512xf32, #tpu.memory_space<vmem>>, vector<1x16xf32>,
        %get3A_826 = vector.shape_cast %get3A_825 : vector<1x16xf32> to vector<16xf32>
        %add3A_827 = arith.addf %while3A_743, %get3A_826 : vector<16xf32>
        %get3A_828 = arith.index_cast %while3A_730 : i32 to index
        %get3A_829 = arith.constant 208 : index
        %get3A_830 = tpu.vector_load %arg9[%get3A_828, %get3A_829] {strides = array<i32>} : memref<64x512xf32, #tpu.memory_space<vmem>>, vector<1x16xf32>,
        %get3A_831 = vector.shape_cast %get3A_830 : vector<1x16xf32> to vector<16xf32>
        %add3A_832 = arith.addf %while3A_744, %get3A_831 : vector<16xf32>
        %get3A_833 = arith.index_cast %while3A_730 : i32 to index
        %get3A_834 = arith.constant 224 : index
        %get3A_835 = tpu.vector_load %arg9[%get3A_833, %get3A_834] {strides = array<i32>} : memref<64x512xf32, #tpu.memory_space<vmem>>, vector<1x16xf32>,
        %get3A_836 = vector.shape_cast %get3A_835 : vector<1x16xf32> to vector<16xf32>
        %add3A_837 = arith.addf %while3A_745, %get3A_836 : vector<16xf32>
        %get3A_838 = arith.index_cast %while3A_730 : i32 to index
        %get3A_839 = arith.constant 240 : index
        %get3A_840 = tpu.vector_load %arg9[%get3A_838, %get3A_839] {strides = array<i32>} : memref<64x512xf32, #tpu.memory_space<vmem>>, vector<1x16xf32>,
        %get3A_841 = vector.shape_cast %get3A_840 : vector<1x16xf32> to vector<16xf32>
        %add3A_842 = arith.addf %while3A_746, %get3A_841 : vector<16xf32>
        %get3A_843 = arith.index_cast %while3A_730 : i32 to index
        %get3A_844 = arith.constant 256 : index
        %get3A_845 = tpu.vector_load %arg9[%get3A_843, %get3A_844] {strides = array<i32>} : memref<64x512xf32, #tpu.memory_space<vmem>>, vector<1x16xf32>,
        %get3A_846 = vector.shape_cast %get3A_845 : vector<1x16xf32> to vector<16xf32>
        %add3A_847 = arith.addf %while3A_747, %get3A_846 : vector<16xf32>
        %get3A_848 = arith.index_cast %while3A_730 : i32 to index
        %get3A_849 = arith.constant 272 : index
        %get3A_850 = tpu.vector_load %arg9[%get3A_848, %get3A_849] {strides = array<i32>} : memref<64x512xf32, #tpu.memory_space<vmem>>, vector<1x16xf32>,
        %get3A_851 = vector.shape_cast %get3A_850 : vector<1x16xf32> to vector<16xf32>
        %add3A_852 = arith.addf %while3A_748, %get3A_851 : vector<16xf32>
        %get3A_853 = arith.index_cast %while3A_730 : i32 to index
        %get3A_854 = arith.constant 288 : index
        %get3A_855 = tpu.vector_load %arg9[%get3A_853, %get3A_854] {strides = array<i32>} : memref<64x512xf32, #tpu.memory_space<vmem>>, vector<1x16xf32>,
        %get3A_856 = vector.shape_cast %get3A_855 : vector<1x16xf32> to vector<16xf32>
        %add3A_857 = arith.addf %while3A_749, %get3A_856 : vector<16xf32>
        %get3A_858 = arith.index_cast %while3A_730 : i32 to index
        %get3A_859 = arith.constant 304 : index
        %get3A_860 = tpu.vector_load %arg9[%get3A_858, %get3A_859] {strides = array<i32>} : memref<64x512xf32, #tpu.memory_space<vmem>>, vector<1x16xf32>,
        %get3A_861 = vector.shape_cast %get3A_860 : vector<1x16xf32> to vector<16xf32>
        %add3A_862 = arith.addf %while3A_750, %get3A_861 : vector<16xf32>
        %get3A_863 = arith.index_cast %while3A_730 : i32 to index
        %get3A_864 = arith.constant 320 : index
        %get3A_865 = tpu.vector_load %arg9[%get3A_863, %get3A_864] {strides = array<i32>} : memref<64x512xf32, #tpu.memory_space<vmem>>, vector<1x16xf32>,
        %get3A_866 = vector.shape_cast %get3A_865 : vector<1x16xf32> to vector<16xf32>
        %add3A_867 = arith.addf %while3A_751, %get3A_866 : vector<16xf32>
        %get3A_868 = arith.index_cast %while3A_730 : i32 to index
        %get3A_869 = arith.constant 336 : index
        %get3A_870 = tpu.vector_load %arg9[%get3A_868, %get3A_869] {strides = array<i32>} : memref<64x512xf32, #tpu.memory_space<vmem>>, vector<1x16xf32>,
        %get3A_871 = vector.shape_cast %get3A_870 : vector<1x16xf32> to vector<16xf32>
        %add3A_872 = arith.addf %while3A_752, %get3A_871 : vector<16xf32>
        %get3A_873 = arith.index_cast %while3A_730 : i32 to index
        %get3A_874 = arith.constant 352 : index
        %get3A_875 = tpu.vector_load %arg9[%get3A_873, %get3A_874] {strides = array<i32>} : memref<64x512xf32, #tpu.memory_space<vmem>>, vector<1x16xf32>,
        %get3A_876 = vector.shape_cast %get3A_875 : vector<1x16xf32> to vector<16xf32>
        %add3A_877 = arith.addf %while3A_753, %get3A_876 : vector<16xf32>
        %get3A_878 = arith.index_cast %while3A_730 : i32 to index
        %get3A_879 = arith.constant 368 : index
        %get3A_880 = tpu.vector_load %arg9[%get3A_878, %get3A_879] {strides = array<i32>} : memref<64x512xf32, #tpu.memory_space<vmem>>, vector<1x16xf32>,
        %get3A_881 = vector.shape_cast %get3A_880 : vector<1x16xf32> to vector<16xf32>
        %add3A_882 = arith.addf %while3A_754, %get3A_881 : vector<16xf32>
        %get3A_883 = arith.index_cast %while3A_730 : i32 to index
        %get3A_884 = arith.constant 384 : index
        %get3A_885 = tpu.vector_load %arg9[%get3A_883, %get3A_884] {strides = array<i32>} : memref<64x512xf32, #tpu.memory_space<vmem>>, vector<1x16xf32>,
        %get3A_886 = vector.shape_cast %get3A_885 : vector<1x16xf32> to vector<16xf32>
        %add3A_887 = arith.addf %while3A_755, %get3A_886 : vector<16xf32>
        %get3A_888 = arith.index_cast %while3A_730 : i32 to index
        %get3A_889 = arith.constant 400 : index
        %get3A_890 = tpu.vector_load %arg9[%get3A_888, %get3A_889] {strides = array<i32>} : memref<64x512xf32, #tpu.memory_space<vmem>>, vector<1x16xf32>,
        %get3A_891 = vector.shape_cast %get3A_890 : vector<1x16xf32> to vector<16xf32>
        %add3A_892 = arith.addf %while3A_756, %get3A_891 : vector<16xf32>
        %get3A_893 = arith.index_cast %while3A_730 : i32 to index
        %get3A_894 = arith.constant 416 : index
        %get3A_895 = tpu.vector_load %arg9[%get3A_893, %get3A_894] {strides = array<i32>} : memref<64x512xf32, #tpu.memory_space<vmem>>, vector<1x16xf32>,
        %get3A_896 = vector.shape_cast %get3A_895 : vector<1x16xf32> to vector<16xf32>
        %add3A_897 = arith.addf %while3A_757, %get3A_896 : vector<16xf32>
        %get3A_898 = arith.index_cast %while3A_730 : i32 to index
        %get3A_899 = arith.constant 432 : index
        %get3A_900 = tpu.vector_load %arg9[%get3A_898, %get3A_899] {strides = array<i32>} : memref<64x512xf32, #tpu.memory_space<vmem>>, vector<1x16xf32>,
        %get3A_901 = vector.shape_cast %get3A_900 : vector<1x16xf32> to vector<16xf32>
        %add3A_902 = arith.addf %while3A_758, %get3A_901 : vector<16xf32>
        %get3A_903 = arith.index_cast %while3A_730 : i32 to index
        %get3A_904 = arith.constant 448 : index
        %get3A_905 = tpu.vector_load %arg9[%get3A_903, %get3A_904] {strides = array<i32>} : memref<64x512xf32, #tpu.memory_space<vmem>>, vector<1x16xf32>,
        %get3A_906 = vector.shape_cast %get3A_905 : vector<1x16xf32> to vector<16xf32>
        %add3A_907 = arith.addf %while3A_759, %get3A_906 : vector<16xf32>
        %get3A_908 = arith.index_cast %while3A_730 : i32 to index
        %get3A_909 = arith.constant 464 : index
        %get3A_910 = tpu.vector_load %arg9[%get3A_908, %get3A_909] {strides = array<i32>} : memref<64x512xf32, #tpu.memory_space<vmem>>, vector<1x16xf32>,
        %get3A_911 = vector.shape_cast %get3A_910 : vector<1x16xf32> to vector<16xf32>
        %add3A_912 = arith.addf %while3A_760, %get3A_911 : vector<16xf32>
        %get3A_913 = arith.index_cast %while3A_730 : i32 to index
        %get3A_914 = arith.constant 480 : index
        %get3A_915 = tpu.vector_load %arg9[%get3A_913, %get3A_914] {strides = array<i32>} : memref<64x512xf32, #tpu.memory_space<vmem>>, vector<1x16xf32>,
        %get3A_916 = vector.shape_cast %get3A_915 : vector<1x16xf32> to vector<16xf32>
        %add3A_917 = arith.addf %while3A_761, %get3A_916 : vector<16xf32>
        %get3A_918 = arith.index_cast %while3A_730 : i32 to index
        %get3A_919 = arith.constant 496 : index
        %get3A_920 = tpu.vector_load %arg9[%get3A_918, %get3A_919] {strides = array<i32>} : memref<64x512xf32, #tpu.memory_space<vmem>>, vector<1x16xf32>,
        %get3A_921 = vector.shape_cast %get3A_920 : vector<1x16xf32> to vector<16xf32>
        %add3A_922 = arith.addf %while3A_762, %get3A_921 : vector<16xf32>
        scf.yield %add3A_767, %add3A_772, %add3A_777, %add3A_782, %add3A_787, %add3A_792, %add3A_797, %add3A_802, %add3A_807, %add3A_812, %add3A_817, %add3A_822, %add3A_827, %add3A_832, %add3A_837, %add3A_842, %add3A_847, %add3A_852, %add3A_857, %add3A_862, %add3A_867, %add3A_872, %add3A_877, %add3A_882, %add3A_887, %add3A_892, %add3A_897, %add3A_902, %add3A_907, %add3A_912, %add3A_917, %add3A_922 : vector<16xf32>, vector<16xf32>, vector<16xf32>, vector<16xf32>, vector<16xf32>, vector<16xf32>, vector<16xf32>, vector<16xf32>, vector<16xf32>, vector<16xf32>, vector<16xf32>, vector<16xf32>, vector<16xf32>, vector<16xf32>, vector<16xf32>, vector<16xf32>, vector<16xf32>, vector<16xf32>, vector<16xf32>, vector<16xf32>, vector<16xf32>, vector<16xf32>, vector<16xf32>, vector<16xf32>, vector<16xf32>, vector<16xf32>, vector<16xf32>, vector<16xf32>, vector<16xf32>, vector<16xf32>, vector<16xf32>, vector<16xf32>
      }
      %while3A_690 = arith.constant 1 : i32
      %while3A_691:32 = scf.for %while3A_730 = %while3A_687 to %while3A_683 step %while3A_690 iter_args(%while3A_731 = %while3A_689#0, %while3A_732 = %while3A_689#1, %while3A_733 = %while3A_689#2, %while3A_734 = %while3A_689#3, %while3A_735 = %while3A_689#4, %while3A_736 = %while3A_689#5, %while3A_737 = %while3A_689#6, %while3A_738 = %while3A_689#7, %while3A_739 = %while3A_689#8, %while3A_740 = %while3A_689#9, %while3A_741 = %while3A_689#10, %while3A_742 = %while3A_689#11, %while3A_743 = %while3A_689#12, %while3A_744 = %while3A_689#13, %while3A_745 = %while3A_689#14, %while3A_746 = %while3A_689#15, %while3A_747 = %while3A_689#16, %while3A_748 = %while3A_689#17, %while3A_749 = %while3A_689#18, %while3A_750 = %while3A_689#19, %while3A_751 = %while3A_689#20, %while3A_752 = %while3A_689#21, %while3A_753 = %while3A_689#22, %while3A_754 = %while3A_689#23, %while3A_755 = %while3A_689#24, %while3A_756 = %while3A_689#25, %while3A_757 = %while3A_689#26, %while3A_758 = %while3A_689#27, %while3A_759 = %while3A_689#28, %while3A_760 = %while3A_689#29, %while3A_761 = %while3A_689#30, %while3A_762 = %while3A_689#31) -> (vector<16xf32>, vector<16xf32>, vector<16xf32>, vector<16xf32>, vector<16xf32>, vector<16xf32>, vector<16xf32>, vector<16xf32>, vector<16xf32>, vector<16xf32>, vector<16xf32>, vector<16xf32>, vector<16xf32>, vector<16xf32>, vector<16xf32>, vector<16xf32>, vector<16xf32>, vector<16xf32>, vector<16xf32>, vector<16xf32>, vector<16xf32>, vector<16xf32>, vector<16xf32>, vector<16xf32>, vector<16xf32>, vector<16xf32>, vector<16xf32>, vector<16xf32>, vector<16xf32>, vector<16xf32>, vector<16xf32>, vector<16xf32>)  : i32 {
        %get3A_763 = arith.index_cast %while3A_730 : i32 to index
        %get3A_764 = arith.constant 0 : index
        %get3A_765 = tpu.vector_load %arg9[%get3A_763, %get3A_764] {strides = array<i32>} : memref<64x512xf32, #tpu.memory_space<vmem>>, vector<1x16xf32>,
        %get3A_766 = vector.shape_cast %get3A_765 : vector<1x16xf32> to vector<16xf32>
        %add3A_767 = arith.addf %while3A_731, %get3A_766 : vector<16xf32>
        %get3A_768 = arith.index_cast %while3A_730 : i32 to index
        %get3A_769 = arith.constant 16 : index
        %get3A_770 = tpu.vector_load %arg9[%get3A_768, %get3A_769] {strides = array<i32>} : memref<64x512xf32, #tpu.memory_space<vmem>>, vector<1x16xf32>,
        %get3A_771 = vector.shape_cast %get3A_770 : vector<1x16xf32> to vector<16xf32>
        %add3A_772 = arith.addf %while3A_732, %get3A_771 : vector<16xf32>
        %get3A_773 = arith.index_cast %while3A_730 : i32 to index
        %get3A_774 = arith.constant 32 : index
        %get3A_775 = tpu.vector_load %arg9[%get3A_773, %get3A_774] {strides = array<i32>} : memref<64x512xf32, #tpu.memory_space<vmem>>, vector<1x16xf32>,
        %get3A_776 = vector.shape_cast %get3A_775 : vector<1x16xf32> to vector<16xf32>
        %add3A_777 = arith.addf %while3A_733, %get3A_776 : vector<16xf32>
        %get3A_778 = arith.index_cast %while3A_730 : i32 to index
        %get3A_779 = arith.constant 48 : index
        %get3A_780 = tpu.vector_load %arg9[%get3A_778, %get3A_779] {strides = array<i32>} : memref<64x512xf32, #tpu.memory_space<vmem>>, vector<1x16xf32>,
        %get3A_781 = vector.shape_cast %get3A_780 : vector<1x16xf32> to vector<16xf32>
        %add3A_782 = arith.addf %while3A_734, %get3A_781 : vector<16xf32>
        %get3A_783 = arith.index_cast %while3A_730 : i32 to index
        %get3A_784 = arith.constant 64 : index
        %get3A_785 = tpu.vector_load %arg9[%get3A_783, %get3A_784] {strides = array<i32>} : memref<64x512xf32, #tpu.memory_space<vmem>>, vector<1x16xf32>,
        %get3A_786 = vector.shape_cast %get3A_785 : vector<1x16xf32> to vector<16xf32>
        %add3A_787 = arith.addf %while3A_735, %get3A_786 : vector<16xf32>
        %get3A_788 = arith.index_cast %while3A_730 : i32 to index
        %get3A_789 = arith.constant 80 : index
        %get3A_790 = tpu.vector_load %arg9[%get3A_788, %get3A_789] {strides = array<i32>} : memref<64x512xf32, #tpu.memory_space<vmem>>, vector<1x16xf32>,
        %get3A_791 = vector.shape_cast %get3A_790 : vector<1x16xf32> to vector<16xf32>
        %add3A_792 = arith.addf %while3A_736, %get3A_791 : vector<16xf32>
        %get3A_793 = arith.index_cast %while3A_730 : i32 to index
        %get3A_794 = arith.constant 96 : index
        %get3A_795 = tpu.vector_load %arg9[%get3A_793, %get3A_794] {strides = array<i32>} : memref<64x512xf32, #tpu.memory_space<vmem>>, vector<1x16xf32>,
        %get3A_796 = vector.shape_cast %get3A_795 : vector<1x16xf32> to vector<16xf32>
        %add3A_797 = arith.addf %while3A_737, %get3A_796 : vector<16xf32>
        %get3A_798 = arith.index_cast %while3A_730 : i32 to index
        %get3A_799 = arith.constant 112 : index
        %get3A_800 = tpu.vector_load %arg9[%get3A_798, %get3A_799] {strides = array<i32>} : memref<64x512xf32, #tpu.memory_space<vmem>>, vector<1x16xf32>,
        %get3A_801 = vector.shape_cast %get3A_800 : vector<1x16xf32> to vector<16xf32>
        %add3A_802 = arith.addf %while3A_738, %get3A_801 : vector<16xf32>
        %get3A_803 = arith.index_cast %while3A_730 : i32 to index
        %get3A_804 = arith.constant 128 : index
        %get3A_805 = tpu.vector_load %arg9[%get3A_803, %get3A_804] {strides = array<i32>} : memref<64x512xf32, #tpu.memory_space<vmem>>, vector<1x16xf32>,
        %get3A_806 = vector.shape_cast %get3A_805 : vector<1x16xf32> to vector<16xf32>
        %add3A_807 = arith.addf %while3A_739, %get3A_806 : vector<16xf32>
        %get3A_808 = arith.index_cast %while3A_730 : i32 to index
        %get3A_809 = arith.constant 144 : index
        %get3A_810 = tpu.vector_load %arg9[%get3A_808, %get3A_809] {strides = array<i32>} : memref<64x512xf32, #tpu.memory_space<vmem>>, vector<1x16xf32>,
        %get3A_811 = vector.shape_cast %get3A_810 : vector<1x16xf32> to vector<16xf32>
        %add3A_812 = arith.addf %while3A_740, %get3A_811 : vector<16xf32>
        %get3A_813 = arith.index_cast %while3A_730 : i32 to index
        %get3A_814 = arith.constant 160 : index
        %get3A_815 = tpu.vector_load %arg9[%get3A_813, %get3A_814] {strides = array<i32>} : memref<64x512xf32, #tpu.memory_space<vmem>>, vector<1x16xf32>,
        %get3A_816 = vector.shape_cast %get3A_815 : vector<1x16xf32> to vector<16xf32>
        %add3A_817 = arith.addf %while3A_741, %get3A_816 : vector<16xf32>
        %get3A_818 = arith.index_cast %while3A_730 : i32 to index
        %get3A_819 = arith.constant 176 : index
        %get3A_820 = tpu.vector_load %arg9[%get3A_818, %get3A_819] {strides = array<i32>} : memref<64x512xf32, #tpu.memory_space<vmem>>, vector<1x16xf32>,
        %get3A_821 = vector.shape_cast %get3A_820 : vector<1x16xf32> to vector<16xf32>
        %add3A_822 = arith.addf %while3A_742, %get3A_821 : vector<16xf32>
        %get3A_823 = arith.index_cast %while3A_730 : i32 to index
        %get3A_824 = arith.constant 192 : index
        %get3A_825 = tpu.vector_load %arg9[%get3A_823, %get3A_824] {strides = array<i32>} : memref<64x512xf32, #tpu.memory_space<vmem>>, vector<1x16xf32>,
        %get3A_826 = vector.shape_cast %get3A_825 : vector<1x16xf32> to vector<16xf32>
        %add3A_827 = arith.addf %while3A_743, %get3A_826 : vector<16xf32>
        %get3A_828 = arith.index_cast %while3A_730 : i32 to index
        %get3A_829 = arith.constant 208 : index
        %get3A_830 = tpu.vector_load %arg9[%get3A_828, %get3A_829] {strides = array<i32>} : memref<64x512xf32, #tpu.memory_space<vmem>>, vector<1x16xf32>,
        %get3A_831 = vector.shape_cast %get3A_830 : vector<1x16xf32> to vector<16xf32>
        %add3A_832 = arith.addf %while3A_744, %get3A_831 : vector<16xf32>
        %get3A_833 = arith.index_cast %while3A_730 : i32 to index
        %get3A_834 = arith.constant 224 : index
        %get3A_835 = tpu.vector_load %arg9[%get3A_833, %get3A_834] {strides = array<i32>} : memref<64x512xf32, #tpu.memory_space<vmem>>, vector<1x16xf32>,
        %get3A_836 = vector.shape_cast %get3A_835 : vector<1x16xf32> to vector<16xf32>
        %add3A_837 = arith.addf %while3A_745, %get3A_836 : vector<16xf32>
        %get3A_838 = arith.index_cast %while3A_730 : i32 to index
        %get3A_839 = arith.constant 240 : index
        %get3A_840 = tpu.vector_load %arg9[%get3A_838, %get3A_839] {strides = array<i32>} : memref<64x512xf32, #tpu.memory_space<vmem>>, vector<1x16xf32>,
        %get3A_841 = vector.shape_cast %get3A_840 : vector<1x16xf32> to vector<16xf32>
        %add3A_842 = arith.addf %while3A_746, %get3A_841 : vector<16xf32>
        %get3A_843 = arith.index_cast %while3A_730 : i32 to index
        %get3A_844 = arith.constant 256 : index
        %get3A_845 = tpu.vector_load %arg9[%get3A_843, %get3A_844] {strides = array<i32>} : memref<64x512xf32, #tpu.memory_space<vmem>>, vector<1x16xf32>,
        %get3A_846 = vector.shape_cast %get3A_845 : vector<1x16xf32> to vector<16xf32>
        %add3A_847 = arith.addf %while3A_747, %get3A_846 : vector<16xf32>
        %get3A_848 = arith.index_cast %while3A_730 : i32 to index
        %get3A_849 = arith.constant 272 : index
        %get3A_850 = tpu.vector_load %arg9[%get3A_848, %get3A_849] {strides = array<i32>} : memref<64x512xf32, #tpu.memory_space<vmem>>, vector<1x16xf32>,
        %get3A_851 = vector.shape_cast %get3A_850 : vector<1x16xf32> to vector<16xf32>
        %add3A_852 = arith.addf %while3A_748, %get3A_851 : vector<16xf32>
        %get3A_853 = arith.index_cast %while3A_730 : i32 to index
        %get3A_854 = arith.constant 288 : index
        %get3A_855 = tpu.vector_load %arg9[%get3A_853, %get3A_854] {strides = array<i32>} : memref<64x512xf32, #tpu.memory_space<vmem>>, vector<1x16xf32>,
        %get3A_856 = vector.shape_cast %get3A_855 : vector<1x16xf32> to vector<16xf32>
        %add3A_857 = arith.addf %while3A_749, %get3A_856 : vector<16xf32>
        %get3A_858 = arith.index_cast %while3A_730 : i32 to index
        %get3A_859 = arith.constant 304 : index
        %get3A_860 = tpu.vector_load %arg9[%get3A_858, %get3A_859] {strides = array<i32>} : memref<64x512xf32, #tpu.memory_space<vmem>>, vector<1x16xf32>,
        %get3A_861 = vector.shape_cast %get3A_860 : vector<1x16xf32> to vector<16xf32>
        %add3A_862 = arith.addf %while3A_750, %get3A_861 : vector<16xf32>
        %get3A_863 = arith.index_cast %while3A_730 : i32 to index
        %get3A_864 = arith.constant 320 : index
        %get3A_865 = tpu.vector_load %arg9[%get3A_863, %get3A_864] {strides = array<i32>} : memref<64x512xf32, #tpu.memory_space<vmem>>, vector<1x16xf32>,
        %get3A_866 = vector.shape_cast %get3A_865 : vector<1x16xf32> to vector<16xf32>
        %add3A_867 = arith.addf %while3A_751, %get3A_866 : vector<16xf32>
        %get3A_868 = arith.index_cast %while3A_730 : i32 to index
        %get3A_869 = arith.constant 336 : index
        %get3A_870 = tpu.vector_load %arg9[%get3A_868, %get3A_869] {strides = array<i32>} : memref<64x512xf32, #tpu.memory_space<vmem>>, vector<1x16xf32>,
        %get3A_871 = vector.shape_cast %get3A_870 : vector<1x16xf32> to vector<16xf32>
        %add3A_872 = arith.addf %while3A_752, %get3A_871 : vector<16xf32>
        %get3A_873 = arith.index_cast %while3A_730 : i32 to index
        %get3A_874 = arith.constant 352 : index
        %get3A_875 = tpu.vector_load %arg9[%get3A_873, %get3A_874] {strides = array<i32>} : memref<64x512xf32, #tpu.memory_space<vmem>>, vector<1x16xf32>,
        %get3A_876 = vector.shape_cast %get3A_875 : vector<1x16xf32> to vector<16xf32>
        %add3A_877 = arith.addf %while3A_753, %get3A_876 : vector<16xf32>
        %get3A_878 = arith.index_cast %while3A_730 : i32 to index
        %get3A_879 = arith.constant 368 : index
        %get3A_880 = tpu.vector_load %arg9[%get3A_878, %get3A_879] {strides = array<i32>} : memref<64x512xf32, #tpu.memory_space<vmem>>, vector<1x16xf32>,
        %get3A_881 = vector.shape_cast %get3A_880 : vector<1x16xf32> to vector<16xf32>
        %add3A_882 = arith.addf %while3A_754, %get3A_881 : vector<16xf32>
        %get3A_883 = arith.index_cast %while3A_730 : i32 to index
        %get3A_884 = arith.constant 384 : index
        %get3A_885 = tpu.vector_load %arg9[%get3A_883, %get3A_884] {strides = array<i32>} : memref<64x512xf32, #tpu.memory_space<vmem>>, vector<1x16xf32>,
        %get3A_886 = vector.shape_cast %get3A_885 : vector<1x16xf32> to vector<16xf32>
        %add3A_887 = arith.addf %while3A_755, %get3A_886 : vector<16xf32>
        %get3A_888 = arith.index_cast %while3A_730 : i32 to index
        %get3A_889 = arith.constant 400 : index
        %get3A_890 = tpu.vector_load %arg9[%get3A_888, %get3A_889] {strides = array<i32>} : memref<64x512xf32, #tpu.memory_space<vmem>>, vector<1x16xf32>,
        %get3A_891 = vector.shape_cast %get3A_890 : vector<1x16xf32> to vector<16xf32>
        %add3A_892 = arith.addf %while3A_756, %get3A_891 : vector<16xf32>
        %get3A_893 = arith.index_cast %while3A_730 : i32 to index
        %get3A_894 = arith.constant 416 : index
        %get3A_895 = tpu.vector_load %arg9[%get3A_893, %get3A_894] {strides = array<i32>} : memref<64x512xf32, #tpu.memory_space<vmem>>, vector<1x16xf32>,
        %get3A_896 = vector.shape_cast %get3A_895 : vector<1x16xf32> to vector<16xf32>
        %add3A_897 = arith.addf %while3A_757, %get3A_896 : vector<16xf32>
        %get3A_898 = arith.index_cast %while3A_730 : i32 to index
        %get3A_899 = arith.constant 432 : index
        %get3A_900 = tpu.vector_load %arg9[%get3A_898, %get3A_899] {strides = array<i32>} : memref<64x512xf32, #tpu.memory_space<vmem>>, vector<1x16xf32>,
        %get3A_901 = vector.shape_cast %get3A_900 : vector<1x16xf32> to vector<16xf32>
        %add3A_902 = arith.addf %while3A_758, %get3A_901 : vector<16xf32>
        %get3A_903 = arith.index_cast %while3A_730 : i32 to index
        %get3A_904 = arith.constant 448 : index
        %get3A_905 = tpu.vector_load %arg9[%get3A_903, %get3A_904] {strides = array<i32>} : memref<64x512xf32, #tpu.memory_space<vmem>>, vector<1x16xf32>,
        %get3A_906 = vector.shape_cast %get3A_905 : vector<1x16xf32> to vector<16xf32>
        %add3A_907 = arith.addf %while3A_759, %get3A_906 : vector<16xf32>
        %get3A_908 = arith.index_cast %while3A_730 : i32 to index
        %get3A_909 = arith.constant 464 : index
        %get3A_910 = tpu.vector_load %arg9[%get3A_908, %get3A_909] {strides = array<i32>} : memref<64x512xf32, #tpu.memory_space<vmem>>, vector<1x16xf32>,
        %get3A_911 = vector.shape_cast %get3A_910 : vector<1x16xf32> to vector<16xf32>
        %add3A_912 = arith.addf %while3A_760, %get3A_911 : vector<16xf32>
        %get3A_913 = arith.index_cast %while3A_730 : i32 to index
        %get3A_914 = arith.constant 480 : index
        %get3A_915 = tpu.vector_load %arg9[%get3A_913, %get3A_914] {strides = array<i32>} : memref<64x512xf32, #tpu.memory_space<vmem>>, vector<1x16xf32>,
        %get3A_916 = vector.shape_cast %get3A_915 : vector<1x16xf32> to vector<16xf32>
        %add3A_917 = arith.addf %while3A_761, %get3A_916 : vector<16xf32>
        %get3A_918 = arith.index_cast %while3A_730 : i32 to index
        %get3A_919 = arith.constant 496 : index
        %get3A_920 = tpu.vector_load %arg9[%get3A_918, %get3A_919] {strides = array<i32>} : memref<64x512xf32, #tpu.memory_space<vmem>>, vector<1x16xf32>,
        %get3A_921 = vector.shape_cast %get3A_920 : vector<1x16xf32> to vector<16xf32>
        %add3A_922 = arith.addf %while3A_762, %get3A_921 : vector<16xf32>
        scf.yield %add3A_767, %add3A_772, %add3A_777, %add3A_782, %add3A_787, %add3A_792, %add3A_797, %add3A_802, %add3A_807, %add3A_812, %add3A_817, %add3A_822, %add3A_827, %add3A_832, %add3A_837, %add3A_842, %add3A_847, %add3A_852, %add3A_857, %add3A_862, %add3A_867, %add3A_872, %add3A_877, %add3A_882, %add3A_887, %add3A_892, %add3A_897, %add3A_902, %add3A_907, %add3A_912, %add3A_917, %add3A_922 : vector<16xf32>, vector<16xf32>, vector<16xf32>, vector<16xf32>, vector<16xf32>, vector<16xf32>, vector<16xf32>, vector<16xf32>, vector<16xf32>, vector<16xf32>, vector<16xf32>, vector<16xf32>, vector<16xf32>, vector<16xf32>, vector<16xf32>, vector<16xf32>, vector<16xf32>, vector<16xf32>, vector<16xf32>, vector<16xf32>, vector<16xf32>, vector<16xf32>, vector<16xf32>, vector<16xf32>, vector<16xf32>, vector<16xf32>, vector<16xf32>, vector<16xf32>, vector<16xf32>, vector<16xf32>, vector<16xf32>, vector<16xf32>
      }
      %sub3A_692 = arith.constant 1 : i32
      %sub3A_693 = arith.subi %squeeze3A_46, %sub3A_692 : i32
      %eq3A_694 = arith.cmpi eq, %add3A_484, %sub3A_693 : i32
      %convert_element_type3A_695 = arith.extui %eq3A_694 : i1 to i32
      %cond3A_696 = arith.constant 0 : i32
      %cond3A_697 = arith.cmpi ne, %convert_element_type3A_695, %cond3A_696 : i32
      scf.if %cond3A_697 {
        %mul3A_730 = vector.broadcast %squeeze3A_56 : f32 to vector<16xf32>
        %mul3A_731 = arith.mulf %while3A_691#0, %mul3A_730 : vector<16xf32>
        %swap3A_732 = arith.constant 0 : index
        %swap3A_733 = tpu.vector_load %arg10[%swap3A_732] {strides = array<i32>} : memref<512xf32, #tpu.memory_space<vmem>>, vector<16xf32>,
        %swap3A_734 = vector.shape_cast %swap3A_733 : vector<16xf32> to vector<16xf32>
        %swap3A_735 = vector.shape_cast %mul3A_731 : vector<16xf32> to vector<16xf32>
        tpu.vector_store %arg10[%swap3A_732], %swap3A_735 {strides = array<i32>} : memref<512xf32, #tpu.memory_space<vmem>>, vector<16xf32>,
        %mul3A_736 = vector.broadcast %squeeze3A_56 : f32 to vector<16xf32>
        %mul3A_737 = arith.mulf %while3A_691#1, %mul3A_736 : vector<16xf32>
        %swap3A_738 = arith.constant 16 : index
        %swap3A_739 = tpu.vector_load %arg10[%swap3A_738] {strides = array<i32>} : memref<512xf32, #tpu.memory_space<vmem>>, vector<16xf32>,
        %swap3A_740 = vector.shape_cast %swap3A_739 : vector<16xf32> to vector<16xf32>
        %swap3A_741 = vector.shape_cast %mul3A_737 : vector<16xf32> to vector<16xf32>
        tpu.vector_store %arg10[%swap3A_738], %swap3A_741 {strides = array<i32>} : memref<512xf32, #tpu.memory_space<vmem>>, vector<16xf32>,
        %mul3A_742 = vector.broadcast %squeeze3A_56 : f32 to vector<16xf32>
        %mul3A_743 = arith.mulf %while3A_691#2, %mul3A_742 : vector<16xf32>
        %swap3A_744 = arith.constant 32 : index
        %swap3A_745 = tpu.vector_load %arg10[%swap3A_744] {strides = array<i32>} : memref<512xf32, #tpu.memory_space<vmem>>, vector<16xf32>,
        %swap3A_746 = vector.shape_cast %swap3A_745 : vector<16xf32> to vector<16xf32>
        %swap3A_747 = vector.shape_cast %mul3A_743 : vector<16xf32> to vector<16xf32>
        tpu.vector_store %arg10[%swap3A_744], %swap3A_747 {strides = array<i32>} : memref<512xf32, #tpu.memory_space<vmem>>, vector<16xf32>,
        %mul3A_748 = vector.broadcast %squeeze3A_56 : f32 to vector<16xf32>
        %mul3A_749 = arith.mulf %while3A_691#3, %mul3A_748 : vector<16xf32>
        %swap3A_750 = arith.constant 48 : index
        %swap3A_751 = tpu.vector_load %arg10[%swap3A_750] {strides = array<i32>} : memref<512xf32, #tpu.memory_space<vmem>>, vector<16xf32>,
        %swap3A_752 = vector.shape_cast %swap3A_751 : vector<16xf32> to vector<16xf32>
        %swap3A_753 = vector.shape_cast %mul3A_749 : vector<16xf32> to vector<16xf32>
        tpu.vector_store %arg10[%swap3A_750], %swap3A_753 {strides = array<i32>} : memref<512xf32, #tpu.memory_space<vmem>>, vector<16xf32>,
        %mul3A_754 = vector.broadcast %squeeze3A_56 : f32 to vector<16xf32>
        %mul3A_755 = arith.mulf %while3A_691#4, %mul3A_754 : vector<16xf32>
        %swap3A_756 = arith.constant 64 : index
        %swap3A_757 = tpu.vector_load %arg10[%swap3A_756] {strides = array<i32>} : memref<512xf32, #tpu.memory_space<vmem>>, vector<16xf32>,
        %swap3A_758 = vector.shape_cast %swap3A_757 : vector<16xf32> to vector<16xf32>
        %swap3A_759 = vector.shape_cast %mul3A_755 : vector<16xf32> to vector<16xf32>
        tpu.vector_store %arg10[%swap3A_756], %swap3A_759 {strides = array<i32>} : memref<512xf32, #tpu.memory_space<vmem>>, vector<16xf32>,
        %mul3A_760 = vector.broadcast %squeeze3A_56 : f32 to vector<16xf32>
        %mul3A_761 = arith.mulf %while3A_691#5, %mul3A_760 : vector<16xf32>
        %swap3A_762 = arith.constant 80 : index
        %swap3A_763 = tpu.vector_load %arg10[%swap3A_762] {strides = array<i32>} : memref<512xf32, #tpu.memory_space<vmem>>, vector<16xf32>,
        %swap3A_764 = vector.shape_cast %swap3A_763 : vector<16xf32> to vector<16xf32>
        %swap3A_765 = vector.shape_cast %mul3A_761 : vector<16xf32> to vector<16xf32>
        tpu.vector_store %arg10[%swap3A_762], %swap3A_765 {strides = array<i32>} : memref<512xf32, #tpu.memory_space<vmem>>, vector<16xf32>,
        %mul3A_766 = vector.broadcast %squeeze3A_56 : f32 to vector<16xf32>
        %mul3A_767 = arith.mulf %while3A_691#6, %mul3A_766 : vector<16xf32>
        %swap3A_768 = arith.constant 96 : index
        %swap3A_769 = tpu.vector_load %arg10[%swap3A_768] {strides = array<i32>} : memref<512xf32, #tpu.memory_space<vmem>>, vector<16xf32>,
        %swap3A_770 = vector.shape_cast %swap3A_769 : vector<16xf32> to vector<16xf32>
        %swap3A_771 = vector.shape_cast %mul3A_767 : vector<16xf32> to vector<16xf32>
        tpu.vector_store %arg10[%swap3A_768], %swap3A_771 {strides = array<i32>} : memref<512xf32, #tpu.memory_space<vmem>>, vector<16xf32>,
        %mul3A_772 = vector.broadcast %squeeze3A_56 : f32 to vector<16xf32>
        %mul3A_773 = arith.mulf %while3A_691#7, %mul3A_772 : vector<16xf32>
        %swap3A_774 = arith.constant 112 : index
        %swap3A_775 = tpu.vector_load %arg10[%swap3A_774] {strides = array<i32>} : memref<512xf32, #tpu.memory_space<vmem>>, vector<16xf32>,
        %swap3A_776 = vector.shape_cast %swap3A_775 : vector<16xf32> to vector<16xf32>
        %swap3A_777 = vector.shape_cast %mul3A_773 : vector<16xf32> to vector<16xf32>
        tpu.vector_store %arg10[%swap3A_774], %swap3A_777 {strides = array<i32>} : memref<512xf32, #tpu.memory_space<vmem>>, vector<16xf32>,
        %mul3A_778 = vector.broadcast %squeeze3A_56 : f32 to vector<16xf32>
        %mul3A_779 = arith.mulf %while3A_691#8, %mul3A_778 : vector<16xf32>
        %swap3A_780 = arith.constant 128 : index
        %swap3A_781 = tpu.vector_load %arg10[%swap3A_780] {strides = array<i32>} : memref<512xf32, #tpu.memory_space<vmem>>, vector<16xf32>,
        %swap3A_782 = vector.shape_cast %swap3A_781 : vector<16xf32> to vector<16xf32>
        %swap3A_783 = vector.shape_cast %mul3A_779 : vector<16xf32> to vector<16xf32>
        tpu.vector_store %arg10[%swap3A_780], %swap3A_783 {strides = array<i32>} : memref<512xf32, #tpu.memory_space<vmem>>, vector<16xf32>,
        %mul3A_784 = vector.broadcast %squeeze3A_56 : f32 to vector<16xf32>
        %mul3A_785 = arith.mulf %while3A_691#9, %mul3A_784 : vector<16xf32>
        %swap3A_786 = arith.constant 144 : index
        %swap3A_787 = tpu.vector_load %arg10[%swap3A_786] {strides = array<i32>} : memref<512xf32, #tpu.memory_space<vmem>>, vector<16xf32>,
        %swap3A_788 = vector.shape_cast %swap3A_787 : vector<16xf32> to vector<16xf32>
        %swap3A_789 = vector.shape_cast %mul3A_785 : vector<16xf32> to vector<16xf32>
        tpu.vector_store %arg10[%swap3A_786], %swap3A_789 {strides = array<i32>} : memref<512xf32, #tpu.memory_space<vmem>>, vector<16xf32>,
        %mul3A_790 = vector.broadcast %squeeze3A_56 : f32 to vector<16xf32>
        %mul3A_791 = arith.mulf %while3A_691#10, %mul3A_790 : vector<16xf32>
        %swap3A_792 = arith.constant 160 : index
        %swap3A_793 = tpu.vector_load %arg10[%swap3A_792] {strides = array<i32>} : memref<512xf32, #tpu.memory_space<vmem>>, vector<16xf32>,
        %swap3A_794 = vector.shape_cast %swap3A_793 : vector<16xf32> to vector<16xf32>
        %swap3A_795 = vector.shape_cast %mul3A_791 : vector<16xf32> to vector<16xf32>
        tpu.vector_store %arg10[%swap3A_792], %swap3A_795 {strides = array<i32>} : memref<512xf32, #tpu.memory_space<vmem>>, vector<16xf32>,
        %mul3A_796 = vector.broadcast %squeeze3A_56 : f32 to vector<16xf32>
        %mul3A_797 = arith.mulf %while3A_691#11, %mul3A_796 : vector<16xf32>
        %swap3A_798 = arith.constant 176 : index
        %swap3A_799 = tpu.vector_load %arg10[%swap3A_798] {strides = array<i32>} : memref<512xf32, #tpu.memory_space<vmem>>, vector<16xf32>,
        %swap3A_800 = vector.shape_cast %swap3A_799 : vector<16xf32> to vector<16xf32>
        %swap3A_801 = vector.shape_cast %mul3A_797 : vector<16xf32> to vector<16xf32>
        tpu.vector_store %arg10[%swap3A_798], %swap3A_801 {strides = array<i32>} : memref<512xf32, #tpu.memory_space<vmem>>, vector<16xf32>,
        %mul3A_802 = vector.broadcast %squeeze3A_56 : f32 to vector<16xf32>
        %mul3A_803 = arith.mulf %while3A_691#12, %mul3A_802 : vector<16xf32>
        %swap3A_804 = arith.constant 192 : index
        %swap3A_805 = tpu.vector_load %arg10[%swap3A_804] {strides = array<i32>} : memref<512xf32, #tpu.memory_space<vmem>>, vector<16xf32>,
        %swap3A_806 = vector.shape_cast %swap3A_805 : vector<16xf32> to vector<16xf32>
        %swap3A_807 = vector.shape_cast %mul3A_803 : vector<16xf32> to vector<16xf32>
        tpu.vector_store %arg10[%swap3A_804], %swap3A_807 {strides = array<i32>} : memref<512xf32, #tpu.memory_space<vmem>>, vector<16xf32>,
        %mul3A_808 = vector.broadcast %squeeze3A_56 : f32 to vector<16xf32>
        %mul3A_809 = arith.mulf %while3A_691#13, %mul3A_808 : vector<16xf32>
        %swap3A_810 = arith.constant 208 : index
        %swap3A_811 = tpu.vector_load %arg10[%swap3A_810] {strides = array<i32>} : memref<512xf32, #tpu.memory_space<vmem>>, vector<16xf32>,
        %swap3A_812 = vector.shape_cast %swap3A_811 : vector<16xf32> to vector<16xf32>
        %swap3A_813 = vector.shape_cast %mul3A_809 : vector<16xf32> to vector<16xf32>
        tpu.vector_store %arg10[%swap3A_810], %swap3A_813 {strides = array<i32>} : memref<512xf32, #tpu.memory_space<vmem>>, vector<16xf32>,
        %mul3A_814 = vector.broadcast %squeeze3A_56 : f32 to vector<16xf32>
        %mul3A_815 = arith.mulf %while3A_691#14, %mul3A_814 : vector<16xf32>
        %swap3A_816 = arith.constant 224 : index
        %swap3A_817 = tpu.vector_load %arg10[%swap3A_816] {strides = array<i32>} : memref<512xf32, #tpu.memory_space<vmem>>, vector<16xf32>,
        %swap3A_818 = vector.shape_cast %swap3A_817 : vector<16xf32> to vector<16xf32>
        %swap3A_819 = vector.shape_cast %mul3A_815 : vector<16xf32> to vector<16xf32>
        tpu.vector_store %arg10[%swap3A_816], %swap3A_819 {strides = array<i32>} : memref<512xf32, #tpu.memory_space<vmem>>, vector<16xf32>,
        %mul3A_820 = vector.broadcast %squeeze3A_56 : f32 to vector<16xf32>
        %mul3A_821 = arith.mulf %while3A_691#15, %mul3A_820 : vector<16xf32>
        %swap3A_822 = arith.constant 240 : index
        %swap3A_823 = tpu.vector_load %arg10[%swap3A_822] {strides = array<i32>} : memref<512xf32, #tpu.memory_space<vmem>>, vector<16xf32>,
        %swap3A_824 = vector.shape_cast %swap3A_823 : vector<16xf32> to vector<16xf32>
        %swap3A_825 = vector.shape_cast %mul3A_821 : vector<16xf32> to vector<16xf32>
        tpu.vector_store %arg10[%swap3A_822], %swap3A_825 {strides = array<i32>} : memref<512xf32, #tpu.memory_space<vmem>>, vector<16xf32>,
        %mul3A_826 = vector.broadcast %squeeze3A_56 : f32 to vector<16xf32>
        %mul3A_827 = arith.mulf %while3A_691#16, %mul3A_826 : vector<16xf32>
        %swap3A_828 = arith.constant 256 : index
        %swap3A_829 = tpu.vector_load %arg10[%swap3A_828] {strides = array<i32>} : memref<512xf32, #tpu.memory_space<vmem>>, vector<16xf32>,
        %swap3A_830 = vector.shape_cast %swap3A_829 : vector<16xf32> to vector<16xf32>
        %swap3A_831 = vector.shape_cast %mul3A_827 : vector<16xf32> to vector<16xf32>
        tpu.vector_store %arg10[%swap3A_828], %swap3A_831 {strides = array<i32>} : memref<512xf32, #tpu.memory_space<vmem>>, vector<16xf32>,
        %mul3A_832 = vector.broadcast %squeeze3A_56 : f32 to vector<16xf32>
        %mul3A_833 = arith.mulf %while3A_691#17, %mul3A_832 : vector<16xf32>
        %swap3A_834 = arith.constant 272 : index
        %swap3A_835 = tpu.vector_load %arg10[%swap3A_834] {strides = array<i32>} : memref<512xf32, #tpu.memory_space<vmem>>, vector<16xf32>,
        %swap3A_836 = vector.shape_cast %swap3A_835 : vector<16xf32> to vector<16xf32>
        %swap3A_837 = vector.shape_cast %mul3A_833 : vector<16xf32> to vector<16xf32>
        tpu.vector_store %arg10[%swap3A_834], %swap3A_837 {strides = array<i32>} : memref<512xf32, #tpu.memory_space<vmem>>, vector<16xf32>,
        %mul3A_838 = vector.broadcast %squeeze3A_56 : f32 to vector<16xf32>
        %mul3A_839 = arith.mulf %while3A_691#18, %mul3A_838 : vector<16xf32>
        %swap3A_840 = arith.constant 288 : index
        %swap3A_841 = tpu.vector_load %arg10[%swap3A_840] {strides = array<i32>} : memref<512xf32, #tpu.memory_space<vmem>>, vector<16xf32>,
        %swap3A_842 = vector.shape_cast %swap3A_841 : vector<16xf32> to vector<16xf32>
        %swap3A_843 = vector.shape_cast %mul3A_839 : vector<16xf32> to vector<16xf32>
        tpu.vector_store %arg10[%swap3A_840], %swap3A_843 {strides = array<i32>} : memref<512xf32, #tpu.memory_space<vmem>>, vector<16xf32>,
        %mul3A_844 = vector.broadcast %squeeze3A_56 : f32 to vector<16xf32>
        %mul3A_845 = arith.mulf %while3A_691#19, %mul3A_844 : vector<16xf32>
        %swap3A_846 = arith.constant 304 : index
        %swap3A_847 = tpu.vector_load %arg10[%swap3A_846] {strides = array<i32>} : memref<512xf32, #tpu.memory_space<vmem>>, vector<16xf32>,
        %swap3A_848 = vector.shape_cast %swap3A_847 : vector<16xf32> to vector<16xf32>
        %swap3A_849 = vector.shape_cast %mul3A_845 : vector<16xf32> to vector<16xf32>
        tpu.vector_store %arg10[%swap3A_846], %swap3A_849 {strides = array<i32>} : memref<512xf32, #tpu.memory_space<vmem>>, vector<16xf32>,
        %mul3A_850 = vector.broadcast %squeeze3A_56 : f32 to vector<16xf32>
        %mul3A_851 = arith.mulf %while3A_691#20, %mul3A_850 : vector<16xf32>
        %swap3A_852 = arith.constant 320 : index
        %swap3A_853 = tpu.vector_load %arg10[%swap3A_852] {strides = array<i32>} : memref<512xf32, #tpu.memory_space<vmem>>, vector<16xf32>,
        %swap3A_854 = vector.shape_cast %swap3A_853 : vector<16xf32> to vector<16xf32>
        %swap3A_855 = vector.shape_cast %mul3A_851 : vector<16xf32> to vector<16xf32>
        tpu.vector_store %arg10[%swap3A_852], %swap3A_855 {strides = array<i32>} : memref<512xf32, #tpu.memory_space<vmem>>, vector<16xf32>,
        %mul3A_856 = vector.broadcast %squeeze3A_56 : f32 to vector<16xf32>
        %mul3A_857 = arith.mulf %while3A_691#21, %mul3A_856 : vector<16xf32>
        %swap3A_858 = arith.constant 336 : index
        %swap3A_859 = tpu.vector_load %arg10[%swap3A_858] {strides = array<i32>} : memref<512xf32, #tpu.memory_space<vmem>>, vector<16xf32>,
        %swap3A_860 = vector.shape_cast %swap3A_859 : vector<16xf32> to vector<16xf32>
        %swap3A_861 = vector.shape_cast %mul3A_857 : vector<16xf32> to vector<16xf32>
        tpu.vector_store %arg10[%swap3A_858], %swap3A_861 {strides = array<i32>} : memref<512xf32, #tpu.memory_space<vmem>>, vector<16xf32>,
        %mul3A_862 = vector.broadcast %squeeze3A_56 : f32 to vector<16xf32>
        %mul3A_863 = arith.mulf %while3A_691#22, %mul3A_862 : vector<16xf32>
        %swap3A_864 = arith.constant 352 : index
        %swap3A_865 = tpu.vector_load %arg10[%swap3A_864] {strides = array<i32>} : memref<512xf32, #tpu.memory_space<vmem>>, vector<16xf32>,
        %swap3A_866 = vector.shape_cast %swap3A_865 : vector<16xf32> to vector<16xf32>
        %swap3A_867 = vector.shape_cast %mul3A_863 : vector<16xf32> to vector<16xf32>
        tpu.vector_store %arg10[%swap3A_864], %swap3A_867 {strides = array<i32>} : memref<512xf32, #tpu.memory_space<vmem>>, vector<16xf32>,
        %mul3A_868 = vector.broadcast %squeeze3A_56 : f32 to vector<16xf32>
        %mul3A_869 = arith.mulf %while3A_691#23, %mul3A_868 : vector<16xf32>
        %swap3A_870 = arith.constant 368 : index
        %swap3A_871 = tpu.vector_load %arg10[%swap3A_870] {strides = array<i32>} : memref<512xf32, #tpu.memory_space<vmem>>, vector<16xf32>,
        %swap3A_872 = vector.shape_cast %swap3A_871 : vector<16xf32> to vector<16xf32>
        %swap3A_873 = vector.shape_cast %mul3A_869 : vector<16xf32> to vector<16xf32>
        tpu.vector_store %arg10[%swap3A_870], %swap3A_873 {strides = array<i32>} : memref<512xf32, #tpu.memory_space<vmem>>, vector<16xf32>,
        %mul3A_874 = vector.broadcast %squeeze3A_56 : f32 to vector<16xf32>
        %mul3A_875 = arith.mulf %while3A_691#24, %mul3A_874 : vector<16xf32>
        %swap3A_876 = arith.constant 384 : index
        %swap3A_877 = tpu.vector_load %arg10[%swap3A_876] {strides = array<i32>} : memref<512xf32, #tpu.memory_space<vmem>>, vector<16xf32>,
        %swap3A_878 = vector.shape_cast %swap3A_877 : vector<16xf32> to vector<16xf32>
        %swap3A_879 = vector.shape_cast %mul3A_875 : vector<16xf32> to vector<16xf32>
        tpu.vector_store %arg10[%swap3A_876], %swap3A_879 {strides = array<i32>} : memref<512xf32, #tpu.memory_space<vmem>>, vector<16xf32>,
        %mul3A_880 = vector.broadcast %squeeze3A_56 : f32 to vector<16xf32>
        %mul3A_881 = arith.mulf %while3A_691#25, %mul3A_880 : vector<16xf32>
        %swap3A_882 = arith.constant 400 : index
        %swap3A_883 = tpu.vector_load %arg10[%swap3A_882] {strides = array<i32>} : memref<512xf32, #tpu.memory_space<vmem>>, vector<16xf32>,
        %swap3A_884 = vector.shape_cast %swap3A_883 : vector<16xf32> to vector<16xf32>
        %swap3A_885 = vector.shape_cast %mul3A_881 : vector<16xf32> to vector<16xf32>
        tpu.vector_store %arg10[%swap3A_882], %swap3A_885 {strides = array<i32>} : memref<512xf32, #tpu.memory_space<vmem>>, vector<16xf32>,
        %mul3A_886 = vector.broadcast %squeeze3A_56 : f32 to vector<16xf32>
        %mul3A_887 = arith.mulf %while3A_691#26, %mul3A_886 : vector<16xf32>
        %swap3A_888 = arith.constant 416 : index
        %swap3A_889 = tpu.vector_load %arg10[%swap3A_888] {strides = array<i32>} : memref<512xf32, #tpu.memory_space<vmem>>, vector<16xf32>,
        %swap3A_890 = vector.shape_cast %swap3A_889 : vector<16xf32> to vector<16xf32>
        %swap3A_891 = vector.shape_cast %mul3A_887 : vector<16xf32> to vector<16xf32>
        tpu.vector_store %arg10[%swap3A_888], %swap3A_891 {strides = array<i32>} : memref<512xf32, #tpu.memory_space<vmem>>, vector<16xf32>,
        %mul3A_892 = vector.broadcast %squeeze3A_56 : f32 to vector<16xf32>
        %mul3A_893 = arith.mulf %while3A_691#27, %mul3A_892 : vector<16xf32>
        %swap3A_894 = arith.constant 432 : index
        %swap3A_895 = tpu.vector_load %arg10[%swap3A_894] {strides = array<i32>} : memref<512xf32, #tpu.memory_space<vmem>>, vector<16xf32>,
        %swap3A_896 = vector.shape_cast %swap3A_895 : vector<16xf32> to vector<16xf32>
        %swap3A_897 = vector.shape_cast %mul3A_893 : vector<16xf32> to vector<16xf32>
        tpu.vector_store %arg10[%swap3A_894], %swap3A_897 {strides = array<i32>} : memref<512xf32, #tpu.memory_space<vmem>>, vector<16xf32>,
        %mul3A_898 = vector.broadcast %squeeze3A_56 : f32 to vector<16xf32>
        %mul3A_899 = arith.mulf %while3A_691#28, %mul3A_898 : vector<16xf32>
        %swap3A_900 = arith.constant 448 : index
        %swap3A_901 = tpu.vector_load %arg10[%swap3A_900] {strides = array<i32>} : memref<512xf32, #tpu.memory_space<vmem>>, vector<16xf32>,
        %swap3A_902 = vector.shape_cast %swap3A_901 : vector<16xf32> to vector<16xf32>
        %swap3A_903 = vector.shape_cast %mul3A_899 : vector<16xf32> to vector<16xf32>
        tpu.vector_store %arg10[%swap3A_900], %swap3A_903 {strides = array<i32>} : memref<512xf32, #tpu.memory_space<vmem>>, vector<16xf32>,
        %mul3A_904 = vector.broadcast %squeeze3A_56 : f32 to vector<16xf32>
        %mul3A_905 = arith.mulf %while3A_691#29, %mul3A_904 : vector<16xf32>
        %swap3A_906 = arith.constant 464 : index
        %swap3A_907 = tpu.vector_load %arg10[%swap3A_906] {strides = array<i32>} : memref<512xf32, #tpu.memory_space<vmem>>, vector<16xf32>,
        %swap3A_908 = vector.shape_cast %swap3A_907 : vector<16xf32> to vector<16xf32>
        %swap3A_909 = vector.shape_cast %mul3A_905 : vector<16xf32> to vector<16xf32>
        tpu.vector_store %arg10[%swap3A_906], %swap3A_909 {strides = array<i32>} : memref<512xf32, #tpu.memory_space<vmem>>, vector<16xf32>,
        %mul3A_910 = vector.broadcast %squeeze3A_56 : f32 to vector<16xf32>
        %mul3A_911 = arith.mulf %while3A_691#30, %mul3A_910 : vector<16xf32>
        %swap3A_912 = arith.constant 480 : index
        %swap3A_913 = tpu.vector_load %arg10[%swap3A_912] {strides = array<i32>} : memref<512xf32, #tpu.memory_space<vmem>>, vector<16xf32>,
        %swap3A_914 = vector.shape_cast %swap3A_913 : vector<16xf32> to vector<16xf32>
        %swap3A_915 = vector.shape_cast %mul3A_911 : vector<16xf32> to vector<16xf32>
        tpu.vector_store %arg10[%swap3A_912], %swap3A_915 {strides = array<i32>} : memref<512xf32, #tpu.memory_space<vmem>>, vector<16xf32>,
        %mul3A_916 = vector.broadcast %squeeze3A_56 : f32 to vector<16xf32>
        %mul3A_917 = arith.mulf %while3A_691#31, %mul3A_916 : vector<16xf32>
        %swap3A_918 = arith.constant 496 : index
        %swap3A_919 = tpu.vector_load %arg10[%swap3A_918] {strides = array<i32>} : memref<512xf32, #tpu.memory_space<vmem>>, vector<16xf32>,
        %swap3A_920 = vector.shape_cast %swap3A_919 : vector<16xf32> to vector<16xf32>
        %swap3A_921 = vector.shape_cast %mul3A_917 : vector<16xf32> to vector<16xf32>
        tpu.vector_store %arg10[%swap3A_918], %swap3A_921 {strides = array<i32>} : memref<512xf32, #tpu.memory_space<vmem>>, vector<16xf32>,
      } else {
      }
      %select_n3A_698 = arith.select %eq3A_694, %broadcast_in_dim3A_60, %while3A_691#0 : vector<16xf32>
      %select_n3A_699 = arith.select %eq3A_694, %broadcast_in_dim3A_60, %while3A_691#1 : vector<16xf32>
      %select_n3A_700 = arith.select %eq3A_694, %broadcast_in_dim3A_60, %while3A_691#2 : vector<16xf32>
      %select_n3A_701 = arith.select %eq3A_694, %broadcast_in_dim3A_60, %while3A_691#3 : vector<16xf32>
      %select_n3A_702 = arith.select %eq3A_694, %broadcast_in_dim3A_60, %while3A_691#4 : vector<16xf32>
      %select_n3A_703 = arith.select %eq3A_694, %broadcast_in_dim3A_60, %while3A_691#5 : vector<16xf32>
      %select_n3A_704 = arith.select %eq3A_694, %broadcast_in_dim3A_60, %while3A_691#6 : vector<16xf32>
      %select_n3A_705 = arith.select %eq3A_694, %broadcast_in_dim3A_60, %while3A_691#7 : vector<16xf32>
      %select_n3A_706 = arith.select %eq3A_694, %broadcast_in_dim3A_60, %while3A_691#8 : vector<16xf32>
      %select_n3A_707 = arith.select %eq3A_694, %broadcast_in_dim3A_60, %while3A_691#9 : vector<16xf32>
      %select_n3A_708 = arith.select %eq3A_694, %broadcast_in_dim3A_60, %while3A_691#10 : vector<16xf32>
      %select_n3A_709 = arith.select %eq3A_694, %broadcast_in_dim3A_60, %while3A_691#11 : vector<16xf32>
      %select_n3A_710 = arith.select %eq3A_694, %broadcast_in_dim3A_60, %while3A_691#12 : vector<16xf32>
      %select_n3A_711 = arith.select %eq3A_694, %broadcast_in_dim3A_60, %while3A_691#13 : vector<16xf32>
      %select_n3A_712 = arith.select %eq3A_694, %broadcast_in_dim3A_60, %while3A_691#14 : vector<16xf32>
      %select_n3A_713 = arith.select %eq3A_694, %broadcast_in_dim3A_60, %while3A_691#15 : vector<16xf32>
      %select_n3A_714 = arith.select %eq3A_694, %broadcast_in_dim3A_60, %while3A_691#16 : vector<16xf32>
      %select_n3A_715 = arith.select %eq3A_694, %broadcast_in_dim3A_60, %while3A_691#17 : vector<16xf32>
      %select_n3A_716 = arith.select %eq3A_694, %broadcast_in_dim3A_60, %while3A_691#18 : vector<16xf32>
      %select_n3A_717 = arith.select %eq3A_694, %broadcast_in_dim3A_60, %while3A_691#19 : vector<16xf32>
      %select_n3A_718 = arith.select %eq3A_694, %broadcast_in_dim3A_60, %while3A_691#20 : vector<16xf32>
      %select_n3A_719 = arith.select %eq3A_694, %broadcast_in_dim3A_60, %while3A_691#21 : vector<16xf32>
      %select_n3A_720 = arith.select %eq3A_694, %broadcast_in_dim3A_60, %while3A_691#22 : vector<16xf32>
      %select_n3A_721 = arith.select %eq3A_694, %broadcast_in_dim3A_60, %while3A_691#23 : vector<16xf32>
      %select_n3A_722 = arith.select %eq3A_694, %broadcast_in_dim3A_60, %while3A_691#24 : vector<16xf32>
      %select_n3A_723 = arith.select %eq3A_694, %broadcast_in_dim3A_60, %while3A_691#25 : vector<16xf32>
      %select_n3A_724 = arith.select %eq3A_694, %broadcast_in_dim3A_60, %while3A_691#26 : vector<16xf32>
      %select_n3A_725 = arith.select %eq3A_694, %broadcast_in_dim3A_60, %while3A_691#27 : vector<16xf32>
      %select_n3A_726 = arith.select %eq3A_694, %broadcast_in_dim3A_60, %while3A_691#28 : vector<16xf32>
      %select_n3A_727 = arith.select %eq3A_694, %broadcast_in_dim3A_60, %while3A_691#29 : vector<16xf32>
      %select_n3A_728 = arith.select %eq3A_694, %broadcast_in_dim3A_60, %while3A_691#30 : vector<16xf32>
      %select_n3A_729 = arith.select %eq3A_694, %broadcast_in_dim3A_60, %while3A_691#31 : vector<16xf32>
      scf.yield %select_n3A_698, %select_n3A_699, %select_n3A_700, %select_n3A_701, %select_n3A_702, %select_n3A_703, %select_n3A_704, %select_n3A_705, %select_n3A_706, %select_n3A_707, %select_n3A_708, %select_n3A_709, %select_n3A_710, %select_n3A_711, %select_n3A_712, %select_n3A_713, %select_n3A_714, %select_n3A_715, %select_n3A_716, %select_n3A_717, %select_n3A_718, %select_n3A_719, %select_n3A_720, %select_n3A_721, %select_n3A_722, %select_n3A_723, %select_n3A_724, %select_n3A_725, %select_n3A_726, %select_n3A_727, %select_n3A_728, %select_n3A_729 : vector<16xf32>, vector<16xf32>, vector<16xf32>, vector<16xf32>, vector<16xf32>, vector<16xf32>, vector<16xf32>, vector<16xf32>, vector<16xf32>, vector<16xf32>, vector<16xf32>, vector<16xf32>, vector<16xf32>, vector<16xf32>, vector<16xf32>, vector<16xf32>, vector<16xf32>, vector<16xf32>, vector<16xf32>, vector<16xf32>, vector<16xf32>, vector<16xf32>, vector<16xf32>, vector<16xf32>, vector<16xf32>, vector<16xf32>, vector<16xf32>, vector<16xf32>, vector<16xf32>, vector<16xf32>, vector<16xf32>, vector<16xf32>
    }
    %get3A_125 = arith.constant 0 : index
    %get3A_126 = tpu.vector_load %arg10[%get3A_125] {strides = array<i32>} : memref<512xf32, #tpu.memory_space<vmem>>, vector<16xf32>,
    %get3A_127 = vector.shape_cast %get3A_126 : vector<16xf32> to vector<16xf32>
    %mul3A_128 = vector.broadcast %squeeze3A_58 : f32 to vector<16xf32>
    %mul3A_129 = arith.mulf %while3A_124#0, %mul3A_128 : vector<16xf32>
    %add3A_130 = arith.addf %get3A_127, %mul3A_129 : vector<16xf32>
    %swap3A = arith.constant 0 : index
    %swap3A_131 = tpu.vector_load %arg10[%swap3A] {strides = array<i32>} : memref<512xf32, #tpu.memory_space<vmem>>, vector<16xf32>,
    %swap3A_132 = vector.shape_cast %swap3A_131 : vector<16xf32> to vector<16xf32>
    %swap3A_133 = vector.shape_cast %add3A_130 : vector<16xf32> to vector<16xf32>
    tpu.vector_store %arg10[%swap3A], %swap3A_133 {strides = array<i32>} : memref<512xf32, #tpu.memory_space<vmem>>, vector<16xf32>,
    %get3A_134 = arith.constant 16 : index
    %get3A_135 = tpu.vector_load %arg10[%get3A_134] {strides = array<i32>} : memref<512xf32, #tpu.memory_space<vmem>>, vector<16xf32>,
    %get3A_136 = vector.shape_cast %get3A_135 : vector<16xf32> to vector<16xf32>
    %mul3A_137 = vector.broadcast %squeeze3A_58 : f32 to vector<16xf32>
    %mul3A_138 = arith.mulf %while3A_124#1, %mul3A_137 : vector<16xf32>
    %add3A_139 = arith.addf %get3A_136, %mul3A_138 : vector<16xf32>
    %swap3A_140 = arith.constant 16 : index
    %swap3A_141 = tpu.vector_load %arg10[%swap3A_140] {strides = array<i32>} : memref<512xf32, #tpu.memory_space<vmem>>, vector<16xf32>,
    %swap3A_142 = vector.shape_cast %swap3A_141 : vector<16xf32> to vector<16xf32>
    %swap3A_143 = vector.shape_cast %add3A_139 : vector<16xf32> to vector<16xf32>
    tpu.vector_store %arg10[%swap3A_140], %swap3A_143 {strides = array<i32>} : memref<512xf32, #tpu.memory_space<vmem>>, vector<16xf32>,
    %get3A_144 = arith.constant 32 : index
    %get3A_145 = tpu.vector_load %arg10[%get3A_144] {strides = array<i32>} : memref<512xf32, #tpu.memory_space<vmem>>, vector<16xf32>,
    %get3A_146 = vector.shape_cast %get3A_145 : vector<16xf32> to vector<16xf32>
    %mul3A_147 = vector.broadcast %squeeze3A_58 : f32 to vector<16xf32>
    %mul3A_148 = arith.mulf %while3A_124#2, %mul3A_147 : vector<16xf32>
    %add3A_149 = arith.addf %get3A_146, %mul3A_148 : vector<16xf32>
    %swap3A_150 = arith.constant 32 : index
    %swap3A_151 = tpu.vector_load %arg10[%swap3A_150] {strides = array<i32>} : memref<512xf32, #tpu.memory_space<vmem>>, vector<16xf32>,
    %swap3A_152 = vector.shape_cast %swap3A_151 : vector<16xf32> to vector<16xf32>
    %swap3A_153 = vector.shape_cast %add3A_149 : vector<16xf32> to vector<16xf32>
    tpu.vector_store %arg10[%swap3A_150], %swap3A_153 {strides = array<i32>} : memref<512xf32, #tpu.memory_space<vmem>>, vector<16xf32>,
    %get3A_154 = arith.constant 48 : index
    %get3A_155 = tpu.vector_load %arg10[%get3A_154] {strides = array<i32>} : memref<512xf32, #tpu.memory_space<vmem>>, vector<16xf32>,
    %get3A_156 = vector.shape_cast %get3A_155 : vector<16xf32> to vector<16xf32>
    %mul3A_157 = vector.broadcast %squeeze3A_58 : f32 to vector<16xf32>
    %mul3A_158 = arith.mulf %while3A_124#3, %mul3A_157 : vector<16xf32>
    %add3A_159 = arith.addf %get3A_156, %mul3A_158 : vector<16xf32>
    %swap3A_160 = arith.constant 48 : index
    %swap3A_161 = tpu.vector_load %arg10[%swap3A_160] {strides = array<i32>} : memref<512xf32, #tpu.memory_space<vmem>>, vector<16xf32>,
    %swap3A_162 = vector.shape_cast %swap3A_161 : vector<16xf32> to vector<16xf32>
    %swap3A_163 = vector.shape_cast %add3A_159 : vector<16xf32> to vector<16xf32>
    tpu.vector_store %arg10[%swap3A_160], %swap3A_163 {strides = array<i32>} : memref<512xf32, #tpu.memory_space<vmem>>, vector<16xf32>,
    %get3A_164 = arith.constant 64 : index
    %get3A_165 = tpu.vector_load %arg10[%get3A_164] {strides = array<i32>} : memref<512xf32, #tpu.memory_space<vmem>>, vector<16xf32>,
    %get3A_166 = vector.shape_cast %get3A_165 : vector<16xf32> to vector<16xf32>
    %mul3A_167 = vector.broadcast %squeeze3A_58 : f32 to vector<16xf32>
    %mul3A_168 = arith.mulf %while3A_124#4, %mul3A_167 : vector<16xf32>
    %add3A_169 = arith.addf %get3A_166, %mul3A_168 : vector<16xf32>
    %swap3A_170 = arith.constant 64 : index
    %swap3A_171 = tpu.vector_load %arg10[%swap3A_170] {strides = array<i32>} : memref<512xf32, #tpu.memory_space<vmem>>, vector<16xf32>,
    %swap3A_172 = vector.shape_cast %swap3A_171 : vector<16xf32> to vector<16xf32>
    %swap3A_173 = vector.shape_cast %add3A_169 : vector<16xf32> to vector<16xf32>
    tpu.vector_store %arg10[%swap3A_170], %swap3A_173 {strides = array<i32>} : memref<512xf32, #tpu.memory_space<vmem>>, vector<16xf32>,
    %get3A_174 = arith.constant 80 : index
    %get3A_175 = tpu.vector_load %arg10[%get3A_174] {strides = array<i32>} : memref<512xf32, #tpu.memory_space<vmem>>, vector<16xf32>,
    %get3A_176 = vector.shape_cast %get3A_175 : vector<16xf32> to vector<16xf32>
    %mul3A_177 = vector.broadcast %squeeze3A_58 : f32 to vector<16xf32>
    %mul3A_178 = arith.mulf %while3A_124#5, %mul3A_177 : vector<16xf32>
    %add3A_179 = arith.addf %get3A_176, %mul3A_178 : vector<16xf32>
    %swap3A_180 = arith.constant 80 : index
    %swap3A_181 = tpu.vector_load %arg10[%swap3A_180] {strides = array<i32>} : memref<512xf32, #tpu.memory_space<vmem>>, vector<16xf32>,
    %swap3A_182 = vector.shape_cast %swap3A_181 : vector<16xf32> to vector<16xf32>
    %swap3A_183 = vector.shape_cast %add3A_179 : vector<16xf32> to vector<16xf32>
    tpu.vector_store %arg10[%swap3A_180], %swap3A_183 {strides = array<i32>} : memref<512xf32, #tpu.memory_space<vmem>>, vector<16xf32>,
    %get3A_184 = arith.constant 96 : index
    %get3A_185 = tpu.vector_load %arg10[%get3A_184] {strides = array<i32>} : memref<512xf32, #tpu.memory_space<vmem>>, vector<16xf32>,
    %get3A_186 = vector.shape_cast %get3A_185 : vector<16xf32> to vector<16xf32>
    %mul3A_187 = vector.broadcast %squeeze3A_58 : f32 to vector<16xf32>
    %mul3A_188 = arith.mulf %while3A_124#6, %mul3A_187 : vector<16xf32>
    %add3A_189 = arith.addf %get3A_186, %mul3A_188 : vector<16xf32>
    %swap3A_190 = arith.constant 96 : index
    %swap3A_191 = tpu.vector_load %arg10[%swap3A_190] {strides = array<i32>} : memref<512xf32, #tpu.memory_space<vmem>>, vector<16xf32>,
    %swap3A_192 = vector.shape_cast %swap3A_191 : vector<16xf32> to vector<16xf32>
    %swap3A_193 = vector.shape_cast %add3A_189 : vector<16xf32> to vector<16xf32>
    tpu.vector_store %arg10[%swap3A_190], %swap3A_193 {strides = array<i32>} : memref<512xf32, #tpu.memory_space<vmem>>, vector<16xf32>,
    %get3A_194 = arith.constant 112 : index
    %get3A_195 = tpu.vector_load %arg10[%get3A_194] {strides = array<i32>} : memref<512xf32, #tpu.memory_space<vmem>>, vector<16xf32>,
    %get3A_196 = vector.shape_cast %get3A_195 : vector<16xf32> to vector<16xf32>
    %mul3A_197 = vector.broadcast %squeeze3A_58 : f32 to vector<16xf32>
    %mul3A_198 = arith.mulf %while3A_124#7, %mul3A_197 : vector<16xf32>
    %add3A_199 = arith.addf %get3A_196, %mul3A_198 : vector<16xf32>
    %swap3A_200 = arith.constant 112 : index
    %swap3A_201 = tpu.vector_load %arg10[%swap3A_200] {strides = array<i32>} : memref<512xf32, #tpu.memory_space<vmem>>, vector<16xf32>,
    %swap3A_202 = vector.shape_cast %swap3A_201 : vector<16xf32> to vector<16xf32>
    %swap3A_203 = vector.shape_cast %add3A_199 : vector<16xf32> to vector<16xf32>
    tpu.vector_store %arg10[%swap3A_200], %swap3A_203 {strides = array<i32>} : memref<512xf32, #tpu.memory_space<vmem>>, vector<16xf32>,
    %get3A_204 = arith.constant 128 : index
    %get3A_205 = tpu.vector_load %arg10[%get3A_204] {strides = array<i32>} : memref<512xf32, #tpu.memory_space<vmem>>, vector<16xf32>,
    %get3A_206 = vector.shape_cast %get3A_205 : vector<16xf32> to vector<16xf32>
    %mul3A_207 = vector.broadcast %squeeze3A_58 : f32 to vector<16xf32>
    %mul3A_208 = arith.mulf %while3A_124#8, %mul3A_207 : vector<16xf32>
    %add3A_209 = arith.addf %get3A_206, %mul3A_208 : vector<16xf32>
    %swap3A_210 = arith.constant 128 : index
    %swap3A_211 = tpu.vector_load %arg10[%swap3A_210] {strides = array<i32>} : memref<512xf32, #tpu.memory_space<vmem>>, vector<16xf32>,
    %swap3A_212 = vector.shape_cast %swap3A_211 : vector<16xf32> to vector<16xf32>
    %swap3A_213 = vector.shape_cast %add3A_209 : vector<16xf32> to vector<16xf32>
    tpu.vector_store %arg10[%swap3A_210], %swap3A_213 {strides = array<i32>} : memref<512xf32, #tpu.memory_space<vmem>>, vector<16xf32>,
    %get3A_214 = arith.constant 144 : index
    %get3A_215 = tpu.vector_load %arg10[%get3A_214] {strides = array<i32>} : memref<512xf32, #tpu.memory_space<vmem>>, vector<16xf32>,
    %get3A_216 = vector.shape_cast %get3A_215 : vector<16xf32> to vector<16xf32>
    %mul3A_217 = vector.broadcast %squeeze3A_58 : f32 to vector<16xf32>
    %mul3A_218 = arith.mulf %while3A_124#9, %mul3A_217 : vector<16xf32>
    %add3A_219 = arith.addf %get3A_216, %mul3A_218 : vector<16xf32>
    %swap3A_220 = arith.constant 144 : index
    %swap3A_221 = tpu.vector_load %arg10[%swap3A_220] {strides = array<i32>} : memref<512xf32, #tpu.memory_space<vmem>>, vector<16xf32>,
    %swap3A_222 = vector.shape_cast %swap3A_221 : vector<16xf32> to vector<16xf32>
    %swap3A_223 = vector.shape_cast %add3A_219 : vector<16xf32> to vector<16xf32>
    tpu.vector_store %arg10[%swap3A_220], %swap3A_223 {strides = array<i32>} : memref<512xf32, #tpu.memory_space<vmem>>, vector<16xf32>,
    %get3A_224 = arith.constant 160 : index
    %get3A_225 = tpu.vector_load %arg10[%get3A_224] {strides = array<i32>} : memref<512xf32, #tpu.memory_space<vmem>>, vector<16xf32>,
    %get3A_226 = vector.shape_cast %get3A_225 : vector<16xf32> to vector<16xf32>
    %mul3A_227 = vector.broadcast %squeeze3A_58 : f32 to vector<16xf32>
    %mul3A_228 = arith.mulf %while3A_124#10, %mul3A_227 : vector<16xf32>
    %add3A_229 = arith.addf %get3A_226, %mul3A_228 : vector<16xf32>
    %swap3A_230 = arith.constant 160 : index
    %swap3A_231 = tpu.vector_load %arg10[%swap3A_230] {strides = array<i32>} : memref<512xf32, #tpu.memory_space<vmem>>, vector<16xf32>,
    %swap3A_232 = vector.shape_cast %swap3A_231 : vector<16xf32> to vector<16xf32>
    %swap3A_233 = vector.shape_cast %add3A_229 : vector<16xf32> to vector<16xf32>
    tpu.vector_store %arg10[%swap3A_230], %swap3A_233 {strides = array<i32>} : memref<512xf32, #tpu.memory_space<vmem>>, vector<16xf32>,
    %get3A_234 = arith.constant 176 : index
    %get3A_235 = tpu.vector_load %arg10[%get3A_234] {strides = array<i32>} : memref<512xf32, #tpu.memory_space<vmem>>, vector<16xf32>,
    %get3A_236 = vector.shape_cast %get3A_235 : vector<16xf32> to vector<16xf32>
    %mul3A_237 = vector.broadcast %squeeze3A_58 : f32 to vector<16xf32>
    %mul3A_238 = arith.mulf %while3A_124#11, %mul3A_237 : vector<16xf32>
    %add3A_239 = arith.addf %get3A_236, %mul3A_238 : vector<16xf32>
    %swap3A_240 = arith.constant 176 : index
    %swap3A_241 = tpu.vector_load %arg10[%swap3A_240] {strides = array<i32>} : memref<512xf32, #tpu.memory_space<vmem>>, vector<16xf32>,
    %swap3A_242 = vector.shape_cast %swap3A_241 : vector<16xf32> to vector<16xf32>
    %swap3A_243 = vector.shape_cast %add3A_239 : vector<16xf32> to vector<16xf32>
    tpu.vector_store %arg10[%swap3A_240], %swap3A_243 {strides = array<i32>} : memref<512xf32, #tpu.memory_space<vmem>>, vector<16xf32>,
    %get3A_244 = arith.constant 192 : index
    %get3A_245 = tpu.vector_load %arg10[%get3A_244] {strides = array<i32>} : memref<512xf32, #tpu.memory_space<vmem>>, vector<16xf32>,
    %get3A_246 = vector.shape_cast %get3A_245 : vector<16xf32> to vector<16xf32>
    %mul3A_247 = vector.broadcast %squeeze3A_58 : f32 to vector<16xf32>
    %mul3A_248 = arith.mulf %while3A_124#12, %mul3A_247 : vector<16xf32>
    %add3A_249 = arith.addf %get3A_246, %mul3A_248 : vector<16xf32>
    %swap3A_250 = arith.constant 192 : index
    %swap3A_251 = tpu.vector_load %arg10[%swap3A_250] {strides = array<i32>} : memref<512xf32, #tpu.memory_space<vmem>>, vector<16xf32>,
    %swap3A_252 = vector.shape_cast %swap3A_251 : vector<16xf32> to vector<16xf32>
    %swap3A_253 = vector.shape_cast %add3A_249 : vector<16xf32> to vector<16xf32>
    tpu.vector_store %arg10[%swap3A_250], %swap3A_253 {strides = array<i32>} : memref<512xf32, #tpu.memory_space<vmem>>, vector<16xf32>,
    %get3A_254 = arith.constant 208 : index
    %get3A_255 = tpu.vector_load %arg10[%get3A_254] {strides = array<i32>} : memref<512xf32, #tpu.memory_space<vmem>>, vector<16xf32>,
    %get3A_256 = vector.shape_cast %get3A_255 : vector<16xf32> to vector<16xf32>
    %mul3A_257 = vector.broadcast %squeeze3A_58 : f32 to vector<16xf32>
    %mul3A_258 = arith.mulf %while3A_124#13, %mul3A_257 : vector<16xf32>
    %add3A_259 = arith.addf %get3A_256, %mul3A_258 : vector<16xf32>
    %swap3A_260 = arith.constant 208 : index
    %swap3A_261 = tpu.vector_load %arg10[%swap3A_260] {strides = array<i32>} : memref<512xf32, #tpu.memory_space<vmem>>, vector<16xf32>,
    %swap3A_262 = vector.shape_cast %swap3A_261 : vector<16xf32> to vector<16xf32>
    %swap3A_263 = vector.shape_cast %add3A_259 : vector<16xf32> to vector<16xf32>
    tpu.vector_store %arg10[%swap3A_260], %swap3A_263 {strides = array<i32>} : memref<512xf32, #tpu.memory_space<vmem>>, vector<16xf32>,
    %get3A_264 = arith.constant 224 : index
    %get3A_265 = tpu.vector_load %arg10[%get3A_264] {strides = array<i32>} : memref<512xf32, #tpu.memory_space<vmem>>, vector<16xf32>,
    %get3A_266 = vector.shape_cast %get3A_265 : vector<16xf32> to vector<16xf32>
    %mul3A_267 = vector.broadcast %squeeze3A_58 : f32 to vector<16xf32>
    %mul3A_268 = arith.mulf %while3A_124#14, %mul3A_267 : vector<16xf32>
    %add3A_269 = arith.addf %get3A_266, %mul3A_268 : vector<16xf32>
    %swap3A_270 = arith.constant 224 : index
    %swap3A_271 = tpu.vector_load %arg10[%swap3A_270] {strides = array<i32>} : memref<512xf32, #tpu.memory_space<vmem>>, vector<16xf32>,
    %swap3A_272 = vector.shape_cast %swap3A_271 : vector<16xf32> to vector<16xf32>
    %swap3A_273 = vector.shape_cast %add3A_269 : vector<16xf32> to vector<16xf32>
    tpu.vector_store %arg10[%swap3A_270], %swap3A_273 {strides = array<i32>} : memref<512xf32, #tpu.memory_space<vmem>>, vector<16xf32>,
    %get3A_274 = arith.constant 240 : index
    %get3A_275 = tpu.vector_load %arg10[%get3A_274] {strides = array<i32>} : memref<512xf32, #tpu.memory_space<vmem>>, vector<16xf32>,
    %get3A_276 = vector.shape_cast %get3A_275 : vector<16xf32> to vector<16xf32>
    %mul3A_277 = vector.broadcast %squeeze3A_58 : f32 to vector<16xf32>
    %mul3A_278 = arith.mulf %while3A_124#15, %mul3A_277 : vector<16xf32>
    %add3A_279 = arith.addf %get3A_276, %mul3A_278 : vector<16xf32>
    %swap3A_280 = arith.constant 240 : index
    %swap3A_281 = tpu.vector_load %arg10[%swap3A_280] {strides = array<i32>} : memref<512xf32, #tpu.memory_space<vmem>>, vector<16xf32>,
    %swap3A_282 = vector.shape_cast %swap3A_281 : vector<16xf32> to vector<16xf32>
    %swap3A_283 = vector.shape_cast %add3A_279 : vector<16xf32> to vector<16xf32>
    tpu.vector_store %arg10[%swap3A_280], %swap3A_283 {strides = array<i32>} : memref<512xf32, #tpu.memory_space<vmem>>, vector<16xf32>,
    %get3A_284 = arith.constant 256 : index
    %get3A_285 = tpu.vector_load %arg10[%get3A_284] {strides = array<i32>} : memref<512xf32, #tpu.memory_space<vmem>>, vector<16xf32>,
    %get3A_286 = vector.shape_cast %get3A_285 : vector<16xf32> to vector<16xf32>
    %mul3A_287 = vector.broadcast %squeeze3A_58 : f32 to vector<16xf32>
    %mul3A_288 = arith.mulf %while3A_124#16, %mul3A_287 : vector<16xf32>
    %add3A_289 = arith.addf %get3A_286, %mul3A_288 : vector<16xf32>
    %swap3A_290 = arith.constant 256 : index
    %swap3A_291 = tpu.vector_load %arg10[%swap3A_290] {strides = array<i32>} : memref<512xf32, #tpu.memory_space<vmem>>, vector<16xf32>,
    %swap3A_292 = vector.shape_cast %swap3A_291 : vector<16xf32> to vector<16xf32>
    %swap3A_293 = vector.shape_cast %add3A_289 : vector<16xf32> to vector<16xf32>
    tpu.vector_store %arg10[%swap3A_290], %swap3A_293 {strides = array<i32>} : memref<512xf32, #tpu.memory_space<vmem>>, vector<16xf32>,
    %get3A_294 = arith.constant 272 : index
    %get3A_295 = tpu.vector_load %arg10[%get3A_294] {strides = array<i32>} : memref<512xf32, #tpu.memory_space<vmem>>, vector<16xf32>,
    %get3A_296 = vector.shape_cast %get3A_295 : vector<16xf32> to vector<16xf32>
    %mul3A_297 = vector.broadcast %squeeze3A_58 : f32 to vector<16xf32>
    %mul3A_298 = arith.mulf %while3A_124#17, %mul3A_297 : vector<16xf32>
    %add3A_299 = arith.addf %get3A_296, %mul3A_298 : vector<16xf32>
    %swap3A_300 = arith.constant 272 : index
    %swap3A_301 = tpu.vector_load %arg10[%swap3A_300] {strides = array<i32>} : memref<512xf32, #tpu.memory_space<vmem>>, vector<16xf32>,
    %swap3A_302 = vector.shape_cast %swap3A_301 : vector<16xf32> to vector<16xf32>
    %swap3A_303 = vector.shape_cast %add3A_299 : vector<16xf32> to vector<16xf32>
    tpu.vector_store %arg10[%swap3A_300], %swap3A_303 {strides = array<i32>} : memref<512xf32, #tpu.memory_space<vmem>>, vector<16xf32>,
    %get3A_304 = arith.constant 288 : index
    %get3A_305 = tpu.vector_load %arg10[%get3A_304] {strides = array<i32>} : memref<512xf32, #tpu.memory_space<vmem>>, vector<16xf32>,
    %get3A_306 = vector.shape_cast %get3A_305 : vector<16xf32> to vector<16xf32>
    %mul3A_307 = vector.broadcast %squeeze3A_58 : f32 to vector<16xf32>
    %mul3A_308 = arith.mulf %while3A_124#18, %mul3A_307 : vector<16xf32>
    %add3A_309 = arith.addf %get3A_306, %mul3A_308 : vector<16xf32>
    %swap3A_310 = arith.constant 288 : index
    %swap3A_311 = tpu.vector_load %arg10[%swap3A_310] {strides = array<i32>} : memref<512xf32, #tpu.memory_space<vmem>>, vector<16xf32>,
    %swap3A_312 = vector.shape_cast %swap3A_311 : vector<16xf32> to vector<16xf32>
    %swap3A_313 = vector.shape_cast %add3A_309 : vector<16xf32> to vector<16xf32>
    tpu.vector_store %arg10[%swap3A_310], %swap3A_313 {strides = array<i32>} : memref<512xf32, #tpu.memory_space<vmem>>, vector<16xf32>,
    %get3A_314 = arith.constant 304 : index
    %get3A_315 = tpu.vector_load %arg10[%get3A_314] {strides = array<i32>} : memref<512xf32, #tpu.memory_space<vmem>>, vector<16xf32>,
    %get3A_316 = vector.shape_cast %get3A_315 : vector<16xf32> to vector<16xf32>
    %mul3A_317 = vector.broadcast %squeeze3A_58 : f32 to vector<16xf32>
    %mul3A_318 = arith.mulf %while3A_124#19, %mul3A_317 : vector<16xf32>
    %add3A_319 = arith.addf %get3A_316, %mul3A_318 : vector<16xf32>
    %swap3A_320 = arith.constant 304 : index
    %swap3A_321 = tpu.vector_load %arg10[%swap3A_320] {strides = array<i32>} : memref<512xf32, #tpu.memory_space<vmem>>, vector<16xf32>,
    %swap3A_322 = vector.shape_cast %swap3A_321 : vector<16xf32> to vector<16xf32>
    %swap3A_323 = vector.shape_cast %add3A_319 : vector<16xf32> to vector<16xf32>
    tpu.vector_store %arg10[%swap3A_320], %swap3A_323 {strides = array<i32>} : memref<512xf32, #tpu.memory_space<vmem>>, vector<16xf32>,
    %get3A_324 = arith.constant 320 : index
    %get3A_325 = tpu.vector_load %arg10[%get3A_324] {strides = array<i32>} : memref<512xf32, #tpu.memory_space<vmem>>, vector<16xf32>,
    %get3A_326 = vector.shape_cast %get3A_325 : vector<16xf32> to vector<16xf32>
    %mul3A_327 = vector.broadcast %squeeze3A_58 : f32 to vector<16xf32>
    %mul3A_328 = arith.mulf %while3A_124#20, %mul3A_327 : vector<16xf32>
    %add3A_329 = arith.addf %get3A_326, %mul3A_328 : vector<16xf32>
    %swap3A_330 = arith.constant 320 : index
    %swap3A_331 = tpu.vector_load %arg10[%swap3A_330] {strides = array<i32>} : memref<512xf32, #tpu.memory_space<vmem>>, vector<16xf32>,
    %swap3A_332 = vector.shape_cast %swap3A_331 : vector<16xf32> to vector<16xf32>
    %swap3A_333 = vector.shape_cast %add3A_329 : vector<16xf32> to vector<16xf32>
    tpu.vector_store %arg10[%swap3A_330], %swap3A_333 {strides = array<i32>} : memref<512xf32, #tpu.memory_space<vmem>>, vector<16xf32>,
    %get3A_334 = arith.constant 336 : index
    %get3A_335 = tpu.vector_load %arg10[%get3A_334] {strides = array<i32>} : memref<512xf32, #tpu.memory_space<vmem>>, vector<16xf32>,
    %get3A_336 = vector.shape_cast %get3A_335 : vector<16xf32> to vector<16xf32>
    %mul3A_337 = vector.broadcast %squeeze3A_58 : f32 to vector<16xf32>
    %mul3A_338 = arith.mulf %while3A_124#21, %mul3A_337 : vector<16xf32>
    %add3A_339 = arith.addf %get3A_336, %mul3A_338 : vector<16xf32>
    %swap3A_340 = arith.constant 336 : index
    %swap3A_341 = tpu.vector_load %arg10[%swap3A_340] {strides = array<i32>} : memref<512xf32, #tpu.memory_space<vmem>>, vector<16xf32>,
    %swap3A_342 = vector.shape_cast %swap3A_341 : vector<16xf32> to vector<16xf32>
    %swap3A_343 = vector.shape_cast %add3A_339 : vector<16xf32> to vector<16xf32>
    tpu.vector_store %arg10[%swap3A_340], %swap3A_343 {strides = array<i32>} : memref<512xf32, #tpu.memory_space<vmem>>, vector<16xf32>,
    %get3A_344 = arith.constant 352 : index
    %get3A_345 = tpu.vector_load %arg10[%get3A_344] {strides = array<i32>} : memref<512xf32, #tpu.memory_space<vmem>>, vector<16xf32>,
    %get3A_346 = vector.shape_cast %get3A_345 : vector<16xf32> to vector<16xf32>
    %mul3A_347 = vector.broadcast %squeeze3A_58 : f32 to vector<16xf32>
    %mul3A_348 = arith.mulf %while3A_124#22, %mul3A_347 : vector<16xf32>
    %add3A_349 = arith.addf %get3A_346, %mul3A_348 : vector<16xf32>
    %swap3A_350 = arith.constant 352 : index
    %swap3A_351 = tpu.vector_load %arg10[%swap3A_350] {strides = array<i32>} : memref<512xf32, #tpu.memory_space<vmem>>, vector<16xf32>,
    %swap3A_352 = vector.shape_cast %swap3A_351 : vector<16xf32> to vector<16xf32>
    %swap3A_353 = vector.shape_cast %add3A_349 : vector<16xf32> to vector<16xf32>
    tpu.vector_store %arg10[%swap3A_350], %swap3A_353 {strides = array<i32>} : memref<512xf32, #tpu.memory_space<vmem>>, vector<16xf32>,
    %get3A_354 = arith.constant 368 : index
    %get3A_355 = tpu.vector_load %arg10[%get3A_354] {strides = array<i32>} : memref<512xf32, #tpu.memory_space<vmem>>, vector<16xf32>,
    %get3A_356 = vector.shape_cast %get3A_355 : vector<16xf32> to vector<16xf32>
    %mul3A_357 = vector.broadcast %squeeze3A_58 : f32 to vector<16xf32>
    %mul3A_358 = arith.mulf %while3A_124#23, %mul3A_357 : vector<16xf32>
    %add3A_359 = arith.addf %get3A_356, %mul3A_358 : vector<16xf32>
    %swap3A_360 = arith.constant 368 : index
    %swap3A_361 = tpu.vector_load %arg10[%swap3A_360] {strides = array<i32>} : memref<512xf32, #tpu.memory_space<vmem>>, vector<16xf32>,
    %swap3A_362 = vector.shape_cast %swap3A_361 : vector<16xf32> to vector<16xf32>
    %swap3A_363 = vector.shape_cast %add3A_359 : vector<16xf32> to vector<16xf32>
    tpu.vector_store %arg10[%swap3A_360], %swap3A_363 {strides = array<i32>} : memref<512xf32, #tpu.memory_space<vmem>>, vector<16xf32>,
    %get3A_364 = arith.constant 384 : index
    %get3A_365 = tpu.vector_load %arg10[%get3A_364] {strides = array<i32>} : memref<512xf32, #tpu.memory_space<vmem>>, vector<16xf32>,
    %get3A_366 = vector.shape_cast %get3A_365 : vector<16xf32> to vector<16xf32>
    %mul3A_367 = vector.broadcast %squeeze3A_58 : f32 to vector<16xf32>
    %mul3A_368 = arith.mulf %while3A_124#24, %mul3A_367 : vector<16xf32>
    %add3A_369 = arith.addf %get3A_366, %mul3A_368 : vector<16xf32>
    %swap3A_370 = arith.constant 384 : index
    %swap3A_371 = tpu.vector_load %arg10[%swap3A_370] {strides = array<i32>} : memref<512xf32, #tpu.memory_space<vmem>>, vector<16xf32>,
    %swap3A_372 = vector.shape_cast %swap3A_371 : vector<16xf32> to vector<16xf32>
    %swap3A_373 = vector.shape_cast %add3A_369 : vector<16xf32> to vector<16xf32>
    tpu.vector_store %arg10[%swap3A_370], %swap3A_373 {strides = array<i32>} : memref<512xf32, #tpu.memory_space<vmem>>, vector<16xf32>,
    %get3A_374 = arith.constant 400 : index
    %get3A_375 = tpu.vector_load %arg10[%get3A_374] {strides = array<i32>} : memref<512xf32, #tpu.memory_space<vmem>>, vector<16xf32>,
    %get3A_376 = vector.shape_cast %get3A_375 : vector<16xf32> to vector<16xf32>
    %mul3A_377 = vector.broadcast %squeeze3A_58 : f32 to vector<16xf32>
    %mul3A_378 = arith.mulf %while3A_124#25, %mul3A_377 : vector<16xf32>
    %add3A_379 = arith.addf %get3A_376, %mul3A_378 : vector<16xf32>
    %swap3A_380 = arith.constant 400 : index
    %swap3A_381 = tpu.vector_load %arg10[%swap3A_380] {strides = array<i32>} : memref<512xf32, #tpu.memory_space<vmem>>, vector<16xf32>,
    %swap3A_382 = vector.shape_cast %swap3A_381 : vector<16xf32> to vector<16xf32>
    %swap3A_383 = vector.shape_cast %add3A_379 : vector<16xf32> to vector<16xf32>
    tpu.vector_store %arg10[%swap3A_380], %swap3A_383 {strides = array<i32>} : memref<512xf32, #tpu.memory_space<vmem>>, vector<16xf32>,
    %get3A_384 = arith.constant 416 : index
    %get3A_385 = tpu.vector_load %arg10[%get3A_384] {strides = array<i32>} : memref<512xf32, #tpu.memory_space<vmem>>, vector<16xf32>,
    %get3A_386 = vector.shape_cast %get3A_385 : vector<16xf32> to vector<16xf32>
    %mul3A_387 = vector.broadcast %squeeze3A_58 : f32 to vector<16xf32>
    %mul3A_388 = arith.mulf %while3A_124#26, %mul3A_387 : vector<16xf32>
    %add3A_389 = arith.addf %get3A_386, %mul3A_388 : vector<16xf32>
    %swap3A_390 = arith.constant 416 : index
    %swap3A_391 = tpu.vector_load %arg10[%swap3A_390] {strides = array<i32>} : memref<512xf32, #tpu.memory_space<vmem>>, vector<16xf32>,
    %swap3A_392 = vector.shape_cast %swap3A_391 : vector<16xf32> to vector<16xf32>
    %swap3A_393 = vector.shape_cast %add3A_389 : vector<16xf32> to vector<16xf32>
    tpu.vector_store %arg10[%swap3A_390], %swap3A_393 {strides = array<i32>} : memref<512xf32, #tpu.memory_space<vmem>>, vector<16xf32>,
    %get3A_394 = arith.constant 432 : index
    %get3A_395 = tpu.vector_load %arg10[%get3A_394] {strides = array<i32>} : memref<512xf32, #tpu.memory_space<vmem>>, vector<16xf32>,
    %get3A_396 = vector.shape_cast %get3A_395 : vector<16xf32> to vector<16xf32>
    %mul3A_397 = vector.broadcast %squeeze3A_58 : f32 to vector<16xf32>
    %mul3A_398 = arith.mulf %while3A_124#27, %mul3A_397 : vector<16xf32>
    %add3A_399 = arith.addf %get3A_396, %mul3A_398 : vector<16xf32>
    %swap3A_400 = arith.constant 432 : index
    %swap3A_401 = tpu.vector_load %arg10[%swap3A_400] {strides = array<i32>} : memref<512xf32, #tpu.memory_space<vmem>>, vector<16xf32>,
    %swap3A_402 = vector.shape_cast %swap3A_401 : vector<16xf32> to vector<16xf32>
    %swap3A_403 = vector.shape_cast %add3A_399 : vector<16xf32> to vector<16xf32>
    tpu.vector_store %arg10[%swap3A_400], %swap3A_403 {strides = array<i32>} : memref<512xf32, #tpu.memory_space<vmem>>, vector<16xf32>,
    %get3A_404 = arith.constant 448 : index
    %get3A_405 = tpu.vector_load %arg10[%get3A_404] {strides = array<i32>} : memref<512xf32, #tpu.memory_space<vmem>>, vector<16xf32>,
    %get3A_406 = vector.shape_cast %get3A_405 : vector<16xf32> to vector<16xf32>
    %mul3A_407 = vector.broadcast %squeeze3A_58 : f32 to vector<16xf32>
    %mul3A_408 = arith.mulf %while3A_124#28, %mul3A_407 : vector<16xf32>
    %add3A_409 = arith.addf %get3A_406, %mul3A_408 : vector<16xf32>
    %swap3A_410 = arith.constant 448 : index
    %swap3A_411 = tpu.vector_load %arg10[%swap3A_410] {strides = array<i32>} : memref<512xf32, #tpu.memory_space<vmem>>, vector<16xf32>,
    %swap3A_412 = vector.shape_cast %swap3A_411 : vector<16xf32> to vector<16xf32>
    %swap3A_413 = vector.shape_cast %add3A_409 : vector<16xf32> to vector<16xf32>
    tpu.vector_store %arg10[%swap3A_410], %swap3A_413 {strides = array<i32>} : memref<512xf32, #tpu.memory_space<vmem>>, vector<16xf32>,
    %get3A_414 = arith.constant 464 : index
    %get3A_415 = tpu.vector_load %arg10[%get3A_414] {strides = array<i32>} : memref<512xf32, #tpu.memory_space<vmem>>, vector<16xf32>,
    %get3A_416 = vector.shape_cast %get3A_415 : vector<16xf32> to vector<16xf32>
    %mul3A_417 = vector.broadcast %squeeze3A_58 : f32 to vector<16xf32>
    %mul3A_418 = arith.mulf %while3A_124#29, %mul3A_417 : vector<16xf32>
    %add3A_419 = arith.addf %get3A_416, %mul3A_418 : vector<16xf32>
    %swap3A_420 = arith.constant 464 : index
    %swap3A_421 = tpu.vector_load %arg10[%swap3A_420] {strides = array<i32>} : memref<512xf32, #tpu.memory_space<vmem>>, vector<16xf32>,
    %swap3A_422 = vector.shape_cast %swap3A_421 : vector<16xf32> to vector<16xf32>
    %swap3A_423 = vector.shape_cast %add3A_419 : vector<16xf32> to vector<16xf32>
    tpu.vector_store %arg10[%swap3A_420], %swap3A_423 {strides = array<i32>} : memref<512xf32, #tpu.memory_space<vmem>>, vector<16xf32>,
    %get3A_424 = arith.constant 480 : index
    %get3A_425 = tpu.vector_load %arg10[%get3A_424] {strides = array<i32>} : memref<512xf32, #tpu.memory_space<vmem>>, vector<16xf32>,
    %get3A_426 = vector.shape_cast %get3A_425 : vector<16xf32> to vector<16xf32>
    %mul3A_427 = vector.broadcast %squeeze3A_58 : f32 to vector<16xf32>
    %mul3A_428 = arith.mulf %while3A_124#30, %mul3A_427 : vector<16xf32>
    %add3A_429 = arith.addf %get3A_426, %mul3A_428 : vector<16xf32>
    %swap3A_430 = arith.constant 480 : index
    %swap3A_431 = tpu.vector_load %arg10[%swap3A_430] {strides = array<i32>} : memref<512xf32, #tpu.memory_space<vmem>>, vector<16xf32>,
    %swap3A_432 = vector.shape_cast %swap3A_431 : vector<16xf32> to vector<16xf32>
    %swap3A_433 = vector.shape_cast %add3A_429 : vector<16xf32> to vector<16xf32>
    tpu.vector_store %arg10[%swap3A_430], %swap3A_433 {strides = array<i32>} : memref<512xf32, #tpu.memory_space<vmem>>, vector<16xf32>,
    %get3A_434 = arith.constant 496 : index
    %get3A_435 = tpu.vector_load %arg10[%get3A_434] {strides = array<i32>} : memref<512xf32, #tpu.memory_space<vmem>>, vector<16xf32>,
    %get3A_436 = vector.shape_cast %get3A_435 : vector<16xf32> to vector<16xf32>
    %mul3A_437 = vector.broadcast %squeeze3A_58 : f32 to vector<16xf32>
    %mul3A_438 = arith.mulf %while3A_124#31, %mul3A_437 : vector<16xf32>
    %add3A_439 = arith.addf %get3A_436, %mul3A_438 : vector<16xf32>
    %swap3A_440 = arith.constant 496 : index
    %swap3A_441 = tpu.vector_load %arg10[%swap3A_440] {strides = array<i32>} : memref<512xf32, #tpu.memory_space<vmem>>, vector<16xf32>,
    %swap3A_442 = vector.shape_cast %swap3A_441 : vector<16xf32> to vector<16xf32>
    %swap3A_443 = vector.shape_cast %add3A_439 : vector<16xf32> to vector<16xf32>
    tpu.vector_store %arg10[%swap3A_440], %swap3A_443 {strides = array<i32>} : memref<512xf32, #tpu.memory_space<vmem>>, vector<16xf32>,
    %mul3A_444 = arith.constant 4096 : i32
    %mul3A_445 = arith.muli %select_n3A, %mul3A_444 : i32
    %add3A_446 = arith.addi %mul3A_445, %multiple_of3A : i32
    %multiple_of3A_447 = tpu.assume_multiple %add3A_446, 512 : i32
    "tpu.region"() ({
      %run_scoped3A = tpu.sem_alloc : memref<!tpu.dma_semaphore, #tpu.memory_space<semaphore_mem>>
      %dma_start3A_448 = tpu.memref_slice %arg5[%multiple_of3A_447] : memref<16384xf32, #tpu.memory_space<hbm>> -> memref<512xf32, #tpu.memory_space<hbm>>
      %dma_start3A_449 = tpu.memref_slice %arg5[%multiple_of3A_447] : memref<16384xf32, #tpu.memory_space<hbm>> -> memref<512xf32, #tpu.memory_space<hbm>>
      tpu.enqueue_dma source(%arg10 : memref<512xf32, #tpu.memory_space<vmem>>) target(%dma_start3A_449 : memref<512xf32, #tpu.memory_space<hbm>>) target_semaphore(%run_scoped3A : memref<!tpu.dma_semaphore, #tpu.memory_space<semaphore_mem>>)
      %dma_wait3A = tpu.memref_slice %arg5[%multiple_of3A_447] : memref<16384xf32, #tpu.memory_space<hbm>> -> memref<512xf32, #tpu.memory_space<hbm>>
      %dma_wait3A_450 = tpu.memref_slice %arg5[%multiple_of3A_447] : memref<16384xf32, #tpu.memory_space<hbm>> -> memref<512xf32, #tpu.memory_space<hbm>>
      tpu.wait_dma2 semaphore(%run_scoped3A : memref<!tpu.dma_semaphore, #tpu.memory_space<semaphore_mem>>) src(%arg10 : memref<512xf32, #tpu.memory_space<vmem>>) dst(%dma_wait3A_450 : memref<512xf32, #tpu.memory_space<hbm>>)
      tpu.yield
    }) : () -> ()
    return
  }
}

module attributes {stable_mosaic.version = 14 : i64} {
  func.func @_mlp_body(%arg0: memref<128x128xf32, #tpu.memory_space<vmem>>, %arg1: memref<256x128xf32, #tpu.memory_space<vmem>>, %arg2: memref<1x256xf32, #tpu.memory_space<vmem>>, %arg3: memref<128x256xf32, #tpu.memory_space<vmem>>, %arg4: memref<1x128xf32, #tpu.memory_space<vmem>>, %arg5: memref<2x128xf32, #tpu.memory_space<vmem>>, %arg6: memref<1x2xf32, #tpu.memory_space<vmem>>, %arg7: memref<1x1xf32, #tpu.memory_space<vmem>>, %arg8: memref<128x2xf32, #tpu.memory_space<vmem>>, %arg9: memref<128x1xf32, #tpu.memory_space<vmem>>, %arg10: memref<128x1xf32, #tpu.memory_space<vmem>>) attributes {dimension_semantics = [], scalar_prefetch = 0 : i64, scratch_operands = 0 : i64, tpu.core_type = #tpu.core_type<tc>} {
    %get3A = arith.constant 0 : index
    %get3A_0 = arith.constant 0 : index
    %get3A_1 = vector.load %arg0[%get3A, %get3A_0] : memref<128x128xf32, #tpu.memory_space<vmem>>, vector<128x128xf32>
    %get3A_2 = arith.constant 0 : index
    %get3A_3 = arith.constant 0 : index
    %get3A_4 = vector.load %arg1[%get3A_2, %get3A_3] : memref<256x128xf32, #tpu.memory_space<vmem>>, vector<256x128xf32>
    %dot_general3A = arith.constant dense<0.000000e+00> : vector<128x256xf32>
    %dot_general3A_5 = tpu.matmul %get3A_1, %get3A_4, %dot_general3A {dimension_numbers = #tpu.dot_dimension_numbers<[1], [1], [0], [0], [0, 0, 1, 0], [], []>, precision = #tpu.contract_precision<fp32>, transpose_lhs_hint = false} : vector<128x128xf32>, vector<256x128xf32>, vector<128x256xf32> -> vector<128x256xf32>
    %get3A_6 = arith.constant 0 : index
    %get3A_7 = arith.constant 0 : index
    %get3A_8 = vector.load %arg2[%get3A_6, %get3A_7] : memref<1x256xf32, #tpu.memory_space<vmem>>, vector<1x256xf32>
    %add3A = vector.broadcast %get3A_8 : vector<1x256xf32> to vector<128x256xf32>
    %add3A_9 = arith.addf %dot_general3A_5, %add3A : vector<128x256xf32>
    %logistic3A = arith.negf %add3A_9 : vector<128x256xf32>
    %logistic3A_10 = math.exp %logistic3A : vector<128x256xf32>
    %logistic3A_11 = arith.constant 1.000000e+00 : f32
    %logistic3A_12 = vector.broadcast %logistic3A_11 : f32 to vector<128x256xf32>
    %logistic3A_13 = arith.addf %logistic3A_12, %logistic3A_10 : vector<128x256xf32>
    %logistic3A_14 = arith.divf %logistic3A_12, %logistic3A_13 : vector<128x256xf32>
    %mul3A = arith.mulf %add3A_9, %logistic3A_14 : vector<128x256xf32>
    %get3A_15 = arith.constant 0 : index
    %get3A_16 = arith.constant 0 : index
    %get3A_17 = vector.load %arg3[%get3A_15, %get3A_16] : memref<128x256xf32, #tpu.memory_space<vmem>>, vector<128x256xf32>
    %dot_general3A_18 = arith.constant dense<0.000000e+00> : vector<128x128xf32>
    %dot_general3A_19 = tpu.matmul %mul3A, %get3A_17, %dot_general3A_18 {dimension_numbers = #tpu.dot_dimension_numbers<[1], [1], [0], [0], [0, 0, 1, 0], [], []>, precision = #tpu.contract_precision<fp32>, transpose_lhs_hint = false} : vector<128x256xf32>, vector<128x256xf32>, vector<128x128xf32> -> vector<128x128xf32>
    %get3A_20 = arith.constant 0 : index
    %get3A_21 = arith.constant 0 : index
    %get3A_22 = vector.load %arg4[%get3A_20, %get3A_21] : memref<1x128xf32, #tpu.memory_space<vmem>>, vector<1x128xf32>
    %add3A_23 = vector.broadcast %get3A_22 : vector<1x128xf32> to vector<128x128xf32>
    %add3A_24 = arith.addf %dot_general3A_19, %add3A_23 : vector<128x128xf32>
    %logistic3A_25 = arith.negf %add3A_24 : vector<128x128xf32>
    %logistic3A_26 = math.exp %logistic3A_25 : vector<128x128xf32>
    %logistic3A_27 = arith.constant 1.000000e+00 : f32
    %logistic3A_28 = vector.broadcast %logistic3A_27 : f32 to vector<128x128xf32>
    %logistic3A_29 = arith.addf %logistic3A_28, %logistic3A_26 : vector<128x128xf32>
    %logistic3A_30 = arith.divf %logistic3A_28, %logistic3A_29 : vector<128x128xf32>
    %mul3A_31 = arith.mulf %add3A_24, %logistic3A_30 : vector<128x128xf32>
    %get3A_32 = arith.constant 0 : index
    %get3A_33 = arith.constant 0 : index
    %get3A_34 = vector.load %arg5[%get3A_32, %get3A_33] : memref<2x128xf32, #tpu.memory_space<vmem>>, vector<2x128xf32>
    %slice3A = vector.extract_strided_slice %get3A_34 {offsets = [0, 0], sizes = [1, 128], strides = [1, 1]} : vector<2x128xf32> to vector<1x128xf32>
    %mul3A_35 = vector.broadcast %slice3A : vector<1x128xf32> to vector<128x128xf32>
    %mul3A_36 = arith.mulf %mul3A_31, %mul3A_35 : vector<128x128xf32>
    %reduce_sum3A = arith.constant dense<0.000000e+00> : vector<128xf32>
    %reduce_sum3A_37 = vector.multi_reduction <add>, %mul3A_36, %reduce_sum3A [1] : vector<128x128xf32> to vector<128xf32>
    %broadcast_in_dim3A = vector.shape_cast %reduce_sum3A_37 : vector<128xf32> to vector<128x1xf32>
    %get3A_38 = arith.constant 0 : index
    %get3A_39 = arith.constant 0 : index
    %get3A_40 = vector.load %arg6[%get3A_38, %get3A_39] : memref<1x2xf32, #tpu.memory_space<vmem>>, vector<1x1xf32>
    %get3A_41 = vector.extract %get3A_40[0, 0] : f32 from vector<1x1xf32>
    %add3A_42 = vector.broadcast %get3A_41 : f32 to vector<128x1xf32>
    %add3A_43 = arith.addf %broadcast_in_dim3A, %add3A_42 : vector<128x1xf32>
    %slice3A_44 = vector.extract_strided_slice %get3A_34 {offsets = [1, 0], sizes = [1, 128], strides = [1, 1]} : vector<2x128xf32> to vector<1x128xf32>
    %mul3A_45 = vector.broadcast %slice3A_44 : vector<1x128xf32> to vector<128x128xf32>
    %mul3A_46 = arith.mulf %mul3A_31, %mul3A_45 : vector<128x128xf32>
    %reduce_sum3A_47 = arith.constant dense<0.000000e+00> : vector<128xf32>
    %reduce_sum3A_48 = vector.multi_reduction <add>, %mul3A_46, %reduce_sum3A_47 [1] : vector<128x128xf32> to vector<128xf32>
    %broadcast_in_dim3A_49 = vector.shape_cast %reduce_sum3A_48 : vector<128xf32> to vector<128x1xf32>
    %get3A_50 = arith.constant 0 : index
    %get3A_51 = arith.constant 1 : index
    %get3A_52 = vector.load %arg6[%get3A_50, %get3A_51] : memref<1x2xf32, #tpu.memory_space<vmem>>, vector<1x1xf32>
    %get3A_53 = vector.extract %get3A_52[0, 0] : f32 from vector<1x1xf32>
    %add3A_54 = vector.broadcast %get3A_53 : f32 to vector<128x1xf32>
    %add3A_55 = arith.addf %broadcast_in_dim3A_49, %add3A_54 : vector<128x1xf32>
    %sub3A = arith.subf %add3A_55, %add3A_43 : vector<128x1xf32>
    %get3A_56 = arith.constant 0 : index
    %get3A_57 = arith.constant 0 : index
    %get3A_58 = vector.load %arg7[%get3A_56, %get3A_57] : memref<1x1xf32, #tpu.memory_space<vmem>>, vector<1x1xf32>
    %get3A_59 = vector.extract %get3A_58[0, 0] : f32 from vector<1x1xf32>
    %mul3A_60 = vector.broadcast %get3A_59 : f32 to vector<128x1xf32>
    %mul3A_61 = arith.mulf %sub3A, %mul3A_60 : vector<128x1xf32>
    %logistic3A_62 = arith.negf %mul3A_61 : vector<128x1xf32>
    %logistic3A_63 = math.exp %logistic3A_62 : vector<128x1xf32>
    %logistic3A_64 = arith.constant 1.000000e+00 : f32
    %logistic3A_65 = vector.broadcast %logistic3A_64 : f32 to vector<128x1xf32>
    %logistic3A_66 = arith.addf %logistic3A_65, %logistic3A_63 : vector<128x1xf32>
    %logistic3A_67 = arith.divf %logistic3A_65, %logistic3A_66 : vector<128x1xf32>
    %gt3A = arith.constant 5.000000e-01 : f32
    %gt3A_68 = vector.broadcast %gt3A : f32 to vector<128x1xf32>
    %gt3A_69 = arith.cmpf ogt, %logistic3A_67, %gt3A_68 : vector<128x1xf32>
    %convert_element_type3A = arith.extui %gt3A_69 : vector<128x1xi1> to vector<128x1xi32>
    %convert_element_type3A_70 = arith.sitofp %convert_element_type3A : vector<128x1xi32> to vector<128x1xf32>
    %concatenate3A = tpu.concatenate %add3A_43, %add3A_55 in 1 : vector<128x1xf32>, vector<128x1xf32> -> vector<128x2xf32>
    %swap3A = arith.constant 0 : index
    %swap3A_71 = arith.constant 0 : index
    %swap3A_72 = vector.load %arg8[%swap3A, %swap3A_71] : memref<128x2xf32, #tpu.memory_space<vmem>>, vector<128x2xf32>
    tpu.vector_store %arg8[%swap3A, %swap3A_71], %concatenate3A {strides = array<i32>} : memref<128x2xf32, #tpu.memory_space<vmem>>, vector<128x2xf32>,
    %swap3A_73 = arith.constant 0 : index
    %swap3A_74 = arith.constant 0 : index
    %swap3A_75 = vector.load %arg9[%swap3A_73, %swap3A_74] : memref<128x1xf32, #tpu.memory_space<vmem>>, vector<128x1xf32>
    tpu.vector_store %arg9[%swap3A_73, %swap3A_74], %logistic3A_67 {strides = array<i32>} : memref<128x1xf32, #tpu.memory_space<vmem>>, vector<128x1xf32>,
    %swap3A_76 = arith.constant 0 : index
    %swap3A_77 = arith.constant 0 : index
    %swap3A_78 = vector.load %arg10[%swap3A_76, %swap3A_77] : memref<128x1xf32, #tpu.memory_space<vmem>>, vector<128x1xf32>
    tpu.vector_store %arg10[%swap3A_76, %swap3A_77], %convert_element_type3A_70 {strides = array<i32>} : memref<128x1xf32, #tpu.memory_space<vmem>>, vector<128x1xf32>,
    return
  }
}

</mosaic_0001>

<sc_bundles>
// kernel: kernel.4.cloned.1.call-start
scs
__scs_entry_jumppad:
0x0: {  	(pc) =	sbr.rel $0x88, $3  }
0x1: {  	(tag) =	ssettag $0x0;
	lr =	simm.s32 $0x1  }
0x2: {  	[smem:$0x3F98] =	sst lr;
	_ =	strace $0xD0000000  }
0x3: {  	_ = 	snop  }
0x4: {  	_ = 	snop  }
0x5: {  	_ = 	snop  }
0x6: {  	_ = 	snop  }
0x7: {  	_ = 	snop  }
__scs_overlays_trampoline_lowered:
0x8: {  	[smem:$0x3FA7] =	sst s0  }
0x9: {  	[smem:$0x3FA8] =	sst s1  }
0xa: {  	[smem:$0x3FA9] =	sst s2  }
0xb: {  	[smem:$0x3FAA] =	sst s3  }
0xc: {  	[smem:$0x3FAB] =	sst s4  }
0xd: {  	[smem:$0x3FAC] =	sst s5  }
0xe: {  	[smem:$0x3FAD] =	sst s6  }
0xf: {  	[smem:$0x3FAE] =	sst s7  }
0x10: {  	[smem:$0x3FAF] =	sst s8  }
0x11: {  	[smem:$0x3FB0] =	sst s9;
	s0 =	simm.s32 @!p0 $0x0  }
0x12: {  	s1 =	sld [smem:$0x3F96];
	s0 =	simm.s32 @p0 $0x1  }
0x13: {  	[smem:$0x3FB1] =	sst s0;
	s0 =	simm.s32 @!p1 $0x0  }
0x14: {  	s2 =	sld [smem:$0x3F95];
	s0 =	simm.s32 @p1 $0x1  }
0x15: {  	[smem:$0x3FB2] =	sst s0;
	s0 =	simm.s32 @!p2 $0x0  }
0x16: {  	s3 =	sld [smem:$0x3FDB];
	s0 =	simm.s32 @p2 $0x1  }
0x17: {  	s4 =	simm.s32 $0x1BF5;
	[smem:$0x3FB4] =	sst s0  }
0x18: {  	s0 =	sld [smem:$0x3F97];
	_ =	swait.ge [sflag:s4], $0x0  }
0x19: {  	s7 =	sld [smem:$0x3F98]  }
0x1a: {  	s8 =	sadd.s32 $0xFFFFE003, lr  }
0x1b: {  	s9 =	sadd.s32 $0xFFFFFEF7, lr;
	s5 =	simm.s32 $0xFFFFFFFF;
	p2 =	slt.u32 s8, $0xFFFFF086  }
0x1c: {  	p1 =	slt.u32 s9, $0xF7A;
	s5 =	simm.s32 @!p2 $0x0  }
0x1d: {  	s5 =	simm.s32 @p1 $0x1;
	p0 =	seq.s32 s7, s2  }
0x1e: {  	s7 =	smul.u32 @!p0 $0xF7A, s2;
	p2 =	seq.s32 @!p0 s5, $0x0  }
0x1f: {  	s9 =	smul.u32 $0xF7A, s1;
	s8 =	simm.s32 @!p0 $0x1BF5;
	p2 =	por !p2, p0  }
0x20: {  	[sflag:s8] =	ssyncset.s32 @!p0 $0xFFFFF086;
	s6 =	sadd.s32 @!p0 s3, s7;
	s7 =	simm.s32 @!p0 $0x108  }
0x21: {  	s3 =	sadd.s32 s3, s9;
	s6 =	sadd.s32 @!p0 $0x88, s6;
	s7 =	simm.s32 @p2 $0x1082  }
0x22: {  	[simem:s7], [sflag:s8] =	dma.local @!p0 [hbm:s6], $0xF7A  }
0x23: {  	s9 =	sor.u32 $0xD0000000, s2;
	s6 =	simm.s32 $0x108;
	_ =	swait.ge @!p0 [sflag:s8], $0x0  }
0x24: {  	s3 =	sadd.s32 $0x88, s3;
	s6 =	simm.s32 @!p1 $0x1082;
	[sflag:s4] =	ssyncset.s32 $0xFFFFF086  }
0x25: {  	[simem:s6], [sflag:s4] =	dma.local [hbm:s3], $0xF7A  }
0x26: {  	[smem:$0x3F98] =	sst s1;
	(tag) =	ssettag s2;
	_ =	strace s9  }
0x27: {  	s1 =	sld [smem:$0x3FA8]  }
0x28: {  	s2 =	sld [smem:$0x3FA9]  }
0x29: {  	s4 =	sld [smem:$0x3FAB]  }
0x2a: {  	p0 =	seq.s32 s5, $0x0;
	s5 =	sld [smem:$0x3FAC]  }
0x2b: {  	s6 =	sld [smem:$0x3FAD]  }
0x2c: {  	s7 =	sld [smem:$0x3FAE]  }
0x2d: {  	s3 =	simm.s32 $0x108;
	s8 =	sld [smem:$0x3FAF]  }
0x2e: {  	s3 =	simm.s32 @!p0 $0x1082;
	s9 =	sld [smem:$0x3FB0]  }
0x2f: {  	lr =	sadd.s32 s0, s3;
	s0 =	sld [smem:$0x3FA7]  }
0x30: {  	s3 =	sld [smem:$0x3FAA]  }
0x31: {  	[smem:$0x3FB3] =	sst s10  }
0x32: {  	s10 =	sld [smem:$0x3FB1];
	_ =	sdelay $0x3  }
0x33: {  	p0 =	seq.s32 s10, $0x1;
	s10 =	sld [smem:$0x3FB3];
	_ =	sdelay $0x3  }
0x34: {  	[smem:$0x3FB3] =	sst s10  }
0x35: {  	s10 =	sld [smem:$0x3FB2];
	_ =	sdelay $0x3  }
0x36: {  	p1 =	seq.s32 s10, $0x1;
	s10 =	sld [smem:$0x3FB3];
	_ =	sdelay $0x3  }
0x37: {  	[smem:$0x3FB3] =	sst s10  }
0x38: {  	s10 =	sld [smem:$0x3FB4]  }
0x39: {  	_ = 	snop;
	(pc) =	sbr.ind lr, $3  }
0x3a: {  	_ = 	snop  }
0x3b: {  	_ = 	snop  }
0x3c: {  	p2 =	seq.s32 s10, $0x1;
	s10 =	sld [smem:$0x3FB3]  }
0x3d: {  	_ =	shalt  }
0x3e: {  	_ =	shalt  }
0x3f: {  	_ =	shalt  }
0x40: {  	_ =	shalt  }
0x41: {  	_ =	shalt  }
0x42: {  	_ =	shalt  }
0x43: {  	_ =	shalt  }
0x44: {  	_ =	shalt  }
0x45: {  	_ =	shalt  }
0x46: {  	_ =	shalt  }
0x47: {  	_ =	shalt  }
0x48: {  	_ =	shalt  }
0x49: {  	_ =	shalt  }
0x4a: {  	_ =	shalt  }
0x4b: {  	_ =	shalt  }
0x4c: {  	_ =	shalt  }
0x4d: {  	_ =	shalt  }
0x4e: {  	_ =	shalt  }
0x4f: {  	_ =	shalt  }
0x50: {  	_ =	shalt  }
0x51: {  	_ =	shalt  }
0x52: {  	_ =	shalt  }
0x53: {  	_ =	shalt  }
0x54: {  	_ =	shalt  }
0x55: {  	_ =	shalt  }
0x56: {  	_ =	shalt  }
0x57: {  	_ =	shalt  }
0x58: {  	_ =	shalt  }
0x59: {  	_ =	shalt  }
0x5a: {  	_ =	shalt  }
0x5b: {  	_ =	shalt  }
0x5c: {  	_ =	shalt  }
0x5d: {  	_ =	shalt  }
0x5e: {  	_ =	shalt  }
0x5f: {  	_ =	shalt  }
0x60: {  	_ =	shalt  }
0x61: {  	_ =	shalt  }
0x62: {  	_ =	shalt  }
0x63: {  	_ =	shalt  }
0x64: {  	_ =	shalt  }
0x65: {  	_ =	shalt  }
0x66: {  	_ =	shalt  }
0x67: {  	_ =	shalt  }
0x68: {  	_ =	shalt  }
0x69: {  	_ =	shalt  }
0x6a: {  	_ =	shalt  }
0x6b: {  	_ =	shalt  }
0x6c: {  	_ =	shalt  }
0x6d: {  	_ =	shalt  }
0x6e: {  	_ =	shalt  }
0x6f: {  	_ =	shalt  }
0x70: {  	_ =	shalt  }
0x71: {  	_ =	shalt  }
0x72: {  	_ =	shalt  }
0x73: {  	_ =	shalt  }
0x74: {  	_ =	shalt  }
0x75: {  	_ =	shalt  }
0x76: {  	_ =	shalt  }
0x77: {  	_ =	shalt  }
0x78: {  	_ =	shalt  }
0x79: {  	_ =	shalt  }
0x7a: {  	_ =	shalt  }
0x7b: {  	_ =	shalt  }
0x7c: {  	_ =	shalt  }
0x7d: {  	_ =	shalt  }
0x7e: {  	_ =	shalt  }
0x7f: {  	_ =	shalt  }
0x80: {  	_ =	shalt  }
0x81: {  	_ =	shalt  }
0x82: {  	_ =	shalt  }
0x83: {  	_ =	shalt  }
0x84: {  	_ =	shalt  }
0x85: {  	_ =	shalt  }
0x86: {  	_ =	shalt  }
0x87: {  	_ =	shalt  }
.Lfunc_end0:
.L_simem_size_0:
called_computation_lowered:
.L_overlay_start_0:
0x88: {  	s2 =	sld [smem:$0x3FD9]  }
0x89: {  	s3 =	sld [smem:$0x3FFE];
	_ =	sdelay $0x1  }
0x8a: {  	s1 =	srdreg.scid  }
0x8b: {  	s0 =	sand.u32 $0x1, s1  }
0x8c: {  	s14 =	sshll.u32 s0, $0xA;
	s2 =	sadd.s32 s3, s2  }
0x8d: {  	s2 =	sadd.s32 s2, s14  }
0x8e: {  	[smem:$0x3FBF] =	sst s2  }
0x8f: {  	_ = 	snop  }
0x90: {  	s2 =	sld [smem:$0x3FD0];
	_ =	sdelay $0x2  }
0x91: {  	s15 =	simm.s32 $0xA;
	s4 =	simm.s32 $0x10  }
0x92: {  	[smem:s4], [sflag:s15] =	dma.local [hbm:s2], $0x1  }
0x93: {  	_ =	swait.eq [sflag:s15], $0x1  }
0x94: {  	[sflag:s15] =	ssyncset.done $0x0  }
0x95: {  	s16 =	sld [smem:$0x11];
	[sflag:s15] =	ssyncadd.s32 $0xFFFFFFFF  }
0x96: {  	s17 =	sld [smem:$0x12];
	(tm) =	ssettm $0x1  }
0x97: {  	s18 =	sld [smem:$0x3FFB];
	_ =	sdelay $0x3  }
0x98: {  	_ =	strace s18  }
0x99: {  	s4 =	sld [smem:$0x3FFC];
	_ =	sdelay $0x3  }
0x9a: {  	_ =	strace s4  }
0x9b: {  	s4 =	sld [smem:$0x3FFD];
	_ =	sdelay $0x3  }
0x9c: {  	_ =	strace s4  }
0x9d: {  	_ =	strace $0x8FFFFFFF  }
0x9e: {  	s19 =	sld [smem:$0x3FDB];
	_ =	sdelay $0x1  }
0x9f: {  	s5 =	simm.s32 $_scs_section_size  }
0xa0: {  	s6 =	simm.s32 $_size__tile_overlayer_lowered;
	s7 =	simm.s32 $_tile_overlayer_lowered  }
0xa1: {  	s22 =	simm.s32 $0x1BFF;
	s21 =	sshll.u32 s7, $0x1;
	s4 =	sadd.s32 s5, s19  }
0xa2: {  	s8 =	simm.s32 $0x0;
	s20 =	sshll.u32 s6, $0x1;
	s6 =	sadd.s32 s21, s4  }
0xa3: {  	[timem:s8], [sflag:s22] =	dma.local [hbm:s6], s20  }
0xa4: {  	_ =	swait.ge [sflag:s22], s20  }
0xa5: {  	s5 =	ssub.s32 $0x0, s20;
	[sflag:s22] =	ssyncset.done $0x0  }
0xa6: {  	[sflag:s22] =	ssyncadd.s32 s5;
	_ =	sdelay $0x1  }
0xa7: {  	s23 =	simm.s32 $0x1B8B  }
0xa8: {  	_ =	swait.ge [sflag:s23], $0x1  }
0xa9: {  	[sflag:s23] =	ssyncset.done $0x0  }
0xaa: {  	s25 =	simm.s32 $0x1B8E;
	s24 =	sld [smem:$0x3FFE];
	[sflag:s23] =	ssyncadd.s32 $0xFFFFFFFF  }
0xab: {  	s26 =	simm.s32 $execute0_lowered;
	[smem:$0x3FD2] =	sst s25  }
0xac: {  	s6 =	sshll.u32 s26, $0x1;
	_ =	strace $0x80000046;
	[dreg:$0x1] =	wrdreg $0xFFFFFFFF  }
0xad: {  	s28 =	simm.s32 $_size_execute0_lowered;
	s4 =	sadd.s32 s4, s6;
	[dreg:$0x0] =	wrdreg $0x0  }
0xae: {  	s6 =	sshll.u32 s28, $0x1;
	[dreg:$0x2] =	wrdreg s4  }
0xaf: {  	[dreg:$0x3] =	wrdreg s6  }
0xb0: {  	[dreg:$0x4] =	wrdreg $0xC0  }
0xb1: {  	_ =	task [dreg:s8], $0x5FFFF  }
0xb2: {  	[dreg:$0x1] =	wrdreg $0xFFFFFFFF  }
0xb3: {  	[dreg:$0x0] =	wrdreg $0x60  }
0xb4: {  	[dreg:$0x2] =	wrdreg s24  }
0xb5: {  	[dreg:$0x3] =	wrdreg s17  }
0xb6: {  	[dreg:$0x4] =	wrdreg s16  }
0xb7: {  	[dreg:$0x5] =	wrdreg $0x9  }
0xb8: {  	_ =	task.clear_ibuf [dreg:s8], $0x6FFFF;
	_ =	strace $0x90000046  }
0xb9: {  	s29 =	simm.s32 $0x9;
	_ =	strace $0x80000048  }
0xba: {  	_ =	swait.ge [sflag:s29], $0x1  }
0xbb: {  	[sflag:s29] =	ssyncadd.s32 $0xFFFFFFFF  }
0xbc: {  	_ =	strace $0x90000048  }
0xbd: {  	_ =	sfence  }
0xbe: {  	s30 =	sld [smem:$0x0];
	_ =	sdelay $0x2  }
0xbf: {  	s31 =	sshll.u32 s1, $0xD;
	s1 =	sshrl.u32 s1, $0x2  }
0xc0: {  	s3 =	sand.u32 $0x4000, s31;
	s1 =	sadd.s32 s1, s30  }
0xc1: {  	s0 =	sor.u32 s3, s0;
	s1 =	sshll.u32 s1, $0x11  }
0xc2: {  	s0 =	sor.u32 s1, s0  }
0xc3: {  	s0 =	sadd.s32 $0x8F2B, s0  }
0xc4: {  	[sflag:s0] =	ssyncadd.remote.s32 $0x1  }
0xc5: {  	_ =	sfence.sel $0xFFFF  }
0xc6: {  	[dreg:$0x0] =	wrdreg $0xFFFFFFFF;
	(pc) =	sbr.abs _section_cstart, $3  }
0xc7: {  	[dreg:$0x1] =	wrdreg $0xFFFFFFFF  }
0xc8: {  	_ =	task.clear_ibuf [dreg:s8], $0x2FFFF;
	_ =	strace $0x9FFFFFFF  }
0xc9: {  	(tm) =	ssettm $0x7FFFFFFF  }
tec
execute0_lowered:
.L_overlay_start_1:
0x0: {  	(tag) =	ssettag $0x1  }
0x1: {  	s0 =	rddreg [dreg:$0x0]  }
0x2: {  	s1 =	rddreg [dreg:$0x1]  }
0x3: {  	s2 =	rddreg [dreg:$0x2]  }
0x4: {  	s5 =	stileid.u32;
	s3 =	srdreg.scid  }
0x5: {  	s9 =	simm.s32 $0x0;
	s11 =	simm.s32 $0x1;
	s16 =	simm.s32 $0x2  }
0x6: {  	s4 =	sshll.u32 s5, $0x1;
	s3 =	sand.u32 $0x1, s3;
	[smem:$0x7FF] =	sst s9  }
0x7: {  	s5 =	sshrl.u32 s5, $0x2;
	s4 =	sand.u32 $0x6, s4;
	_ =	strace $0x80000047  }
0x8: {  	s6 =	sshll.u32 s5, $0xC;
	s8 =	sshll.u32 s5, $0x1;
	s5 =	sshll.u32 s5, $0x17  }
0x9: {  	s4 =	sor.u32 s3, s4;
	s3 =	ssub.s32 $0x2, s3;
	s1 =	sadd.s32 s1, s8  }
0xa: {  	s30 =	sadd.s32 s2, s8;
	s4 =	sshll.u32 s4, $0x9;
	s29 =	sshrl.u32 s3, $0x1  }
.Ltmp0:
0xb: {  	s7 =	sadd.s32 s4, s0;
	s4 =	sor.u32 s6, s4;
	(pc) =	sbr.rel .LBB2_1-.Ltmp0, $4  }
0xc: {  	[dreg:$0x4] =	wrdreg s1;
	s3 =	ssub.s32 s3, s29;
	s4 =	sshrl.u32 s4, $0x3  }
0xd: {  	[dreg:$0x5] =	wrdreg s30;
	s31 =	smax.u32 s3, $0x1;
	s0 =	sadd.s32 s4, s0  }
0xe: {  	s2 =	simm.s32 $0x0;
	[dreg:$0x7] =	wrdreg s31;
	s0 =	sadd.s32 $0x401200, s0  }
0xf: {  	s1 =	simm.s32 $0x3;
	s6 =	sadd.s32 $0x1200, s7;
	[dreg:$0x6] =	wrdreg s0  }
.LBB2_2:
0x10: {  	v33 =	vimm.f32 $0.0e+00;
	v32 =	vimm.f32 $0.0e+00  }
0x11: {  	v31 =	vimm.f32 $0.0e+00;
	v30 =	vimm.f32 $0.0e+00;
	v29 =	vimm.f32 $0.0e+00  }
0x12: {  	v28 =	vimm.f32 $0.0e+00;
	v27 =	vimm.f32 $0.0e+00;
	v26 =	vimm.f32 $0.0e+00  }
0x13: {  	v25 =	vimm.f32 $0.0e+00;
	v24 =	vimm.f32 $0.0e+00;
	v23 =	vimm.f32 $0.0e+00  }
0x14: {  	v22 =	vimm.f32 $0.0e+00;
	v21 =	vimm.f32 $0.0e+00;
	v20 =	vimm.f32 $0.0e+00  }
0x15: {  	v19 =	vimm.f32 $0.0e+00;
	v18 =	vimm.f32 $0.0e+00;
	v17 =	vimm.f32 $0.0e+00  }
0x16: {  	v16 =	vimm.f32 $0.0e+00;
	v15 =	vimm.f32 $0.0e+00;
	v13 =	vimm.f32 $0.0e+00  }
0x17: {  	v12 =	vimm.f32 $0.0e+00;
	v11 =	vimm.f32 $0.0e+00;
	v10 =	vimm.f32 $0.0e+00  }
0x18: {  	v8 =	vimm.f32 $0.0e+00;
	v7 =	vimm.f32 $0.0e+00;
	v6 =	vimm.f32 $0.0e+00  }
0x19: {  	v5 =	vimm.f32 $0.0e+00;
	v4 =	vimm.f32 $0.0e+00;
	v3 =	vimm.f32 $0.0e+00  }
0x1a: {  	v2 =	vimm.f32 $0.0e+00;
	v1 =	vimm.f32 $0.0e+00;
	v0 =	vimm.f32 $0.0e+00  }
.LBB2_17:
0x1b: {  	v14 =	vld [tilespmem:$0x10100]  }
0x1c: {  	v9 =	vbroadcast v9, $0x1;
	v34 =	vld [tilespmem:$0x10110]  }
0x1d: {  	v35 =	vld [tilespmem:$0x10120]  }
0x1e: {  	v36 =	vld [tilespmem:$0x10130];
	v33 =	vmul.f32 v33, v9  }
0x1f: {  	v37 =	vld [tilespmem:$0x10140];
	v32 =	vmul.f32 v32, v9  }
0x20: {  	v57 =	vld [tilespmem:$0x10150];
	v31 =	vmul.f32 v31, v9;
	v14 =	vadd.f32 v14, v33  }
0x21: {  	v58 =	vld [tilespmem:$0x10160];
	v30 =	vmul.f32 v30, v9;
	v32 =	vadd.f32 v34, v32  }
0x22: {  	v60 =	vld [tilespmem:$0x10170];
	v29 =	vmul.f32 v29, v9;
	v59 =	vadd.f32 v35, v31;
	[tilespmem:$0x10100] =	vst v14  }
0x23: {  	v61 =	vld [tilespmem:$0x10180];
	v28 =	vmul.f32 v28, v9;
	v30 =	vadd.f32 v36, v30;
	[tilespmem:$0x10110] =	vst v32  }
0x24: {  	v63 =	vld [tilespmem:$0x10190];
	v27 =	vmul.f32 v27, v9;
	v62 =	vadd.f32 v37, v29;
	[tilespmem:$0x10120] =	vst v59  }
0x25: {  	v38 =	vld [tilespmem:$0x101C0];
	v26 =	vmul.f32 v26, v9;
	v28 =	vadd.f32 v57, v28;
	[tilespmem:$0x10130] =	vst v30  }
0x26: {  	v40 =	vld [tilespmem:$0x101D0];
	v25 =	vmul.f32 v25, v9;
	v36 =	vadd.f32 v58, v27;
	[tilespmem:$0x10140] =	vst v62  }
0x27: {  	v41 =	vld [tilespmem:$0x101E0];
	v24 =	vmul.f32 v24, v9;
	v26 =	vadd.f32 v60, v26;
	[tilespmem:$0x10150] =	vst v28  }
0x28: {  	v43 =	vld [tilespmem:$0x101F0];
	v21 =	vmul.f32 v21, v9;
	v39 =	vadd.f32 v61, v25;
	[tilespmem:$0x10160] =	vst v36  }
0x29: {  	v44 =	vld [tilespmem:$0x10200];
	v20 =	vmul.f32 v20, v9;
	v24 =	vadd.f32 v63, v24;
	[tilespmem:$0x10170] =	vst v26  }
0x2a: {  	v46 =	vld [tilespmem:$0x10210];
	v19 =	vmul.f32 v19, v9;
	v45 =	vadd.f32 v38, v21;
	[tilespmem:$0x10180] =	vst v39  }
0x2b: {  	v47 =	vld [tilespmem:$0x10220];
	v18 =	vmul.f32 v18, v9;
	v20 =	vadd.f32 v40, v20;
	[tilespmem:$0x10190] =	vst v24  }
0x2c: {  	v49 =	vld [tilespmem:$0x10230];
	v17 =	vmul.f32 v17, v9;
	v48 =	vadd.f32 v41, v19;
	[tilespmem:$0x101C0] =	vst v45  }
0x2d: {  	v50 =	vld [tilespmem:$0x10240];
	v16 =	vmul.f32 v16, v9;
	v18 =	vadd.f32 v43, v18;
	[tilespmem:$0x101D0] =	vst v20  }
0x2e: {  	v52 =	vld [tilespmem:$0x10250];
	v15 =	vmul.f32 v15, v9;
	v51 =	vadd.f32 v44, v17;
	[tilespmem:$0x101E0] =	vst v48  }
0x2f: {  	v53 =	vld [tilespmem:$0x10260];
	v13 =	vmul.f32 v13, v9;
	v16 =	vadd.f32 v46, v16;
	[tilespmem:$0x101F0] =	vst v18  }
0x30: {  	v55 =	vld [tilespmem:$0x10270];
	v12 =	vmul.f32 v12, v9;
	v54 =	vadd.f32 v47, v15;
	[tilespmem:$0x10200] =	vst v51  }
0x31: {  	v56 =	vld [tilespmem:$0x10280];
	v11 =	vmul.f32 v11, v9;
	v13 =	vadd.f32 v49, v13;
	[tilespmem:$0x10210] =	vst v16  }
0x32: {  	v10 =	vmul.f32 v10, v9;
	v35 =	vld [tilespmem:$0x101A0];
	v12 =	vadd.f32 v50, v12;
	[tilespmem:$0x10220] =	vst v54  }
0x33: {  	v8 =	vmul.f32 v8, v9;
	v37 =	vld [tilespmem:$0x101B0];
	v11 =	vadd.f32 v52, v11;
	[tilespmem:$0x10230] =	vst v13  }
0x34: {  	v7 =	vmul.f32 v7, v9;
	v57 =	vld [tilespmem:$0x10290];
	v10 =	vadd.f32 v53, v10;
	[tilespmem:$0x10240] =	vst v12  }
0x35: {  	v23 =	vmul.f32 v23, v9;
	v58 =	vld [tilespmem:$0x102A0];
	v8 =	vadd.f32 v55, v8;
	[tilespmem:$0x10250] =	vst v11  }
0x36: {  	v22 =	vmul.f32 v22, v9;
	v60 =	vld [tilespmem:$0x102C0];
	v7 =	vadd.f32 v56, v7;
	[tilespmem:$0x10260] =	vst v10  }
0x37: {  	v6 =	vmul.f32 v6, v9;
	v61 =	vld [tilespmem:$0x102D0];
	[tilespmem:$0x10270] =	vst v8;
	v42 =	vadd.f32 v35, v23  }
0x38: {  	v5 =	vmul.f32 v5, v9;
	v63 =	vld [tilespmem:$0x102F0];
	[tilespmem:$0x10280] =	vst v7;
	v22 =	vadd.f32 v37, v22  }
0x39: {  	v3 =	vmul.f32 v3, v9;
	v59 =	vld [tilespmem:$0x102B0];
	v6 =	vadd.f32 v57, v6;
	[tilespmem:$0x101A0] =	vst v42  }
0x3a: {  	v2 =	vmul.f32 v2, v9;
	v62 =	vld [tilespmem:$0x102E0];
	v5 =	vadd.f32 v58, v5;
	[tilespmem:$0x101B0] =	vst v22  }
0x3b: {  	v0 =	vmul.f32 v0, v9;
	v3 =	vadd.f32 v60, v3;
	[tilespmem:$0x10290] =	vst v6  }
0x3c: {  	v4 =	vmul.f32 v4, v9;
	v2 =	vadd.f32 v61, v2;
	[tilespmem:$0x102A0] =	vst v5  }
0x3d: {  	v1 =	vmul.f32 v1, v9;
	v0 =	vadd.f32 v63, v0;
	[tilespmem:$0x102C0] =	vst v3  }
0x3e: {  	v4 =	vadd.f32 v59, v4;
	[tilespmem:$0x102D0] =	vst v2  }
0x3f: {  	v1 =	vadd.f32 v62, v1;
	[tilespmem:$0x102F0] =	vst v0  }
0x40: {  	[tilespmem:$0x102B0] =	vst v4  }
0x41: {  	s9 =	simm.s32 $0x0;
	s0 =	rddreg [dreg:$0x6];
	s1 =	simm.s32 $0x10100;
	[tilespmem:$0x102E0] =	vst v1  }
0x42: {  	[hbm4b:s0+s9] =	stream.linear.scatter [tilespmem:s1], [sflag:$0x3], $0x200, $0x38;
	[tilespmem:$0x10300] =	vst v63  }
0x43: {  	s1 =	simm.s32 $0x3  }
0x44: {  	_ =	swait.ge [sflag:s1], $0x200  }
0x45: {  	s2 =	rddreg [dreg:$0x8]  }
0x46: {  	s31 =	rddreg [dreg:$0x7];
	s2 =	sadd.s32 $0x1, s2  }
0x47: {  	p0 =	sne.s32 s2, s31  }
.Ltmp1:
0x48: {  	_ = 	snop;
	(pc) =	sbr.rel @!p0 .LBB2_18-.Ltmp1, $3  }
0x49: {  	_ =	sdelay $0x1  }
0x4a: {  	[sflag:s1] =	ssyncset.done $0x0  }
0x4b: {  	[sflag:s1] =	ssyncadd.s32 $0xFFFFFE00  }
.LBB2_1:
0x4c: {  	[dreg:$0x8] =	wrdreg s2  }
0x4d: {  	s0 =	rddreg [dreg:$0x4]  }
0x4e: {  	[tilespmem:s9], [sflag:$0x3] =	stream.linear.gather [hbm4b:s0+s9], $0x10, $0x38;
	[tilespmem:$0x10300] =	vst v63  }
0x4f: {  	_ =	swait.ge [sflag:s1], $0x10  }
0x50: {  	[sflag:s1] =	ssyncset.done $0x0  }
0x51: {  	s8 =	simm.s32 $0x80;
	s7 =	rddreg [dreg:$0x5];
	[sflag:s1] =	ssyncadd.s32 $0xFFFFFFF0  }
0x52: {  	[tilespmem:s8], [sflag:$0x3] =	stream.linear.gather [hbm4b:s7+s9], $0x10, $0x38;
	[tilespmem:$0x10300] =	vst v63  }
0x53: {  	_ =	swait.ge [sflag:s1], $0x10  }
0x54: {  	[sflag:s1] =	ssyncset.done $0x0  }
0x55: {  	[sflag:s1] =	ssyncadd.s32 $0xFFFFFFF0  }
0x56: {  	v0 =	vld [tilespmem:$0x0];
	_ =	sdelay $0x4  }
0x57: {  	(v2sf) =	vpush v0, $0x0  }
0x58: {  	(v2sf) =	vpush v0, $0x1  }
0x59: {  	(v2sf) =	vpush v0, $0x2  }
0x5a: {  	(v2sf) =	vpush v0, $0x3  }
0x5b: {  	(v2sf) =	vpush v0, $0x4  }
0x5c: {  	(v2sf) =	vpush v0, $0x5  }
0x5d: {  	(v2sf) =	vpush v0, $0x6  }
0x5e: {  	(v2sf) =	vpush v0, $0x7;
	_ =	sdelay $0x7  }
0x5f: {  	s19 =	spop (v2sf)  }
0x60: {  	s20 =	spop (v2sf)  }
0x61: {  	s21 =	spop (v2sf)  }
0x62: {  	s14 =	spop (v2sf)  }
0x63: {  	s23 =	spop (v2sf)  }
0x64: {  	s24 =	spop (v2sf)  }
0x65: {  	s17 =	spop (v2sf)  }
0x66: {  	s9 =	spop (v2sf)  }
0x67: {  	s26 =	sadd.s32 s9, s14  }
0x68: {  	s28 =	sadd.s32 $0xFFFFFFFF, s26  }
0x69: {  	s10 =	sshra.s32 s28, $0x1F  }
0x6a: {  	s0 =	sand.u32 s10, s28  }
0x6b: {  	s1 =	smov.u32 s14;
	s3 =	smov.u32 s17;
	p0 =	slt.s32 s0, s14  }
0x6c: {  	s12 =	sadd.s32 $0x1, s26;
	p1 =	slt.u32 s26, $0x7FFFFFFF;
	s1 =	simm.s32 @p0 $0x0  }
0x6d: {  	s13 =	sshra.s32 s12, $0x1F;
	s0 =	ssub.s32 s0, s1;
	s1 =	simm.s32 $0x1  }
0x6e: {  	s3 =	smov.u32 @p0 s21;
	s0 =	sshll.u32 s0, $0x6;
	s1 =	simm.s32 @!p1 $0x0  }
0x6f: {  	s15 =	sand.u32 $0x1, s12;
	s0 =	sadd.s32 s3, s0;
	s1 =	sadd.s32 s1, s13  }
0x70: {  	p6 =	seq.s32 s15, $0x1;
	p0 =	slt.s32 s0, $0x7C0;
	p5 =	sne.s32 s1, $0x1  }
0x71: {  	s18 =	sshrl.u32 s12, $0x1F;
	s0 =	simm.s32 @!p0 $0x7C0;
	p0 =	por !p5, !p6  }
0x72: {  	s2 =	simm.s32 $0x1;
	s22 =	sadd.s32 s18, s12;
	p0 =	por !p0, !p0  }
0x73: {  	s1 =	sshra.s32 s22, $0x1;
	s2 =	simm.s32 @!p0 $0x0  }
0x74: {  	s29 =	ssub.s32 s1, s2  }
0x75: {  	s0 =	sshll.u32 s0, $0xC;
	p0 =	slt.s32 s29, $0x1  }
.Ltmp2:
0x76: {  	s0 =	sand.u32 $0x7FFF8000, s0;
	(pc) =	sbr.rel @p0 .LBB2_2-.Ltmp2, $4  }
0x77: {  	s0 =	sadd.s32 s5, s0  }
0x78: {  	s25 =	simm.s32 $0x1000;
	s0 =	sshrl.u32 s0, $0x3  }
0x79: {  	s30 =	simm.s32 $0x8000;
	s31 =	simm.s32 $0x100;
	s0 =	sadd.s32 s0, s6  }
0x7a: {  	v9 =	vld [tilespmem:$0x80];
	[tilespmem:s31], [sflag:$0x1] =	stream.strided.gather [hbm4b:s0+s25], $0x8000, s30, s25, $0x38  }
0x7b: {  	v0 =	vimm.f32 $0.0e+00;
	v1 =	vimm.f32 $0.0e+00;
	v2 =	vimm.f32 $0.0e+00  }
0x7c: {  	v3 =	vimm.f32 $0.0e+00;
	v4 =	vimm.f32 $0.0e+00;
	v5 =	vimm.f32 $0.0e+00  }
0x7d: {  	v6 =	vimm.f32 $0.0e+00;
	v7 =	vimm.f32 $0.0e+00;
	v8 =	vimm.f32 $0.0e+00  }
0x7e: {  	v10 =	vimm.f32 $0.0e+00;
	v11 =	vimm.f32 $0.0e+00;
	v12 =	vimm.f32 $0.0e+00  }
0x7f: {  	v13 =	vimm.f32 $0.0e+00;
	v15 =	vimm.f32 $0.0e+00;
	v16 =	vimm.f32 $0.0e+00  }
0x80: {  	v17 =	vimm.f32 $0.0e+00;
	v18 =	vimm.f32 $0.0e+00;
	v19 =	vimm.f32 $0.0e+00  }
.Ltmp3:
0x81: {  	v20 =	vimm.f32 $0.0e+00;
	v21 =	vimm.f32 $0.0e+00;
	v22 =	vimm.f32 $0.0e+00;
	(pc) =	sbr.rel .LBB2_4-.Ltmp3, $4  }
0x82: {  	v23 =	vimm.f32 $0.0e+00;
	v24 =	vimm.f32 $0.0e+00;
	v25 =	vimm.f32 $0.0e+00  }
0x83: {  	v26 =	vimm.f32 $0.0e+00;
	v27 =	vimm.f32 $0.0e+00;
	v28 =	vimm.f32 $0.0e+00  }
0x84: {  	s30 =	sadd.s32 $0xFFFFFFFF, s14;
	v29 =	vimm.f32 $0.0e+00;
	v30 =	vimm.f32 $0.0e+00;
	v31 =	vimm.f32 $0.0e+00  }
0x85: {  	s31 =	simm.s32 $0x0;
	s0 =	simm.s32 $0x1;
	v32 =	vimm.f32 $0.0e+00;
	v33 =	vimm.f32 $0.0e+00;
	s1 =	simm.s32 $0x0;
	v14 =	vbroadcast v9, $0x0  }
.LBB2_16:
0x86: {  	p0 =	sne.s32 s1, s29  }
.Ltmp4:
0x87: {  	_ = 	snop;
	(pc) =	sbr.rel @!p0 .LBB2_17-.Ltmp4, $2  }
0x88: {  	_ =	sdelay $0x2  }
0x89: {  	s31 =	sadd.s32 $0x2, s31;
	s0 =	sadd.s32 $0x2, s0  }
.LBB2_4:
0x8a: {  	s10 =	sshllo.u32 s1, $0x1  }
0x8b: {  	s2 =	smov.u32 s28;
	p0 =	slt.s32 s10, s28  }
0x8c: {  	s2 =	smov.u32 @p0 s10  }
0x8d: {  	s22 =	smov.u32 s14;
	p0 =	slt.s32 s2, s14  }
0x8e: {  	s22 =	simm.s32 @p0 $0x0  }
0x8f: {  	s25 =	smov.u32 s17;
	s2 =	ssub.s32 s2, s22  }
0x90: {  	s25 =	smov.u32 @p0 s21;
	s2 =	sshll.u32 s2, $0x6  }
0x91: {  	s3 =	sadd.s32 s25, s2  }
0x92: {  	p1 =	slt.s32 s3, $0x7C0;
	s4 =	smov.u32 s3  }
0x93: {  	s4 =	simm.s32 @!p1 $0x7C0  }
0x94: {  	s18 =	sshll.u32 s4, $0xC  }
0x95: {  	s2 =	sand.u32 $0x7FFF8000, s18  }
0x96: {  	s2 =	sadd.s32 s5, s2  }
0x97: {  	s7 =	sshll.u32 s1, $0x1;
	s8 =	simm.s32 $0x1000;
	s2 =	sshrl.u32 s2, $0x3  }
0x98: {  	s9 =	simm.s32 $0x8000;
	s12 =	simm.s32 $0x8100;
	s2 =	sadd.s32 s2, s6  }
0x99: {  	[tilespmem:s12], [sflag:$0x2] =	stream.strided.gather [hbm4b:s2+s8], $0x8000, s9, s8, $0x38;
	[tilespmem:$0x10300] =	vst v63  }
0x9a: {  	p1 =	slt.s32 s7, s28;
	s8 =	smov.u32 s28  }
0x9b: {  	s8 =	smov.u32 @p1 s7  }
0x9c: {  	s2 =	smov.u32 s14;
	p1 =	slt.s32 s8, s14  }
0x9d: {  	s2 =	simm.s32 @p1 $0x0  }
0x9e: {  	s15 =	smov.u32 s17;
	s8 =	ssub.s32 s8, s2  }
0x9f: {  	s15 =	smov.u32 @p1 s21;
	s8 =	sshll.u32 s8, $0x6  }
0xa0: {  	s18 =	smov.u32 s23;
	s9 =	smov.u32 s24;
	s8 =	sadd.s32 s15, s8  }
0xa1: {  	s9 =	smov.u32 @p1 s20;
	s18 =	smov.u32 @p1 s19;
	s12 =	sadd.s32 $0x3F, s8  }
0xa2: {  	p2 =	slt.s32 s8, $0x7C0;
	s13 =	smov.u32 s8;
	p1 =	slt.s32 s9, s12  }
0xa3: {  	s13 =	simm.s32 @!p2 $0x7C0;
	s12 =	smov.u32 @p1 s9;
	p1 =	sgt.s32 s18, s8  }
0xa4: {  	s8 =	smov.u32 @p1 s18;
	s12 =	ssub.s32 s12, s13  }
0xa5: {  	s9 =	ssub.s32 s8, s13;
	s8 =	sadd.s32 $0x1, s12  }
0xa6: {  	p1 =	sge.s32 s9, s8  }
.Ltmp5:
0xa7: {  	_ = 	snop;
	(pc) =	sbr.rel @p1 .LBB2_8-.Ltmp5, $4  }
0xa8: {  	_ = 	snop  }
0xa9: {  	_ =	swait.ge [sflag:s11], $0x8000  }
0xaa: {  	[sflag:s11] =	ssyncset.done $0x0  }
0xab: {  	[sflag:s11] =	ssyncadd.s32 $0xFFFF8000  }
0xac: {  	p1 =	slt.s32 s31, s28;
	s12 =	smov.u32 s28  }
0xad: {  	s12 =	smov.u32 @p1 s31  }
0xae: {  	s12 =	sshll.u32 s12, $0x6  }
0xaf: {  	s2 =	sshll.u32 s2, $0x6;
	s12 =	sadd.s32 s12, s15  }
0xb0: {  	s2 =	ssub.s32 s12, s2  }
0xb1: {  	p1 =	sgt.s32 s18, s2;
	s12 =	smov.u32 s2  }
0xb2: {  	s12 =	smov.u32 @p1 s18;
	p1 =	slt.s32 s2, $0x7C0  }
0xb3: {  	s13 =	sshll.u32 s12, $0x7;
	s2 =	simm.s32 @!p1 $0x7C0  }
0xb4: {  	s12 =	sshll.u32 s12, $0x9;
	s18 =	sshll.u32 s2, $0x7;
	s2 =	sshll.u32 s2, $0x9  }
0xb5: {  	s13 =	ssub.s32 s13, s18;
	s12 =	ssub.s32 s12, s2  }
0xb6: {  	s2 =	sand.u32 $0xFFFFF000, s12;
	s15 =	sand.u32 $0x380, s13  }
0xb7: {  	s2 =	sor.u32 s15, s2  }
0xb8: {  	v34 =	vld [tilespmem:s2+$0xD70]  }
0xb9: {  	v35 =	vld [tilespmem:s2+$0x100]  }
0xba: {  	v36 =	vld [tilespmem:s2+$0x110]  }
0xbb: {  	v37 =	vld [tilespmem:s2+$0x120]  }
0xbc: {  	v38 =	vld [tilespmem:s2+$0x130]  }
0xbd: {  	v39 =	vld [tilespmem:s2+$0x140]  }
0xbe: {  	v40 =	vld [tilespmem:s2+$0x150]  }
0xbf: {  	v41 =	vld [tilespmem:s2+$0x160]  }
0xc0: {  	v42 =	vld [tilespmem:s2+$0x170]  }
0xc1: {  	v43 =	vld [tilespmem:s2+$0x500]  }
0xc2: {  	v44 =	vld [tilespmem:s2+$0x510]  }
0xc3: {  	v45 =	vld [tilespmem:s2+$0x520]  }
0xc4: {  	v46 =	vld [tilespmem:s2+$0x530]  }
0xc5: {  	v47 =	vld [tilespmem:s2+$0x540]  }
0xc6: {  	v48 =	vld [tilespmem:s2+$0x550]  }
0xc7: {  	v49 =	vld [tilespmem:s2+$0x560]  }
0xc8: {  	v50 =	vld [tilespmem:s2+$0x570]  }
0xc9: {  	v51 =	vld [tilespmem:s2+$0x900];
	v0 =	vadd.f32 v34, v0  }
0xca: {  	v57 =	vld [tilespmem:s2+$0x910];
	v33 =	vadd.f32 v35, v33;
	v32 =	vadd.f32 v36, v32  }
0xcb: {  	v58 =	vld [tilespmem:s2+$0x920];
	v31 =	vadd.f32 v37, v31;
	v30 =	vadd.f32 v38, v30  }
0xcc: {  	v59 =	vld [tilespmem:s2+$0x930];
	v29 =	vadd.f32 v39, v29;
	v28 =	vadd.f32 v40, v28  }
0xcd: {  	v60 =	vld [tilespmem:s2+$0x940];
	v27 =	vadd.f32 v41, v27;
	v26 =	vadd.f32 v42, v26  }
0xce: {  	v61 =	vld [tilespmem:s2+$0x950];
	v25 =	vadd.f32 v43, v25;
	v24 =	vadd.f32 v44, v24  }
0xcf: {  	s9 =	sadd.s32 $0x1, s9;
	v62 =	vld [tilespmem:s2+$0x960];
	v23 =	vadd.f32 v45, v23;
	v22 =	vadd.f32 v46, v22  }
0xd0: {  	p1 =	slt.s32 s9, s8;
	v63 =	vld [tilespmem:s2+$0x970];
	v21 =	vadd.f32 v47, v21;
	v20 =	vadd.f32 v48, v20  }
.Ltmp6:
0xd1: {  	v19 =	vadd.f32 v49, v19;
	v18 =	vadd.f32 v50, v18;
	v34 =	vld [tilespmem:s2+$0xD00];
	(pc) =	sbr.rel @!p1 .LBB2_7-.Ltmp6, $4  }
0xd2: {  	v17 =	vadd.f32 v51, v17;
	v16 =	vadd.f32 v57, v16;
	v35 =	vld [tilespmem:s2+$0xD10]  }
0xd3: {  	v15 =	vadd.f32 v58, v15;
	v13 =	vadd.f32 v59, v13;
	v36 =	vld [tilespmem:s2+$0xD20]  }
0xd4: {  	v12 =	vadd.f32 v60, v12;
	v11 =	vadd.f32 v61, v11;
	v37 =	vld [tilespmem:s2+$0xD30]  }
0xd5: {  	s18 =	sadd.s32 $0x80, s13;
	s15 =	sadd.s32 $0x200, s12;
	v10 =	vadd.f32 v62, v10;
	v8 =	vadd.f32 v63, v8;
	v38 =	vld [tilespmem:s2+$0xD40]  }
.LBB2_6:
0xd6: {  	s12 =	sand.u32 $0xFFFFF000, s15;
	s13 =	sand.u32 $0x380, s18;
	s9 =	sadd.s32 $0x1, s9;
	v7 =	vadd.f32 v34, v7;
	v34 =	vld [tilespmem:s2+$0xD50]  }
0xd7: {  	p1 =	slt.s32 s9, s8;
	v6 =	vadd.f32 v35, v6;
	v35 =	vld [tilespmem:s2+$0xD60];
	s2 =	sor.u32 s13, s12  }
0xd8: {  	v39 =	vld [tilespmem:s2+$0xD70];
	v5 =	vadd.f32 v36, v5  }
0xd9: {  	v36 =	vld [tilespmem:s2+$0x100];
	v4 =	vadd.f32 v37, v4  }
0xda: {  	v37 =	vld [tilespmem:s2+$0x110];
	v3 =	vadd.f32 v38, v3  }
0xdb: {  	v38 =	vld [tilespmem:s2+$0x120];
	v2 =	vadd.f32 v34, v2  }
0xdc: {  	v34 =	vld [tilespmem:s2+$0x130];
	v1 =	vadd.f32 v35, v1  }
0xdd: {  	v35 =	vld [tilespmem:s2+$0x140];
	v0 =	vadd.f32 v39, v0  }
0xde: {  	v33 =	vadd.f32 v36, v33;
	v36 =	vld [tilespmem:s2+$0x150]  }
0xdf: {  	v32 =	vadd.f32 v37, v32;
	v37 =	vld [tilespmem:s2+$0x160]  }
0xe0: {  	v31 =	vadd.f32 v38, v31;
	v38 =	vld [tilespmem:s2+$0x170]  }
0xe1: {  	v30 =	vadd.f32 v34, v30;
	v34 =	vld [tilespmem:s2+$0x500]  }
0xe2: {  	v29 =	vadd.f32 v35, v29;
	v35 =	vld [tilespmem:s2+$0x510]  }
0xe3: {  	v28 =	vadd.f32 v36, v28;
	v36 =	vld [tilespmem:s2+$0x520]  }
0xe4: {  	v27 =	vadd.f32 v37, v27;
	v37 =	vld [tilespmem:s2+$0x530]  }
0xe5: {  	v26 =	vadd.f32 v38, v26;
	v38 =	vld [tilespmem:s2+$0x540]  }
0xe6: {  	v25 =	vadd.f32 v34, v25;
	v34 =	vld [tilespmem:s2+$0x550]  }
0xe7: {  	v24 =	vadd.f32 v35, v24;
	v35 =	vld [tilespmem:s2+$0x560]  }
0xe8: {  	v23 =	vadd.f32 v36, v23;
	v36 =	vld [tilespmem:s2+$0x570]  }
0xe9: {  	v22 =	vadd.f32 v37, v22;
	v37 =	vld [tilespmem:s2+$0x900]  }
0xea: {  	v21 =	vadd.f32 v38, v21;
	v38 =	vld [tilespmem:s2+$0x910]  }
0xeb: {  	v20 =	vadd.f32 v34, v20;
	v34 =	vld [tilespmem:s2+$0x920]  }
0xec: {  	v19 =	vadd.f32 v35, v19;
	v35 =	vld [tilespmem:s2+$0x930]  }
0xed: {  	v18 =	vadd.f32 v36, v18;
	v36 =	vld [tilespmem:s2+$0x940]  }
0xee: {  	v17 =	vadd.f32 v37, v17;
	v37 =	vld [tilespmem:s2+$0x950]  }
0xef: {  	v16 =	vadd.f32 v38, v16;
	v38 =	vld [tilespmem:s2+$0x960]  }
0xf0: {  	v15 =	vadd.f32 v34, v15;
	v39 =	vld [tilespmem:s2+$0x970]  }
.Ltmp7:
0xf1: {  	v13 =	vadd.f32 v35, v13;
	v34 =	vld [tilespmem:s2+$0xD00];
	(pc) =	sbr.rel @p1 .LBB2_6-.Ltmp7, $4  }
0xf2: {  	v12 =	vadd.f32 v36, v12;
	v35 =	vld [tilespmem:s2+$0xD10]  }
0xf3: {  	v11 =	vadd.f32 v37, v11;
	v36 =	vld [tilespmem:s2+$0xD20]  }
0xf4: {  	v10 =	vadd.f32 v38, v10;
	v37 =	vld [tilespmem:s2+$0xD30]  }
0xf5: {  	s18 =	sadd.s32 $0x80, s18;
	s15 =	sadd.s32 $0x200, s15;
	v8 =	vadd.f32 v39, v8;
	v38 =	vld [tilespmem:s2+$0xD40]  }
.LBB2_7:
0xf6: {  	v39 =	vld [tilespmem:s2+$0xD50]  }
0xf7: {  	v40 =	vld [tilespmem:s2+$0xD60];
	_ =	sdelay $0x1  }
0xf8: {  	v7 =	vadd.f32 v34, v7  }
0xf9: {  	v6 =	vadd.f32 v35, v6;
	v5 =	vadd.f32 v36, v5  }
0xfa: {  	v4 =	vadd.f32 v37, v4;
	v3 =	vadd.f32 v38, v3  }
0xfb: {  	v2 =	vadd.f32 v39, v2;
	v1 =	vadd.f32 v40, v1  }
.LBB2_8:
0xfc: {  	p1 =	sne.s32 s7, s30  }
.Ltmp8:
0xfd: {  	_ = 	snop;
	(pc) =	sbr.rel @p1 .LBB2_10-.Ltmp8, $1  }
0xfe: {  	_ =	sdelay $0x3  }
0xff: {  	v33 =	vmul.f32 v33, v14  }
0x100: {  	v32 =	vmul.f32 v32, v14  }
0x101: {  	v31 =	vmul.f32 v31, v14;
	[tilespmem:$0x10100] =	vst v33  }
0x102: {  	v30 =	vmul.f32 v30, v14;
	[tilespmem:$0x10110] =	vst v32  }
0x103: {  	v29 =	vmul.f32 v29, v14;
	[tilespmem:$0x10120] =	vst v31  }
0x104: {  	v28 =	vmul.f32 v28, v14;
	[tilespmem:$0x10130] =	vst v30  }
0x105: {  	v27 =	vmul.f32 v27, v14;
	[tilespmem:$0x10140] =	vst v29  }
0x106: {  	v26 =	vmul.f32 v26, v14;
	[tilespmem:$0x10150] =	vst v28  }
0x107: {  	v25 =	vmul.f32 v25, v14;
	[tilespmem:$0x10160] =	vst v27  }
0x108: {  	v24 =	vmul.f32 v24, v14;
	[tilespmem:$0x10170] =	vst v26  }
0x109: {  	v23 =	vmul.f32 v23, v14;
	[tilespmem:$0x10180] =	vst v25  }
0x10a: {  	v22 =	vmul.f32 v22, v14;
	[tilespmem:$0x10190] =	vst v24  }
0x10b: {  	v21 =	vmul.f32 v21, v14;
	[tilespmem:$0x101A0] =	vst v23  }
0x10c: {  	v20 =	vmul.f32 v20, v14;
	[tilespmem:$0x101B0] =	vst v22  }
0x10d: {  	v19 =	vmul.f32 v19, v14;
	[tilespmem:$0x101C0] =	vst v21  }
0x10e: {  	v18 =	vmul.f32 v18, v14;
	v17 =	vmul.f32 v17, v14;
	[tilespmem:$0x101D0] =	vst v20  }
0x10f: {  	v16 =	vmul.f32 v16, v14;
	v15 =	vmul.f32 v15, v14;
	[tilespmem:$0x101E0] =	vst v19  }
0x110: {  	v13 =	vmul.f32 v13, v14;
	v12 =	vmul.f32 v12, v14;
	[tilespmem:$0x101F0] =	vst v18  }
0x111: {  	v11 =	vmul.f32 v11, v14;
	v10 =	vmul.f32 v10, v14;
	[tilespmem:$0x10200] =	vst v17  }
0x112: {  	v8 =	vmul.f32 v8, v14;
	[tilespmem:$0x10210] =	vst v16;
	v16 =	vmul.f32 v7, v14  }
0x113: {  	[tilespmem:$0x10220] =	vst v15;
	v15 =	vmul.f32 v6, v14;
	v17 =	vmul.f32 v5, v14  }
0x114: {  	[tilespmem:$0x10230] =	vst v13;
	v19 =	vmul.f32 v4, v14;
	v22 =	vmul.f32 v3, v14  }
0x115: {  	[tilespmem:$0x10240] =	vst v12;
	v28 =	vmul.f32 v1, v14;
	v31 =	vmul.f32 v0, v14  }
0x116: {  	[tilespmem:$0x10250] =	vst v11;
	v25 =	vmul.f32 v2, v14;
	v0 =	vimm.f32 $0.0e+00;
	v1 =	vimm.f32 $0.0e+00  }
0x117: {  	[tilespmem:$0x10260] =	vst v10;
	v2 =	vimm.f32 $0.0e+00;
	v3 =	vimm.f32 $0.0e+00;
	v4 =	vimm.f32 $0.0e+00  }
0x118: {  	[tilespmem:$0x10270] =	vst v8;
	v5 =	vimm.f32 $0.0e+00;
	v6 =	vimm.f32 $0.0e+00;
	v7 =	vimm.f32 $0.0e+00  }
0x119: {  	v8 =	vimm.f32 $0.0e+00;
	v10 =	vimm.f32 $0.0e+00;
	v11 =	vimm.f32 $0.0e+00;
	[tilespmem:$0x10280] =	vst v16  }
0x11a: {  	v12 =	vimm.f32 $0.0e+00;
	v13 =	vimm.f32 $0.0e+00;
	v18 =	vimm.f32 $0.0e+00;
	[tilespmem:$0x10290] =	vst v15  }
0x11b: {  	v20 =	vimm.f32 $0.0e+00;
	v21 =	vimm.f32 $0.0e+00;
	v23 =	vimm.f32 $0.0e+00;
	[tilespmem:$0x102A0] =	vst v17  }
0x11c: {  	v24 =	vimm.f32 $0.0e+00;
	v26 =	vimm.f32 $0.0e+00;
	v27 =	vimm.f32 $0.0e+00;
	[tilespmem:$0x102B0] =	vst v19  }
0x11d: {  	v29 =	vimm.f32 $0.0e+00;
	v30 =	vimm.f32 $0.0e+00;
	v32 =	vimm.f32 $0.0e+00;
	[tilespmem:$0x102C0] =	vst v22  }
0x11e: {  	v33 =	vimm.f32 $0.0e+00;
	v15 =	vimm.f32 $0.0e+00;
	v16 =	vimm.f32 $0.0e+00;
	[tilespmem:$0x102D0] =	vst v25  }
0x11f: {  	v17 =	vimm.f32 $0.0e+00;
	v19 =	vimm.f32 $0.0e+00;
	v22 =	vimm.f32 $0.0e+00;
	[tilespmem:$0x102E0] =	vst v28  }
0x120: {  	v25 =	vimm.f32 $0.0e+00;
	v28 =	vimm.f32 $0.0e+00;
	[tilespmem:$0x102F0] =	vst v31;
	v31 =	vimm.f32 $0.0e+00  }
.LBB2_10:
0x121: {  	s1 =	sadd.s32 $0x1, s1  }
0x122: {  	p1 =	sge.s32 s1, s29  }
0x123: {  	s2 =	sadd.s32 @!p1 $0x2, s7  }
0x124: {  	p2 =	slt.s32 @!p1 s2, s28  }
0x125: {  	p2 =	por !p2, p1  }
0x126: {  	s2 =	smov.u32 @p2 s28  }
0x127: {  	p2 =	slt.s32 @!p1 s2, s14  }
0x128: {  	s7 =	smov.u32 s14;
	p2 =	por !p2, p1  }
0x129: {  	s7 =	simm.s32 @!p2 $0x0  }
0x12a: {  	s8 =	smov.u32 s21;
	s2 =	ssub.s32 @!p1 s2, s7  }
0x12b: {  	s8 =	smov.u32 @p2 s17;
	s2 =	sshll.u32 @!p1 s2, $0x6  }
0x12c: {  	s2 =	sadd.s32 @!p1 s8, s2  }
0x12d: {  	p2 =	slt.s32 @!p1 s2, $0x7C0  }
0x12e: {  	p2 =	por !p2, p1  }
0x12f: {  	s2 =	simm.s32 @p2 $0x7C0  }
0x130: {  	s2 =	sshll.u32 @!p1 s2, $0xC  }
0x131: {  	s2 =	sand.u32 @!p1 $0x7FFF8000, s2  }
0x132: {  	s2 =	sadd.s32 @!p1 s5, s2  }
0x133: {  	s9 =	simm.s32 @!p1 $0x100;
	s2 =	sshrl.u32 @!p1 s2, $0x3  }
0x134: {  	s7 =	simm.s32 @!p1 $0x1000;
	s8 =	simm.s32 @!p1 $0x8000;
	s2 =	sadd.s32 @!p1 s2, s6  }
0x135: {  	[tilespmem:s9], [sflag:$0x1] =	stream.strided.gather @!p1 [hbm4b:s2+s7], $0x8000, s8, s7, $0x38;
	[tilespmem:$0x10300] =	vst v63  }
0x136: {  	s2 =	smov.u32 s23;
	s7 =	smov.u32 s24  }
0x137: {  	s8 =	sadd.s32 $0x3F, s3;
	s2 =	smov.u32 @p0 s19;
	s7 =	smov.u32 @p0 s20  }
0x138: {  	p0 =	sgt.s32 s2, s3;
	p1 =	slt.s32 s7, s8  }
0x139: {  	s3 =	smov.u32 @p0 s2;
	s8 =	smov.u32 @p1 s7  }
0x13a: {  	s7 =	ssub.s32 s3, s4;
	s18 =	ssub.s32 s8, s4  }
0x13b: {  	p0 =	slt.s32 s10, s26;
	s4 =	sadd.s32 $0x1, s18;
	s3 =	smov.u32 s7  }
0x13c: {  	s3 =	smov.u32 @p0 s4  }
0x13d: {  	p0 =	sge.s32 s7, s3  }
.Ltmp9:
0x13e: {  	_ = 	snop;
	(pc) =	sbr.rel @p0 .LBB2_14-.Ltmp9, $4  }
0x13f: {  	_ = 	snop  }
0x140: {  	_ =	swait.ge [sflag:s16], $0x8000  }
0x141: {  	[sflag:s16] =	ssyncset.done $0x0  }
0x142: {  	[sflag:s16] =	ssyncadd.s32 $0xFFFF8000  }
0x143: {  	p0 =	slt.s32 s0, s28;
	s4 =	smov.u32 s28  }
0x144: {  	s4 =	smov.u32 @p0 s0  }
0x145: {  	s4 =	sshll.u32 s4, $0x6  }
0x146: {  	s8 =	sshll.u32 s22, $0x6;
	s4 =	sadd.s32 s4, s25  }
0x147: {  	s4 =	ssub.s32 s4, s8  }
0x148: {  	p0 =	sgt.s32 s2, s4;
	s8 =	smov.u32 s4  }
0x149: {  	s8 =	smov.u32 @p0 s2;
	p0 =	slt.s32 s4, $0x7C0  }
0x14a: {  	s2 =	sshll.u32 s8, $0x7;
	s4 =	simm.s32 @!p0 $0x7C0  }
0x14b: {  	s8 =	sshll.u32 s8, $0x9;
	s9 =	sshll.u32 s4, $0x7;
	s4 =	sshll.u32 s4, $0x9  }
0x14c: {  	s9 =	ssub.s32 s2, s9;
	s8 =	ssub.s32 s8, s4  }
0x14d: {  	s22 =	sand.u32 $0xFFFFF000, s8;
	s25 =	sand.u32 $0x380, s9  }
0x14e: {  	s2 =	sor.u32 s25, s22  }
0x14f: {  	v34 =	vld [tilespmem:s2+$0x8D70]  }
0x150: {  	v35 =	vld [tilespmem:s2+$0x8100]  }
0x151: {  	v36 =	vld [tilespmem:s2+$0x8110]  }
0x152: {  	v37 =	vld [tilespmem:s2+$0x8120]  }
0x153: {  	v38 =	vld [tilespmem:s2+$0x8130]  }
0x154: {  	v39 =	vld [tilespmem:s2+$0x8140]  }
0x155: {  	v40 =	vld [tilespmem:s2+$0x8150]  }
0x156: {  	v41 =	vld [tilespmem:s2+$0x8160]  }
0x157: {  	v42 =	vld [tilespmem:s2+$0x8170]  }
0x158: {  	v43 =	vld [tilespmem:s2+$0x8500]  }
0x159: {  	v44 =	vld [tilespmem:s2+$0x8510]  }
0x15a: {  	v45 =	vld [tilespmem:s2+$0x8520]  }
0x15b: {  	v46 =	vld [tilespmem:s2+$0x8530]  }
0x15c: {  	v47 =	vld [tilespmem:s2+$0x8540]  }
0x15d: {  	v48 =	vld [tilespmem:s2+$0x8550]  }
0x15e: {  	v49 =	vld [tilespmem:s2+$0x8560]  }
0x15f: {  	v50 =	vld [tilespmem:s2+$0x8570]  }
0x160: {  	v51 =	vld [tilespmem:s2+$0x8900];
	v0 =	vadd.f32 v34, v0  }
0x161: {  	v57 =	vld [tilespmem:s2+$0x8910];
	v33 =	vadd.f32 v35, v33;
	v32 =	vadd.f32 v36, v32  }
0x162: {  	v58 =	vld [tilespmem:s2+$0x8920];
	v31 =	vadd.f32 v37, v31;
	v30 =	vadd.f32 v38, v30  }
0x163: {  	v59 =	vld [tilespmem:s2+$0x8930];
	v29 =	vadd.f32 v39, v29;
	v28 =	vadd.f32 v40, v28  }
0x164: {  	v60 =	vld [tilespmem:s2+$0x8940];
	v27 =	vadd.f32 v41, v27;
	v26 =	vadd.f32 v42, v26  }
0x165: {  	v61 =	vld [tilespmem:s2+$0x8950];
	v25 =	vadd.f32 v43, v25;
	v24 =	vadd.f32 v44, v24  }
0x166: {  	s4 =	sadd.s32 $0x1, s7;
	v62 =	vld [tilespmem:s2+$0x8960];
	v23 =	vadd.f32 v45, v23;
	v22 =	vadd.f32 v46, v22  }
0x167: {  	p0 =	slt.s32 s4, s3;
	v63 =	vld [tilespmem:s2+$0x8970];
	v21 =	vadd.f32 v47, v21;
	v20 =	vadd.f32 v48, v20  }
.Ltmp10:
0x168: {  	v19 =	vadd.f32 v49, v19;
	v18 =	vadd.f32 v50, v18;
	v34 =	vld [tilespmem:s2+$0x8D00];
	(pc) =	sbr.rel @!p0 .LBB2_13-.Ltmp10, $4  }
0x169: {  	v17 =	vadd.f32 v51, v17;
	v16 =	vadd.f32 v57, v16;
	v35 =	vld [tilespmem:s2+$0x8D10]  }
0x16a: {  	v15 =	vadd.f32 v58, v15;
	v13 =	vadd.f32 v59, v13;
	v36 =	vld [tilespmem:s2+$0x8D20]  }
0x16b: {  	v12 =	vadd.f32 v60, v12;
	v11 =	vadd.f32 v61, v11;
	v37 =	vld [tilespmem:s2+$0x8D30]  }
0x16c: {  	s7 =	sadd.s32 $0x80, s9;
	s8 =	sadd.s32 $0x200, s8;
	v10 =	vadd.f32 v62, v10;
	v8 =	vadd.f32 v63, v8;
	v38 =	vld [tilespmem:s2+$0x8D40]  }
.LBB2_12:
0x16d: {  	s9 =	sand.u32 $0xFFFFF000, s8;
	s12 =	sand.u32 $0x380, s7;
	s4 =	sadd.s32 $0x1, s4;
	v7 =	vadd.f32 v34, v7;
	v34 =	vld [tilespmem:s2+$0x8D50]  }
0x16e: {  	p0 =	slt.s32 s4, s3;
	v6 =	vadd.f32 v35, v6;
	v35 =	vld [tilespmem:s2+$0x8D60];
	s2 =	sor.u32 s12, s9  }
0x16f: {  	v39 =	vld [tilespmem:s2+$0x8D70];
	v5 =	vadd.f32 v36, v5  }
0x170: {  	v36 =	vld [tilespmem:s2+$0x8100];
	v4 =	vadd.f32 v37, v4  }
0x171: {  	v37 =	vld [tilespmem:s2+$0x8110];
	v3 =	vadd.f32 v38, v3  }
0x172: {  	v38 =	vld [tilespmem:s2+$0x8120];
	v2 =	vadd.f32 v34, v2  }
0x173: {  	v34 =	vld [tilespmem:s2+$0x8130];
	v1 =	vadd.f32 v35, v1  }
0x174: {  	v35 =	vld [tilespmem:s2+$0x8140];
	v0 =	vadd.f32 v39, v0  }
0x175: {  	v33 =	vadd.f32 v36, v33;
	v36 =	vld [tilespmem:s2+$0x8150]  }
0x176: {  	v32 =	vadd.f32 v37, v32;
	v37 =	vld [tilespmem:s2+$0x8160]  }
0x177: {  	v31 =	vadd.f32 v38, v31;
	v38 =	vld [tilespmem:s2+$0x8170]  }
0x178: {  	v30 =	vadd.f32 v34, v30;
	v34 =	vld [tilespmem:s2+$0x8500]  }
0x179: {  	v29 =	vadd.f32 v35, v29;
	v35 =	vld [tilespmem:s2+$0x8510]  }
0x17a: {  	v28 =	vadd.f32 v36, v28;
	v36 =	vld [tilespmem:s2+$0x8520]  }
0x17b: {  	v27 =	vadd.f32 v37, v27;
	v37 =	vld [tilespmem:s2+$0x8530]  }
0x17c: {  	v26 =	vadd.f32 v38, v26;
	v38 =	vld [tilespmem:s2+$0x8540]  }
0x17d: {  	v25 =	vadd.f32 v34, v25;
	v34 =	vld [tilespmem:s2+$0x8550]  }
0x17e: {  	v24 =	vadd.f32 v35, v24;
	v35 =	vld [tilespmem:s2+$0x8560]  }
0x17f: {  	v23 =	vadd.f32 v36, v23;
	v36 =	vld [tilespmem:s2+$0x8570]  }
0x180: {  	v22 =	vadd.f32 v37, v22;
	v37 =	vld [tilespmem:s2+$0x8900]  }
0x181: {  	v21 =	vadd.f32 v38, v21;
	v38 =	vld [tilespmem:s2+$0x8910]  }
0x182: {  	v20 =	vadd.f32 v34, v20;
	v34 =	vld [tilespmem:s2+$0x8920]  }
0x183: {  	v19 =	vadd.f32 v35, v19;
	v35 =	vld [tilespmem:s2+$0x8930]  }
0x184: {  	v18 =	vadd.f32 v36, v18;
	v36 =	vld [tilespmem:s2+$0x8940]  }
0x185: {  	v17 =	vadd.f32 v37, v17;
	v37 =	vld [tilespmem:s2+$0x8950]  }
0x186: {  	v16 =	vadd.f32 v38, v16;
	v38 =	vld [tilespmem:s2+$0x8960]  }
0x187: {  	v15 =	vadd.f32 v34, v15;
	v39 =	vld [tilespmem:s2+$0x8970]  }
.Ltmp11:
0x188: {  	v13 =	vadd.f32 v35, v13;
	v34 =	vld [tilespmem:s2+$0x8D00];
	(pc) =	sbr.rel @p0 .LBB2_12-.Ltmp11, $4  }
0x189: {  	v12 =	vadd.f32 v36, v12;
	v35 =	vld [tilespmem:s2+$0x8D10]  }
0x18a: {  	v11 =	vadd.f32 v37, v11;
	v36 =	vld [tilespmem:s2+$0x8D20]  }
0x18b: {  	v10 =	vadd.f32 v38, v10;
	v37 =	vld [tilespmem:s2+$0x8D30]  }
0x18c: {  	s7 =	sadd.s32 $0x80, s7;
	s8 =	sadd.s32 $0x200, s8;
	v8 =	vadd.f32 v39, v8;
	v38 =	vld [tilespmem:s2+$0x8D40]  }
.LBB2_13:
0x18d: {  	v39 =	vld [tilespmem:s2+$0x8D50]  }
0x18e: {  	v40 =	vld [tilespmem:s2+$0x8D60];
	_ =	sdelay $0x1  }
0x18f: {  	v7 =	vadd.f32 v34, v7  }
0x190: {  	v6 =	vadd.f32 v35, v6;
	v5 =	vadd.f32 v36, v5  }
0x191: {  	v4 =	vadd.f32 v37, v4;
	v3 =	vadd.f32 v38, v3  }
0x192: {  	v2 =	vadd.f32 v39, v2;
	v1 =	vadd.f32 v40, v1  }
.LBB2_14:
0x193: {  	p0 =	sne.s32 s10, s30  }
.Ltmp12:
0x194: {  	_ = 	snop;
	(pc) =	sbr.rel @p0 .LBB2_16-.Ltmp12, $1  }
0x195: {  	_ =	sdelay $0x3  }
0x196: {  	v33 =	vmul.f32 v33, v14  }
0x197: {  	v32 =	vmul.f32 v32, v14  }
0x198: {  	v31 =	vmul.f32 v31, v14;
	[tilespmem:$0x10100] =	vst v33  }
0x199: {  	v30 =	vmul.f32 v30, v14;
	[tilespmem:$0x10110] =	vst v32  }
0x19a: {  	v29 =	vmul.f32 v29, v14;
	[tilespmem:$0x10120] =	vst v31  }
0x19b: {  	v28 =	vmul.f32 v28, v14;
	[tilespmem:$0x10130] =	vst v30  }
0x19c: {  	v27 =	vmul.f32 v27, v14;
	[tilespmem:$0x10140] =	vst v29  }
0x19d: {  	v26 =	vmul.f32 v26, v14;
	[tilespmem:$0x10150] =	vst v28  }
0x19e: {  	v25 =	vmul.f32 v25, v14;
	[tilespmem:$0x10160] =	vst v27  }
0x19f: {  	v24 =	vmul.f32 v24, v14;
	[tilespmem:$0x10170] =	vst v26  }
0x1a0: {  	v23 =	vmul.f32 v23, v14;
	[tilespmem:$0x10180] =	vst v25  }
0x1a1: {  	v22 =	vmul.f32 v22, v14;
	[tilespmem:$0x10190] =	vst v24  }
0x1a2: {  	v21 =	vmul.f32 v21, v14;
	[tilespmem:$0x101A0] =	vst v23  }
0x1a3: {  	v20 =	vmul.f32 v20, v14;
	[tilespmem:$0x101B0] =	vst v22  }
0x1a4: {  	v19 =	vmul.f32 v19, v14;
	[tilespmem:$0x101C0] =	vst v21  }
0x1a5: {  	v18 =	vmul.f32 v18, v14;
	v17 =	vmul.f32 v17, v14;
	[tilespmem:$0x101D0] =	vst v20  }
0x1a6: {  	v16 =	vmul.f32 v16, v14;
	v15 =	vmul.f32 v15, v14;
	[tilespmem:$0x101E0] =	vst v19  }
0x1a7: {  	v13 =	vmul.f32 v13, v14;
	v12 =	vmul.f32 v12, v14;
	[tilespmem:$0x101F0] =	vst v18  }
0x1a8: {  	v11 =	vmul.f32 v11, v14;
	v10 =	vmul.f32 v10, v14;
	[tilespmem:$0x10200] =	vst v17  }
0x1a9: {  	v8 =	vmul.f32 v8, v14;
	[tilespmem:$0x10210] =	vst v16;
	v16 =	vmul.f32 v7, v14  }
0x1aa: {  	[tilespmem:$0x10220] =	vst v15;
	v15 =	vmul.f32 v6, v14;
	v17 =	vmul.f32 v5, v14  }
0x1ab: {  	[tilespmem:$0x10230] =	vst v13;
	v19 =	vmul.f32 v4, v14;
	v22 =	vmul.f32 v3, v14  }
0x1ac: {  	[tilespmem:$0x10240] =	vst v12;
	v28 =	vmul.f32 v1, v14;
	v31 =	vmul.f32 v0, v14  }
0x1ad: {  	[tilespmem:$0x10250] =	vst v11;
	v25 =	vmul.f32 v2, v14;
	v0 =	vimm.f32 $0.0e+00;
	v1 =	vimm.f32 $0.0e+00  }
0x1ae: {  	[tilespmem:$0x10260] =	vst v10;
	v2 =	vimm.f32 $0.0e+00;
	v3 =	vimm.f32 $0.0e+00;
	v4 =	vimm.f32 $0.0e+00  }
0x1af: {  	[tilespmem:$0x10270] =	vst v8;
	v5 =	vimm.f32 $0.0e+00;
	v6 =	vimm.f32 $0.0e+00;
	v7 =	vimm.f32 $0.0e+00  }
0x1b0: {  	v8 =	vimm.f32 $0.0e+00;
	v10 =	vimm.f32 $0.0e+00;
	v11 =	vimm.f32 $0.0e+00;
	[tilespmem:$0x10280] =	vst v16  }
0x1b1: {  	v12 =	vimm.f32 $0.0e+00;
	v13 =	vimm.f32 $0.0e+00;
	v18 =	vimm.f32 $0.0e+00;
	[tilespmem:$0x10290] =	vst v15  }
0x1b2: {  	v20 =	vimm.f32 $0.0e+00;
	v21 =	vimm.f32 $0.0e+00;
	v23 =	vimm.f32 $0.0e+00;
	[tilespmem:$0x102A0] =	vst v17  }
.Ltmp13:
0x1b3: {  	v24 =	vimm.f32 $0.0e+00;
	v26 =	vimm.f32 $0.0e+00;
	v27 =	vimm.f32 $0.0e+00;
	[tilespmem:$0x102B0] =	vst v19;
	(pc) =	sbr.rel .LBB2_16-.Ltmp13, $4  }
0x1b4: {  	v29 =	vimm.f32 $0.0e+00;
	v30 =	vimm.f32 $0.0e+00;
	v32 =	vimm.f32 $0.0e+00;
	[tilespmem:$0x102C0] =	vst v22  }
0x1b5: {  	v33 =	vimm.f32 $0.0e+00;
	v15 =	vimm.f32 $0.0e+00;
	v16 =	vimm.f32 $0.0e+00;
	[tilespmem:$0x102D0] =	vst v25  }
0x1b6: {  	v17 =	vimm.f32 $0.0e+00;
	v19 =	vimm.f32 $0.0e+00;
	v22 =	vimm.f32 $0.0e+00;
	[tilespmem:$0x102E0] =	vst v28  }
0x1b7: {  	v25 =	vimm.f32 $0.0e+00;
	v28 =	vimm.f32 $0.0e+00;
	[tilespmem:$0x102F0] =	vst v31;
	v31 =	vimm.f32 $0.0e+00  }
.LBB2_18:
0x1b8: {  	_ =	sfence.sel $0x180000  }
0x1b9: {  	[bflag:$0x0] =	sbarrier.arrive $0xFFFF  }
0x1ba: {  	_ =	strace $0x90000047  }
0x1bb: {  	s0 =	stileid.u32;
	[bflag:$0x2] =	sbarrier.arrive $0xFFFF  }
0x1bc: {  	p0 =	sne.s32 s0, $0x0;
	s0 =	rddreg [dreg:$0x3]  }
0x1bd: {  	s0 =	sadd.s32 @!p0 $0x100000, s0  }
0x1be: {  	[sflag:s0] =	ssyncadd.tile.s32 @!p0 $0x1;
	_ =	shalt  }
.Lfunc_end2:
_tile_overlayer_lowered:
.L_overlay_start_2:
0x1bf: {  	(tag) =	ssettag $0x2  }
0x1c0: {  	s0 =	rddreg [dreg:$0x0];
	s2 =	stileid.u32  }
0x1c1: {  	s1 =	rddreg [dreg:$0x1];
	p0 =	sne.s32 s2, $0x0  }
0x1c2: {  	s3 =	rddreg [dreg:$0x2];
	[bflag:$0x3] =	sbarrier.arrive $0xFFFF;
	s2 =	simm.s32 @!p0 $0x1C03  }
0x1c3: {  	[timem:s3], [sflag:s2] =	dma.local @!p0 [hbm:s0], s1  }
0x1c4: {  	s0 =	simm.s32 @!p0 $0x3  }
0x1c5: {  	_ =	swait.ge @!p0 [sflag:s0], s1  }
0x1c6: {  	s1 =	ssub.s32 @!p0 $0x0, s1;
	[sflag:s0] =	ssyncset.done @!p0 $0x0  }
0x1c7: {  	[sflag:s0] =	ssyncadd.s32 @!p0 s1  }
0x1c8: {  	[bflag:$0x3] =	sbarrier.arrive $0xFFFF  }
0x1c9: {  	_ =	shalt  }

</sc_bundles>
